<compile_context>
chip_gen: v7x
topology: tpu7x:2x2x1
jax: 0.10.2.dev20260603
libtpu: 0.0.44.dev20260713+nightly
codegen_flags: <defaults>
</compile_context>

<pallas_src>
import jax
import jax.numpy as jnp
from jax import lax
from jax.experimental import pallas as pl
from jax.experimental.pallas import tpu as pltpu
from jax.experimental.pallas import tpu_sc as plsc

NC = 2
NS = 16
NW = NC * NS
L = 16

PACK_SHIFT = 14
PACK_MASK = (1 << PACK_SHIFT) - 1


def _wid():
    return lax.axis_index("s") * NC + lax.axis_index("c")


def _mesh():
    return plsc.VectorSubcoreMesh(
        core_axis_name="c", subcore_axis_name="s", num_cores=NC, num_subcores=NS
    )


def _deg_pack_kernel(E, N):
    Ew = E // NW
    assert E % (NW * L) == 0 and N % L == 0

    def body(edge_hbm, deg_hbm, packed_hbm, src_v, dst_v, pk_v, acc_v):
        w = _wid()
        base = w * Ew
        pltpu.sync_copy(edge_hbm.at[pl.ds(base, Ew)], src_v)
        pltpu.sync_copy(edge_hbm.at[pl.ds(E + base, Ew)], dst_v)

        def zero(i, c):
            acc_v[pl.ds(i * L, L)] = jnp.zeros((L,), jnp.float32)
            return c

        lax.fori_loop(0, N // L, zero, 0, unroll=8)

        ones = jnp.ones((L,), jnp.float32)

        @plsc.parallel_loop(0, Ew, step=L, unroll=8)
        def _(i):
            s16 = src_v[pl.ds(i, L)]
            d16 = dst_v[pl.ds(i, L)]
            pk_v[pl.ds(i, L)] = jnp.bitwise_or(
                jnp.left_shift(s16, PACK_SHIFT), d16
            )
            plsc.addupdate_scatter(acc_v, [d16], ones)
        pltpu.sync_copy(pk_v, packed_hbm.at[pl.ds(base, Ew)])
        pltpu.sync_copy(acc_v, deg_hbm.at[pl.ds(w * N, N)])

    return pl.kernel(
        body,
        out_type=(
            jax.ShapeDtypeStruct((NW * N,), jnp.float32),
            jax.ShapeDtypeStruct((E,), jnp.int32),
        ),
        mesh=_mesh(),
        compiler_params=pltpu.CompilerParams(needs_layout_passes=False),
        scratch_types=[
            pltpu.VMEM((Ew,), jnp.int32),
            pltpu.VMEM((Ew,), jnp.int32),
            pltpu.VMEM((Ew,), jnp.int32),
            pltpu.VMEM((N,), jnp.float32),
        ],
    )


def _agg_kernel(E, N, C=32000):
    Eh = E // NC
    while Eh % C or C % L:
        C //= 2
    nchunks = Eh // C
    assert Eh % C == 0 and C % L == 0 and N % L == 0

    def body(m_hbm, packed_hbm, out_hbm, m0, m1, a0, a1, pk0, pk1,
             sem0, sem1, semm):
        c = lax.axis_index("c")
        s = lax.axis_index("s")
        f0 = 2 * s
        ebase = c * Eh
        bufs = (pk0, pk1)
        sems = (sem0, sem1)
        mcp0 = pltpu.async_copy(m_hbm.at[pl.ds(f0 * N, N)], m0, semm)
        mcp1 = pltpu.async_copy(m_hbm.at[pl.ds((f0 + 1) * N, N)], m1, semm)
        handles = {0: pltpu.async_copy(packed_hbm.at[pl.ds(ebase, C)], pk0, sem0)}

        def zero(i, cc):
            a0[pl.ds(i * L, L)] = jnp.zeros((L,), jnp.float32)
            a1[pl.ds(i * L, L)] = jnp.zeros((L,), jnp.float32)
            return cc

        lax.fori_loop(0, N // L, zero, 0, unroll=8)
        mcp0.wait()
        mcp1.wait()

        for ci in range(nchunks):
            b = ci % 2
            if ci + 1 < nchunks:
                handles[ci + 1] = pltpu.async_copy(
                    packed_hbm.at[pl.ds(ebase + (ci + 1) * C, C)],
                    bufs[(ci + 1) % 2],
                    sems[(ci + 1) % 2],
                )
            handles[ci].wait()
            pk_v = bufs[b]

            @plsc.parallel_loop(0, C, step=L, unroll=16)
            def _(i):
                pk = pk_v[pl.ds(i, L)]
                s16 = lax.shift_right_logical(pk, PACK_SHIFT)
                d16 = jnp.bitwise_and(pk, PACK_MASK)
                plsc.addupdate_scatter(a0, [d16], plsc.load_gather(m0, [s16]))
                plsc.addupdate_scatter(a1, [d16], plsc.load_gather(m1, [s16]))

        obase = c * NW * N + f0 * N
        pltpu.sync_copy(a0, out_hbm.at[pl.ds(obase, N)])
        pltpu.sync_copy(a1, out_hbm.at[pl.ds(obase + N, N)])

    return pl.kernel(
        body,
        out_type=jax.ShapeDtypeStruct((NC * NW * N,), jnp.float32),
        mesh=_mesh(),
        compiler_params=pltpu.CompilerParams(needs_layout_passes=False),
        scratch_types=[
            pltpu.VMEM((N,), jnp.float32),
            pltpu.VMEM((N,), jnp.float32),
            pltpu.VMEM((N,), jnp.float32),
            pltpu.VMEM((N,), jnp.float32),
            pltpu.VMEM((C,), jnp.int32),
            pltpu.VMEM((C,), jnp.int32),
            pltpu.SemaphoreType.DMA,
            pltpu.SemaphoreType.DMA,
            pltpu.SemaphoreType.DMA,
        ],
    )


def _pre_body(degp_ref, x_ref, w1t_ref, m_ref, dis_ref):
    deg = jnp.sum(degp_ref[...], axis=0, keepdims=True) + 1.0
    dis = lax.rsqrt(deg)
    h = lax.dot_general(
        w1t_ref[...], x_ref[...], (((1,), (1,)), ((), ())),
        preferred_element_type=jnp.float32,
    )
    m_ref[...] = h * dis
    dis_ref[...] = dis


def _mid_body(agg_ref, m_ref, dis_ref, b_ref, g_ref, be_ref, wnt_ref, out_ref):
    dis = dis_ref[...]
    a = dis * (agg_ref[0] + agg_ref[1] + m_ref[...]) + b_ref[...]
    a = jnp.maximum(a, 0.0)
    mu = jnp.mean(a, axis=0, keepdims=True)
    var = jnp.mean((a - mu) * (a - mu), axis=0, keepdims=True)
    a = (a - mu) * lax.rsqrt(var + 1e-5) * g_ref[...] + be_ref[...]
    h = lax.dot_general(
        wnt_ref[...], a, (((1,), (0,)), ((), ())),
        preferred_element_type=jnp.float32,
    )
    out_ref[...] = h * dis


def _post_body(agg_ref, m_ref, dis_ref, b_ref, wp1t_ref, bp1_ref, wp2_ref,
               bp2_ref, out_ref):
    dis = dis_ref[...]
    a = dis * (agg_ref[0] + agg_ref[1] + m_ref[...]) + b_ref[...]
    a = jnp.maximum(a, 0.0)
    p = lax.dot_general(
        wp1t_ref[...], a, (((1,), (0,)), ((), ())),
        preferred_element_type=jnp.float32,
    ) + bp1_ref[...]
    p = jnp.maximum(p, 0.0)
    o = lax.dot_general(
        p, wp2_ref[...], (((0,), (0,)), ((), ())),
        preferred_element_type=jnp.float32,
    ) + bp2_ref[...]
    o = o - jnp.max(o, axis=1, keepdims=True)
    e = jnp.exp(o)
    out_ref[...] = e / jnp.sum(e, axis=1, keepdims=True)


@jax.jit
def kernel(x, edge_index, W1, b1, W2, b2, W3, b3, g1, be1, g2, be2,
           Wp1, bp1, Wp2, bp2):
    N, D = x.shape
    E = edge_index.shape[1]
    H = W1.shape[1]
    OUT = Wp2.shape[1]
    assert H == NW

    deg_flat, packed = _deg_pack_kernel(E, N)(edge_index.reshape(-1))
    degp = deg_flat.reshape(NW, N)

    agg_fn = _agg_kernel(E, N)

    m1, dis = pl.pallas_call(
        _pre_body,
        out_shape=(
            jax.ShapeDtypeStruct((H, N), jnp.float32),
            jax.ShapeDtypeStruct((1, N), jnp.float32),
        ),
    )(degp, x, W1.T)

    agg1 = agg_fn(m1.reshape(-1), packed).reshape(NC, H, N)

    mid = pl.pallas_call(
        _mid_body, out_shape=jax.ShapeDtypeStruct((H, N), jnp.float32)
    )

    m2 = mid(agg1, m1, dis, b1[:, None], g1[:, None], be1[:, None], W2.T)
    agg2 = agg_fn(m2.reshape(-1), packed).reshape(NC, H, N)

    m3 = mid(agg2, m2, dis, b2[:, None], g2[:, None], be2[:, None], W3.T)
    agg3 = agg_fn(m3.reshape(-1), packed).reshape(NC, H, N)

    return pl.pallas_call(
        _post_body, out_shape=jax.ShapeDtypeStruct((N, OUT), jnp.float32)
    )(agg3, m3, dis, b3[:, None], Wp1.T, bp1[:, None], Wp2, bp2[None, :])

# --- scband reference (transcript-rebuilt; emitter-appended) ---
"""Pipeline reference for scband-gnnmodel-4217657884943 (READ-ONLY COPY).

The authoritative reference and input builder live on the scoring server;
editing this copy changes nothing except your own understanding.
"""

import jax, jax.numpy as jnp
import numpy as np

N = 10000
E = 320000
D_IN = 128
H = 32
OUT = 16


def setup_inputs(seed: int = 0) -> dict:
    key = jax.random.key(seed)
    ks = jax.random.split(key, 20)
    x = jax.random.normal(ks[0], (N, D_IN), dtype=jnp.float32)
    edge_index = jax.random.randint(ks[1], (2, E), 0, N, dtype=jnp.int32)
    s = 0.05
    params = {
        'W1': jax.random.normal(ks[2], (D_IN, H), dtype=jnp.float32) * s,
        'b1': jnp.zeros((H,), jnp.float32),
        'W2': jax.random.normal(ks[3], (H, H), dtype=jnp.float32) * s,
        'b2': jnp.zeros((H,), jnp.float32),
        'W3': jax.random.normal(ks[4], (H, H), dtype=jnp.float32) * s,
        'b3': jnp.zeros((H,), jnp.float32),
        'g1': jnp.ones((H,), jnp.float32),
        'be1': jnp.zeros((H,), jnp.float32),
        'g2': jnp.ones((H,), jnp.float32),
        'be2': jnp.zeros((H,), jnp.float32),
        'Wp1': jax.random.normal(ks[5], (H, H // 2), dtype=jnp.float32) * s,
        'bp1': jnp.zeros((H // 2,), jnp.float32),
        'Wp2': jax.random.normal(ks[6], (H // 2, OUT), dtype=jnp.float32) * s,
        'bp2': jnp.zeros((OUT,), jnp.float32),
    }
    return {'x': x, 'edge_index': edge_index, **params}


def _gcn_layer(x, edge_index, W, b):
    # PyG GCNConv: add self-loops, symmetric normalization D^-1/2 (A+I) D^-1/2 (X W) + b
    src = edge_index[0]
    dst = edge_index[1]
    loop = jnp.arange(N, dtype=src.dtype)
    src = jnp.concatenate([src, loop])
    dst = jnp.concatenate([dst, loop])
    deg = jnp.zeros((N,), jnp.float32).at[dst].add(1.0)
    dis = jnp.where(deg > 0, jax.lax.rsqrt(jnp.maximum(deg, 1e-12)), 0.0)
    norm = dis[src] * dis[dst]
    h = x @ W
    msg = h[src] * norm[:, None]
    out = jnp.zeros((N, W.shape[1]), jnp.float32).at[dst].add(msg)
    return out + b


def _layer_norm(x, g, b, eps=1e-5):
    mu = jnp.mean(x, axis=-1, keepdims=True)
    var = jnp.mean((x - mu) ** 2, axis=-1, keepdims=True)
    return (x - mu) / jnp.sqrt(var + eps) * g + b


def reference(x, edge_index, W1, b1, W2, b2, W3, b3, g1, be1, g2, be2, Wp1, bp1, Wp2, bp2):
    # layer 0
    h = _gcn_layer(x, edge_index, W1, b1)
    h = jax.nn.relu(h)
    # dropout is identity in eval mode
    h = _layer_norm(h, g1, be1)
    # layer 1
    h = _gcn_layer(h, edge_index, W2, b2)
    h = jax.nn.relu(h)
    h = _layer_norm(h, g2, be2)
    # layer 2 (last: no LN)
    h = _gcn_layer(h, edge_index, W3, b3)
    h = jax.nn.relu(h)
    # post_mp: Linear -> Dropout(eval=id) -> ReLU -> Linear
    h = h @ Wp1 + bp1
    h = jax.nn.relu(h)
    h = h @ Wp2 + bp2
    return jax.nn.softmax(h, axis=1)

if __name__ == "__main__":
    import jax
    _d = setup_inputs()
    print(jax.jit(kernel)(*tuple(_d.values())))

</pallas_src>

<mosaic_0001>
#map = affine_map<(d0, d1) -> (0)>
module attributes {stable_mosaic.version = 14 : i64} {
  func.func @body(%arg0: i32, %arg1: i32, %arg2: memref<320000xf32, #tpu.memory_space<hbm>>, %arg3: memref<320000xi32, #tpu.memory_space<hbm>>, %arg4: memref<640000xf32, #tpu.memory_space<hbm>>, %arg5: memref<10000xf32, #tpu.memory_space<vmem>>, %arg6: memref<10000xf32, #tpu.memory_space<vmem>>, %arg7: memref<10000xf32, #tpu.memory_space<vmem>>, %arg8: memref<10000xf32, #tpu.memory_space<vmem>>, %arg9: memref<32000xi32, #tpu.memory_space<vmem>>, %arg10: memref<32000xi32, #tpu.memory_space<vmem>>, %arg11: memref<!tpu.dma_semaphore, #tpu.memory_space<semaphore_mem>>, %arg12: memref<!tpu.dma_semaphore, #tpu.memory_space<semaphore_mem>>, %arg13: memref<!tpu.dma_semaphore, #tpu.memory_space<semaphore_mem>>) attributes {dimension_semantics = [#tpu.dimension_semantics<core_parallel>, #tpu.dimension_semantics<subcore_parallel>], iteration_bounds = array<i64: 2, 16>, scalar_prefetch = 0 : i64, scratch_operands = 9 : i64, tpu.core_type = #tpu.core_type<sc_vector_subcore>, window_params = [{transform_indices = #map}, {transform_indices = #map}, {transform_indices = #map}]} {
    %mul3A = arith.constant 2 : i32
    %mul3A_0 = arith.muli %mul3A, %arg1 : i32
    %mul3A_1 = arith.constant 160000 : i32
    %mul3A_2 = arith.muli %arg0, %mul3A_1 : i32
    %mul3A_3 = arith.constant 10000 : i32
    %mul3A_4 = arith.muli %mul3A_0, %mul3A_3 : i32
    %dma_start3A = tpu.memref_slice %arg2[%mul3A_4] : memref<320000xf32, #tpu.memory_space<hbm>> -> memref<10000xf32, #tpu.memory_space<hbm>>
    %dma_start3A_5 = tpu.memref_slice %arg2[%mul3A_4] : memref<320000xf32, #tpu.memory_space<hbm>> -> memref<10000xf32, #tpu.memory_space<hbm>>
    tpu.enqueue_dma source(%dma_start3A_5 : memref<10000xf32, #tpu.memory_space<hbm>>) target(%arg5 : memref<10000xf32, #tpu.memory_space<vmem>>) target_semaphore(%arg13 : memref<!tpu.dma_semaphore, #tpu.memory_space<semaphore_mem>>)
    %add3A = arith.constant 1 : i32
    %add3A_6 = arith.addi %mul3A_0, %add3A : i32
    %mul3A_7 = arith.constant 10000 : i32
    %mul3A_8 = arith.muli %add3A_6, %mul3A_7 : i32
    %dma_start3A_9 = tpu.memref_slice %arg2[%mul3A_8] : memref<320000xf32, #tpu.memory_space<hbm>> -> memref<10000xf32, #tpu.memory_space<hbm>>
    %dma_start3A_10 = tpu.memref_slice %arg2[%mul3A_8] : memref<320000xf32, #tpu.memory_space<hbm>> -> memref<10000xf32, #tpu.memory_space<hbm>>
    tpu.enqueue_dma source(%dma_start3A_10 : memref<10000xf32, #tpu.memory_space<hbm>>) target(%arg6 : memref<10000xf32, #tpu.memory_space<vmem>>) target_semaphore(%arg13 : memref<!tpu.dma_semaphore, #tpu.memory_space<semaphore_mem>>)
    %dma_start3A_11 = tpu.memref_slice %arg3[%mul3A_2] : memref<320000xi32, #tpu.memory_space<hbm>> -> memref<32000xi32, #tpu.memory_space<hbm>>
    %dma_start3A_12 = tpu.memref_slice %arg3[%mul3A_2] : memref<320000xi32, #tpu.memory_space<hbm>> -> memref<32000xi32, #tpu.memory_space<hbm>>
    tpu.enqueue_dma source(%dma_start3A_12 : memref<32000xi32, #tpu.memory_space<hbm>>) target(%arg9 : memref<32000xi32, #tpu.memory_space<vmem>>) target_semaphore(%arg11 : memref<!tpu.dma_semaphore, #tpu.memory_space<semaphore_mem>>)
    %scan3A = arith.constant 0 : i32
    %scan3A_13 = arith.constant 0 : i32
    %scan3A_14 = arith.constant 624 : i32
    %scan3A_15 = arith.addi %scan3A_13, %scan3A_14 : i32
    %scan3A_16 = arith.constant 8 : i32
    scf.for %scan3A_82 = %scan3A_13 to %scan3A_15 step %scan3A_16  : i32 {
      %broadcast_in_dim3A_83 = arith.constant 0.000000e+00 : f32
      %broadcast_in_dim3A_84 = vector.broadcast %broadcast_in_dim3A_83 : f32 to vector<16xf32>
      %mul3A_85 = arith.constant 16 : i32
      %mul3A_86 = arith.muli %scan3A_82, %mul3A_85 : i32
      %swap3A_87 = arith.index_cast %mul3A_86 : i32 to index
      %swap3A_88 = tpu.vector_load %arg7[%swap3A_87] {strides = array<i32>} : memref<10000xf32, #tpu.memory_space<vmem>>, vector<16xf32>,
      tpu.vector_store %arg7[%swap3A_87], %broadcast_in_dim3A_84 {strides = array<i32>} : memref<10000xf32, #tpu.memory_space<vmem>>, vector<16xf32>,
      %broadcast_in_dim3A_89 = arith.constant 0.000000e+00 : f32
      %broadcast_in_dim3A_90 = vector.broadcast %broadcast_in_dim3A_89 : f32 to vector<16xf32>
      %mul3A_91 = arith.constant 16 : i32
      %mul3A_92 = arith.muli %scan3A_82, %mul3A_91 : i32
      %swap3A_93 = arith.index_cast %mul3A_92 : i32 to index
      %swap3A_94 = tpu.vector_load %arg8[%swap3A_93] {strides = array<i32>} : memref<10000xf32, #tpu.memory_space<vmem>>, vector<16xf32>,
      tpu.vector_store %arg8[%swap3A_93], %broadcast_in_dim3A_90 {strides = array<i32>} : memref<10000xf32, #tpu.memory_space<vmem>>, vector<16xf32>,
      %scan3A_95 = arith.constant 1 : i32
      %scan3A_96 = arith.addi %scan3A_82, %scan3A_95 : i32
      %broadcast_in_dim3A_97 = arith.constant 0.000000e+00 : f32
      %broadcast_in_dim3A_98 = vector.broadcast %broadcast_in_dim3A_97 : f32 to vector<16xf32>
      %mul3A_99 = arith.constant 16 : i32
      %mul3A_100 = arith.muli %scan3A_96, %mul3A_99 : i32
      %swap3A_101 = arith.index_cast %mul3A_100 : i32 to index
      %swap3A_102 = tpu.vector_load %arg7[%swap3A_101] {strides = array<i32>} : memref<10000xf32, #tpu.memory_space<vmem>>, vector<16xf32>,
      tpu.vector_store %arg7[%swap3A_101], %broadcast_in_dim3A_98 {strides = array<i32>} : memref<10000xf32, #tpu.memory_space<vmem>>, vector<16xf32>,
      %broadcast_in_dim3A_103 = arith.constant 0.000000e+00 : f32
      %broadcast_in_dim3A_104 = vector.broadcast %broadcast_in_dim3A_103 : f32 to vector<16xf32>
      %mul3A_105 = arith.constant 16 : i32
      %mul3A_106 = arith.muli %scan3A_96, %mul3A_105 : i32
      %swap3A_107 = arith.index_cast %mul3A_106 : i32 to index
      %swap3A_108 = tpu.vector_load %arg8[%swap3A_107] {strides = array<i32>} : memref<10000xf32, #tpu.memory_space<vmem>>, vector<16xf32>,
      tpu.vector_store %arg8[%swap3A_107], %broadcast_in_dim3A_104 {strides = array<i32>} : memref<10000xf32, #tpu.memory_space<vmem>>, vector<16xf32>,
      %scan3A_109 = arith.constant 2 : i32
      %scan3A_110 = arith.addi %scan3A_82, %scan3A_109 : i32
      %broadcast_in_dim3A_111 = arith.constant 0.000000e+00 : f32
      %broadcast_in_dim3A_112 = vector.broadcast %broadcast_in_dim3A_111 : f32 to vector<16xf32>
      %mul3A_113 = arith.constant 16 : i32
      %mul3A_114 = arith.muli %scan3A_110, %mul3A_113 : i32
      %swap3A_115 = arith.index_cast %mul3A_114 : i32 to index
      %swap3A_116 = tpu.vector_load %arg7[%swap3A_115] {strides = array<i32>} : memref<10000xf32, #tpu.memory_space<vmem>>, vector<16xf32>,
      tpu.vector_store %arg7[%swap3A_115], %broadcast_in_dim3A_112 {strides = array<i32>} : memref<10000xf32, #tpu.memory_space<vmem>>, vector<16xf32>,
      %broadcast_in_dim3A_117 = arith.constant 0.000000e+00 : f32
      %broadcast_in_dim3A_118 = vector.broadcast %broadcast_in_dim3A_117 : f32 to vector<16xf32>
      %mul3A_119 = arith.constant 16 : i32
      %mul3A_120 = arith.muli %scan3A_110, %mul3A_119 : i32
      %swap3A_121 = arith.index_cast %mul3A_120 : i32 to index
      %swap3A_122 = tpu.vector_load %arg8[%swap3A_121] {strides = array<i32>} : memref<10000xf32, #tpu.memory_space<vmem>>, vector<16xf32>,
      tpu.vector_store %arg8[%swap3A_121], %broadcast_in_dim3A_118 {strides = array<i32>} : memref<10000xf32, #tpu.memory_space<vmem>>, vector<16xf32>,
      %scan3A_123 = arith.constant 3 : i32
      %scan3A_124 = arith.addi %scan3A_82, %scan3A_123 : i32
      %broadcast_in_dim3A_125 = arith.constant 0.000000e+00 : f32
      %broadcast_in_dim3A_126 = vector.broadcast %broadcast_in_dim3A_125 : f32 to vector<16xf32>
      %mul3A_127 = arith.constant 16 : i32
      %mul3A_128 = arith.muli %scan3A_124, %mul3A_127 : i32
      %swap3A_129 = arith.index_cast %mul3A_128 : i32 to index
      %swap3A_130 = tpu.vector_load %arg7[%swap3A_129] {strides = array<i32>} : memref<10000xf32, #tpu.memory_space<vmem>>, vector<16xf32>,
      tpu.vector_store %arg7[%swap3A_129], %broadcast_in_dim3A_126 {strides = array<i32>} : memref<10000xf32, #tpu.memory_space<vmem>>, vector<16xf32>,
      %broadcast_in_dim3A_131 = arith.constant 0.000000e+00 : f32
      %broadcast_in_dim3A_132 = vector.broadcast %broadcast_in_dim3A_131 : f32 to vector<16xf32>
      %mul3A_133 = arith.constant 16 : i32
      %mul3A_134 = arith.muli %scan3A_124, %mul3A_133 : i32
      %swap3A_135 = arith.index_cast %mul3A_134 : i32 to index
      %swap3A_136 = tpu.vector_load %arg8[%swap3A_135] {strides = array<i32>} : memref<10000xf32, #tpu.memory_space<vmem>>, vector<16xf32>,
      tpu.vector_store %arg8[%swap3A_135], %broadcast_in_dim3A_132 {strides = array<i32>} : memref<10000xf32, #tpu.memory_space<vmem>>, vector<16xf32>,
      %scan3A_137 = arith.constant 4 : i32
      %scan3A_138 = arith.addi %scan3A_82, %scan3A_137 : i32
      %broadcast_in_dim3A_139 = arith.constant 0.000000e+00 : f32
      %broadcast_in_dim3A_140 = vector.broadcast %broadcast_in_dim3A_139 : f32 to vector<16xf32>
      %mul3A_141 = arith.constant 16 : i32
      %mul3A_142 = arith.muli %scan3A_138, %mul3A_141 : i32
      %swap3A_143 = arith.index_cast %mul3A_142 : i32 to index
      %swap3A_144 = tpu.vector_load %arg7[%swap3A_143] {strides = array<i32>} : memref<10000xf32, #tpu.memory_space<vmem>>, vector<16xf32>,
      tpu.vector_store %arg7[%swap3A_143], %broadcast_in_dim3A_140 {strides = array<i32>} : memref<10000xf32, #tpu.memory_space<vmem>>, vector<16xf32>,
      %broadcast_in_dim3A_145 = arith.constant 0.000000e+00 : f32
      %broadcast_in_dim3A_146 = vector.broadcast %broadcast_in_dim3A_145 : f32 to vector<16xf32>
      %mul3A_147 = arith.constant 16 : i32
      %mul3A_148 = arith.muli %scan3A_138, %mul3A_147 : i32
      %swap3A_149 = arith.index_cast %mul3A_148 : i32 to index
      %swap3A_150 = tpu.vector_load %arg8[%swap3A_149] {strides = array<i32>} : memref<10000xf32, #tpu.memory_space<vmem>>, vector<16xf32>,
      tpu.vector_store %arg8[%swap3A_149], %broadcast_in_dim3A_146 {strides = array<i32>} : memref<10000xf32, #tpu.memory_space<vmem>>, vector<16xf32>,
      %scan3A_151 = arith.constant 5 : i32
      %scan3A_152 = arith.addi %scan3A_82, %scan3A_151 : i32
      %broadcast_in_dim3A_153 = arith.constant 0.000000e+00 : f32
      %broadcast_in_dim3A_154 = vector.broadcast %broadcast_in_dim3A_153 : f32 to vector<16xf32>
      %mul3A_155 = arith.constant 16 : i32
      %mul3A_156 = arith.muli %scan3A_152, %mul3A_155 : i32
      %swap3A_157 = arith.index_cast %mul3A_156 : i32 to index
      %swap3A_158 = tpu.vector_load %arg7[%swap3A_157] {strides = array<i32>} : memref<10000xf32, #tpu.memory_space<vmem>>, vector<16xf32>,
      tpu.vector_store %arg7[%swap3A_157], %broadcast_in_dim3A_154 {strides = array<i32>} : memref<10000xf32, #tpu.memory_space<vmem>>, vector<16xf32>,
      %broadcast_in_dim3A_159 = arith.constant 0.000000e+00 : f32
      %broadcast_in_dim3A_160 = vector.broadcast %broadcast_in_dim3A_159 : f32 to vector<16xf32>
      %mul3A_161 = arith.constant 16 : i32
      %mul3A_162 = arith.muli %scan3A_152, %mul3A_161 : i32
      %swap3A_163 = arith.index_cast %mul3A_162 : i32 to index
      %swap3A_164 = tpu.vector_load %arg8[%swap3A_163] {strides = array<i32>} : memref<10000xf32, #tpu.memory_space<vmem>>, vector<16xf32>,
      tpu.vector_store %arg8[%swap3A_163], %broadcast_in_dim3A_160 {strides = array<i32>} : memref<10000xf32, #tpu.memory_space<vmem>>, vector<16xf32>,
      %scan3A_165 = arith.constant 6 : i32
      %scan3A_166 = arith.addi %scan3A_82, %scan3A_165 : i32
      %broadcast_in_dim3A_167 = arith.constant 0.000000e+00 : f32
      %broadcast_in_dim3A_168 = vector.broadcast %broadcast_in_dim3A_167 : f32 to vector<16xf32>
      %mul3A_169 = arith.constant 16 : i32
      %mul3A_170 = arith.muli %scan3A_166, %mul3A_169 : i32
      %swap3A_171 = arith.index_cast %mul3A_170 : i32 to index
      %swap3A_172 = tpu.vector_load %arg7[%swap3A_171] {strides = array<i32>} : memref<10000xf32, #tpu.memory_space<vmem>>, vector<16xf32>,
      tpu.vector_store %arg7[%swap3A_171], %broadcast_in_dim3A_168 {strides = array<i32>} : memref<10000xf32, #tpu.memory_space<vmem>>, vector<16xf32>,
      %broadcast_in_dim3A_173 = arith.constant 0.000000e+00 : f32
      %broadcast_in_dim3A_174 = vector.broadcast %broadcast_in_dim3A_173 : f32 to vector<16xf32>
      %mul3A_175 = arith.constant 16 : i32
      %mul3A_176 = arith.muli %scan3A_166, %mul3A_175 : i32
      %swap3A_177 = arith.index_cast %mul3A_176 : i32 to index
      %swap3A_178 = tpu.vector_load %arg8[%swap3A_177] {strides = array<i32>} : memref<10000xf32, #tpu.memory_space<vmem>>, vector<16xf32>,
      tpu.vector_store %arg8[%swap3A_177], %broadcast_in_dim3A_174 {strides = array<i32>} : memref<10000xf32, #tpu.memory_space<vmem>>, vector<16xf32>,
      %scan3A_179 = arith.constant 7 : i32
      %scan3A_180 = arith.addi %scan3A_82, %scan3A_179 : i32
      %broadcast_in_dim3A_181 = arith.constant 0.000000e+00 : f32
      %broadcast_in_dim3A_182 = vector.broadcast %broadcast_in_dim3A_181 : f32 to vector<16xf32>
      %mul3A_183 = arith.constant 16 : i32
      %mul3A_184 = arith.muli %scan3A_180, %mul3A_183 : i32
      %swap3A_185 = arith.index_cast %mul3A_184 : i32 to index
      %swap3A_186 = tpu.vector_load %arg7[%swap3A_185] {strides = array<i32>} : memref<10000xf32, #tpu.memory_space<vmem>>, vector<16xf32>,
      tpu.vector_store %arg7[%swap3A_185], %broadcast_in_dim3A_182 {strides = array<i32>} : memref<10000xf32, #tpu.memory_space<vmem>>, vector<16xf32>,
      %broadcast_in_dim3A_187 = arith.constant 0.000000e+00 : f32
      %broadcast_in_dim3A_188 = vector.broadcast %broadcast_in_dim3A_187 : f32 to vector<16xf32>
      %mul3A_189 = arith.constant 16 : i32
      %mul3A_190 = arith.muli %scan3A_180, %mul3A_189 : i32
      %swap3A_191 = arith.index_cast %mul3A_190 : i32 to index
      %swap3A_192 = tpu.vector_load %arg8[%swap3A_191] {strides = array<i32>} : memref<10000xf32, #tpu.memory_space<vmem>>, vector<16xf32>,
      tpu.vector_store %arg8[%swap3A_191], %broadcast_in_dim3A_188 {strides = array<i32>} : memref<10000xf32, #tpu.memory_space<vmem>>, vector<16xf32>,
    }
    %scan3A_17 = arith.constant 624 : i32
    %scan3A_18 = arith.addi %scan3A_13, %scan3A_17 : i32
    %broadcast_in_dim3A = arith.constant 0.000000e+00 : f32
    %broadcast_in_dim3A_19 = vector.broadcast %broadcast_in_dim3A : f32 to vector<16xf32>
    %mul3A_20 = arith.constant 16 : i32
    %mul3A_21 = arith.muli %scan3A_18, %mul3A_20 : i32
    %swap3A = arith.index_cast %mul3A_21 : i32 to index
    %swap3A_22 = tpu.vector_load %arg7[%swap3A] {strides = array<i32>} : memref<10000xf32, #tpu.memory_space<vmem>>, vector<16xf32>,
    tpu.vector_store %arg7[%swap3A], %broadcast_in_dim3A_19 {strides = array<i32>} : memref<10000xf32, #tpu.memory_space<vmem>>, vector<16xf32>,
    %broadcast_in_dim3A_23 = arith.constant 0.000000e+00 : f32
    %broadcast_in_dim3A_24 = vector.broadcast %broadcast_in_dim3A_23 : f32 to vector<16xf32>
    %mul3A_25 = arith.constant 16 : i32
    %mul3A_26 = arith.muli %scan3A_18, %mul3A_25 : i32
    %swap3A_27 = arith.index_cast %mul3A_26 : i32 to index
    %swap3A_28 = tpu.vector_load %arg8[%swap3A_27] {strides = array<i32>} : memref<10000xf32, #tpu.memory_space<vmem>>, vector<16xf32>,
    tpu.vector_store %arg8[%swap3A_27], %broadcast_in_dim3A_24 {strides = array<i32>} : memref<10000xf32, #tpu.memory_space<vmem>>, vector<16xf32>,
    %scan3A_29 = arith.constant 625 : i32
    %dma_wait3A = tpu.memref_slice %arg2[%mul3A_4] : memref<320000xf32, #tpu.memory_space<hbm>> -> memref<10000xf32, #tpu.memory_space<hbm>>
    %dma_wait3A_30 = tpu.memref_slice %arg2[%mul3A_4] : memref<320000xf32, #tpu.memory_space<hbm>> -> memref<10000xf32, #tpu.memory_space<hbm>>
    tpu.wait_dma2 semaphore(%arg13 : memref<!tpu.dma_semaphore, #tpu.memory_space<semaphore_mem>>) src(%dma_wait3A_30 : memref<10000xf32, #tpu.memory_space<hbm>>) dst(%arg5 : memref<10000xf32, #tpu.memory_space<vmem>>)
    %dma_wait3A_31 = tpu.memref_slice %arg2[%mul3A_8] : memref<320000xf32, #tpu.memory_space<hbm>> -> memref<10000xf32, #tpu.memory_space<hbm>>
    %dma_wait3A_32 = tpu.memref_slice %arg2[%mul3A_8] : memref<320000xf32, #tpu.memory_space<hbm>> -> memref<10000xf32, #tpu.memory_space<hbm>>
    tpu.wait_dma2 semaphore(%arg13 : memref<!tpu.dma_semaphore, #tpu.memory_space<semaphore_mem>>) src(%dma_wait3A_32 : memref<10000xf32, #tpu.memory_space<hbm>>) dst(%arg6 : memref<10000xf32, #tpu.memory_space<vmem>>)
    %add3A_33 = arith.constant 32000 : i32
    %add3A_34 = arith.addi %mul3A_2, %add3A_33 : i32
    %dma_start3A_35 = tpu.memref_slice %arg3[%add3A_34] : memref<320000xi32, #tpu.memory_space<hbm>> -> memref<32000xi32, #tpu.memory_space<hbm>>
    %dma_start3A_36 = tpu.memref_slice %arg3[%add3A_34] : memref<320000xi32, #tpu.memory_space<hbm>> -> memref<32000xi32, #tpu.memory_space<hbm>>
    tpu.enqueue_dma source(%dma_start3A_36 : memref<32000xi32, #tpu.memory_space<hbm>>) target(%arg10 : memref<32000xi32, #tpu.memory_space<vmem>>) target_semaphore(%arg12 : memref<!tpu.dma_semaphore, #tpu.memory_space<semaphore_mem>>)
    %dma_wait3A_37 = tpu.memref_slice %arg3[%mul3A_2] : memref<320000xi32, #tpu.memory_space<hbm>> -> memref<32000xi32, #tpu.memory_space<hbm>>
    %dma_wait3A_38 = tpu.memref_slice %arg3[%mul3A_2] : memref<320000xi32, #tpu.memory_space<hbm>> -> memref<32000xi32, #tpu.memory_space<hbm>>
    tpu.wait_dma2 semaphore(%arg11 : memref<!tpu.dma_semaphore, #tpu.memory_space<semaphore_mem>>) src(%dma_wait3A_38 : memref<32000xi32, #tpu.memory_space<hbm>>) dst(%arg9 : memref<32000xi32, #tpu.memory_space<vmem>>)
    %parallel_loop3A = arith.constant 0 : i32
    %parallel_loop3A_39 = arith.constant 32000 : i32
    %parallel_loop3A_40 = arith.constant 16 : i32
    scf.for %parallel_loop3A_82 = %parallel_loop3A to %parallel_loop3A_39 step %parallel_loop3A_40  : i32 {
      %parallel_loop3A_83 = arith.index_cast %parallel_loop3A_82 : i32 to index
      %parallel_loop3A_84 = tpu.vector_load %arg9[%parallel_loop3A_83] {strides = array<i32>} : memref<32000xi32, #tpu.memory_space<vmem>>, vector<16xi32>,
      %parallel_loop3A_85 = arith.constant 14 : i32
      %parallel_loop3A_86 = vector.broadcast %parallel_loop3A_85 : i32 to vector<16xi32>
      %parallel_loop3A_87 = arith.shrui %parallel_loop3A_84, %parallel_loop3A_86 : vector<16xi32>
      %parallel_loop3A_88 = arith.constant 16383 : i32
      %parallel_loop3A_89 = vector.broadcast %parallel_loop3A_88 : i32 to vector<16xi32>
      %parallel_loop3A_90 = arith.andi %parallel_loop3A_84, %parallel_loop3A_89 : vector<16xi32>
      %parallel_loop3A_91 = tpu.vector_load_idx %arg5[%parallel_loop3A_87] : memref<10000xf32, #tpu.memory_space<vmem>>[vector<16xi32>], vector<16xf32>,
      tpu.vector_store_idx %arg7[%parallel_loop3A_90], %parallel_loop3A_91 {add = true} : memref<10000xf32, #tpu.memory_space<vmem>>[vector<16xi32>], vector<16xf32>,
      %parallel_loop3A_92 = tpu.vector_load_idx %arg6[%parallel_loop3A_87] : memref<10000xf32, #tpu.memory_space<vmem>>[vector<16xi32>], vector<16xf32>,
      tpu.vector_store_idx %arg8[%parallel_loop3A_90], %parallel_loop3A_92 {add = true} : memref<10000xf32, #tpu.memory_space<vmem>>[vector<16xi32>], vector<16xf32>,
    } {sc.loop_unroll_factor = 16 : i64, sc.parallel_access}
    %add3A_41 = arith.constant 64000 : i32
    %add3A_42 = arith.addi %mul3A_2, %add3A_41 : i32
    %dma_start3A_43 = tpu.memref_slice %arg3[%add3A_42] : memref<320000xi32, #tpu.memory_space<hbm>> -> memref<32000xi32, #tpu.memory_space<hbm>>
    %dma_start3A_44 = tpu.memref_slice %arg3[%add3A_42] : memref<320000xi32, #tpu.memory_space<hbm>> -> memref<32000xi32, #tpu.memory_space<hbm>>
    tpu.enqueue_dma source(%dma_start3A_44 : memref<32000xi32, #tpu.memory_space<hbm>>) target(%arg9 : memref<32000xi32, #tpu.memory_space<vmem>>) target_semaphore(%arg11 : memref<!tpu.dma_semaphore, #tpu.memory_space<semaphore_mem>>)
    %dma_wait3A_45 = tpu.memref_slice %arg3[%add3A_34] : memref<320000xi32, #tpu.memory_space<hbm>> -> memref<32000xi32, #tpu.memory_space<hbm>>
    %dma_wait3A_46 = tpu.memref_slice %arg3[%add3A_34] : memref<320000xi32, #tpu.memory_space<hbm>> -> memref<32000xi32, #tpu.memory_space<hbm>>
    tpu.wait_dma2 semaphore(%arg12 : memref<!tpu.dma_semaphore, #tpu.memory_space<semaphore_mem>>) src(%dma_wait3A_46 : memref<32000xi32, #tpu.memory_space<hbm>>) dst(%arg10 : memref<32000xi32, #tpu.memory_space<vmem>>)
    %parallel_loop3A_47 = arith.constant 0 : i32
    %parallel_loop3A_48 = arith.constant 32000 : i32
    %parallel_loop3A_49 = arith.constant 16 : i32
    scf.for %parallel_loop3A_82 = %parallel_loop3A_47 to %parallel_loop3A_48 step %parallel_loop3A_49  : i32 {
      %parallel_loop3A_83 = arith.index_cast %parallel_loop3A_82 : i32 to index
      %parallel_loop3A_84 = tpu.vector_load %arg10[%parallel_loop3A_83] {strides = array<i32>} : memref<32000xi32, #tpu.memory_space<vmem>>, vector<16xi32>,
      %parallel_loop3A_85 = arith.constant 14 : i32
      %parallel_loop3A_86 = vector.broadcast %parallel_loop3A_85 : i32 to vector<16xi32>
      %parallel_loop3A_87 = arith.shrui %parallel_loop3A_84, %parallel_loop3A_86 : vector<16xi32>
      %parallel_loop3A_88 = arith.constant 16383 : i32
      %parallel_loop3A_89 = vector.broadcast %parallel_loop3A_88 : i32 to vector<16xi32>
      %parallel_loop3A_90 = arith.andi %parallel_loop3A_84, %parallel_loop3A_89 : vector<16xi32>
      %parallel_loop3A_91 = tpu.vector_load_idx %arg5[%parallel_loop3A_87] : memref<10000xf32, #tpu.memory_space<vmem>>[vector<16xi32>], vector<16xf32>,
      tpu.vector_store_idx %arg7[%parallel_loop3A_90], %parallel_loop3A_91 {add = true} : memref<10000xf32, #tpu.memory_space<vmem>>[vector<16xi32>], vector<16xf32>,
      %parallel_loop3A_92 = tpu.vector_load_idx %arg6[%parallel_loop3A_87] : memref<10000xf32, #tpu.memory_space<vmem>>[vector<16xi32>], vector<16xf32>,
      tpu.vector_store_idx %arg8[%parallel_loop3A_90], %parallel_loop3A_92 {add = true} : memref<10000xf32, #tpu.memory_space<vmem>>[vector<16xi32>], vector<16xf32>,
    } {sc.loop_unroll_factor = 16 : i64, sc.parallel_access}
    %add3A_50 = arith.constant 96000 : i32
    %add3A_51 = arith.addi %mul3A_2, %add3A_50 : i32
    %dma_start3A_52 = tpu.memref_slice %arg3[%add3A_51] : memref<320000xi32, #tpu.memory_space<hbm>> -> memref<32000xi32, #tpu.memory_space<hbm>>
    %dma_start3A_53 = tpu.memref_slice %arg3[%add3A_51] : memref<320000xi32, #tpu.memory_space<hbm>> -> memref<32000xi32, #tpu.memory_space<hbm>>
    tpu.enqueue_dma source(%dma_start3A_53 : memref<32000xi32, #tpu.memory_space<hbm>>) target(%arg10 : memref<32000xi32, #tpu.memory_space<vmem>>) target_semaphore(%arg12 : memref<!tpu.dma_semaphore, #tpu.memory_space<semaphore_mem>>)
    %dma_wait3A_54 = tpu.memref_slice %arg3[%add3A_42] : memref<320000xi32, #tpu.memory_space<hbm>> -> memref<32000xi32, #tpu.memory_space<hbm>>
    %dma_wait3A_55 = tpu.memref_slice %arg3[%add3A_42] : memref<320000xi32, #tpu.memory_space<hbm>> -> memref<32000xi32, #tpu.memory_space<hbm>>
    tpu.wait_dma2 semaphore(%arg11 : memref<!tpu.dma_semaphore, #tpu.memory_space<semaphore_mem>>) src(%dma_wait3A_55 : memref<32000xi32, #tpu.memory_space<hbm>>) dst(%arg9 : memref<32000xi32, #tpu.memory_space<vmem>>)
    %parallel_loop3A_56 = arith.constant 0 : i32
    %parallel_loop3A_57 = arith.constant 32000 : i32
    %parallel_loop3A_58 = arith.constant 16 : i32
    scf.for %parallel_loop3A_82 = %parallel_loop3A_56 to %parallel_loop3A_57 step %parallel_loop3A_58  : i32 {
      %parallel_loop3A_83 = arith.index_cast %parallel_loop3A_82 : i32 to index
      %parallel_loop3A_84 = tpu.vector_load %arg9[%parallel_loop3A_83] {strides = array<i32>} : memref<32000xi32, #tpu.memory_space<vmem>>, vector<16xi32>,
      %parallel_loop3A_85 = arith.constant 14 : i32
      %parallel_loop3A_86 = vector.broadcast %parallel_loop3A_85 : i32 to vector<16xi32>
      %parallel_loop3A_87 = arith.shrui %parallel_loop3A_84, %parallel_loop3A_86 : vector<16xi32>
      %parallel_loop3A_88 = arith.constant 16383 : i32
      %parallel_loop3A_89 = vector.broadcast %parallel_loop3A_88 : i32 to vector<16xi32>
      %parallel_loop3A_90 = arith.andi %parallel_loop3A_84, %parallel_loop3A_89 : vector<16xi32>
      %parallel_loop3A_91 = tpu.vector_load_idx %arg5[%parallel_loop3A_87] : memref<10000xf32, #tpu.memory_space<vmem>>[vector<16xi32>], vector<16xf32>,
      tpu.vector_store_idx %arg7[%parallel_loop3A_90], %parallel_loop3A_91 {add = true} : memref<10000xf32, #tpu.memory_space<vmem>>[vector<16xi32>], vector<16xf32>,
      %parallel_loop3A_92 = tpu.vector_load_idx %arg6[%parallel_loop3A_87] : memref<10000xf32, #tpu.memory_space<vmem>>[vector<16xi32>], vector<16xf32>,
      tpu.vector_store_idx %arg8[%parallel_loop3A_90], %parallel_loop3A_92 {add = true} : memref<10000xf32, #tpu.memory_space<vmem>>[vector<16xi32>], vector<16xf32>,
    } {sc.loop_unroll_factor = 16 : i64, sc.parallel_access}
    %add3A_59 = arith.constant 128000 : i32
    %add3A_60 = arith.addi %mul3A_2, %add3A_59 : i32
    %dma_start3A_61 = tpu.memref_slice %arg3[%add3A_60] : memref<320000xi32, #tpu.memory_space<hbm>> -> memref<32000xi32, #tpu.memory_space<hbm>>
    %dma_start3A_62 = tpu.memref_slice %arg3[%add3A_60] : memref<320000xi32, #tpu.memory_space<hbm>> -> memref<32000xi32, #tpu.memory_space<hbm>>
    tpu.enqueue_dma source(%dma_start3A_62 : memref<32000xi32, #tpu.memory_space<hbm>>) target(%arg9 : memref<32000xi32, #tpu.memory_space<vmem>>) target_semaphore(%arg11 : memref<!tpu.dma_semaphore, #tpu.memory_space<semaphore_mem>>)
    %dma_wait3A_63 = tpu.memref_slice %arg3[%add3A_51] : memref<320000xi32, #tpu.memory_space<hbm>> -> memref<32000xi32, #tpu.memory_space<hbm>>
    %dma_wait3A_64 = tpu.memref_slice %arg3[%add3A_51] : memref<320000xi32, #tpu.memory_space<hbm>> -> memref<32000xi32, #tpu.memory_space<hbm>>
    tpu.wait_dma2 semaphore(%arg12 : memref<!tpu.dma_semaphore, #tpu.memory_space<semaphore_mem>>) src(%dma_wait3A_64 : memref<32000xi32, #tpu.memory_space<hbm>>) dst(%arg10 : memref<32000xi32, #tpu.memory_space<vmem>>)
    %parallel_loop3A_65 = arith.constant 0 : i32
    %parallel_loop3A_66 = arith.constant 32000 : i32
    %parallel_loop3A_67 = arith.constant 16 : i32
    scf.for %parallel_loop3A_82 = %parallel_loop3A_65 to %parallel_loop3A_66 step %parallel_loop3A_67  : i32 {
      %parallel_loop3A_83 = arith.index_cast %parallel_loop3A_82 : i32 to index
      %parallel_loop3A_84 = tpu.vector_load %arg10[%parallel_loop3A_83] {strides = array<i32>} : memref<32000xi32, #tpu.memory_space<vmem>>, vector<16xi32>,
      %parallel_loop3A_85 = arith.constant 14 : i32
      %parallel_loop3A_86 = vector.broadcast %parallel_loop3A_85 : i32 to vector<16xi32>
      %parallel_loop3A_87 = arith.shrui %parallel_loop3A_84, %parallel_loop3A_86 : vector<16xi32>
      %parallel_loop3A_88 = arith.constant 16383 : i32
      %parallel_loop3A_89 = vector.broadcast %parallel_loop3A_88 : i32 to vector<16xi32>
      %parallel_loop3A_90 = arith.andi %parallel_loop3A_84, %parallel_loop3A_89 : vector<16xi32>
      %parallel_loop3A_91 = tpu.vector_load_idx %arg5[%parallel_loop3A_87] : memref<10000xf32, #tpu.memory_space<vmem>>[vector<16xi32>], vector<16xf32>,
      tpu.vector_store_idx %arg7[%parallel_loop3A_90], %parallel_loop3A_91 {add = true} : memref<10000xf32, #tpu.memory_space<vmem>>[vector<16xi32>], vector<16xf32>,
      %parallel_loop3A_92 = tpu.vector_load_idx %arg6[%parallel_loop3A_87] : memref<10000xf32, #tpu.memory_space<vmem>>[vector<16xi32>], vector<16xf32>,
      tpu.vector_store_idx %arg8[%parallel_loop3A_90], %parallel_loop3A_92 {add = true} : memref<10000xf32, #tpu.memory_space<vmem>>[vector<16xi32>], vector<16xf32>,
    } {sc.loop_unroll_factor = 16 : i64, sc.parallel_access}
    %dma_wait3A_68 = tpu.memref_slice %arg3[%add3A_60] : memref<320000xi32, #tpu.memory_space<hbm>> -> memref<32000xi32, #tpu.memory_space<hbm>>
    %dma_wait3A_69 = tpu.memref_slice %arg3[%add3A_60] : memref<320000xi32, #tpu.memory_space<hbm>> -> memref<32000xi32, #tpu.memory_space<hbm>>
    tpu.wait_dma2 semaphore(%arg11 : memref<!tpu.dma_semaphore, #tpu.memory_space<semaphore_mem>>) src(%dma_wait3A_69 : memref<32000xi32, #tpu.memory_space<hbm>>) dst(%arg9 : memref<32000xi32, #tpu.memory_space<vmem>>)
    %parallel_loop3A_70 = arith.constant 0 : i32
    %parallel_loop3A_71 = arith.constant 32000 : i32
    %parallel_loop3A_72 = arith.constant 16 : i32
    scf.for %parallel_loop3A_82 = %parallel_loop3A_70 to %parallel_loop3A_71 step %parallel_loop3A_72  : i32 {
      %parallel_loop3A_83 = arith.index_cast %parallel_loop3A_82 : i32 to index
      %parallel_loop3A_84 = tpu.vector_load %arg9[%parallel_loop3A_83] {strides = array<i32>} : memref<32000xi32, #tpu.memory_space<vmem>>, vector<16xi32>,
      %parallel_loop3A_85 = arith.constant 14 : i32
      %parallel_loop3A_86 = vector.broadcast %parallel_loop3A_85 : i32 to vector<16xi32>
      %parallel_loop3A_87 = arith.shrui %parallel_loop3A_84, %parallel_loop3A_86 : vector<16xi32>
      %parallel_loop3A_88 = arith.constant 16383 : i32
      %parallel_loop3A_89 = vector.broadcast %parallel_loop3A_88 : i32 to vector<16xi32>
      %parallel_loop3A_90 = arith.andi %parallel_loop3A_84, %parallel_loop3A_89 : vector<16xi32>
      %parallel_loop3A_91 = tpu.vector_load_idx %arg5[%parallel_loop3A_87] : memref<10000xf32, #tpu.memory_space<vmem>>[vector<16xi32>], vector<16xf32>,
      tpu.vector_store_idx %arg7[%parallel_loop3A_90], %parallel_loop3A_91 {add = true} : memref<10000xf32, #tpu.memory_space<vmem>>[vector<16xi32>], vector<16xf32>,
      %parallel_loop3A_92 = tpu.vector_load_idx %arg6[%parallel_loop3A_87] : memref<10000xf32, #tpu.memory_space<vmem>>[vector<16xi32>], vector<16xf32>,
      tpu.vector_store_idx %arg8[%parallel_loop3A_90], %parallel_loop3A_92 {add = true} : memref<10000xf32, #tpu.memory_space<vmem>>[vector<16xi32>], vector<16xf32>,
    } {sc.loop_unroll_factor = 16 : i64, sc.parallel_access}
    %mul3A_73 = arith.constant 32 : i32
    %mul3A_74 = arith.muli %arg0, %mul3A_73 : i32
    %mul3A_75 = arith.constant 10000 : i32
    %mul3A_76 = arith.muli %mul3A_74, %mul3A_75 : i32
    %mul3A_77 = arith.constant 10000 : i32
    %mul3A_78 = arith.muli %mul3A_0, %mul3A_77 : i32
    %add3A_79 = arith.addi %mul3A_76, %mul3A_78 : i32
    "tpu.region"() ({
      %run_scoped3A = tpu.sem_alloc : memref<!tpu.dma_semaphore, #tpu.memory_space<semaphore_mem>>
      %dma_start3A_82 = tpu.memref_slice %arg4[%add3A_79] : memref<640000xf32, #tpu.memory_space<hbm>> -> memref<10000xf32, #tpu.memory_space<hbm>>
      %dma_start3A_83 = tpu.memref_slice %arg4[%add3A_79] : memref<640000xf32, #tpu.memory_space<hbm>> -> memref<10000xf32, #tpu.memory_space<hbm>>
      tpu.enqueue_dma source(%arg7 : memref<10000xf32, #tpu.memory_space<vmem>>) target(%dma_start3A_83 : memref<10000xf32, #tpu.memory_space<hbm>>) target_semaphore(%run_scoped3A : memref<!tpu.dma_semaphore, #tpu.memory_space<semaphore_mem>>)
      %dma_wait3A_84 = tpu.memref_slice %arg4[%add3A_79] : memref<640000xf32, #tpu.memory_space<hbm>> -> memref<10000xf32, #tpu.memory_space<hbm>>
      %dma_wait3A_85 = tpu.memref_slice %arg4[%add3A_79] : memref<640000xf32, #tpu.memory_space<hbm>> -> memref<10000xf32, #tpu.memory_space<hbm>>
      tpu.wait_dma2 semaphore(%run_scoped3A : memref<!tpu.dma_semaphore, #tpu.memory_space<semaphore_mem>>) src(%arg7 : memref<10000xf32, #tpu.memory_space<vmem>>) dst(%dma_wait3A_85 : memref<10000xf32, #tpu.memory_space<hbm>>)
      tpu.yield
    }) : () -> ()
    %add3A_80 = arith.constant 10000 : i32
    %add3A_81 = arith.addi %add3A_79, %add3A_80 : i32
    "tpu.region"() ({
      %run_scoped3A = tpu.sem_alloc : memref<!tpu.dma_semaphore, #tpu.memory_space<semaphore_mem>>
      %dma_start3A_82 = tpu.memref_slice %arg4[%add3A_81] : memref<640000xf32, #tpu.memory_space<hbm>> -> memref<10000xf32, #tpu.memory_space<hbm>>
      %dma_start3A_83 = tpu.memref_slice %arg4[%add3A_81] : memref<640000xf32, #tpu.memory_space<hbm>> -> memref<10000xf32, #tpu.memory_space<hbm>>
      tpu.enqueue_dma source(%arg8 : memref<10000xf32, #tpu.memory_space<vmem>>) target(%dma_start3A_83 : memref<10000xf32, #tpu.memory_space<hbm>>) target_semaphore(%run_scoped3A : memref<!tpu.dma_semaphore, #tpu.memory_space<semaphore_mem>>)
      %dma_wait3A_84 = tpu.memref_slice %arg4[%add3A_81] : memref<640000xf32, #tpu.memory_space<hbm>> -> memref<10000xf32, #tpu.memory_space<hbm>>
      %dma_wait3A_85 = tpu.memref_slice %arg4[%add3A_81] : memref<640000xf32, #tpu.memory_space<hbm>> -> memref<10000xf32, #tpu.memory_space<hbm>>
      tpu.wait_dma2 semaphore(%run_scoped3A : memref<!tpu.dma_semaphore, #tpu.memory_space<semaphore_mem>>) src(%arg8 : memref<10000xf32, #tpu.memory_space<vmem>>) dst(%dma_wait3A_85 : memref<10000xf32, #tpu.memory_space<hbm>>)
      tpu.yield
    }) : () -> ()
    return
  }
}

#map = affine_map<(d0, d1) -> (0)>
module attributes {stable_mosaic.version = 14 : i64} {
  func.func @body(%arg0: i32, %arg1: i32, %arg2: memref<320000xf32, #tpu.memory_space<hbm>>, %arg3: memref<320000xi32, #tpu.memory_space<hbm>>, %arg4: memref<640000xf32, #tpu.memory_space<hbm>>, %arg5: memref<10000xf32, #tpu.memory_space<vmem>>, %arg6: memref<10000xf32, #tpu.memory_space<vmem>>, %arg7: memref<10000xf32, #tpu.memory_space<vmem>>, %arg8: memref<10000xf32, #tpu.memory_space<vmem>>, %arg9: memref<32000xi32, #tpu.memory_space<vmem>>, %arg10: memref<32000xi32, #tpu.memory_space<vmem>>, %arg11: memref<!tpu.dma_semaphore, #tpu.memory_space<semaphore_mem>>, %arg12: memref<!tpu.dma_semaphore, #tpu.memory_space<semaphore_mem>>, %arg13: memref<!tpu.dma_semaphore, #tpu.memory_space<semaphore_mem>>) attributes {dimension_semantics = [#tpu.dimension_semantics<core_parallel>, #tpu.dimension_semantics<subcore_parallel>], iteration_bounds = array<i64: 2, 16>, scalar_prefetch = 0 : i64, scratch_operands = 9 : i64, tpu.core_type = #tpu.core_type<sc_vector_subcore>, window_params = [{transform_indices = #map}, {transform_indices = #map}, {transform_indices = #map}]} {
    %mul3A = arith.constant 2 : i32
    %mul3A_0 = arith.muli %mul3A, %arg1 : i32
    %mul3A_1 = arith.constant 160000 : i32
    %mul3A_2 = arith.muli %arg0, %mul3A_1 : i32
    %mul3A_3 = arith.constant 10000 : i32
    %mul3A_4 = arith.muli %mul3A_0, %mul3A_3 : i32
    %dma_start3A = tpu.memref_slice %arg2[%mul3A_4] : memref<320000xf32, #tpu.memory_space<hbm>> -> memref<10000xf32, #tpu.memory_space<hbm>>
    %dma_start3A_5 = tpu.memref_slice %arg2[%mul3A_4] : memref<320000xf32, #tpu.memory_space<hbm>> -> memref<10000xf32, #tpu.memory_space<hbm>>
    tpu.enqueue_dma source(%dma_start3A_5 : memref<10000xf32, #tpu.memory_space<hbm>>) target(%arg5 : memref<10000xf32, #tpu.memory_space<vmem>>) target_semaphore(%arg13 : memref<!tpu.dma_semaphore, #tpu.memory_space<semaphore_mem>>)
    %add3A = arith.constant 1 : i32
    %add3A_6 = arith.addi %mul3A_0, %add3A : i32
    %mul3A_7 = arith.constant 10000 : i32
    %mul3A_8 = arith.muli %add3A_6, %mul3A_7 : i32
    %dma_start3A_9 = tpu.memref_slice %arg2[%mul3A_8] : memref<320000xf32, #tpu.memory_space<hbm>> -> memref<10000xf32, #tpu.memory_space<hbm>>
    %dma_start3A_10 = tpu.memref_slice %arg2[%mul3A_8] : memref<320000xf32, #tpu.memory_space<hbm>> -> memref<10000xf32, #tpu.memory_space<hbm>>
    tpu.enqueue_dma source(%dma_start3A_10 : memref<10000xf32, #tpu.memory_space<hbm>>) target(%arg6 : memref<10000xf32, #tpu.memory_space<vmem>>) target_semaphore(%arg13 : memref<!tpu.dma_semaphore, #tpu.memory_space<semaphore_mem>>)
    %dma_start3A_11 = tpu.memref_slice %arg3[%mul3A_2] : memref<320000xi32, #tpu.memory_space<hbm>> -> memref<32000xi32, #tpu.memory_space<hbm>>
    %dma_start3A_12 = tpu.memref_slice %arg3[%mul3A_2] : memref<320000xi32, #tpu.memory_space<hbm>> -> memref<32000xi32, #tpu.memory_space<hbm>>
    tpu.enqueue_dma source(%dma_start3A_12 : memref<32000xi32, #tpu.memory_space<hbm>>) target(%arg9 : memref<32000xi32, #tpu.memory_space<vmem>>) target_semaphore(%arg11 : memref<!tpu.dma_semaphore, #tpu.memory_space<semaphore_mem>>)
    %scan3A = arith.constant 0 : i32
    %scan3A_13 = arith.constant 0 : i32
    %scan3A_14 = arith.constant 624 : i32
    %scan3A_15 = arith.addi %scan3A_13, %scan3A_14 : i32
    %scan3A_16 = arith.constant 8 : i32
    scf.for %scan3A_82 = %scan3A_13 to %scan3A_15 step %scan3A_16  : i32 {
      %broadcast_in_dim3A_83 = arith.constant 0.000000e+00 : f32
      %broadcast_in_dim3A_84 = vector.broadcast %broadcast_in_dim3A_83 : f32 to vector<16xf32>
      %mul3A_85 = arith.constant 16 : i32
      %mul3A_86 = arith.muli %scan3A_82, %mul3A_85 : i32
      %swap3A_87 = arith.index_cast %mul3A_86 : i32 to index
      %swap3A_88 = tpu.vector_load %arg7[%swap3A_87] {strides = array<i32>} : memref<10000xf32, #tpu.memory_space<vmem>>, vector<16xf32>,
      tpu.vector_store %arg7[%swap3A_87], %broadcast_in_dim3A_84 {strides = array<i32>} : memref<10000xf32, #tpu.memory_space<vmem>>, vector<16xf32>,
      %broadcast_in_dim3A_89 = arith.constant 0.000000e+00 : f32
      %broadcast_in_dim3A_90 = vector.broadcast %broadcast_in_dim3A_89 : f32 to vector<16xf32>
      %mul3A_91 = arith.constant 16 : i32
      %mul3A_92 = arith.muli %scan3A_82, %mul3A_91 : i32
      %swap3A_93 = arith.index_cast %mul3A_92 : i32 to index
      %swap3A_94 = tpu.vector_load %arg8[%swap3A_93] {strides = array<i32>} : memref<10000xf32, #tpu.memory_space<vmem>>, vector<16xf32>,
      tpu.vector_store %arg8[%swap3A_93], %broadcast_in_dim3A_90 {strides = array<i32>} : memref<10000xf32, #tpu.memory_space<vmem>>, vector<16xf32>,
      %scan3A_95 = arith.constant 1 : i32
      %scan3A_96 = arith.addi %scan3A_82, %scan3A_95 : i32
      %broadcast_in_dim3A_97 = arith.constant 0.000000e+00 : f32
      %broadcast_in_dim3A_98 = vector.broadcast %broadcast_in_dim3A_97 : f32 to vector<16xf32>
      %mul3A_99 = arith.constant 16 : i32
      %mul3A_100 = arith.muli %scan3A_96, %mul3A_99 : i32
      %swap3A_101 = arith.index_cast %mul3A_100 : i32 to index
      %swap3A_102 = tpu.vector_load %arg7[%swap3A_101] {strides = array<i32>} : memref<10000xf32, #tpu.memory_space<vmem>>, vector<16xf32>,
      tpu.vector_store %arg7[%swap3A_101], %broadcast_in_dim3A_98 {strides = array<i32>} : memref<10000xf32, #tpu.memory_space<vmem>>, vector<16xf32>,
      %broadcast_in_dim3A_103 = arith.constant 0.000000e+00 : f32
      %broadcast_in_dim3A_104 = vector.broadcast %broadcast_in_dim3A_103 : f32 to vector<16xf32>
      %mul3A_105 = arith.constant 16 : i32
      %mul3A_106 = arith.muli %scan3A_96, %mul3A_105 : i32
      %swap3A_107 = arith.index_cast %mul3A_106 : i32 to index
      %swap3A_108 = tpu.vector_load %arg8[%swap3A_107] {strides = array<i32>} : memref<10000xf32, #tpu.memory_space<vmem>>, vector<16xf32>,
      tpu.vector_store %arg8[%swap3A_107], %broadcast_in_dim3A_104 {strides = array<i32>} : memref<10000xf32, #tpu.memory_space<vmem>>, vector<16xf32>,
      %scan3A_109 = arith.constant 2 : i32
      %scan3A_110 = arith.addi %scan3A_82, %scan3A_109 : i32
      %broadcast_in_dim3A_111 = arith.constant 0.000000e+00 : f32
      %broadcast_in_dim3A_112 = vector.broadcast %broadcast_in_dim3A_111 : f32 to vector<16xf32>
      %mul3A_113 = arith.constant 16 : i32
      %mul3A_114 = arith.muli %scan3A_110, %mul3A_113 : i32
      %swap3A_115 = arith.index_cast %mul3A_114 : i32 to index
      %swap3A_116 = tpu.vector_load %arg7[%swap3A_115] {strides = array<i32>} : memref<10000xf32, #tpu.memory_space<vmem>>, vector<16xf32>,
      tpu.vector_store %arg7[%swap3A_115], %broadcast_in_dim3A_112 {strides = array<i32>} : memref<10000xf32, #tpu.memory_space<vmem>>, vector<16xf32>,
      %broadcast_in_dim3A_117 = arith.constant 0.000000e+00 : f32
      %broadcast_in_dim3A_118 = vector.broadcast %broadcast_in_dim3A_117 : f32 to vector<16xf32>
      %mul3A_119 = arith.constant 16 : i32
      %mul3A_120 = arith.muli %scan3A_110, %mul3A_119 : i32
      %swap3A_121 = arith.index_cast %mul3A_120 : i32 to index
      %swap3A_122 = tpu.vector_load %arg8[%swap3A_121] {strides = array<i32>} : memref<10000xf32, #tpu.memory_space<vmem>>, vector<16xf32>,
      tpu.vector_store %arg8[%swap3A_121], %broadcast_in_dim3A_118 {strides = array<i32>} : memref<10000xf32, #tpu.memory_space<vmem>>, vector<16xf32>,
      %scan3A_123 = arith.constant 3 : i32
      %scan3A_124 = arith.addi %scan3A_82, %scan3A_123 : i32
      %broadcast_in_dim3A_125 = arith.constant 0.000000e+00 : f32
      %broadcast_in_dim3A_126 = vector.broadcast %broadcast_in_dim3A_125 : f32 to vector<16xf32>
      %mul3A_127 = arith.constant 16 : i32
      %mul3A_128 = arith.muli %scan3A_124, %mul3A_127 : i32
      %swap3A_129 = arith.index_cast %mul3A_128 : i32 to index
      %swap3A_130 = tpu.vector_load %arg7[%swap3A_129] {strides = array<i32>} : memref<10000xf32, #tpu.memory_space<vmem>>, vector<16xf32>,
      tpu.vector_store %arg7[%swap3A_129], %broadcast_in_dim3A_126 {strides = array<i32>} : memref<10000xf32, #tpu.memory_space<vmem>>, vector<16xf32>,
      %broadcast_in_dim3A_131 = arith.constant 0.000000e+00 : f32
      %broadcast_in_dim3A_132 = vector.broadcast %broadcast_in_dim3A_131 : f32 to vector<16xf32>
      %mul3A_133 = arith.constant 16 : i32
      %mul3A_134 = arith.muli %scan3A_124, %mul3A_133 : i32
      %swap3A_135 = arith.index_cast %mul3A_134 : i32 to index
      %swap3A_136 = tpu.vector_load %arg8[%swap3A_135] {strides = array<i32>} : memref<10000xf32, #tpu.memory_space<vmem>>, vector<16xf32>,
      tpu.vector_store %arg8[%swap3A_135], %broadcast_in_dim3A_132 {strides = array<i32>} : memref<10000xf32, #tpu.memory_space<vmem>>, vector<16xf32>,
      %scan3A_137 = arith.constant 4 : i32
      %scan3A_138 = arith.addi %scan3A_82, %scan3A_137 : i32
      %broadcast_in_dim3A_139 = arith.constant 0.000000e+00 : f32
      %broadcast_in_dim3A_140 = vector.broadcast %broadcast_in_dim3A_139 : f32 to vector<16xf32>
      %mul3A_141 = arith.constant 16 : i32
      %mul3A_142 = arith.muli %scan3A_138, %mul3A_141 : i32
      %swap3A_143 = arith.index_cast %mul3A_142 : i32 to index
      %swap3A_144 = tpu.vector_load %arg7[%swap3A_143] {strides = array<i32>} : memref<10000xf32, #tpu.memory_space<vmem>>, vector<16xf32>,
      tpu.vector_store %arg7[%swap3A_143], %broadcast_in_dim3A_140 {strides = array<i32>} : memref<10000xf32, #tpu.memory_space<vmem>>, vector<16xf32>,
      %broadcast_in_dim3A_145 = arith.constant 0.000000e+00 : f32
      %broadcast_in_dim3A_146 = vector.broadcast %broadcast_in_dim3A_145 : f32 to vector<16xf32>
      %mul3A_147 = arith.constant 16 : i32
      %mul3A_148 = arith.muli %scan3A_138, %mul3A_147 : i32
      %swap3A_149 = arith.index_cast %mul3A_148 : i32 to index
      %swap3A_150 = tpu.vector_load %arg8[%swap3A_149] {strides = array<i32>} : memref<10000xf32, #tpu.memory_space<vmem>>, vector<16xf32>,
      tpu.vector_store %arg8[%swap3A_149], %broadcast_in_dim3A_146 {strides = array<i32>} : memref<10000xf32, #tpu.memory_space<vmem>>, vector<16xf32>,
      %scan3A_151 = arith.constant 5 : i32
      %scan3A_152 = arith.addi %scan3A_82, %scan3A_151 : i32
      %broadcast_in_dim3A_153 = arith.constant 0.000000e+00 : f32
      %broadcast_in_dim3A_154 = vector.broadcast %broadcast_in_dim3A_153 : f32 to vector<16xf32>
      %mul3A_155 = arith.constant 16 : i32
      %mul3A_156 = arith.muli %scan3A_152, %mul3A_155 : i32
      %swap3A_157 = arith.index_cast %mul3A_156 : i32 to index
      %swap3A_158 = tpu.vector_load %arg7[%swap3A_157] {strides = array<i32>} : memref<10000xf32, #tpu.memory_space<vmem>>, vector<16xf32>,
      tpu.vector_store %arg7[%swap3A_157], %broadcast_in_dim3A_154 {strides = array<i32>} : memref<10000xf32, #tpu.memory_space<vmem>>, vector<16xf32>,
      %broadcast_in_dim3A_159 = arith.constant 0.000000e+00 : f32
      %broadcast_in_dim3A_160 = vector.broadcast %broadcast_in_dim3A_159 : f32 to vector<16xf32>
      %mul3A_161 = arith.constant 16 : i32
      %mul3A_162 = arith.muli %scan3A_152, %mul3A_161 : i32
      %swap3A_163 = arith.index_cast %mul3A_162 : i32 to index
      %swap3A_164 = tpu.vector_load %arg8[%swap3A_163] {strides = array<i32>} : memref<10000xf32, #tpu.memory_space<vmem>>, vector<16xf32>,
      tpu.vector_store %arg8[%swap3A_163], %broadcast_in_dim3A_160 {strides = array<i32>} : memref<10000xf32, #tpu.memory_space<vmem>>, vector<16xf32>,
      %scan3A_165 = arith.constant 6 : i32
      %scan3A_166 = arith.addi %scan3A_82, %scan3A_165 : i32
      %broadcast_in_dim3A_167 = arith.constant 0.000000e+00 : f32
      %broadcast_in_dim3A_168 = vector.broadcast %broadcast_in_dim3A_167 : f32 to vector<16xf32>
      %mul3A_169 = arith.constant 16 : i32
      %mul3A_170 = arith.muli %scan3A_166, %mul3A_169 : i32
      %swap3A_171 = arith.index_cast %mul3A_170 : i32 to index
      %swap3A_172 = tpu.vector_load %arg7[%swap3A_171] {strides = array<i32>} : memref<10000xf32, #tpu.memory_space<vmem>>, vector<16xf32>,
      tpu.vector_store %arg7[%swap3A_171], %broadcast_in_dim3A_168 {strides = array<i32>} : memref<10000xf32, #tpu.memory_space<vmem>>, vector<16xf32>,
      %broadcast_in_dim3A_173 = arith.constant 0.000000e+00 : f32
      %broadcast_in_dim3A_174 = vector.broadcast %broadcast_in_dim3A_173 : f32 to vector<16xf32>
      %mul3A_175 = arith.constant 16 : i32
      %mul3A_176 = arith.muli %scan3A_166, %mul3A_175 : i32
      %swap3A_177 = arith.index_cast %mul3A_176 : i32 to index
      %swap3A_178 = tpu.vector_load %arg8[%swap3A_177] {strides = array<i32>} : memref<10000xf32, #tpu.memory_space<vmem>>, vector<16xf32>,
      tpu.vector_store %arg8[%swap3A_177], %broadcast_in_dim3A_174 {strides = array<i32>} : memref<10000xf32, #tpu.memory_space<vmem>>, vector<16xf32>,
      %scan3A_179 = arith.constant 7 : i32
      %scan3A_180 = arith.addi %scan3A_82, %scan3A_179 : i32
      %broadcast_in_dim3A_181 = arith.constant 0.000000e+00 : f32
      %broadcast_in_dim3A_182 = vector.broadcast %broadcast_in_dim3A_181 : f32 to vector<16xf32>
      %mul3A_183 = arith.constant 16 : i32
      %mul3A_184 = arith.muli %scan3A_180, %mul3A_183 : i32
      %swap3A_185 = arith.index_cast %mul3A_184 : i32 to index
      %swap3A_186 = tpu.vector_load %arg7[%swap3A_185] {strides = array<i32>} : memref<10000xf32, #tpu.memory_space<vmem>>, vector<16xf32>,
      tpu.vector_store %arg7[%swap3A_185], %broadcast_in_dim3A_182 {strides = array<i32>} : memref<10000xf32, #tpu.memory_space<vmem>>, vector<16xf32>,
      %broadcast_in_dim3A_187 = arith.constant 0.000000e+00 : f32
      %broadcast_in_dim3A_188 = vector.broadcast %broadcast_in_dim3A_187 : f32 to vector<16xf32>
      %mul3A_189 = arith.constant 16 : i32
      %mul3A_190 = arith.muli %scan3A_180, %mul3A_189 : i32
      %swap3A_191 = arith.index_cast %mul3A_190 : i32 to index
      %swap3A_192 = tpu.vector_load %arg8[%swap3A_191] {strides = array<i32>} : memref<10000xf32, #tpu.memory_space<vmem>>, vector<16xf32>,
      tpu.vector_store %arg8[%swap3A_191], %broadcast_in_dim3A_188 {strides = array<i32>} : memref<10000xf32, #tpu.memory_space<vmem>>, vector<16xf32>,
    }
    %scan3A_17 = arith.constant 624 : i32
    %scan3A_18 = arith.addi %scan3A_13, %scan3A_17 : i32
    %broadcast_in_dim3A = arith.constant 0.000000e+00 : f32
    %broadcast_in_dim3A_19 = vector.broadcast %broadcast_in_dim3A : f32 to vector<16xf32>
    %mul3A_20 = arith.constant 16 : i32
    %mul3A_21 = arith.muli %scan3A_18, %mul3A_20 : i32
    %swap3A = arith.index_cast %mul3A_21 : i32 to index
    %swap3A_22 = tpu.vector_load %arg7[%swap3A] {strides = array<i32>} : memref<10000xf32, #tpu.memory_space<vmem>>, vector<16xf32>,
    tpu.vector_store %arg7[%swap3A], %broadcast_in_dim3A_19 {strides = array<i32>} : memref<10000xf32, #tpu.memory_space<vmem>>, vector<16xf32>,
    %broadcast_in_dim3A_23 = arith.constant 0.000000e+00 : f32
    %broadcast_in_dim3A_24 = vector.broadcast %broadcast_in_dim3A_23 : f32 to vector<16xf32>
    %mul3A_25 = arith.constant 16 : i32
    %mul3A_26 = arith.muli %scan3A_18, %mul3A_25 : i32
    %swap3A_27 = arith.index_cast %mul3A_26 : i32 to index
    %swap3A_28 = tpu.vector_load %arg8[%swap3A_27] {strides = array<i32>} : memref<10000xf32, #tpu.memory_space<vmem>>, vector<16xf32>,
    tpu.vector_store %arg8[%swap3A_27], %broadcast_in_dim3A_24 {strides = array<i32>} : memref<10000xf32, #tpu.memory_space<vmem>>, vector<16xf32>,
    %scan3A_29 = arith.constant 625 : i32
    %dma_wait3A = tpu.memref_slice %arg2[%mul3A_4] : memref<320000xf32, #tpu.memory_space<hbm>> -> memref<10000xf32, #tpu.memory_space<hbm>>
    %dma_wait3A_30 = tpu.memref_slice %arg2[%mul3A_4] : memref<320000xf32, #tpu.memory_space<hbm>> -> memref<10000xf32, #tpu.memory_space<hbm>>
    tpu.wait_dma2 semaphore(%arg13 : memref<!tpu.dma_semaphore, #tpu.memory_space<semaphore_mem>>) src(%dma_wait3A_30 : memref<10000xf32, #tpu.memory_space<hbm>>) dst(%arg5 : memref<10000xf32, #tpu.memory_space<vmem>>)
    %dma_wait3A_31 = tpu.memref_slice %arg2[%mul3A_8] : memref<320000xf32, #tpu.memory_space<hbm>> -> memref<10000xf32, #tpu.memory_space<hbm>>
    %dma_wait3A_32 = tpu.memref_slice %arg2[%mul3A_8] : memref<320000xf32, #tpu.memory_space<hbm>> -> memref<10000xf32, #tpu.memory_space<hbm>>
    tpu.wait_dma2 semaphore(%arg13 : memref<!tpu.dma_semaphore, #tpu.memory_space<semaphore_mem>>) src(%dma_wait3A_32 : memref<10000xf32, #tpu.memory_space<hbm>>) dst(%arg6 : memref<10000xf32, #tpu.memory_space<vmem>>)
    %add3A_33 = arith.constant 32000 : i32
    %add3A_34 = arith.addi %mul3A_2, %add3A_33 : i32
    %dma_start3A_35 = tpu.memref_slice %arg3[%add3A_34] : memref<320000xi32, #tpu.memory_space<hbm>> -> memref<32000xi32, #tpu.memory_space<hbm>>
    %dma_start3A_36 = tpu.memref_slice %arg3[%add3A_34] : memref<320000xi32, #tpu.memory_space<hbm>> -> memref<32000xi32, #tpu.memory_space<hbm>>
    tpu.enqueue_dma source(%dma_start3A_36 : memref<32000xi32, #tpu.memory_space<hbm>>) target(%arg10 : memref<32000xi32, #tpu.memory_space<vmem>>) target_semaphore(%arg12 : memref<!tpu.dma_semaphore, #tpu.memory_space<semaphore_mem>>)
    %dma_wait3A_37 = tpu.memref_slice %arg3[%mul3A_2] : memref<320000xi32, #tpu.memory_space<hbm>> -> memref<32000xi32, #tpu.memory_space<hbm>>
    %dma_wait3A_38 = tpu.memref_slice %arg3[%mul3A_2] : memref<320000xi32, #tpu.memory_space<hbm>> -> memref<32000xi32, #tpu.memory_space<hbm>>
    tpu.wait_dma2 semaphore(%arg11 : memref<!tpu.dma_semaphore, #tpu.memory_space<semaphore_mem>>) src(%dma_wait3A_38 : memref<32000xi32, #tpu.memory_space<hbm>>) dst(%arg9 : memref<32000xi32, #tpu.memory_space<vmem>>)
    %parallel_loop3A = arith.constant 0 : i32
    %parallel_loop3A_39 = arith.constant 32000 : i32
    %parallel_loop3A_40 = arith.constant 16 : i32
    scf.for %parallel_loop3A_82 = %parallel_loop3A to %parallel_loop3A_39 step %parallel_loop3A_40  : i32 {
      %parallel_loop3A_83 = arith.index_cast %parallel_loop3A_82 : i32 to index
      %parallel_loop3A_84 = tpu.vector_load %arg9[%parallel_loop3A_83] {strides = array<i32>} : memref<32000xi32, #tpu.memory_space<vmem>>, vector<16xi32>,
      %parallel_loop3A_85 = arith.constant 14 : i32
      %parallel_loop3A_86 = vector.broadcast %parallel_loop3A_85 : i32 to vector<16xi32>
      %parallel_loop3A_87 = arith.shrui %parallel_loop3A_84, %parallel_loop3A_86 : vector<16xi32>
      %parallel_loop3A_88 = arith.constant 16383 : i32
      %parallel_loop3A_89 = vector.broadcast %parallel_loop3A_88 : i32 to vector<16xi32>
      %parallel_loop3A_90 = arith.andi %parallel_loop3A_84, %parallel_loop3A_89 : vector<16xi32>
      %parallel_loop3A_91 = tpu.vector_load_idx %arg5[%parallel_loop3A_87] : memref<10000xf32, #tpu.memory_space<vmem>>[vector<16xi32>], vector<16xf32>,
      tpu.vector_store_idx %arg7[%parallel_loop3A_90], %parallel_loop3A_91 {add = true} : memref<10000xf32, #tpu.memory_space<vmem>>[vector<16xi32>], vector<16xf32>,
      %parallel_loop3A_92 = tpu.vector_load_idx %arg6[%parallel_loop3A_87] : memref<10000xf32, #tpu.memory_space<vmem>>[vector<16xi32>], vector<16xf32>,
      tpu.vector_store_idx %arg8[%parallel_loop3A_90], %parallel_loop3A_92 {add = true} : memref<10000xf32, #tpu.memory_space<vmem>>[vector<16xi32>], vector<16xf32>,
    } {sc.loop_unroll_factor = 16 : i64, sc.parallel_access}
    %add3A_41 = arith.constant 64000 : i32
    %add3A_42 = arith.addi %mul3A_2, %add3A_41 : i32
    %dma_start3A_43 = tpu.memref_slice %arg3[%add3A_42] : memref<320000xi32, #tpu.memory_space<hbm>> -> memref<32000xi32, #tpu.memory_space<hbm>>
    %dma_start3A_44 = tpu.memref_slice %arg3[%add3A_42] : memref<320000xi32, #tpu.memory_space<hbm>> -> memref<32000xi32, #tpu.memory_space<hbm>>
    tpu.enqueue_dma source(%dma_start3A_44 : memref<32000xi32, #tpu.memory_space<hbm>>) target(%arg9 : memref<32000xi32, #tpu.memory_space<vmem>>) target_semaphore(%arg11 : memref<!tpu.dma_semaphore, #tpu.memory_space<semaphore_mem>>)
    %dma_wait3A_45 = tpu.memref_slice %arg3[%add3A_34] : memref<320000xi32, #tpu.memory_space<hbm>> -> memref<32000xi32, #tpu.memory_space<hbm>>
    %dma_wait3A_46 = tpu.memref_slice %arg3[%add3A_34] : memref<320000xi32, #tpu.memory_space<hbm>> -> memref<32000xi32, #tpu.memory_space<hbm>>
    tpu.wait_dma2 semaphore(%arg12 : memref<!tpu.dma_semaphore, #tpu.memory_space<semaphore_mem>>) src(%dma_wait3A_46 : memref<32000xi32, #tpu.memory_space<hbm>>) dst(%arg10 : memref<32000xi32, #tpu.memory_space<vmem>>)
    %parallel_loop3A_47 = arith.constant 0 : i32
    %parallel_loop3A_48 = arith.constant 32000 : i32
    %parallel_loop3A_49 = arith.constant 16 : i32
    scf.for %parallel_loop3A_82 = %parallel_loop3A_47 to %parallel_loop3A_48 step %parallel_loop3A_49  : i32 {
      %parallel_loop3A_83 = arith.index_cast %parallel_loop3A_82 : i32 to index
      %parallel_loop3A_84 = tpu.vector_load %arg10[%parallel_loop3A_83] {strides = array<i32>} : memref<32000xi32, #tpu.memory_space<vmem>>, vector<16xi32>,
      %parallel_loop3A_85 = arith.constant 14 : i32
      %parallel_loop3A_86 = vector.broadcast %parallel_loop3A_85 : i32 to vector<16xi32>
      %parallel_loop3A_87 = arith.shrui %parallel_loop3A_84, %parallel_loop3A_86 : vector<16xi32>
      %parallel_loop3A_88 = arith.constant 16383 : i32
      %parallel_loop3A_89 = vector.broadcast %parallel_loop3A_88 : i32 to vector<16xi32>
      %parallel_loop3A_90 = arith.andi %parallel_loop3A_84, %parallel_loop3A_89 : vector<16xi32>
      %parallel_loop3A_91 = tpu.vector_load_idx %arg5[%parallel_loop3A_87] : memref<10000xf32, #tpu.memory_space<vmem>>[vector<16xi32>], vector<16xf32>,
      tpu.vector_store_idx %arg7[%parallel_loop3A_90], %parallel_loop3A_91 {add = true} : memref<10000xf32, #tpu.memory_space<vmem>>[vector<16xi32>], vector<16xf32>,
      %parallel_loop3A_92 = tpu.vector_load_idx %arg6[%parallel_loop3A_87] : memref<10000xf32, #tpu.memory_space<vmem>>[vector<16xi32>], vector<16xf32>,
      tpu.vector_store_idx %arg8[%parallel_loop3A_90], %parallel_loop3A_92 {add = true} : memref<10000xf32, #tpu.memory_space<vmem>>[vector<16xi32>], vector<16xf32>,
    } {sc.loop_unroll_factor = 16 : i64, sc.parallel_access}
    %add3A_50 = arith.constant 96000 : i32
    %add3A_51 = arith.addi %mul3A_2, %add3A_50 : i32
    %dma_start3A_52 = tpu.memref_slice %arg3[%add3A_51] : memref<320000xi32, #tpu.memory_space<hbm>> -> memref<32000xi32, #tpu.memory_space<hbm>>
    %dma_start3A_53 = tpu.memref_slice %arg3[%add3A_51] : memref<320000xi32, #tpu.memory_space<hbm>> -> memref<32000xi32, #tpu.memory_space<hbm>>
    tpu.enqueue_dma source(%dma_start3A_53 : memref<32000xi32, #tpu.memory_space<hbm>>) target(%arg10 : memref<32000xi32, #tpu.memory_space<vmem>>) target_semaphore(%arg12 : memref<!tpu.dma_semaphore, #tpu.memory_space<semaphore_mem>>)
    %dma_wait3A_54 = tpu.memref_slice %arg3[%add3A_42] : memref<320000xi32, #tpu.memory_space<hbm>> -> memref<32000xi32, #tpu.memory_space<hbm>>
    %dma_wait3A_55 = tpu.memref_slice %arg3[%add3A_42] : memref<320000xi32, #tpu.memory_space<hbm>> -> memref<32000xi32, #tpu.memory_space<hbm>>
    tpu.wait_dma2 semaphore(%arg11 : memref<!tpu.dma_semaphore, #tpu.memory_space<semaphore_mem>>) src(%dma_wait3A_55 : memref<32000xi32, #tpu.memory_space<hbm>>) dst(%arg9 : memref<32000xi32, #tpu.memory_space<vmem>>)
    %parallel_loop3A_56 = arith.constant 0 : i32
    %parallel_loop3A_57 = arith.constant 32000 : i32
    %parallel_loop3A_58 = arith.constant 16 : i32
    scf.for %parallel_loop3A_82 = %parallel_loop3A_56 to %parallel_loop3A_57 step %parallel_loop3A_58  : i32 {
      %parallel_loop3A_83 = arith.index_cast %parallel_loop3A_82 : i32 to index
      %parallel_loop3A_84 = tpu.vector_load %arg9[%parallel_loop3A_83] {strides = array<i32>} : memref<32000xi32, #tpu.memory_space<vmem>>, vector<16xi32>,
      %parallel_loop3A_85 = arith.constant 14 : i32
      %parallel_loop3A_86 = vector.broadcast %parallel_loop3A_85 : i32 to vector<16xi32>
      %parallel_loop3A_87 = arith.shrui %parallel_loop3A_84, %parallel_loop3A_86 : vector<16xi32>
      %parallel_loop3A_88 = arith.constant 16383 : i32
      %parallel_loop3A_89 = vector.broadcast %parallel_loop3A_88 : i32 to vector<16xi32>
      %parallel_loop3A_90 = arith.andi %parallel_loop3A_84, %parallel_loop3A_89 : vector<16xi32>
      %parallel_loop3A_91 = tpu.vector_load_idx %arg5[%parallel_loop3A_87] : memref<10000xf32, #tpu.memory_space<vmem>>[vector<16xi32>], vector<16xf32>,
      tpu.vector_store_idx %arg7[%parallel_loop3A_90], %parallel_loop3A_91 {add = true} : memref<10000xf32, #tpu.memory_space<vmem>>[vector<16xi32>], vector<16xf32>,
      %parallel_loop3A_92 = tpu.vector_load_idx %arg6[%parallel_loop3A_87] : memref<10000xf32, #tpu.memory_space<vmem>>[vector<16xi32>], vector<16xf32>,
      tpu.vector_store_idx %arg8[%parallel_loop3A_90], %parallel_loop3A_92 {add = true} : memref<10000xf32, #tpu.memory_space<vmem>>[vector<16xi32>], vector<16xf32>,
    } {sc.loop_unroll_factor = 16 : i64, sc.parallel_access}
    %add3A_59 = arith.constant 128000 : i32
    %add3A_60 = arith.addi %mul3A_2, %add3A_59 : i32
    %dma_start3A_61 = tpu.memref_slice %arg3[%add3A_60] : memref<320000xi32, #tpu.memory_space<hbm>> -> memref<32000xi32, #tpu.memory_space<hbm>>
    %dma_start3A_62 = tpu.memref_slice %arg3[%add3A_60] : memref<320000xi32, #tpu.memory_space<hbm>> -> memref<32000xi32, #tpu.memory_space<hbm>>
    tpu.enqueue_dma source(%dma_start3A_62 : memref<32000xi32, #tpu.memory_space<hbm>>) target(%arg9 : memref<32000xi32, #tpu.memory_space<vmem>>) target_semaphore(%arg11 : memref<!tpu.dma_semaphore, #tpu.memory_space<semaphore_mem>>)
    %dma_wait3A_63 = tpu.memref_slice %arg3[%add3A_51] : memref<320000xi32, #tpu.memory_space<hbm>> -> memref<32000xi32, #tpu.memory_space<hbm>>
    %dma_wait3A_64 = tpu.memref_slice %arg3[%add3A_51] : memref<320000xi32, #tpu.memory_space<hbm>> -> memref<32000xi32, #tpu.memory_space<hbm>>
    tpu.wait_dma2 semaphore(%arg12 : memref<!tpu.dma_semaphore, #tpu.memory_space<semaphore_mem>>) src(%dma_wait3A_64 : memref<32000xi32, #tpu.memory_space<hbm>>) dst(%arg10 : memref<32000xi32, #tpu.memory_space<vmem>>)
    %parallel_loop3A_65 = arith.constant 0 : i32
    %parallel_loop3A_66 = arith.constant 32000 : i32
    %parallel_loop3A_67 = arith.constant 16 : i32
    scf.for %parallel_loop3A_82 = %parallel_loop3A_65 to %parallel_loop3A_66 step %parallel_loop3A_67  : i32 {
      %parallel_loop3A_83 = arith.index_cast %parallel_loop3A_82 : i32 to index
      %parallel_loop3A_84 = tpu.vector_load %arg10[%parallel_loop3A_83] {strides = array<i32>} : memref<32000xi32, #tpu.memory_space<vmem>>, vector<16xi32>,
      %parallel_loop3A_85 = arith.constant 14 : i32
      %parallel_loop3A_86 = vector.broadcast %parallel_loop3A_85 : i32 to vector<16xi32>
      %parallel_loop3A_87 = arith.shrui %parallel_loop3A_84, %parallel_loop3A_86 : vector<16xi32>
      %parallel_loop3A_88 = arith.constant 16383 : i32
      %parallel_loop3A_89 = vector.broadcast %parallel_loop3A_88 : i32 to vector<16xi32>
      %parallel_loop3A_90 = arith.andi %parallel_loop3A_84, %parallel_loop3A_89 : vector<16xi32>
      %parallel_loop3A_91 = tpu.vector_load_idx %arg5[%parallel_loop3A_87] : memref<10000xf32, #tpu.memory_space<vmem>>[vector<16xi32>], vector<16xf32>,
      tpu.vector_store_idx %arg7[%parallel_loop3A_90], %parallel_loop3A_91 {add = true} : memref<10000xf32, #tpu.memory_space<vmem>>[vector<16xi32>], vector<16xf32>,
      %parallel_loop3A_92 = tpu.vector_load_idx %arg6[%parallel_loop3A_87] : memref<10000xf32, #tpu.memory_space<vmem>>[vector<16xi32>], vector<16xf32>,
      tpu.vector_store_idx %arg8[%parallel_loop3A_90], %parallel_loop3A_92 {add = true} : memref<10000xf32, #tpu.memory_space<vmem>>[vector<16xi32>], vector<16xf32>,
    } {sc.loop_unroll_factor = 16 : i64, sc.parallel_access}
    %dma_wait3A_68 = tpu.memref_slice %arg3[%add3A_60] : memref<320000xi32, #tpu.memory_space<hbm>> -> memref<32000xi32, #tpu.memory_space<hbm>>
    %dma_wait3A_69 = tpu.memref_slice %arg3[%add3A_60] : memref<320000xi32, #tpu.memory_space<hbm>> -> memref<32000xi32, #tpu.memory_space<hbm>>
    tpu.wait_dma2 semaphore(%arg11 : memref<!tpu.dma_semaphore, #tpu.memory_space<semaphore_mem>>) src(%dma_wait3A_69 : memref<32000xi32, #tpu.memory_space<hbm>>) dst(%arg9 : memref<32000xi32, #tpu.memory_space<vmem>>)
    %parallel_loop3A_70 = arith.constant 0 : i32
    %parallel_loop3A_71 = arith.constant 32000 : i32
    %parallel_loop3A_72 = arith.constant 16 : i32
    scf.for %parallel_loop3A_82 = %parallel_loop3A_70 to %parallel_loop3A_71 step %parallel_loop3A_72  : i32 {
      %parallel_loop3A_83 = arith.index_cast %parallel_loop3A_82 : i32 to index
      %parallel_loop3A_84 = tpu.vector_load %arg9[%parallel_loop3A_83] {strides = array<i32>} : memref<32000xi32, #tpu.memory_space<vmem>>, vector<16xi32>,
      %parallel_loop3A_85 = arith.constant 14 : i32
      %parallel_loop3A_86 = vector.broadcast %parallel_loop3A_85 : i32 to vector<16xi32>
      %parallel_loop3A_87 = arith.shrui %parallel_loop3A_84, %parallel_loop3A_86 : vector<16xi32>
      %parallel_loop3A_88 = arith.constant 16383 : i32
      %parallel_loop3A_89 = vector.broadcast %parallel_loop3A_88 : i32 to vector<16xi32>
      %parallel_loop3A_90 = arith.andi %parallel_loop3A_84, %parallel_loop3A_89 : vector<16xi32>
      %parallel_loop3A_91 = tpu.vector_load_idx %arg5[%parallel_loop3A_87] : memref<10000xf32, #tpu.memory_space<vmem>>[vector<16xi32>], vector<16xf32>,
      tpu.vector_store_idx %arg7[%parallel_loop3A_90], %parallel_loop3A_91 {add = true} : memref<10000xf32, #tpu.memory_space<vmem>>[vector<16xi32>], vector<16xf32>,
      %parallel_loop3A_92 = tpu.vector_load_idx %arg6[%parallel_loop3A_87] : memref<10000xf32, #tpu.memory_space<vmem>>[vector<16xi32>], vector<16xf32>,
      tpu.vector_store_idx %arg8[%parallel_loop3A_90], %parallel_loop3A_92 {add = true} : memref<10000xf32, #tpu.memory_space<vmem>>[vector<16xi32>], vector<16xf32>,
    } {sc.loop_unroll_factor = 16 : i64, sc.parallel_access}
    %mul3A_73 = arith.constant 32 : i32
    %mul3A_74 = arith.muli %arg0, %mul3A_73 : i32
    %mul3A_75 = arith.constant 10000 : i32
    %mul3A_76 = arith.muli %mul3A_74, %mul3A_75 : i32
    %mul3A_77 = arith.constant 10000 : i32
    %mul3A_78 = arith.muli %mul3A_0, %mul3A_77 : i32
    %add3A_79 = arith.addi %mul3A_76, %mul3A_78 : i32
    "tpu.region"() ({
      %run_scoped3A = tpu.sem_alloc : memref<!tpu.dma_semaphore, #tpu.memory_space<semaphore_mem>>
      %dma_start3A_82 = tpu.memref_slice %arg4[%add3A_79] : memref<640000xf32, #tpu.memory_space<hbm>> -> memref<10000xf32, #tpu.memory_space<hbm>>
      %dma_start3A_83 = tpu.memref_slice %arg4[%add3A_79] : memref<640000xf32, #tpu.memory_space<hbm>> -> memref<10000xf32, #tpu.memory_space<hbm>>
      tpu.enqueue_dma source(%arg7 : memref<10000xf32, #tpu.memory_space<vmem>>) target(%dma_start3A_83 : memref<10000xf32, #tpu.memory_space<hbm>>) target_semaphore(%run_scoped3A : memref<!tpu.dma_semaphore, #tpu.memory_space<semaphore_mem>>)
      %dma_wait3A_84 = tpu.memref_slice %arg4[%add3A_79] : memref<640000xf32, #tpu.memory_space<hbm>> -> memref<10000xf32, #tpu.memory_space<hbm>>
      %dma_wait3A_85 = tpu.memref_slice %arg4[%add3A_79] : memref<640000xf32, #tpu.memory_space<hbm>> -> memref<10000xf32, #tpu.memory_space<hbm>>
      tpu.wait_dma2 semaphore(%run_scoped3A : memref<!tpu.dma_semaphore, #tpu.memory_space<semaphore_mem>>) src(%arg7 : memref<10000xf32, #tpu.memory_space<vmem>>) dst(%dma_wait3A_85 : memref<10000xf32, #tpu.memory_space<hbm>>)
      tpu.yield
    }) : () -> ()
    %add3A_80 = arith.constant 10000 : i32
    %add3A_81 = arith.addi %add3A_79, %add3A_80 : i32
    "tpu.region"() ({
      %run_scoped3A = tpu.sem_alloc : memref<!tpu.dma_semaphore, #tpu.memory_space<semaphore_mem>>
      %dma_start3A_82 = tpu.memref_slice %arg4[%add3A_81] : memref<640000xf32, #tpu.memory_space<hbm>> -> memref<10000xf32, #tpu.memory_space<hbm>>
      %dma_start3A_83 = tpu.memref_slice %arg4[%add3A_81] : memref<640000xf32, #tpu.memory_space<hbm>> -> memref<10000xf32, #tpu.memory_space<hbm>>
      tpu.enqueue_dma source(%arg8 : memref<10000xf32, #tpu.memory_space<vmem>>) target(%dma_start3A_83 : memref<10000xf32, #tpu.memory_space<hbm>>) target_semaphore(%run_scoped3A : memref<!tpu.dma_semaphore, #tpu.memory_space<semaphore_mem>>)
      %dma_wait3A_84 = tpu.memref_slice %arg4[%add3A_81] : memref<640000xf32, #tpu.memory_space<hbm>> -> memref<10000xf32, #tpu.memory_space<hbm>>
      %dma_wait3A_85 = tpu.memref_slice %arg4[%add3A_81] : memref<640000xf32, #tpu.memory_space<hbm>> -> memref<10000xf32, #tpu.memory_space<hbm>>
      tpu.wait_dma2 semaphore(%run_scoped3A : memref<!tpu.dma_semaphore, #tpu.memory_space<semaphore_mem>>) src(%arg8 : memref<10000xf32, #tpu.memory_space<vmem>>) dst(%dma_wait3A_85 : memref<10000xf32, #tpu.memory_space<hbm>>)
      tpu.yield
    }) : () -> ()
    return
  }
}

#map = affine_map<(d0, d1) -> (0)>
module attributes {stable_mosaic.version = 14 : i64} {
  func.func @body(%arg0: i32, %arg1: i32, %arg2: memref<640000xi32, #tpu.memory_space<hbm>>, %arg3: memref<320000xf32, #tpu.memory_space<hbm>>, %arg4: memref<320000xi32, #tpu.memory_space<hbm>>, %arg5: memref<10000xi32, #tpu.memory_space<vmem>>, %arg6: memref<10000xi32, #tpu.memory_space<vmem>>, %arg7: memref<10000xi32, #tpu.memory_space<vmem>>, %arg8: memref<10000xf32, #tpu.memory_space<vmem>>) attributes {dimension_semantics = [#tpu.dimension_semantics<core_parallel>, #tpu.dimension_semantics<subcore_parallel>], iteration_bounds = array<i64: 2, 16>, scalar_prefetch = 0 : i64, scratch_operands = 4 : i64, tpu.core_type = #tpu.core_type<sc_vector_subcore>, window_params = [{transform_indices = #map}, {transform_indices = #map}, {transform_indices = #map}]} {
    %mul3A = arith.constant 2 : i32
    %mul3A_0 = arith.muli %arg1, %mul3A : i32
    %add3A = arith.addi %mul3A_0, %arg0 : i32
    %mul3A_1 = arith.constant 10000 : i32
    %mul3A_2 = arith.muli %add3A, %mul3A_1 : i32
    "tpu.region"() ({
      %run_scoped3A = tpu.sem_alloc : memref<!tpu.dma_semaphore, #tpu.memory_space<semaphore_mem>>
      %dma_start3A = tpu.memref_slice %arg2[%mul3A_2] : memref<640000xi32, #tpu.memory_space<hbm>> -> memref<10000xi32, #tpu.memory_space<hbm>>
      %dma_start3A_22 = tpu.memref_slice %arg2[%mul3A_2] : memref<640000xi32, #tpu.memory_space<hbm>> -> memref<10000xi32, #tpu.memory_space<hbm>>
      tpu.enqueue_dma source(%dma_start3A_22 : memref<10000xi32, #tpu.memory_space<hbm>>) target(%arg5 : memref<10000xi32, #tpu.memory_space<vmem>>) target_semaphore(%run_scoped3A : memref<!tpu.dma_semaphore, #tpu.memory_space<semaphore_mem>>)
      %dma_wait3A = tpu.memref_slice %arg2[%mul3A_2] : memref<640000xi32, #tpu.memory_space<hbm>> -> memref<10000xi32, #tpu.memory_space<hbm>>
      %dma_wait3A_23 = tpu.memref_slice %arg2[%mul3A_2] : memref<640000xi32, #tpu.memory_space<hbm>> -> memref<10000xi32, #tpu.memory_space<hbm>>
      tpu.wait_dma2 semaphore(%run_scoped3A : memref<!tpu.dma_semaphore, #tpu.memory_space<semaphore_mem>>) src(%dma_wait3A_23 : memref<10000xi32, #tpu.memory_space<hbm>>) dst(%arg5 : memref<10000xi32, #tpu.memory_space<vmem>>)
      tpu.yield
    }) : () -> ()
    %add3A_3 = arith.constant 320000 : i32
    %add3A_4 = arith.addi %add3A_3, %mul3A_2 : i32
    "tpu.region"() ({
      %run_scoped3A = tpu.sem_alloc : memref<!tpu.dma_semaphore, #tpu.memory_space<semaphore_mem>>
      %dma_start3A = tpu.memref_slice %arg2[%add3A_4] : memref<640000xi32, #tpu.memory_space<hbm>> -> memref<10000xi32, #tpu.memory_space<hbm>>
      %dma_start3A_22 = tpu.memref_slice %arg2[%add3A_4] : memref<640000xi32, #tpu.memory_space<hbm>> -> memref<10000xi32, #tpu.memory_space<hbm>>
      tpu.enqueue_dma source(%dma_start3A_22 : memref<10000xi32, #tpu.memory_space<hbm>>) target(%arg6 : memref<10000xi32, #tpu.memory_space<vmem>>) target_semaphore(%run_scoped3A : memref<!tpu.dma_semaphore, #tpu.memory_space<semaphore_mem>>)
      %dma_wait3A = tpu.memref_slice %arg2[%add3A_4] : memref<640000xi32, #tpu.memory_space<hbm>> -> memref<10000xi32, #tpu.memory_space<hbm>>
      %dma_wait3A_23 = tpu.memref_slice %arg2[%add3A_4] : memref<640000xi32, #tpu.memory_space<hbm>> -> memref<10000xi32, #tpu.memory_space<hbm>>
      tpu.wait_dma2 semaphore(%run_scoped3A : memref<!tpu.dma_semaphore, #tpu.memory_space<semaphore_mem>>) src(%dma_wait3A_23 : memref<10000xi32, #tpu.memory_space<hbm>>) dst(%arg6 : memref<10000xi32, #tpu.memory_space<vmem>>)
      tpu.yield
    }) : () -> ()
    %scan3A = arith.constant 0 : i32
    %scan3A_5 = arith.constant 0 : i32
    %scan3A_6 = arith.constant 624 : i32
    %scan3A_7 = arith.addi %scan3A_5, %scan3A_6 : i32
    %scan3A_8 = arith.constant 8 : i32
    scf.for %scan3A_22 = %scan3A_5 to %scan3A_7 step %scan3A_8  : i32 {
      %broadcast_in_dim3A_23 = arith.constant 0.000000e+00 : f32
      %broadcast_in_dim3A_24 = vector.broadcast %broadcast_in_dim3A_23 : f32 to vector<16xf32>
      %mul3A_25 = arith.constant 16 : i32
      %mul3A_26 = arith.muli %scan3A_22, %mul3A_25 : i32
      %swap3A_27 = arith.index_cast %mul3A_26 : i32 to index
      %swap3A_28 = tpu.vector_load %arg8[%swap3A_27] {strides = array<i32>} : memref<10000xf32, #tpu.memory_space<vmem>>, vector<16xf32>,
      tpu.vector_store %arg8[%swap3A_27], %broadcast_in_dim3A_24 {strides = array<i32>} : memref<10000xf32, #tpu.memory_space<vmem>>, vector<16xf32>,
      %scan3A_29 = arith.constant 1 : i32
      %scan3A_30 = arith.addi %scan3A_22, %scan3A_29 : i32
      %broadcast_in_dim3A_31 = arith.constant 0.000000e+00 : f32
      %broadcast_in_dim3A_32 = vector.broadcast %broadcast_in_dim3A_31 : f32 to vector<16xf32>
      %mul3A_33 = arith.constant 16 : i32
      %mul3A_34 = arith.muli %scan3A_30, %mul3A_33 : i32
      %swap3A_35 = arith.index_cast %mul3A_34 : i32 to index
      %swap3A_36 = tpu.vector_load %arg8[%swap3A_35] {strides = array<i32>} : memref<10000xf32, #tpu.memory_space<vmem>>, vector<16xf32>,
      tpu.vector_store %arg8[%swap3A_35], %broadcast_in_dim3A_32 {strides = array<i32>} : memref<10000xf32, #tpu.memory_space<vmem>>, vector<16xf32>,
      %scan3A_37 = arith.constant 2 : i32
      %scan3A_38 = arith.addi %scan3A_22, %scan3A_37 : i32
      %broadcast_in_dim3A_39 = arith.constant 0.000000e+00 : f32
      %broadcast_in_dim3A_40 = vector.broadcast %broadcast_in_dim3A_39 : f32 to vector<16xf32>
      %mul3A_41 = arith.constant 16 : i32
      %mul3A_42 = arith.muli %scan3A_38, %mul3A_41 : i32
      %swap3A_43 = arith.index_cast %mul3A_42 : i32 to index
      %swap3A_44 = tpu.vector_load %arg8[%swap3A_43] {strides = array<i32>} : memref<10000xf32, #tpu.memory_space<vmem>>, vector<16xf32>,
      tpu.vector_store %arg8[%swap3A_43], %broadcast_in_dim3A_40 {strides = array<i32>} : memref<10000xf32, #tpu.memory_space<vmem>>, vector<16xf32>,
      %scan3A_45 = arith.constant 3 : i32
      %scan3A_46 = arith.addi %scan3A_22, %scan3A_45 : i32
      %broadcast_in_dim3A_47 = arith.constant 0.000000e+00 : f32
      %broadcast_in_dim3A_48 = vector.broadcast %broadcast_in_dim3A_47 : f32 to vector<16xf32>
      %mul3A_49 = arith.constant 16 : i32
      %mul3A_50 = arith.muli %scan3A_46, %mul3A_49 : i32
      %swap3A_51 = arith.index_cast %mul3A_50 : i32 to index
      %swap3A_52 = tpu.vector_load %arg8[%swap3A_51] {strides = array<i32>} : memref<10000xf32, #tpu.memory_space<vmem>>, vector<16xf32>,
      tpu.vector_store %arg8[%swap3A_51], %broadcast_in_dim3A_48 {strides = array<i32>} : memref<10000xf32, #tpu.memory_space<vmem>>, vector<16xf32>,
      %scan3A_53 = arith.constant 4 : i32
      %scan3A_54 = arith.addi %scan3A_22, %scan3A_53 : i32
      %broadcast_in_dim3A_55 = arith.constant 0.000000e+00 : f32
      %broadcast_in_dim3A_56 = vector.broadcast %broadcast_in_dim3A_55 : f32 to vector<16xf32>
      %mul3A_57 = arith.constant 16 : i32
      %mul3A_58 = arith.muli %scan3A_54, %mul3A_57 : i32
      %swap3A_59 = arith.index_cast %mul3A_58 : i32 to index
      %swap3A_60 = tpu.vector_load %arg8[%swap3A_59] {strides = array<i32>} : memref<10000xf32, #tpu.memory_space<vmem>>, vector<16xf32>,
      tpu.vector_store %arg8[%swap3A_59], %broadcast_in_dim3A_56 {strides = array<i32>} : memref<10000xf32, #tpu.memory_space<vmem>>, vector<16xf32>,
      %scan3A_61 = arith.constant 5 : i32
      %scan3A_62 = arith.addi %scan3A_22, %scan3A_61 : i32
      %broadcast_in_dim3A_63 = arith.constant 0.000000e+00 : f32
      %broadcast_in_dim3A_64 = vector.broadcast %broadcast_in_dim3A_63 : f32 to vector<16xf32>
      %mul3A_65 = arith.constant 16 : i32
      %mul3A_66 = arith.muli %scan3A_62, %mul3A_65 : i32
      %swap3A_67 = arith.index_cast %mul3A_66 : i32 to index
      %swap3A_68 = tpu.vector_load %arg8[%swap3A_67] {strides = array<i32>} : memref<10000xf32, #tpu.memory_space<vmem>>, vector<16xf32>,
      tpu.vector_store %arg8[%swap3A_67], %broadcast_in_dim3A_64 {strides = array<i32>} : memref<10000xf32, #tpu.memory_space<vmem>>, vector<16xf32>,
      %scan3A_69 = arith.constant 6 : i32
      %scan3A_70 = arith.addi %scan3A_22, %scan3A_69 : i32
      %broadcast_in_dim3A_71 = arith.constant 0.000000e+00 : f32
      %broadcast_in_dim3A_72 = vector.broadcast %broadcast_in_dim3A_71 : f32 to vector<16xf32>
      %mul3A_73 = arith.constant 16 : i32
      %mul3A_74 = arith.muli %scan3A_70, %mul3A_73 : i32
      %swap3A_75 = arith.index_cast %mul3A_74 : i32 to index
      %swap3A_76 = tpu.vector_load %arg8[%swap3A_75] {strides = array<i32>} : memref<10000xf32, #tpu.memory_space<vmem>>, vector<16xf32>,
      tpu.vector_store %arg8[%swap3A_75], %broadcast_in_dim3A_72 {strides = array<i32>} : memref<10000xf32, #tpu.memory_space<vmem>>, vector<16xf32>,
      %scan3A_77 = arith.constant 7 : i32
      %scan3A_78 = arith.addi %scan3A_22, %scan3A_77 : i32
      %broadcast_in_dim3A_79 = arith.constant 0.000000e+00 : f32
      %broadcast_in_dim3A_80 = vector.broadcast %broadcast_in_dim3A_79 : f32 to vector<16xf32>
      %mul3A_81 = arith.constant 16 : i32
      %mul3A_82 = arith.muli %scan3A_78, %mul3A_81 : i32
      %swap3A_83 = arith.index_cast %mul3A_82 : i32 to index
      %swap3A_84 = tpu.vector_load %arg8[%swap3A_83] {strides = array<i32>} : memref<10000xf32, #tpu.memory_space<vmem>>, vector<16xf32>,
      tpu.vector_store %arg8[%swap3A_83], %broadcast_in_dim3A_80 {strides = array<i32>} : memref<10000xf32, #tpu.memory_space<vmem>>, vector<16xf32>,
    }
    %scan3A_9 = arith.constant 624 : i32
    %scan3A_10 = arith.addi %scan3A_5, %scan3A_9 : i32
    %broadcast_in_dim3A = arith.constant 0.000000e+00 : f32
    %broadcast_in_dim3A_11 = vector.broadcast %broadcast_in_dim3A : f32 to vector<16xf32>
    %mul3A_12 = arith.constant 16 : i32
    %mul3A_13 = arith.muli %scan3A_10, %mul3A_12 : i32
    %swap3A = arith.index_cast %mul3A_13 : i32 to index
    %swap3A_14 = tpu.vector_load %arg8[%swap3A] {strides = array<i32>} : memref<10000xf32, #tpu.memory_space<vmem>>, vector<16xf32>,
    tpu.vector_store %arg8[%swap3A], %broadcast_in_dim3A_11 {strides = array<i32>} : memref<10000xf32, #tpu.memory_space<vmem>>, vector<16xf32>,
    %scan3A_15 = arith.constant 625 : i32
    %broadcast_in_dim3A_16 = arith.constant 1.000000e+00 : f32
    %broadcast_in_dim3A_17 = vector.broadcast %broadcast_in_dim3A_16 : f32 to vector<16xf32>
    %parallel_loop3A = arith.constant 0 : i32
    %parallel_loop3A_18 = arith.constant 10000 : i32
    %parallel_loop3A_19 = arith.constant 16 : i32
    scf.for %parallel_loop3A_22 = %parallel_loop3A to %parallel_loop3A_18 step %parallel_loop3A_19  : i32 {
      %parallel_loop3A_23 = arith.index_cast %parallel_loop3A_22 : i32 to index
      %parallel_loop3A_24 = tpu.vector_load %arg5[%parallel_loop3A_23] {strides = array<i32>} : memref<10000xi32, #tpu.memory_space<vmem>>, vector<16xi32>,
      %parallel_loop3A_25 = arith.index_cast %parallel_loop3A_22 : i32 to index
      %parallel_loop3A_26 = tpu.vector_load %arg6[%parallel_loop3A_25] {strides = array<i32>} : memref<10000xi32, #tpu.memory_space<vmem>>, vector<16xi32>,
      %parallel_loop3A_27 = arith.constant 14 : i32
      %parallel_loop3A_28 = vector.broadcast %parallel_loop3A_27 : i32 to vector<16xi32>
      %parallel_loop3A_29 = arith.shli %parallel_loop3A_24, %parallel_loop3A_28 : vector<16xi32>
      %parallel_loop3A_30 = arith.ori %parallel_loop3A_29, %parallel_loop3A_26 : vector<16xi32>
      %parallel_loop3A_31 = arith.index_cast %parallel_loop3A_22 : i32 to index
      %parallel_loop3A_32 = tpu.vector_load %arg7[%parallel_loop3A_31] {strides = array<i32>} : memref<10000xi32, #tpu.memory_space<vmem>>, vector<16xi32>,
      tpu.vector_store %arg7[%parallel_loop3A_31], %parallel_loop3A_30 {strides = array<i32>} : memref<10000xi32, #tpu.memory_space<vmem>>, vector<16xi32>,
      tpu.vector_store_idx %arg8[%parallel_loop3A_26], %broadcast_in_dim3A_17 {add = true} : memref<10000xf32, #tpu.memory_space<vmem>>[vector<16xi32>], vector<16xf32>,
    } {sc.loop_unroll_factor = 8 : i64, sc.parallel_access}
    "tpu.region"() ({
      %run_scoped3A = tpu.sem_alloc : memref<!tpu.dma_semaphore, #tpu.memory_space<semaphore_mem>>
      %dma_start3A = tpu.memref_slice %arg4[%mul3A_2] : memref<320000xi32, #tpu.memory_space<hbm>> -> memref<10000xi32, #tpu.memory_space<hbm>>
      %dma_start3A_22 = tpu.memref_slice %arg4[%mul3A_2] : memref<320000xi32, #tpu.memory_space<hbm>> -> memref<10000xi32, #tpu.memory_space<hbm>>
      tpu.enqueue_dma source(%arg7 : memref<10000xi32, #tpu.memory_space<vmem>>) target(%dma_start3A_22 : memref<10000xi32, #tpu.memory_space<hbm>>) target_semaphore(%run_scoped3A : memref<!tpu.dma_semaphore, #tpu.memory_space<semaphore_mem>>)
      %dma_wait3A = tpu.memref_slice %arg4[%mul3A_2] : memref<320000xi32, #tpu.memory_space<hbm>> -> memref<10000xi32, #tpu.memory_space<hbm>>
      %dma_wait3A_23 = tpu.memref_slice %arg4[%mul3A_2] : memref<320000xi32, #tpu.memory_space<hbm>> -> memref<10000xi32, #tpu.memory_space<hbm>>
      tpu.wait_dma2 semaphore(%run_scoped3A : memref<!tpu.dma_semaphore, #tpu.memory_space<semaphore_mem>>) src(%arg7 : memref<10000xi32, #tpu.memory_space<vmem>>) dst(%dma_wait3A_23 : memref<10000xi32, #tpu.memory_space<hbm>>)
      tpu.yield
    }) : () -> ()
    %mul3A_20 = arith.constant 10000 : i32
    %mul3A_21 = arith.muli %add3A, %mul3A_20 : i32
    "tpu.region"() ({
      %run_scoped3A = tpu.sem_alloc : memref<!tpu.dma_semaphore, #tpu.memory_space<semaphore_mem>>
      %dma_start3A = tpu.memref_slice %arg3[%mul3A_21] : memref<320000xf32, #tpu.memory_space<hbm>> -> memref<10000xf32, #tpu.memory_space<hbm>>
      %dma_start3A_22 = tpu.memref_slice %arg3[%mul3A_21] : memref<320000xf32, #tpu.memory_space<hbm>> -> memref<10000xf32, #tpu.memory_space<hbm>>
      tpu.enqueue_dma source(%arg8 : memref<10000xf32, #tpu.memory_space<vmem>>) target(%dma_start3A_22 : memref<10000xf32, #tpu.memory_space<hbm>>) target_semaphore(%run_scoped3A : memref<!tpu.dma_semaphore, #tpu.memory_space<semaphore_mem>>)
      %dma_wait3A = tpu.memref_slice %arg3[%mul3A_21] : memref<320000xf32, #tpu.memory_space<hbm>> -> memref<10000xf32, #tpu.memory_space<hbm>>
      %dma_wait3A_23 = tpu.memref_slice %arg3[%mul3A_21] : memref<320000xf32, #tpu.memory_space<hbm>> -> memref<10000xf32, #tpu.memory_space<hbm>>
      tpu.wait_dma2 semaphore(%run_scoped3A : memref<!tpu.dma_semaphore, #tpu.memory_space<semaphore_mem>>) src(%arg8 : memref<10000xf32, #tpu.memory_space<vmem>>) dst(%dma_wait3A_23 : memref<10000xf32, #tpu.memory_space<hbm>>)
      tpu.yield
    }) : () -> ()
    return
  }
}

#map = affine_map<(d0, d1) -> (0)>
module attributes {stable_mosaic.version = 14 : i64} {
  func.func @body(%arg0: i32, %arg1: i32, %arg2: memref<320000xf32, #tpu.memory_space<hbm>>, %arg3: memref<320000xi32, #tpu.memory_space<hbm>>, %arg4: memref<640000xf32, #tpu.memory_space<hbm>>, %arg5: memref<10000xf32, #tpu.memory_space<vmem>>, %arg6: memref<10000xf32, #tpu.memory_space<vmem>>, %arg7: memref<10000xf32, #tpu.memory_space<vmem>>, %arg8: memref<10000xf32, #tpu.memory_space<vmem>>, %arg9: memref<32000xi32, #tpu.memory_space<vmem>>, %arg10: memref<32000xi32, #tpu.memory_space<vmem>>, %arg11: memref<!tpu.dma_semaphore, #tpu.memory_space<semaphore_mem>>, %arg12: memref<!tpu.dma_semaphore, #tpu.memory_space<semaphore_mem>>, %arg13: memref<!tpu.dma_semaphore, #tpu.memory_space<semaphore_mem>>) attributes {dimension_semantics = [#tpu.dimension_semantics<core_parallel>, #tpu.dimension_semantics<subcore_parallel>], iteration_bounds = array<i64: 2, 16>, scalar_prefetch = 0 : i64, scratch_operands = 9 : i64, tpu.core_type = #tpu.core_type<sc_vector_subcore>, window_params = [{transform_indices = #map}, {transform_indices = #map}, {transform_indices = #map}]} {
    %mul3A = arith.constant 2 : i32
    %mul3A_0 = arith.muli %mul3A, %arg1 : i32
    %mul3A_1 = arith.constant 160000 : i32
    %mul3A_2 = arith.muli %arg0, %mul3A_1 : i32
    %mul3A_3 = arith.constant 10000 : i32
    %mul3A_4 = arith.muli %mul3A_0, %mul3A_3 : i32
    %dma_start3A = tpu.memref_slice %arg2[%mul3A_4] : memref<320000xf32, #tpu.memory_space<hbm>> -> memref<10000xf32, #tpu.memory_space<hbm>>
    %dma_start3A_5 = tpu.memref_slice %arg2[%mul3A_4] : memref<320000xf32, #tpu.memory_space<hbm>> -> memref<10000xf32, #tpu.memory_space<hbm>>
    tpu.enqueue_dma source(%dma_start3A_5 : memref<10000xf32, #tpu.memory_space<hbm>>) target(%arg5 : memref<10000xf32, #tpu.memory_space<vmem>>) target_semaphore(%arg13 : memref<!tpu.dma_semaphore, #tpu.memory_space<semaphore_mem>>)
    %add3A = arith.constant 1 : i32
    %add3A_6 = arith.addi %mul3A_0, %add3A : i32
    %mul3A_7 = arith.constant 10000 : i32
    %mul3A_8 = arith.muli %add3A_6, %mul3A_7 : i32
    %dma_start3A_9 = tpu.memref_slice %arg2[%mul3A_8] : memref<320000xf32, #tpu.memory_space<hbm>> -> memref<10000xf32, #tpu.memory_space<hbm>>
    %dma_start3A_10 = tpu.memref_slice %arg2[%mul3A_8] : memref<320000xf32, #tpu.memory_space<hbm>> -> memref<10000xf32, #tpu.memory_space<hbm>>
    tpu.enqueue_dma source(%dma_start3A_10 : memref<10000xf32, #tpu.memory_space<hbm>>) target(%arg6 : memref<10000xf32, #tpu.memory_space<vmem>>) target_semaphore(%arg13 : memref<!tpu.dma_semaphore, #tpu.memory_space<semaphore_mem>>)
    %dma_start3A_11 = tpu.memref_slice %arg3[%mul3A_2] : memref<320000xi32, #tpu.memory_space<hbm>> -> memref<32000xi32, #tpu.memory_space<hbm>>
    %dma_start3A_12 = tpu.memref_slice %arg3[%mul3A_2] : memref<320000xi32, #tpu.memory_space<hbm>> -> memref<32000xi32, #tpu.memory_space<hbm>>
    tpu.enqueue_dma source(%dma_start3A_12 : memref<32000xi32, #tpu.memory_space<hbm>>) target(%arg9 : memref<32000xi32, #tpu.memory_space<vmem>>) target_semaphore(%arg11 : memref<!tpu.dma_semaphore, #tpu.memory_space<semaphore_mem>>)
    %scan3A = arith.constant 0 : i32
    %scan3A_13 = arith.constant 0 : i32
    %scan3A_14 = arith.constant 624 : i32
    %scan3A_15 = arith.addi %scan3A_13, %scan3A_14 : i32
    %scan3A_16 = arith.constant 8 : i32
    scf.for %scan3A_82 = %scan3A_13 to %scan3A_15 step %scan3A_16  : i32 {
      %broadcast_in_dim3A_83 = arith.constant 0.000000e+00 : f32
      %broadcast_in_dim3A_84 = vector.broadcast %broadcast_in_dim3A_83 : f32 to vector<16xf32>
      %mul3A_85 = arith.constant 16 : i32
      %mul3A_86 = arith.muli %scan3A_82, %mul3A_85 : i32
      %swap3A_87 = arith.index_cast %mul3A_86 : i32 to index
      %swap3A_88 = tpu.vector_load %arg7[%swap3A_87] {strides = array<i32>} : memref<10000xf32, #tpu.memory_space<vmem>>, vector<16xf32>,
      tpu.vector_store %arg7[%swap3A_87], %broadcast_in_dim3A_84 {strides = array<i32>} : memref<10000xf32, #tpu.memory_space<vmem>>, vector<16xf32>,
      %broadcast_in_dim3A_89 = arith.constant 0.000000e+00 : f32
      %broadcast_in_dim3A_90 = vector.broadcast %broadcast_in_dim3A_89 : f32 to vector<16xf32>
      %mul3A_91 = arith.constant 16 : i32
      %mul3A_92 = arith.muli %scan3A_82, %mul3A_91 : i32
      %swap3A_93 = arith.index_cast %mul3A_92 : i32 to index
      %swap3A_94 = tpu.vector_load %arg8[%swap3A_93] {strides = array<i32>} : memref<10000xf32, #tpu.memory_space<vmem>>, vector<16xf32>,
      tpu.vector_store %arg8[%swap3A_93], %broadcast_in_dim3A_90 {strides = array<i32>} : memref<10000xf32, #tpu.memory_space<vmem>>, vector<16xf32>,
      %scan3A_95 = arith.constant 1 : i32
      %scan3A_96 = arith.addi %scan3A_82, %scan3A_95 : i32
      %broadcast_in_dim3A_97 = arith.constant 0.000000e+00 : f32
      %broadcast_in_dim3A_98 = vector.broadcast %broadcast_in_dim3A_97 : f32 to vector<16xf32>
      %mul3A_99 = arith.constant 16 : i32
      %mul3A_100 = arith.muli %scan3A_96, %mul3A_99 : i32
      %swap3A_101 = arith.index_cast %mul3A_100 : i32 to index
      %swap3A_102 = tpu.vector_load %arg7[%swap3A_101] {strides = array<i32>} : memref<10000xf32, #tpu.memory_space<vmem>>, vector<16xf32>,
      tpu.vector_store %arg7[%swap3A_101], %broadcast_in_dim3A_98 {strides = array<i32>} : memref<10000xf32, #tpu.memory_space<vmem>>, vector<16xf32>,
      %broadcast_in_dim3A_103 = arith.constant 0.000000e+00 : f32
      %broadcast_in_dim3A_104 = vector.broadcast %broadcast_in_dim3A_103 : f32 to vector<16xf32>
      %mul3A_105 = arith.constant 16 : i32
      %mul3A_106 = arith.muli %scan3A_96, %mul3A_105 : i32
      %swap3A_107 = arith.index_cast %mul3A_106 : i32 to index
      %swap3A_108 = tpu.vector_load %arg8[%swap3A_107] {strides = array<i32>} : memref<10000xf32, #tpu.memory_space<vmem>>, vector<16xf32>,
      tpu.vector_store %arg8[%swap3A_107], %broadcast_in_dim3A_104 {strides = array<i32>} : memref<10000xf32, #tpu.memory_space<vmem>>, vector<16xf32>,
      %scan3A_109 = arith.constant 2 : i32
      %scan3A_110 = arith.addi %scan3A_82, %scan3A_109 : i32
      %broadcast_in_dim3A_111 = arith.constant 0.000000e+00 : f32
      %broadcast_in_dim3A_112 = vector.broadcast %broadcast_in_dim3A_111 : f32 to vector<16xf32>
      %mul3A_113 = arith.constant 16 : i32
      %mul3A_114 = arith.muli %scan3A_110, %mul3A_113 : i32
      %swap3A_115 = arith.index_cast %mul3A_114 : i32 to index
      %swap3A_116 = tpu.vector_load %arg7[%swap3A_115] {strides = array<i32>} : memref<10000xf32, #tpu.memory_space<vmem>>, vector<16xf32>,
      tpu.vector_store %arg7[%swap3A_115], %broadcast_in_dim3A_112 {strides = array<i32>} : memref<10000xf32, #tpu.memory_space<vmem>>, vector<16xf32>,
      %broadcast_in_dim3A_117 = arith.constant 0.000000e+00 : f32
      %broadcast_in_dim3A_118 = vector.broadcast %broadcast_in_dim3A_117 : f32 to vector<16xf32>
      %mul3A_119 = arith.constant 16 : i32
      %mul3A_120 = arith.muli %scan3A_110, %mul3A_119 : i32
      %swap3A_121 = arith.index_cast %mul3A_120 : i32 to index
      %swap3A_122 = tpu.vector_load %arg8[%swap3A_121] {strides = array<i32>} : memref<10000xf32, #tpu.memory_space<vmem>>, vector<16xf32>,
      tpu.vector_store %arg8[%swap3A_121], %broadcast_in_dim3A_118 {strides = array<i32>} : memref<10000xf32, #tpu.memory_space<vmem>>, vector<16xf32>,
      %scan3A_123 = arith.constant 3 : i32
      %scan3A_124 = arith.addi %scan3A_82, %scan3A_123 : i32
      %broadcast_in_dim3A_125 = arith.constant 0.000000e+00 : f32
      %broadcast_in_dim3A_126 = vector.broadcast %broadcast_in_dim3A_125 : f32 to vector<16xf32>
      %mul3A_127 = arith.constant 16 : i32
      %mul3A_128 = arith.muli %scan3A_124, %mul3A_127 : i32
      %swap3A_129 = arith.index_cast %mul3A_128 : i32 to index
      %swap3A_130 = tpu.vector_load %arg7[%swap3A_129] {strides = array<i32>} : memref<10000xf32, #tpu.memory_space<vmem>>, vector<16xf32>,
      tpu.vector_store %arg7[%swap3A_129], %broadcast_in_dim3A_126 {strides = array<i32>} : memref<10000xf32, #tpu.memory_space<vmem>>, vector<16xf32>,
      %broadcast_in_dim3A_131 = arith.constant 0.000000e+00 : f32
      %broadcast_in_dim3A_132 = vector.broadcast %broadcast_in_dim3A_131 : f32 to vector<16xf32>
      %mul3A_133 = arith.constant 16 : i32
      %mul3A_134 = arith.muli %scan3A_124, %mul3A_133 : i32
      %swap3A_135 = arith.index_cast %mul3A_134 : i32 to index
      %swap3A_136 = tpu.vector_load %arg8[%swap3A_135] {strides = array<i32>} : memref<10000xf32, #tpu.memory_space<vmem>>, vector<16xf32>,
      tpu.vector_store %arg8[%swap3A_135], %broadcast_in_dim3A_132 {strides = array<i32>} : memref<10000xf32, #tpu.memory_space<vmem>>, vector<16xf32>,
      %scan3A_137 = arith.constant 4 : i32
      %scan3A_138 = arith.addi %scan3A_82, %scan3A_137 : i32
      %broadcast_in_dim3A_139 = arith.constant 0.000000e+00 : f32
      %broadcast_in_dim3A_140 = vector.broadcast %broadcast_in_dim3A_139 : f32 to vector<16xf32>
      %mul3A_141 = arith.constant 16 : i32
      %mul3A_142 = arith.muli %scan3A_138, %mul3A_141 : i32
      %swap3A_143 = arith.index_cast %mul3A_142 : i32 to index
      %swap3A_144 = tpu.vector_load %arg7[%swap3A_143] {strides = array<i32>} : memref<10000xf32, #tpu.memory_space<vmem>>, vector<16xf32>,
      tpu.vector_store %arg7[%swap3A_143], %broadcast_in_dim3A_140 {strides = array<i32>} : memref<10000xf32, #tpu.memory_space<vmem>>, vector<16xf32>,
      %broadcast_in_dim3A_145 = arith.constant 0.000000e+00 : f32
      %broadcast_in_dim3A_146 = vector.broadcast %broadcast_in_dim3A_145 : f32 to vector<16xf32>
      %mul3A_147 = arith.constant 16 : i32
      %mul3A_148 = arith.muli %scan3A_138, %mul3A_147 : i32
      %swap3A_149 = arith.index_cast %mul3A_148 : i32 to index
      %swap3A_150 = tpu.vector_load %arg8[%swap3A_149] {strides = array<i32>} : memref<10000xf32, #tpu.memory_space<vmem>>, vector<16xf32>,
      tpu.vector_store %arg8[%swap3A_149], %broadcast_in_dim3A_146 {strides = array<i32>} : memref<10000xf32, #tpu.memory_space<vmem>>, vector<16xf32>,
      %scan3A_151 = arith.constant 5 : i32
      %scan3A_152 = arith.addi %scan3A_82, %scan3A_151 : i32
      %broadcast_in_dim3A_153 = arith.constant 0.000000e+00 : f32
      %broadcast_in_dim3A_154 = vector.broadcast %broadcast_in_dim3A_153 : f32 to vector<16xf32>
      %mul3A_155 = arith.constant 16 : i32
      %mul3A_156 = arith.muli %scan3A_152, %mul3A_155 : i32
      %swap3A_157 = arith.index_cast %mul3A_156 : i32 to index
      %swap3A_158 = tpu.vector_load %arg7[%swap3A_157] {strides = array<i32>} : memref<10000xf32, #tpu.memory_space<vmem>>, vector<16xf32>,
      tpu.vector_store %arg7[%swap3A_157], %broadcast_in_dim3A_154 {strides = array<i32>} : memref<10000xf32, #tpu.memory_space<vmem>>, vector<16xf32>,
      %broadcast_in_dim3A_159 = arith.constant 0.000000e+00 : f32
      %broadcast_in_dim3A_160 = vector.broadcast %broadcast_in_dim3A_159 : f32 to vector<16xf32>
      %mul3A_161 = arith.constant 16 : i32
      %mul3A_162 = arith.muli %scan3A_152, %mul3A_161 : i32
      %swap3A_163 = arith.index_cast %mul3A_162 : i32 to index
      %swap3A_164 = tpu.vector_load %arg8[%swap3A_163] {strides = array<i32>} : memref<10000xf32, #tpu.memory_space<vmem>>, vector<16xf32>,
      tpu.vector_store %arg8[%swap3A_163], %broadcast_in_dim3A_160 {strides = array<i32>} : memref<10000xf32, #tpu.memory_space<vmem>>, vector<16xf32>,
      %scan3A_165 = arith.constant 6 : i32
      %scan3A_166 = arith.addi %scan3A_82, %scan3A_165 : i32
      %broadcast_in_dim3A_167 = arith.constant 0.000000e+00 : f32
      %broadcast_in_dim3A_168 = vector.broadcast %broadcast_in_dim3A_167 : f32 to vector<16xf32>
      %mul3A_169 = arith.constant 16 : i32
      %mul3A_170 = arith.muli %scan3A_166, %mul3A_169 : i32
      %swap3A_171 = arith.index_cast %mul3A_170 : i32 to index
      %swap3A_172 = tpu.vector_load %arg7[%swap3A_171] {strides = array<i32>} : memref<10000xf32, #tpu.memory_space<vmem>>, vector<16xf32>,
      tpu.vector_store %arg7[%swap3A_171], %broadcast_in_dim3A_168 {strides = array<i32>} : memref<10000xf32, #tpu.memory_space<vmem>>, vector<16xf32>,
      %broadcast_in_dim3A_173 = arith.constant 0.000000e+00 : f32
      %broadcast_in_dim3A_174 = vector.broadcast %broadcast_in_dim3A_173 : f32 to vector<16xf32>
      %mul3A_175 = arith.constant 16 : i32
      %mul3A_176 = arith.muli %scan3A_166, %mul3A_175 : i32
      %swap3A_177 = arith.index_cast %mul3A_176 : i32 to index
      %swap3A_178 = tpu.vector_load %arg8[%swap3A_177] {strides = array<i32>} : memref<10000xf32, #tpu.memory_space<vmem>>, vector<16xf32>,
      tpu.vector_store %arg8[%swap3A_177], %broadcast_in_dim3A_174 {strides = array<i32>} : memref<10000xf32, #tpu.memory_space<vmem>>, vector<16xf32>,
      %scan3A_179 = arith.constant 7 : i32
      %scan3A_180 = arith.addi %scan3A_82, %scan3A_179 : i32
      %broadcast_in_dim3A_181 = arith.constant 0.000000e+00 : f32
      %broadcast_in_dim3A_182 = vector.broadcast %broadcast_in_dim3A_181 : f32 to vector<16xf32>
      %mul3A_183 = arith.constant 16 : i32
      %mul3A_184 = arith.muli %scan3A_180, %mul3A_183 : i32
      %swap3A_185 = arith.index_cast %mul3A_184 : i32 to index
      %swap3A_186 = tpu.vector_load %arg7[%swap3A_185] {strides = array<i32>} : memref<10000xf32, #tpu.memory_space<vmem>>, vector<16xf32>,
      tpu.vector_store %arg7[%swap3A_185], %broadcast_in_dim3A_182 {strides = array<i32>} : memref<10000xf32, #tpu.memory_space<vmem>>, vector<16xf32>,
      %broadcast_in_dim3A_187 = arith.constant 0.000000e+00 : f32
      %broadcast_in_dim3A_188 = vector.broadcast %broadcast_in_dim3A_187 : f32 to vector<16xf32>
      %mul3A_189 = arith.constant 16 : i32
      %mul3A_190 = arith.muli %scan3A_180, %mul3A_189 : i32
      %swap3A_191 = arith.index_cast %mul3A_190 : i32 to index
      %swap3A_192 = tpu.vector_load %arg8[%swap3A_191] {strides = array<i32>} : memref<10000xf32, #tpu.memory_space<vmem>>, vector<16xf32>,
      tpu.vector_store %arg8[%swap3A_191], %broadcast_in_dim3A_188 {strides = array<i32>} : memref<10000xf32, #tpu.memory_space<vmem>>, vector<16xf32>,
    }
    %scan3A_17 = arith.constant 624 : i32
    %scan3A_18 = arith.addi %scan3A_13, %scan3A_17 : i32
    %broadcast_in_dim3A = arith.constant 0.000000e+00 : f32
    %broadcast_in_dim3A_19 = vector.broadcast %broadcast_in_dim3A : f32 to vector<16xf32>
    %mul3A_20 = arith.constant 16 : i32
    %mul3A_21 = arith.muli %scan3A_18, %mul3A_20 : i32
    %swap3A = arith.index_cast %mul3A_21 : i32 to index
    %swap3A_22 = tpu.vector_load %arg7[%swap3A] {strides = array<i32>} : memref<10000xf32, #tpu.memory_space<vmem>>, vector<16xf32>,
    tpu.vector_store %arg7[%swap3A], %broadcast_in_dim3A_19 {strides = array<i32>} : memref<10000xf32, #tpu.memory_space<vmem>>, vector<16xf32>,
    %broadcast_in_dim3A_23 = arith.constant 0.000000e+00 : f32
    %broadcast_in_dim3A_24 = vector.broadcast %broadcast_in_dim3A_23 : f32 to vector<16xf32>
    %mul3A_25 = arith.constant 16 : i32
    %mul3A_26 = arith.muli %scan3A_18, %mul3A_25 : i32
    %swap3A_27 = arith.index_cast %mul3A_26 : i32 to index
    %swap3A_28 = tpu.vector_load %arg8[%swap3A_27] {strides = array<i32>} : memref<10000xf32, #tpu.memory_space<vmem>>, vector<16xf32>,
    tpu.vector_store %arg8[%swap3A_27], %broadcast_in_dim3A_24 {strides = array<i32>} : memref<10000xf32, #tpu.memory_space<vmem>>, vector<16xf32>,
    %scan3A_29 = arith.constant 625 : i32
    %dma_wait3A = tpu.memref_slice %arg2[%mul3A_4] : memref<320000xf32, #tpu.memory_space<hbm>> -> memref<10000xf32, #tpu.memory_space<hbm>>
    %dma_wait3A_30 = tpu.memref_slice %arg2[%mul3A_4] : memref<320000xf32, #tpu.memory_space<hbm>> -> memref<10000xf32, #tpu.memory_space<hbm>>
    tpu.wait_dma2 semaphore(%arg13 : memref<!tpu.dma_semaphore, #tpu.memory_space<semaphore_mem>>) src(%dma_wait3A_30 : memref<10000xf32, #tpu.memory_space<hbm>>) dst(%arg5 : memref<10000xf32, #tpu.memory_space<vmem>>)
    %dma_wait3A_31 = tpu.memref_slice %arg2[%mul3A_8] : memref<320000xf32, #tpu.memory_space<hbm>> -> memref<10000xf32, #tpu.memory_space<hbm>>
    %dma_wait3A_32 = tpu.memref_slice %arg2[%mul3A_8] : memref<320000xf32, #tpu.memory_space<hbm>> -> memref<10000xf32, #tpu.memory_space<hbm>>
    tpu.wait_dma2 semaphore(%arg13 : memref<!tpu.dma_semaphore, #tpu.memory_space<semaphore_mem>>) src(%dma_wait3A_32 : memref<10000xf32, #tpu.memory_space<hbm>>) dst(%arg6 : memref<10000xf32, #tpu.memory_space<vmem>>)
    %add3A_33 = arith.constant 32000 : i32
    %add3A_34 = arith.addi %mul3A_2, %add3A_33 : i32
    %dma_start3A_35 = tpu.memref_slice %arg3[%add3A_34] : memref<320000xi32, #tpu.memory_space<hbm>> -> memref<32000xi32, #tpu.memory_space<hbm>>
    %dma_start3A_36 = tpu.memref_slice %arg3[%add3A_34] : memref<320000xi32, #tpu.memory_space<hbm>> -> memref<32000xi32, #tpu.memory_space<hbm>>
    tpu.enqueue_dma source(%dma_start3A_36 : memref<32000xi32, #tpu.memory_space<hbm>>) target(%arg10 : memref<32000xi32, #tpu.memory_space<vmem>>) target_semaphore(%arg12 : memref<!tpu.dma_semaphore, #tpu.memory_space<semaphore_mem>>)
    %dma_wait3A_37 = tpu.memref_slice %arg3[%mul3A_2] : memref<320000xi32, #tpu.memory_space<hbm>> -> memref<32000xi32, #tpu.memory_space<hbm>>
    %dma_wait3A_38 = tpu.memref_slice %arg3[%mul3A_2] : memref<320000xi32, #tpu.memory_space<hbm>> -> memref<32000xi32, #tpu.memory_space<hbm>>
    tpu.wait_dma2 semaphore(%arg11 : memref<!tpu.dma_semaphore, #tpu.memory_space<semaphore_mem>>) src(%dma_wait3A_38 : memref<32000xi32, #tpu.memory_space<hbm>>) dst(%arg9 : memref<32000xi32, #tpu.memory_space<vmem>>)
    %parallel_loop3A = arith.constant 0 : i32
    %parallel_loop3A_39 = arith.constant 32000 : i32
    %parallel_loop3A_40 = arith.constant 16 : i32
    scf.for %parallel_loop3A_82 = %parallel_loop3A to %parallel_loop3A_39 step %parallel_loop3A_40  : i32 {
      %parallel_loop3A_83 = arith.index_cast %parallel_loop3A_82 : i32 to index
      %parallel_loop3A_84 = tpu.vector_load %arg9[%parallel_loop3A_83] {strides = array<i32>} : memref<32000xi32, #tpu.memory_space<vmem>>, vector<16xi32>,
      %parallel_loop3A_85 = arith.constant 14 : i32
      %parallel_loop3A_86 = vector.broadcast %parallel_loop3A_85 : i32 to vector<16xi32>
      %parallel_loop3A_87 = arith.shrui %parallel_loop3A_84, %parallel_loop3A_86 : vector<16xi32>
      %parallel_loop3A_88 = arith.constant 16383 : i32
      %parallel_loop3A_89 = vector.broadcast %parallel_loop3A_88 : i32 to vector<16xi32>
      %parallel_loop3A_90 = arith.andi %parallel_loop3A_84, %parallel_loop3A_89 : vector<16xi32>
      %parallel_loop3A_91 = tpu.vector_load_idx %arg5[%parallel_loop3A_87] : memref<10000xf32, #tpu.memory_space<vmem>>[vector<16xi32>], vector<16xf32>,
      tpu.vector_store_idx %arg7[%parallel_loop3A_90], %parallel_loop3A_91 {add = true} : memref<10000xf32, #tpu.memory_space<vmem>>[vector<16xi32>], vector<16xf32>,
      %parallel_loop3A_92 = tpu.vector_load_idx %arg6[%parallel_loop3A_87] : memref<10000xf32, #tpu.memory_space<vmem>>[vector<16xi32>], vector<16xf32>,
      tpu.vector_store_idx %arg8[%parallel_loop3A_90], %parallel_loop3A_92 {add = true} : memref<10000xf32, #tpu.memory_space<vmem>>[vector<16xi32>], vector<16xf32>,
    } {sc.loop_unroll_factor = 16 : i64, sc.parallel_access}
    %add3A_41 = arith.constant 64000 : i32
    %add3A_42 = arith.addi %mul3A_2, %add3A_41 : i32
    %dma_start3A_43 = tpu.memref_slice %arg3[%add3A_42] : memref<320000xi32, #tpu.memory_space<hbm>> -> memref<32000xi32, #tpu.memory_space<hbm>>
    %dma_start3A_44 = tpu.memref_slice %arg3[%add3A_42] : memref<320000xi32, #tpu.memory_space<hbm>> -> memref<32000xi32, #tpu.memory_space<hbm>>
    tpu.enqueue_dma source(%dma_start3A_44 : memref<32000xi32, #tpu.memory_space<hbm>>) target(%arg9 : memref<32000xi32, #tpu.memory_space<vmem>>) target_semaphore(%arg11 : memref<!tpu.dma_semaphore, #tpu.memory_space<semaphore_mem>>)
    %dma_wait3A_45 = tpu.memref_slice %arg3[%add3A_34] : memref<320000xi32, #tpu.memory_space<hbm>> -> memref<32000xi32, #tpu.memory_space<hbm>>
    %dma_wait3A_46 = tpu.memref_slice %arg3[%add3A_34] : memref<320000xi32, #tpu.memory_space<hbm>> -> memref<32000xi32, #tpu.memory_space<hbm>>
    tpu.wait_dma2 semaphore(%arg12 : memref<!tpu.dma_semaphore, #tpu.memory_space<semaphore_mem>>) src(%dma_wait3A_46 : memref<32000xi32, #tpu.memory_space<hbm>>) dst(%arg10 : memref<32000xi32, #tpu.memory_space<vmem>>)
    %parallel_loop3A_47 = arith.constant 0 : i32
    %parallel_loop3A_48 = arith.constant 32000 : i32
    %parallel_loop3A_49 = arith.constant 16 : i32
    scf.for %parallel_loop3A_82 = %parallel_loop3A_47 to %parallel_loop3A_48 step %parallel_loop3A_49  : i32 {
      %parallel_loop3A_83 = arith.index_cast %parallel_loop3A_82 : i32 to index
      %parallel_loop3A_84 = tpu.vector_load %arg10[%parallel_loop3A_83] {strides = array<i32>} : memref<32000xi32, #tpu.memory_space<vmem>>, vector<16xi32>,
      %parallel_loop3A_85 = arith.constant 14 : i32
      %parallel_loop3A_86 = vector.broadcast %parallel_loop3A_85 : i32 to vector<16xi32>
      %parallel_loop3A_87 = arith.shrui %parallel_loop3A_84, %parallel_loop3A_86 : vector<16xi32>
      %parallel_loop3A_88 = arith.constant 16383 : i32
      %parallel_loop3A_89 = vector.broadcast %parallel_loop3A_88 : i32 to vector<16xi32>
      %parallel_loop3A_90 = arith.andi %parallel_loop3A_84, %parallel_loop3A_89 : vector<16xi32>
      %parallel_loop3A_91 = tpu.vector_load_idx %arg5[%parallel_loop3A_87] : memref<10000xf32, #tpu.memory_space<vmem>>[vector<16xi32>], vector<16xf32>,
      tpu.vector_store_idx %arg7[%parallel_loop3A_90], %parallel_loop3A_91 {add = true} : memref<10000xf32, #tpu.memory_space<vmem>>[vector<16xi32>], vector<16xf32>,
      %parallel_loop3A_92 = tpu.vector_load_idx %arg6[%parallel_loop3A_87] : memref<10000xf32, #tpu.memory_space<vmem>>[vector<16xi32>], vector<16xf32>,
      tpu.vector_store_idx %arg8[%parallel_loop3A_90], %parallel_loop3A_92 {add = true} : memref<10000xf32, #tpu.memory_space<vmem>>[vector<16xi32>], vector<16xf32>,
    } {sc.loop_unroll_factor = 16 : i64, sc.parallel_access}
    %add3A_50 = arith.constant 96000 : i32
    %add3A_51 = arith.addi %mul3A_2, %add3A_50 : i32
    %dma_start3A_52 = tpu.memref_slice %arg3[%add3A_51] : memref<320000xi32, #tpu.memory_space<hbm>> -> memref<32000xi32, #tpu.memory_space<hbm>>
    %dma_start3A_53 = tpu.memref_slice %arg3[%add3A_51] : memref<320000xi32, #tpu.memory_space<hbm>> -> memref<32000xi32, #tpu.memory_space<hbm>>
    tpu.enqueue_dma source(%dma_start3A_53 : memref<32000xi32, #tpu.memory_space<hbm>>) target(%arg10 : memref<32000xi32, #tpu.memory_space<vmem>>) target_semaphore(%arg12 : memref<!tpu.dma_semaphore, #tpu.memory_space<semaphore_mem>>)
    %dma_wait3A_54 = tpu.memref_slice %arg3[%add3A_42] : memref<320000xi32, #tpu.memory_space<hbm>> -> memref<32000xi32, #tpu.memory_space<hbm>>
    %dma_wait3A_55 = tpu.memref_slice %arg3[%add3A_42] : memref<320000xi32, #tpu.memory_space<hbm>> -> memref<32000xi32, #tpu.memory_space<hbm>>
    tpu.wait_dma2 semaphore(%arg11 : memref<!tpu.dma_semaphore, #tpu.memory_space<semaphore_mem>>) src(%dma_wait3A_55 : memref<32000xi32, #tpu.memory_space<hbm>>) dst(%arg9 : memref<32000xi32, #tpu.memory_space<vmem>>)
    %parallel_loop3A_56 = arith.constant 0 : i32
    %parallel_loop3A_57 = arith.constant 32000 : i32
    %parallel_loop3A_58 = arith.constant 16 : i32
    scf.for %parallel_loop3A_82 = %parallel_loop3A_56 to %parallel_loop3A_57 step %parallel_loop3A_58  : i32 {
      %parallel_loop3A_83 = arith.index_cast %parallel_loop3A_82 : i32 to index
      %parallel_loop3A_84 = tpu.vector_load %arg9[%parallel_loop3A_83] {strides = array<i32>} : memref<32000xi32, #tpu.memory_space<vmem>>, vector<16xi32>,
      %parallel_loop3A_85 = arith.constant 14 : i32
      %parallel_loop3A_86 = vector.broadcast %parallel_loop3A_85 : i32 to vector<16xi32>
      %parallel_loop3A_87 = arith.shrui %parallel_loop3A_84, %parallel_loop3A_86 : vector<16xi32>
      %parallel_loop3A_88 = arith.constant 16383 : i32
      %parallel_loop3A_89 = vector.broadcast %parallel_loop3A_88 : i32 to vector<16xi32>
      %parallel_loop3A_90 = arith.andi %parallel_loop3A_84, %parallel_loop3A_89 : vector<16xi32>
      %parallel_loop3A_91 = tpu.vector_load_idx %arg5[%parallel_loop3A_87] : memref<10000xf32, #tpu.memory_space<vmem>>[vector<16xi32>], vector<16xf32>,
      tpu.vector_store_idx %arg7[%parallel_loop3A_90], %parallel_loop3A_91 {add = true} : memref<10000xf32, #tpu.memory_space<vmem>>[vector<16xi32>], vector<16xf32>,
      %parallel_loop3A_92 = tpu.vector_load_idx %arg6[%parallel_loop3A_87] : memref<10000xf32, #tpu.memory_space<vmem>>[vector<16xi32>], vector<16xf32>,
      tpu.vector_store_idx %arg8[%parallel_loop3A_90], %parallel_loop3A_92 {add = true} : memref<10000xf32, #tpu.memory_space<vmem>>[vector<16xi32>], vector<16xf32>,
    } {sc.loop_unroll_factor = 16 : i64, sc.parallel_access}
    %add3A_59 = arith.constant 128000 : i32
    %add3A_60 = arith.addi %mul3A_2, %add3A_59 : i32
    %dma_start3A_61 = tpu.memref_slice %arg3[%add3A_60] : memref<320000xi32, #tpu.memory_space<hbm>> -> memref<32000xi32, #tpu.memory_space<hbm>>
    %dma_start3A_62 = tpu.memref_slice %arg3[%add3A_60] : memref<320000xi32, #tpu.memory_space<hbm>> -> memref<32000xi32, #tpu.memory_space<hbm>>
    tpu.enqueue_dma source(%dma_start3A_62 : memref<32000xi32, #tpu.memory_space<hbm>>) target(%arg9 : memref<32000xi32, #tpu.memory_space<vmem>>) target_semaphore(%arg11 : memref<!tpu.dma_semaphore, #tpu.memory_space<semaphore_mem>>)
    %dma_wait3A_63 = tpu.memref_slice %arg3[%add3A_51] : memref<320000xi32, #tpu.memory_space<hbm>> -> memref<32000xi32, #tpu.memory_space<hbm>>
    %dma_wait3A_64 = tpu.memref_slice %arg3[%add3A_51] : memref<320000xi32, #tpu.memory_space<hbm>> -> memref<32000xi32, #tpu.memory_space<hbm>>
    tpu.wait_dma2 semaphore(%arg12 : memref<!tpu.dma_semaphore, #tpu.memory_space<semaphore_mem>>) src(%dma_wait3A_64 : memref<32000xi32, #tpu.memory_space<hbm>>) dst(%arg10 : memref<32000xi32, #tpu.memory_space<vmem>>)
    %parallel_loop3A_65 = arith.constant 0 : i32
    %parallel_loop3A_66 = arith.constant 32000 : i32
    %parallel_loop3A_67 = arith.constant 16 : i32
    scf.for %parallel_loop3A_82 = %parallel_loop3A_65 to %parallel_loop3A_66 step %parallel_loop3A_67  : i32 {
      %parallel_loop3A_83 = arith.index_cast %parallel_loop3A_82 : i32 to index
      %parallel_loop3A_84 = tpu.vector_load %arg10[%parallel_loop3A_83] {strides = array<i32>} : memref<32000xi32, #tpu.memory_space<vmem>>, vector<16xi32>,
      %parallel_loop3A_85 = arith.constant 14 : i32
      %parallel_loop3A_86 = vector.broadcast %parallel_loop3A_85 : i32 to vector<16xi32>
      %parallel_loop3A_87 = arith.shrui %parallel_loop3A_84, %parallel_loop3A_86 : vector<16xi32>
      %parallel_loop3A_88 = arith.constant 16383 : i32
      %parallel_loop3A_89 = vector.broadcast %parallel_loop3A_88 : i32 to vector<16xi32>
      %parallel_loop3A_90 = arith.andi %parallel_loop3A_84, %parallel_loop3A_89 : vector<16xi32>
      %parallel_loop3A_91 = tpu.vector_load_idx %arg5[%parallel_loop3A_87] : memref<10000xf32, #tpu.memory_space<vmem>>[vector<16xi32>], vector<16xf32>,
      tpu.vector_store_idx %arg7[%parallel_loop3A_90], %parallel_loop3A_91 {add = true} : memref<10000xf32, #tpu.memory_space<vmem>>[vector<16xi32>], vector<16xf32>,
      %parallel_loop3A_92 = tpu.vector_load_idx %arg6[%parallel_loop3A_87] : memref<10000xf32, #tpu.memory_space<vmem>>[vector<16xi32>], vector<16xf32>,
      tpu.vector_store_idx %arg8[%parallel_loop3A_90], %parallel_loop3A_92 {add = true} : memref<10000xf32, #tpu.memory_space<vmem>>[vector<16xi32>], vector<16xf32>,
    } {sc.loop_unroll_factor = 16 : i64, sc.parallel_access}
    %dma_wait3A_68 = tpu.memref_slice %arg3[%add3A_60] : memref<320000xi32, #tpu.memory_space<hbm>> -> memref<32000xi32, #tpu.memory_space<hbm>>
    %dma_wait3A_69 = tpu.memref_slice %arg3[%add3A_60] : memref<320000xi32, #tpu.memory_space<hbm>> -> memref<32000xi32, #tpu.memory_space<hbm>>
    tpu.wait_dma2 semaphore(%arg11 : memref<!tpu.dma_semaphore, #tpu.memory_space<semaphore_mem>>) src(%dma_wait3A_69 : memref<32000xi32, #tpu.memory_space<hbm>>) dst(%arg9 : memref<32000xi32, #tpu.memory_space<vmem>>)
    %parallel_loop3A_70 = arith.constant 0 : i32
    %parallel_loop3A_71 = arith.constant 32000 : i32
    %parallel_loop3A_72 = arith.constant 16 : i32
    scf.for %parallel_loop3A_82 = %parallel_loop3A_70 to %parallel_loop3A_71 step %parallel_loop3A_72  : i32 {
      %parallel_loop3A_83 = arith.index_cast %parallel_loop3A_82 : i32 to index
      %parallel_loop3A_84 = tpu.vector_load %arg9[%parallel_loop3A_83] {strides = array<i32>} : memref<32000xi32, #tpu.memory_space<vmem>>, vector<16xi32>,
      %parallel_loop3A_85 = arith.constant 14 : i32
      %parallel_loop3A_86 = vector.broadcast %parallel_loop3A_85 : i32 to vector<16xi32>
      %parallel_loop3A_87 = arith.shrui %parallel_loop3A_84, %parallel_loop3A_86 : vector<16xi32>
      %parallel_loop3A_88 = arith.constant 16383 : i32
      %parallel_loop3A_89 = vector.broadcast %parallel_loop3A_88 : i32 to vector<16xi32>
      %parallel_loop3A_90 = arith.andi %parallel_loop3A_84, %parallel_loop3A_89 : vector<16xi32>
      %parallel_loop3A_91 = tpu.vector_load_idx %arg5[%parallel_loop3A_87] : memref<10000xf32, #tpu.memory_space<vmem>>[vector<16xi32>], vector<16xf32>,
      tpu.vector_store_idx %arg7[%parallel_loop3A_90], %parallel_loop3A_91 {add = true} : memref<10000xf32, #tpu.memory_space<vmem>>[vector<16xi32>], vector<16xf32>,
      %parallel_loop3A_92 = tpu.vector_load_idx %arg6[%parallel_loop3A_87] : memref<10000xf32, #tpu.memory_space<vmem>>[vector<16xi32>], vector<16xf32>,
      tpu.vector_store_idx %arg8[%parallel_loop3A_90], %parallel_loop3A_92 {add = true} : memref<10000xf32, #tpu.memory_space<vmem>>[vector<16xi32>], vector<16xf32>,
    } {sc.loop_unroll_factor = 16 : i64, sc.parallel_access}
    %mul3A_73 = arith.constant 32 : i32
    %mul3A_74 = arith.muli %arg0, %mul3A_73 : i32
    %mul3A_75 = arith.constant 10000 : i32
    %mul3A_76 = arith.muli %mul3A_74, %mul3A_75 : i32
    %mul3A_77 = arith.constant 10000 : i32
    %mul3A_78 = arith.muli %mul3A_0, %mul3A_77 : i32
    %add3A_79 = arith.addi %mul3A_76, %mul3A_78 : i32
    "tpu.region"() ({
      %run_scoped3A = tpu.sem_alloc : memref<!tpu.dma_semaphore, #tpu.memory_space<semaphore_mem>>
      %dma_start3A_82 = tpu.memref_slice %arg4[%add3A_79] : memref<640000xf32, #tpu.memory_space<hbm>> -> memref<10000xf32, #tpu.memory_space<hbm>>
      %dma_start3A_83 = tpu.memref_slice %arg4[%add3A_79] : memref<640000xf32, #tpu.memory_space<hbm>> -> memref<10000xf32, #tpu.memory_space<hbm>>
      tpu.enqueue_dma source(%arg7 : memref<10000xf32, #tpu.memory_space<vmem>>) target(%dma_start3A_83 : memref<10000xf32, #tpu.memory_space<hbm>>) target_semaphore(%run_scoped3A : memref<!tpu.dma_semaphore, #tpu.memory_space<semaphore_mem>>)
      %dma_wait3A_84 = tpu.memref_slice %arg4[%add3A_79] : memref<640000xf32, #tpu.memory_space<hbm>> -> memref<10000xf32, #tpu.memory_space<hbm>>
      %dma_wait3A_85 = tpu.memref_slice %arg4[%add3A_79] : memref<640000xf32, #tpu.memory_space<hbm>> -> memref<10000xf32, #tpu.memory_space<hbm>>
      tpu.wait_dma2 semaphore(%run_scoped3A : memref<!tpu.dma_semaphore, #tpu.memory_space<semaphore_mem>>) src(%arg7 : memref<10000xf32, #tpu.memory_space<vmem>>) dst(%dma_wait3A_85 : memref<10000xf32, #tpu.memory_space<hbm>>)
      tpu.yield
    }) : () -> ()
    %add3A_80 = arith.constant 10000 : i32
    %add3A_81 = arith.addi %add3A_79, %add3A_80 : i32
    "tpu.region"() ({
      %run_scoped3A = tpu.sem_alloc : memref<!tpu.dma_semaphore, #tpu.memory_space<semaphore_mem>>
      %dma_start3A_82 = tpu.memref_slice %arg4[%add3A_81] : memref<640000xf32, #tpu.memory_space<hbm>> -> memref<10000xf32, #tpu.memory_space<hbm>>
      %dma_start3A_83 = tpu.memref_slice %arg4[%add3A_81] : memref<640000xf32, #tpu.memory_space<hbm>> -> memref<10000xf32, #tpu.memory_space<hbm>>
      tpu.enqueue_dma source(%arg8 : memref<10000xf32, #tpu.memory_space<vmem>>) target(%dma_start3A_83 : memref<10000xf32, #tpu.memory_space<hbm>>) target_semaphore(%run_scoped3A : memref<!tpu.dma_semaphore, #tpu.memory_space<semaphore_mem>>)
      %dma_wait3A_84 = tpu.memref_slice %arg4[%add3A_81] : memref<640000xf32, #tpu.memory_space<hbm>> -> memref<10000xf32, #tpu.memory_space<hbm>>
      %dma_wait3A_85 = tpu.memref_slice %arg4[%add3A_81] : memref<640000xf32, #tpu.memory_space<hbm>> -> memref<10000xf32, #tpu.memory_space<hbm>>
      tpu.wait_dma2 semaphore(%run_scoped3A : memref<!tpu.dma_semaphore, #tpu.memory_space<semaphore_mem>>) src(%arg8 : memref<10000xf32, #tpu.memory_space<vmem>>) dst(%dma_wait3A_85 : memref<10000xf32, #tpu.memory_space<hbm>>)
      tpu.yield
    }) : () -> ()
    return
  }
}

module attributes {stable_mosaic.version = 14 : i64} {
  func.func @_pre_body(%arg0: memref<32x10000xf32, #tpu.memory_space<vmem>>, %arg1: memref<10000x128xf32, #tpu.memory_space<vmem>>, %arg2: memref<32x128xf32, #tpu.memory_space<vmem>>, %arg3: memref<32x10000xf32, #tpu.memory_space<vmem>>, %arg4: memref<1x10000xf32, #tpu.memory_space<vmem>>) attributes {dimension_semantics = [], scalar_prefetch = 0 : i64, scratch_operands = 0 : i64, tpu.core_type = #tpu.core_type<tc>} {
    %get3A = arith.constant 0 : index
    %get3A_0 = arith.constant 0 : index
    %get3A_1 = vector.load %arg0[%get3A, %get3A_0] : memref<32x10000xf32, #tpu.memory_space<vmem>>, vector<32x10000xf32>
    %reduce_sum3A = arith.constant dense<0.000000e+00> : vector<10000xf32>
    %reduce_sum3A_2 = vector.multi_reduction <add>, %get3A_1, %reduce_sum3A [0] : vector<32x10000xf32> to vector<10000xf32>
    %broadcast_in_dim3A = vector.shape_cast %reduce_sum3A_2 : vector<10000xf32> to vector<1x10000xf32>
    %add3A = arith.constant 1.000000e+00 : f32
    %add3A_3 = vector.broadcast %add3A : f32 to vector<1x10000xf32>
    %add3A_4 = arith.addf %broadcast_in_dim3A, %add3A_3 : vector<1x10000xf32>
    %rsqrt3A = math.rsqrt %add3A_4 : vector<1x10000xf32>
    %get3A_5 = arith.constant 0 : index
    %get3A_6 = arith.constant 0 : index
    %get3A_7 = vector.load %arg2[%get3A_5, %get3A_6] : memref<32x128xf32, #tpu.memory_space<vmem>>, vector<32x128xf32>
    %get3A_8 = arith.constant 0 : index
    %get3A_9 = arith.constant 0 : index
    %get3A_10 = vector.load %arg1[%get3A_8, %get3A_9] : memref<10000x128xf32, #tpu.memory_space<vmem>>, vector<10000x128xf32>
    %dot_general3A = arith.constant dense<0.000000e+00> : vector<32x10000xf32>
    %dot_general3A_11 = tpu.matmul %get3A_7, %get3A_10, %dot_general3A {dimension_numbers = #tpu.dot_dimension_numbers<[1], [1], [0], [0], [0, 0, 1, 0], [], []>, transpose_lhs_hint = false} : vector<32x128xf32>, vector<10000x128xf32>, vector<32x10000xf32> -> vector<32x10000xf32>
    %mul3A = vector.broadcast %rsqrt3A : vector<1x10000xf32> to vector<32x10000xf32>
    %mul3A_12 = arith.mulf %dot_general3A_11, %mul3A : vector<32x10000xf32>
    %swap3A = arith.constant 0 : index
    %swap3A_13 = arith.constant 0 : index
    %swap3A_14 = vector.load %arg3[%swap3A, %swap3A_13] : memref<32x10000xf32, #tpu.memory_space<vmem>>, vector<32x10000xf32>
    tpu.vector_store %arg3[%swap3A, %swap3A_13], %mul3A_12 {strides = array<i32>} : memref<32x10000xf32, #tpu.memory_space<vmem>>, vector<32x10000xf32>,
    %swap3A_15 = arith.constant 0 : index
    %swap3A_16 = arith.constant 0 : index
    %swap3A_17 = vector.load %arg4[%swap3A_15, %swap3A_16] : memref<1x10000xf32, #tpu.memory_space<vmem>>, vector<1x10000xf32>
    tpu.vector_store %arg4[%swap3A_15, %swap3A_16], %rsqrt3A {strides = array<i32>} : memref<1x10000xf32, #tpu.memory_space<vmem>>, vector<1x10000xf32>,
    return
  }
}

module attributes {stable_mosaic.version = 14 : i64} {
  func.func @_mid_body(%arg0: memref<2x32x10000xf32, #tpu.memory_space<vmem>>, %arg1: memref<32x10000xf32, #tpu.memory_space<vmem>>, %arg2: memref<1x10000xf32, #tpu.memory_space<vmem>>, %arg3: memref<32x1xf32, #tpu.memory_space<vmem>>, %arg4: memref<32x1xf32, #tpu.memory_space<vmem>>, %arg5: memref<32x1xf32, #tpu.memory_space<vmem>>, %arg6: memref<32x32xf32, #tpu.memory_space<vmem>>, %arg7: memref<32x10000xf32, #tpu.memory_space<vmem>>) attributes {dimension_semantics = [], scalar_prefetch = 0 : i64, scratch_operands = 0 : i64, tpu.core_type = #tpu.core_type<tc>} {
    %get3A = arith.constant 0 : index
    %get3A_0 = arith.constant 0 : index
    %get3A_1 = vector.load %arg2[%get3A, %get3A_0] : memref<1x10000xf32, #tpu.memory_space<vmem>>, vector<1x10000xf32>
    %get3A_2 = arith.constant 0 : index
    %get3A_3 = arith.constant 0 : index
    %get3A_4 = arith.constant 0 : index
    %get3A_5 = vector.load %arg0[%get3A_2, %get3A_3, %get3A_4] : memref<2x32x10000xf32, #tpu.memory_space<vmem>>, vector<1x32x10000xf32>
    %get3A_6 = vector.shape_cast %get3A_5 : vector<1x32x10000xf32> to vector<32x10000xf32>
    %get3A_7 = arith.constant 1 : index
    %get3A_8 = arith.constant 0 : index
    %get3A_9 = arith.constant 0 : index
    %get3A_10 = vector.load %arg0[%get3A_7, %get3A_8, %get3A_9] : memref<2x32x10000xf32, #tpu.memory_space<vmem>>, vector<1x32x10000xf32>
    %get3A_11 = vector.shape_cast %get3A_10 : vector<1x32x10000xf32> to vector<32x10000xf32>
    %add3A = arith.addf %get3A_6, %get3A_11 : vector<32x10000xf32>
    %get3A_12 = arith.constant 0 : index
    %get3A_13 = arith.constant 0 : index
    %get3A_14 = vector.load %arg1[%get3A_12, %get3A_13] : memref<32x10000xf32, #tpu.memory_space<vmem>>, vector<32x10000xf32>
    %add3A_15 = arith.addf %add3A, %get3A_14 : vector<32x10000xf32>
    %mul3A = vector.broadcast %get3A_1 : vector<1x10000xf32> to vector<32x10000xf32>
    %mul3A_16 = arith.mulf %mul3A, %add3A_15 : vector<32x10000xf32>
    %get3A_17 = arith.constant 0 : index
    %get3A_18 = arith.constant 0 : index
    %get3A_19 = vector.load %arg3[%get3A_17, %get3A_18] : memref<32x1xf32, #tpu.memory_space<vmem>>, vector<32x1xf32>
    %add3A_20 = vector.broadcast %get3A_19 : vector<32x1xf32> to vector<32x10000xf32>
    %add3A_21 = arith.addf %mul3A_16, %add3A_20 : vector<32x10000xf32>
    %max3A = arith.constant 0.000000e+00 : f32
    %max3A_22 = vector.broadcast %max3A : f32 to vector<32x10000xf32>
    %max3A_23 = arith.maximumf %add3A_21, %max3A_22 : vector<32x10000xf32>
    %reduce_sum3A = arith.constant dense<0.000000e+00> : vector<10000xf32>
    %reduce_sum3A_24 = vector.multi_reduction <add>, %max3A_23, %reduce_sum3A [0] : vector<32x10000xf32> to vector<10000xf32>
    %broadcast_in_dim3A = vector.shape_cast %reduce_sum3A_24 : vector<10000xf32> to vector<1x10000xf32>
    %div3A = arith.constant 3.200000e+01 : f32
    %div3A_25 = vector.broadcast %div3A : f32 to vector<1x10000xf32>
    %div3A_26 = arith.divf %broadcast_in_dim3A, %div3A_25 : vector<1x10000xf32>
    %sub3A = vector.broadcast %div3A_26 : vector<1x10000xf32> to vector<32x10000xf32>
    %sub3A_27 = arith.subf %max3A_23, %sub3A : vector<32x10000xf32>
    %sub3A_28 = vector.broadcast %div3A_26 : vector<1x10000xf32> to vector<32x10000xf32>
    %sub3A_29 = arith.subf %max3A_23, %sub3A_28 : vector<32x10000xf32>
    %mul3A_30 = arith.mulf %sub3A_27, %sub3A_29 : vector<32x10000xf32>
    %reduce_sum3A_31 = arith.constant dense<0.000000e+00> : vector<10000xf32>
    %reduce_sum3A_32 = vector.multi_reduction <add>, %mul3A_30, %reduce_sum3A_31 [0] : vector<32x10000xf32> to vector<10000xf32>
    %broadcast_in_dim3A_33 = vector.shape_cast %reduce_sum3A_32 : vector<10000xf32> to vector<1x10000xf32>
    %div3A_34 = arith.constant 3.200000e+01 : f32
    %div3A_35 = vector.broadcast %div3A_34 : f32 to vector<1x10000xf32>
    %div3A_36 = arith.divf %broadcast_in_dim3A_33, %div3A_35 : vector<1x10000xf32>
    %sub3A_37 = vector.broadcast %div3A_26 : vector<1x10000xf32> to vector<32x10000xf32>
    %sub3A_38 = arith.subf %max3A_23, %sub3A_37 : vector<32x10000xf32>
    %add3A_39 = arith.constant 9.99999974E-6 : f32
    %add3A_40 = vector.broadcast %add3A_39 : f32 to vector<1x10000xf32>
    %add3A_41 = arith.addf %div3A_36, %add3A_40 : vector<1x10000xf32>
    %rsqrt3A = math.rsqrt %add3A_41 : vector<1x10000xf32>
    %mul3A_42 = vector.broadcast %rsqrt3A : vector<1x10000xf32> to vector<32x10000xf32>
    %mul3A_43 = arith.mulf %sub3A_38, %mul3A_42 : vector<32x10000xf32>
    %get3A_44 = arith.constant 0 : index
    %get3A_45 = arith.constant 0 : index
    %get3A_46 = vector.load %arg4[%get3A_44, %get3A_45] : memref<32x1xf32, #tpu.memory_space<vmem>>, vector<32x1xf32>
    %mul3A_47 = vector.broadcast %get3A_46 : vector<32x1xf32> to vector<32x10000xf32>
    %mul3A_48 = arith.mulf %mul3A_43, %mul3A_47 : vector<32x10000xf32>
    %get3A_49 = arith.constant 0 : index
    %get3A_50 = arith.constant 0 : index
    %get3A_51 = vector.load %arg5[%get3A_49, %get3A_50] : memref<32x1xf32, #tpu.memory_space<vmem>>, vector<32x1xf32>
    %add3A_52 = vector.broadcast %get3A_51 : vector<32x1xf32> to vector<32x10000xf32>
    %add3A_53 = arith.addf %mul3A_48, %add3A_52 : vector<32x10000xf32>
    %get3A_54 = arith.constant 0 : index
    %get3A_55 = arith.constant 0 : index
    %get3A_56 = vector.load %arg6[%get3A_54, %get3A_55] : memref<32x32xf32, #tpu.memory_space<vmem>>, vector<32x32xf32>
    %dot_general3A = arith.constant dense<0.000000e+00> : vector<32x10000xf32>
    %dot_general3A_57 = tpu.matmul %get3A_56, %add3A_53, %dot_general3A {dimension_numbers = #tpu.dot_dimension_numbers<[1], [0], [0], [1], [0, 0, 1, 1], [], []>, transpose_lhs_hint = false} : vector<32x32xf32>, vector<32x10000xf32>, vector<32x10000xf32> -> vector<32x10000xf32>
    %mul3A_58 = vector.broadcast %get3A_1 : vector<1x10000xf32> to vector<32x10000xf32>
    %mul3A_59 = arith.mulf %dot_general3A_57, %mul3A_58 : vector<32x10000xf32>
    %swap3A = arith.constant 0 : index
    %swap3A_60 = arith.constant 0 : index
    %swap3A_61 = vector.load %arg7[%swap3A, %swap3A_60] : memref<32x10000xf32, #tpu.memory_space<vmem>>, vector<32x10000xf32>
    tpu.vector_store %arg7[%swap3A, %swap3A_60], %mul3A_59 {strides = array<i32>} : memref<32x10000xf32, #tpu.memory_space<vmem>>, vector<32x10000xf32>,
    return
  }
}

module attributes {stable_mosaic.version = 14 : i64} {
  func.func @_post_body(%arg0: memref<2x32x10000xf32, #tpu.memory_space<vmem>>, %arg1: memref<32x10000xf32, #tpu.memory_space<vmem>>, %arg2: memref<1x10000xf32, #tpu.memory_space<vmem>>, %arg3: memref<32x1xf32, #tpu.memory_space<vmem>>, %arg4: memref<16x32xf32, #tpu.memory_space<vmem>>, %arg5: memref<16x1xf32, #tpu.memory_space<vmem>>, %arg6: memref<16x16xf32, #tpu.memory_space<vmem>>, %arg7: memref<1x16xf32, #tpu.memory_space<vmem>>, %arg8: memref<10000x16xf32, #tpu.memory_space<vmem>>) attributes {dimension_semantics = [], scalar_prefetch = 0 : i64, scratch_operands = 0 : i64, tpu.core_type = #tpu.core_type<tc>} {
    %get3A = arith.constant 0 : index
    %get3A_0 = arith.constant 0 : index
    %get3A_1 = vector.load %arg2[%get3A, %get3A_0] : memref<1x10000xf32, #tpu.memory_space<vmem>>, vector<1x10000xf32>
    %get3A_2 = arith.constant 0 : index
    %get3A_3 = arith.constant 0 : index
    %get3A_4 = arith.constant 0 : index
    %get3A_5 = vector.load %arg0[%get3A_2, %get3A_3, %get3A_4] : memref<2x32x10000xf32, #tpu.memory_space<vmem>>, vector<1x32x10000xf32>
    %get3A_6 = vector.shape_cast %get3A_5 : vector<1x32x10000xf32> to vector<32x10000xf32>
    %get3A_7 = arith.constant 1 : index
    %get3A_8 = arith.constant 0 : index
    %get3A_9 = arith.constant 0 : index
    %get3A_10 = vector.load %arg0[%get3A_7, %get3A_8, %get3A_9] : memref<2x32x10000xf32, #tpu.memory_space<vmem>>, vector<1x32x10000xf32>
    %get3A_11 = vector.shape_cast %get3A_10 : vector<1x32x10000xf32> to vector<32x10000xf32>
    %add3A = arith.addf %get3A_6, %get3A_11 : vector<32x10000xf32>
    %get3A_12 = arith.constant 0 : index
    %get3A_13 = arith.constant 0 : index
    %get3A_14 = vector.load %arg1[%get3A_12, %get3A_13] : memref<32x10000xf32, #tpu.memory_space<vmem>>, vector<32x10000xf32>
    %add3A_15 = arith.addf %add3A, %get3A_14 : vector<32x10000xf32>
    %mul3A = vector.broadcast %get3A_1 : vector<1x10000xf32> to vector<32x10000xf32>
    %mul3A_16 = arith.mulf %mul3A, %add3A_15 : vector<32x10000xf32>
    %get3A_17 = arith.constant 0 : index
    %get3A_18 = arith.constant 0 : index
    %get3A_19 = vector.load %arg3[%get3A_17, %get3A_18] : memref<32x1xf32, #tpu.memory_space<vmem>>, vector<32x1xf32>
    %add3A_20 = vector.broadcast %get3A_19 : vector<32x1xf32> to vector<32x10000xf32>
    %add3A_21 = arith.addf %mul3A_16, %add3A_20 : vector<32x10000xf32>
    %max3A = arith.constant 0.000000e+00 : f32
    %max3A_22 = vector.broadcast %max3A : f32 to vector<32x10000xf32>
    %max3A_23 = arith.maximumf %add3A_21, %max3A_22 : vector<32x10000xf32>
    %get3A_24 = arith.constant 0 : index
    %get3A_25 = arith.constant 0 : index
    %get3A_26 = vector.load %arg4[%get3A_24, %get3A_25] : memref<16x32xf32, #tpu.memory_space<vmem>>, vector<16x32xf32>
    %dot_general3A = arith.constant dense<0.000000e+00> : vector<16x10000xf32>
    %dot_general3A_27 = tpu.matmul %get3A_26, %max3A_23, %dot_general3A {dimension_numbers = #tpu.dot_dimension_numbers<[1], [0], [0], [1], [0, 0, 1, 1], [], []>, transpose_lhs_hint = false} : vector<16x32xf32>, vector<32x10000xf32>, vector<16x10000xf32> -> vector<16x10000xf32>
    %get3A_28 = arith.constant 0 : index
    %get3A_29 = arith.constant 0 : index
    %get3A_30 = vector.load %arg5[%get3A_28, %get3A_29] : memref<16x1xf32, #tpu.memory_space<vmem>>, vector<16x1xf32>
    %add3A_31 = vector.broadcast %get3A_30 : vector<16x1xf32> to vector<16x10000xf32>
    %add3A_32 = arith.addf %dot_general3A_27, %add3A_31 : vector<16x10000xf32>
    %max3A_33 = arith.constant 0.000000e+00 : f32
    %max3A_34 = vector.broadcast %max3A_33 : f32 to vector<16x10000xf32>
    %max3A_35 = arith.maximumf %add3A_32, %max3A_34 : vector<16x10000xf32>
    %get3A_36 = arith.constant 0 : index
    %get3A_37 = arith.constant 0 : index
    %get3A_38 = vector.load %arg6[%get3A_36, %get3A_37] : memref<16x16xf32, #tpu.memory_space<vmem>>, vector<16x16xf32>
    %dot_general3A_39 = arith.constant dense<0.000000e+00> : vector<10000x16xf32>
    %dot_general3A_40 = tpu.matmul %max3A_35, %get3A_38, %dot_general3A_39 {dimension_numbers = #tpu.dot_dimension_numbers<[0], [0], [1], [1], [0, 1, 1, 1], [], []>, transpose_lhs_hint = false} : vector<16x10000xf32>, vector<16x16xf32>, vector<10000x16xf32> -> vector<10000x16xf32>
    %get3A_41 = arith.constant 0 : index
    %get3A_42 = arith.constant 0 : index
    %get3A_43 = vector.load %arg7[%get3A_41, %get3A_42] : memref<1x16xf32, #tpu.memory_space<vmem>>, vector<1x16xf32>
    %add3A_44 = vector.broadcast %get3A_43 : vector<1x16xf32> to vector<10000x16xf32>
    %add3A_45 = arith.addf %dot_general3A_40, %add3A_44 : vector<10000x16xf32>
    %reduce_max3A = arith.constant dense<0xFF800000> : vector<10000xf32>
    %reduce_max3A_46 = vector.multi_reduction <maximumf>, %add3A_45, %reduce_max3A [1] : vector<10000x16xf32> to vector<10000xf32>
    %broadcast_in_dim3A = vector.shape_cast %reduce_max3A_46 : vector<10000xf32> to vector<10000x1xf32>
    %sub3A = vector.broadcast %broadcast_in_dim3A : vector<10000x1xf32> to vector<10000x16xf32>
    %sub3A_47 = arith.subf %add3A_45, %sub3A : vector<10000x16xf32>
    %exp3A = math.exp %sub3A_47 : vector<10000x16xf32>
    %reduce_sum3A = arith.constant dense<0.000000e+00> : vector<10000xf32>
    %reduce_sum3A_48 = vector.multi_reduction <add>, %exp3A, %reduce_sum3A [1] : vector<10000x16xf32> to vector<10000xf32>
    %broadcast_in_dim3A_49 = vector.shape_cast %reduce_sum3A_48 : vector<10000xf32> to vector<10000x1xf32>
    %div3A = vector.broadcast %broadcast_in_dim3A_49 : vector<10000x1xf32> to vector<10000x16xf32>
    %div3A_50 = arith.divf %exp3A, %div3A : vector<10000x16xf32>
    %swap3A = arith.constant 0 : index
    %swap3A_51 = arith.constant 0 : index
    %swap3A_52 = vector.load %arg8[%swap3A, %swap3A_51] : memref<10000x16xf32, #tpu.memory_space<vmem>>, vector<10000x16xf32>
    tpu.vector_store %arg8[%swap3A, %swap3A_51], %div3A_50 {strides = array<i32>} : memref<10000x16xf32, #tpu.memory_space<vmem>>, vector<10000x16xf32>,
    return
  }
}

</mosaic_0001>

<sc_bundles>
// kernel: kernel.10.cloned.1.call-start
scs
__scs_entry_jumppad:
0x0: {  	(pc) =	sbr.rel $0x88, $3  }
0x1: {  	(tag) =	ssettag $0x0;
	lr =	simm.s32 $0x1  }
0x2: {  	[smem:$0x3F91] =	sst lr;
	_ =	strace $0xD0000000  }
0x3: {  	_ = 	snop  }
0x4: {  	_ = 	snop  }
0x5: {  	_ = 	snop  }
0x6: {  	_ = 	snop  }
0x7: {  	_ = 	snop  }
__scs_overlays_trampoline_lowered:
0x8: {  	[smem:$0x3FA0] =	sst s0  }
0x9: {  	[smem:$0x3FA1] =	sst s1  }
0xa: {  	[smem:$0x3FA2] =	sst s2  }
0xb: {  	[smem:$0x3FA3] =	sst s3  }
0xc: {  	[smem:$0x3FA4] =	sst s4  }
0xd: {  	[smem:$0x3FA5] =	sst s5  }
0xe: {  	[smem:$0x3FA6] =	sst s6  }
0xf: {  	[smem:$0x3FA7] =	sst s7  }
0x10: {  	[smem:$0x3FA8] =	sst s8  }
0x11: {  	[smem:$0x3FA9] =	sst s9;
	s0 =	simm.s32 @!p0 $0x0  }
0x12: {  	s1 =	sld [smem:$0x3F8F];
	s0 =	simm.s32 @p0 $0x1  }
0x13: {  	[smem:$0x3FAA] =	sst s0;
	s0 =	simm.s32 @!p1 $0x0  }
0x14: {  	s2 =	sld [smem:$0x3F8E];
	s0 =	simm.s32 @p1 $0x1  }
0x15: {  	[smem:$0x3FAB] =	sst s0;
	s0 =	simm.s32 @!p2 $0x0  }
0x16: {  	s3 =	sld [smem:$0x3FDB];
	s0 =	simm.s32 @p2 $0x1  }
0x17: {  	s4 =	simm.s32 $0x1BF5;
	[smem:$0x3FAD] =	sst s0  }
0x18: {  	s0 =	sld [smem:$0x3F90];
	_ =	swait.ge [sflag:s4], $0x0  }
0x19: {  	s7 =	sld [smem:$0x3F91]  }
0x1a: {  	s8 =	sadd.s32 $0xFFFFE003, lr  }
0x1b: {  	s9 =	sadd.s32 $0xFFFFFEF7, lr;
	s5 =	simm.s32 $0xFFFFFFFF;
	p2 =	slt.u32 s8, $0xFFFFF086  }
0x1c: {  	p1 =	slt.u32 s9, $0xF7A;
	s5 =	simm.s32 @!p2 $0x0  }
0x1d: {  	s5 =	simm.s32 @p1 $0x1;
	p0 =	seq.s32 s7, s2  }
0x1e: {  	s7 =	smul.u32 @!p0 $0xF7A, s2;
	p2 =	seq.s32 @!p0 s5, $0x0  }
0x1f: {  	s9 =	smul.u32 $0xF7A, s1;
	s8 =	simm.s32 @!p0 $0x1BF5;
	p2 =	por !p2, p0  }
0x20: {  	[sflag:s8] =	ssyncset.s32 @!p0 $0xFFFFF086;
	s6 =	sadd.s32 @!p0 s3, s7;
	s7 =	simm.s32 @!p0 $0x108  }
0x21: {  	s3 =	sadd.s32 s3, s9;
	s6 =	sadd.s32 @!p0 $0x88, s6;
	s7 =	simm.s32 @p2 $0x1082  }
0x22: {  	[simem:s7], [sflag:s8] =	dma.local @!p0 [hbm:s6], $0xF7A  }
0x23: {  	s9 =	sor.u32 $0xD0000000, s2;
	s6 =	simm.s32 $0x108;
	_ =	swait.ge @!p0 [sflag:s8], $0x0  }
0x24: {  	s3 =	sadd.s32 $0x88, s3;
	s6 =	simm.s32 @!p1 $0x1082;
	[sflag:s4] =	ssyncset.s32 $0xFFFFF086  }
0x25: {  	[simem:s6], [sflag:s4] =	dma.local [hbm:s3], $0xF7A  }
0x26: {  	[smem:$0x3F91] =	sst s1;
	(tag) =	ssettag s2;
	_ =	strace s9  }
0x27: {  	s1 =	sld [smem:$0x3FA1]  }
0x28: {  	s2 =	sld [smem:$0x3FA2]  }
0x29: {  	s4 =	sld [smem:$0x3FA4]  }
0x2a: {  	p0 =	seq.s32 s5, $0x0;
	s5 =	sld [smem:$0x3FA5]  }
0x2b: {  	s6 =	sld [smem:$0x3FA6]  }
0x2c: {  	s7 =	sld [smem:$0x3FA7]  }
0x2d: {  	s3 =	simm.s32 $0x108;
	s8 =	sld [smem:$0x3FA8]  }
0x2e: {  	s3 =	simm.s32 @!p0 $0x1082;
	s9 =	sld [smem:$0x3FA9]  }
0x2f: {  	lr =	sadd.s32 s0, s3;
	s0 =	sld [smem:$0x3FA0]  }
0x30: {  	s3 =	sld [smem:$0x3FA3]  }
0x31: {  	[smem:$0x3FAC] =	sst s10  }
0x32: {  	s10 =	sld [smem:$0x3FAA];
	_ =	sdelay $0x3  }
0x33: {  	p0 =	seq.s32 s10, $0x1;
	s10 =	sld [smem:$0x3FAC];
	_ =	sdelay $0x3  }
0x34: {  	[smem:$0x3FAC] =	sst s10  }
0x35: {  	s10 =	sld [smem:$0x3FAB];
	_ =	sdelay $0x3  }
0x36: {  	p1 =	seq.s32 s10, $0x1;
	s10 =	sld [smem:$0x3FAC];
	_ =	sdelay $0x3  }
0x37: {  	[smem:$0x3FAC] =	sst s10  }
0x38: {  	s10 =	sld [smem:$0x3FAD]  }
0x39: {  	_ = 	snop;
	(pc) =	sbr.ind lr, $3  }
0x3a: {  	_ = 	snop  }
0x3b: {  	_ = 	snop  }
0x3c: {  	p2 =	seq.s32 s10, $0x1;
	s10 =	sld [smem:$0x3FAC]  }
0x3d: {  	_ =	shalt  }
0x3e: {  	_ =	shalt  }
0x3f: {  	_ =	shalt  }
0x40: {  	_ =	shalt  }
0x41: {  	_ =	shalt  }
0x42: {  	_ =	shalt  }
0x43: {  	_ =	shalt  }
0x44: {  	_ =	shalt  }
0x45: {  	_ =	shalt  }
0x46: {  	_ =	shalt  }
0x47: {  	_ =	shalt  }
0x48: {  	_ =	shalt  }
0x49: {  	_ =	shalt  }
0x4a: {  	_ =	shalt  }
0x4b: {  	_ =	shalt  }
0x4c: {  	_ =	shalt  }
0x4d: {  	_ =	shalt  }
0x4e: {  	_ =	shalt  }
0x4f: {  	_ =	shalt  }
0x50: {  	_ =	shalt  }
0x51: {  	_ =	shalt  }
0x52: {  	_ =	shalt  }
0x53: {  	_ =	shalt  }
0x54: {  	_ =	shalt  }
0x55: {  	_ =	shalt  }
0x56: {  	_ =	shalt  }
0x57: {  	_ =	shalt  }
0x58: {  	_ =	shalt  }
0x59: {  	_ =	shalt  }
0x5a: {  	_ =	shalt  }
0x5b: {  	_ =	shalt  }
0x5c: {  	_ =	shalt  }
0x5d: {  	_ =	shalt  }
0x5e: {  	_ =	shalt  }
0x5f: {  	_ =	shalt  }
0x60: {  	_ =	shalt  }
0x61: {  	_ =	shalt  }
0x62: {  	_ =	shalt  }
0x63: {  	_ =	shalt  }
0x64: {  	_ =	shalt  }
0x65: {  	_ =	shalt  }
0x66: {  	_ =	shalt  }
0x67: {  	_ =	shalt  }
0x68: {  	_ =	shalt  }
0x69: {  	_ =	shalt  }
0x6a: {  	_ =	shalt  }
0x6b: {  	_ =	shalt  }
0x6c: {  	_ =	shalt  }
0x6d: {  	_ =	shalt  }
0x6e: {  	_ =	shalt  }
0x6f: {  	_ =	shalt  }
0x70: {  	_ =	shalt  }
0x71: {  	_ =	shalt  }
0x72: {  	_ =	shalt  }
0x73: {  	_ =	shalt  }
0x74: {  	_ =	shalt  }
0x75: {  	_ =	shalt  }
0x76: {  	_ =	shalt  }
0x77: {  	_ =	shalt  }
0x78: {  	_ =	shalt  }
0x79: {  	_ =	shalt  }
0x7a: {  	_ =	shalt  }
0x7b: {  	_ =	shalt  }
0x7c: {  	_ =	shalt  }
0x7d: {  	_ =	shalt  }
0x7e: {  	_ =	shalt  }
0x7f: {  	_ =	shalt  }
0x80: {  	_ =	shalt  }
0x81: {  	_ =	shalt  }
0x82: {  	_ =	shalt  }
0x83: {  	_ =	shalt  }
0x84: {  	_ =	shalt  }
0x85: {  	_ =	shalt  }
0x86: {  	_ =	shalt  }
0x87: {  	_ =	shalt  }
.Lfunc_end0:
.L_simem_size_0:
called_computation_lowered:
.L_overlay_start_0:
0x88: {  	s2 =	sld [smem:$0x3FD9]  }
0x89: {  	s3 =	sld [smem:$0x3FFE];
	_ =	sdelay $0x1  }
0x8a: {  	s1 =	srdreg.scid  }
0x8b: {  	s0 =	sand.u32 $0x1, s1  }
0x8c: {  	s16 =	sshll.u32 s0, $0xA;
	s2 =	sadd.s32 s3, s2  }
0x8d: {  	s2 =	sadd.s32 s2, s16  }
0x8e: {  	[smem:$0x3FB8] =	sst s2  }
0x8f: {  	_ = 	snop  }
0x90: {  	(tm) =	ssettm $0x1  }
0x91: {  	s17 =	sld [smem:$0x3FFB];
	_ =	sdelay $0x3  }
0x92: {  	_ =	strace s17  }
0x93: {  	s2 =	sld [smem:$0x3FFC];
	_ =	sdelay $0x3  }
0x94: {  	_ =	strace s2  }
0x95: {  	s2 =	sld [smem:$0x3FFD];
	_ =	sdelay $0x3  }
0x96: {  	_ =	strace s2  }
0x97: {  	_ =	strace $0x8FFFFFFF  }
0x98: {  	s18 =	sld [smem:$0x3FDB];
	_ =	sdelay $0x1  }
0x99: {  	s19 =	simm.s32 $_scs_section_size  }
0x9a: {  	s4 =	simm.s32 $_size__tile_overlayer_lowered;
	s5 =	simm.s32 $_tile_overlayer_lowered  }
0x9b: {  	s22 =	simm.s32 $0x1BFF;
	s21 =	sshll.u32 s5, $0x1;
	s2 =	sadd.s32 s19, s18  }
0x9c: {  	s6 =	simm.s32 $0x0;
	s20 =	sshll.u32 s4, $0x1;
	s4 =	sadd.s32 s21, s2  }
0x9d: {  	[timem:s6], [sflag:s22] =	dma.local [hbm:s4], s20  }
0x9e: {  	_ =	swait.ge [sflag:s22], s20  }
0x9f: {  	s3 =	ssub.s32 $0x0, s20;
	[sflag:s22] =	ssyncset.done $0x0  }
0xa0: {  	[sflag:s22] =	ssyncadd.s32 s3;
	_ =	sdelay $0x1  }
0xa1: {  	s23 =	simm.s32 $0x1B8B  }
0xa2: {  	_ =	swait.ge [sflag:s23], $0x1  }
0xa3: {  	[sflag:s23] =	ssyncset.done $0x0  }
0xa4: {  	s25 =	simm.s32 $0x1B8E;
	s24 =	sld [smem:$0x3FFE];
	[sflag:s23] =	ssyncadd.s32 $0xFFFFFFFF  }
0xa5: {  	s26 =	simm.s32 $execute0_lowered;
	[smem:$0x3FD2] =	sst s25  }
0xa6: {  	s4 =	sshll.u32 s26, $0x1;
	_ =	strace $0x80000046;
	[dreg:$0x1] =	wrdreg $0xFFFFFFFF  }
0xa7: {  	s28 =	simm.s32 $_size_execute0_lowered;
	s2 =	sadd.s32 s2, s4;
	[dreg:$0x0] =	wrdreg $0x0  }
0xa8: {  	s4 =	sshll.u32 s28, $0x1;
	[dreg:$0x2] =	wrdreg s2  }
0xa9: {  	[dreg:$0x3] =	wrdreg s4  }
0xaa: {  	[dreg:$0x4] =	wrdreg $0xC0  }
0xab: {  	_ =	task [dreg:s6], $0x5FFFF  }
0xac: {  	[dreg:$0x1] =	wrdreg $0xFFFFFFFF  }
0xad: {  	[dreg:$0x0] =	wrdreg $0x60  }
0xae: {  	[dreg:$0x2] =	wrdreg s24  }
0xaf: {  	[dreg:$0x3] =	wrdreg $0x9  }
0xb0: {  	_ =	task.clear_ibuf [dreg:s6], $0x4FFFF;
	_ =	strace $0x90000046  }
0xb1: {  	s29 =	simm.s32 $0x9;
	_ =	strace $0x80000048  }
0xb2: {  	_ =	swait.ge [sflag:s29], $0x1  }
0xb3: {  	[sflag:s29] =	ssyncadd.s32 $0xFFFFFFFF  }
0xb4: {  	_ =	strace $0x90000048  }
0xb5: {  	_ =	sfence  }
0xb6: {  	s30 =	sld [smem:$0x0];
	_ =	sdelay $0x2  }
0xb7: {  	s31 =	sshll.u32 s1, $0xD;
	s1 =	sshrl.u32 s1, $0x2  }
0xb8: {  	s3 =	sand.u32 $0x4000, s31;
	s1 =	sadd.s32 s1, s30  }
0xb9: {  	s0 =	sor.u32 s3, s0;
	s1 =	sshll.u32 s1, $0x11  }
0xba: {  	s0 =	sor.u32 s1, s0  }
0xbb: {  	s0 =	sadd.s32 $0x8F2B, s0  }
0xbc: {  	[sflag:s0] =	ssyncadd.remote.s32 $0x1  }
0xbd: {  	_ =	sfence.sel $0xFFFF  }
0xbe: {  	[dreg:$0x0] =	wrdreg $0xFFFFFFFF;
	(pc) =	sbr.abs _section_cstart, $3  }
0xbf: {  	[dreg:$0x1] =	wrdreg $0xFFFFFFFF  }
0xc0: {  	_ =	task.clear_ibuf [dreg:s6], $0x2FFFF;
	_ =	strace $0x9FFFFFFF  }
0xc1: {  	(tm) =	ssettm $0x7FFFFFFF  }
tec
execute0_lowered:
.L_overlay_start_1:
0x0: {  	(tag) =	ssettag $0x1  }
0x1: {  	s1 =	srdreg.scid;
	s0 =	stileid.u32  }
0x2: {  	s4 =	rddreg [dreg:$0x0];
	s3 =	sand.u32 $0x1, s1;
	s30 =	sshll.u32 s0, $0x1  }
0x3: {  	s2 =	simm.s32 $0x0;
	s8 =	simm.s32 $0x1;
	s1 =	sor.u32 s3, s30  }
0x4: {  	s9 =	simm.s32 $0x2780;
	s10 =	simm.s32 $0x7680;
	s5 =	smul.u32 $0x2710, s1  }
0x5: {  	s11 =	simm.s32 $0x4F00;
	s12 =	simm.s32 $0x0;
	s3 =	ssub.s32 $0x2, s3  }
0x6: {  	[smem:$0x7FF] =	sst s2;
	s31 =	sshrl.u32 s3, $0x1;
	s5 =	sshrl.u32 s5, $0x3  }
0x7: {  	s1 =	rddreg [dreg:$0x1];
	s7 =	ssub.s32 s3, s31;
	s6 =	sadd.s32 s5, s4  }
0x8: {  	_ =	strace $0x80000047;
	s7 =	smax.u32 s7, $0x1;
	s3 =	sadd.s32 $0x3A00, s6  }
0x9: {  	v0 =	vimm.f32 $0.0e+00;
	v1 =	vimm.f32 $1.000000000e+00;
	s4 =	sadd.s32 $0xD640, s6;
	s5 =	sadd.s32 $0x21200, s6;
	s6 =	sadd.s32 $0x17400, s6  }
.LBB2_1:
0xa: {  	[tilespmem:s2], [sflag:$0x1] =	stream.linear.gather [hbm4b:s3+s2], $0x2710, $0x38;
	[tilespmem:$0x9E00] =	vst v63  }
0xb: {  	_ =	swait.ge [sflag:s8], $0x2710  }
0xc: {  	[sflag:s8] =	ssyncset.done $0x0  }
0xd: {  	[sflag:s8] =	ssyncadd.s32 $0xFFFFD8F0  }
0xe: {  	[tilespmem:s9], [sflag:$0x1] =	stream.linear.gather [hbm4b:s4+s2], $0x2710, $0x38;
	[tilespmem:$0x9E00] =	vst v63  }
0xf: {  	_ =	swait.ge [sflag:s8], $0x2710  }
0x10: {  	[sflag:s8] =	ssyncset.done $0x0  }
0x11: {  	s13 =	simm.s32 $0x76C0;
	[sflag:s8] =	ssyncadd.s32 $0xFFFFD8F0  }
0x12: {  	[tilespmem:s13+$0xFFFFFFC0] =	vst v0  }
0x13: {  	[tilespmem:s13+$0x30] =	vst v0  }
0x14: {  	[tilespmem:s13+$0x20] =	vst v0  }
0x15: {  	[tilespmem:s13+$0x10] =	vst v0  }
0x16: {  	[tilespmem:s13+$0x0] =	vst v0  }
0x17: {  	[tilespmem:s13+$0xFFFFFFF0] =	vst v0  }
0x18: {  	s14 =	simm.s32 $0x0;
	[tilespmem:s13+$0xFFFFFFE0] =	vst v0  }
.LBB2_2:
0x19: {  	s14 =	sadd.s32 $0x8, s14;
	[tilespmem:s13+$0xFFFFFFD0] =	vst v0;
	s13 =	sadd.s32 $0x80, s13  }
0x1a: {  	[tilespmem:s13+$0xFFFFFFC0] =	vst v0;
	p0 =	slt.u32 s14, $0x268  }
0x1b: {  	[tilespmem:s13+$0x30] =	vst v0  }
.Ltmp0:
0x1c: {  	[tilespmem:s13+$0x20] =	vst v0;
	(pc) =	sbr.rel @p0 .LBB2_2-.Ltmp0, $4  }
0x1d: {  	[tilespmem:s13+$0x10] =	vst v0  }
0x1e: {  	[tilespmem:s13+$0x0] =	vst v0  }
0x1f: {  	[tilespmem:s13+$0xFFFFFFF0] =	vst v0  }
0x20: {  	[tilespmem:s13+$0xFFFFFFE0] =	vst v0  }
0x21: {  	[tilespmem:s13+$0xFFFFFFD0] =	vst v0  }
0x22: {  	s14 =	simm.s32 $0x40;
	[tilespmem:$0x9D80] =	vst v0  }
0x23: {  	v7 =	vld [tilespmem:s14+$0xFFFFFFC0]  }
0x24: {  	v4 =	vld [tilespmem:s14+$0xFFFFFFE0]  }
0x25: {  	s15 =	simm.s32 $0x27C0;
	v6 =	vld [tilespmem:s14+$0xFFFFFFF0]  }
0x26: {  	v11 =	vld [tilespmem:s15+$0xFFFFFFF0]  }
0x27: {  	v2 =	vld [tilespmem:s15+$0xFFFFFFD0]  }
0x28: {  	v3 =	vld [tilespmem:s14+$0x0]  }
0x29: {  	v8 =	vld [tilespmem:s15+$0x0]  }
0x2a: {  	v5 =	vld [tilespmem:s15+$0xFFFFFFE0]  }
0x2b: {  	v9 =	vld [tilespmem:s14+$0x20]  }
0x2c: {  	v10 =	vld [tilespmem:s15+$0x20]  }
0x2d: {  	v12 =	vld [tilespmem:s14+$0xFFFFFFD0];
	v3 =	vshll.u32 v3, $0xE  }
0x2e: {  	s13 =	simm.s32 $0x4F40;
	v62 =	vld [tilespmem:s14+$0x30];
	v6 =	vshll.u32 v6, $0xE;
	v13 =	vor.u32 v8, v3  }
0x2f: {  	v3 =	vld [tilespmem:s15+$0xFFFFFFC0];
	v6 =	vor.u32 v11, v6;
	[tilespmem:s13+$0x0] =	vst v13  }
0x30: {  	v14 =	vshll.u32 v4, $0xE;
	v4 =	vld [tilespmem:s15+$0x30];
	[tilespmem:s13+$0xFFFFFFF0] =	vst v6  }
0x31: {  	v6 =	vshll.u32 v9, $0xE;
	v9 =	vor.u32 v5, v14;
	[tilespmem:v8+s10+$0x0] =	vst.idx.add.f32.msk $0xffff, v1  }
0x32: {  	v63 =	vor.u32 v10, v6;
	[tilespmem:s13+$0xFFFFFFE0] =	vst v9;
	v6 =	vld [tilespmem:s15+$0x10]  }
0x33: {  	v7 =	vshll.u32 v7, $0xE;
	[tilespmem:v11+s10+$0x0] =	vst.idx.add.f32.msk $0xffff, v1  }
0x34: {  	s16 =	simm.s32 $0xC0;
	v12 =	vshll.u32 v12, $0xE;
	v8 =	vld [tilespmem:s14+$0x10];
	[tilespmem:s13+$0x20] =	vst v63;
	v9 =	vor.u32 v3, v7;
	v7 =	vshll.u32 v62, $0xE  }
0x35: {  	s17 =	simm.s32 $0x2840;
	s14 =	simm.s32 $0x0;
	s15 =	simm.s32 $0x4F40;
	[tilespmem:v10+s10+$0x0] =	vst.idx.add.f32.msk $0xffff, v1;
	v10 =	vor.u32 v2, v12;
	v7 =	vor.u32 v4, v7  }
.LBB2_4:
0x36: {  	s14 =	sadd.s32 $0x80, s14;
	[tilespmem:v5+s10+$0x0] =	vst.idx.add.f32.msk $0xffff, v1;
	s13 =	sadd.s32 $0x80, s13  }
0x37: {  	v11 =	vld [tilespmem:s16+$0xFFFFFFC0];
	p0 =	slt.u32 s14, $0x2680;
	[tilespmem:s15+$0xFFFFFFD0] =	vst v10  }
0x38: {  	v10 =	vld [tilespmem:s16+$0xFFFFFFE0];
	[tilespmem:s15+$0xFFFFFFC0] =	vst v9  }
0x39: {  	v5 =	vshll.u32 v8, $0xE;
	v9 =	vld [tilespmem:s16+$0xFFFFFFF0]  }
0x3a: {  	[tilespmem:v2+s10+$0x0] =	vst.idx.add.f32.msk $0xffff, v1;
	v2 =	vor.u32 v6, v5  }
0x3b: {  	v12 =	vld [tilespmem:s17+$0xFFFFFFF0];
	[tilespmem:s15+$0x10] =	vst v2  }
0x3c: {  	v2 =	vld [tilespmem:s17+$0xFFFFFFD0]  }
0x3d: {  	[tilespmem:v6+s10+$0x0] =	vst.idx.add.f32.msk $0xffff, v1  }
0x3e: {  	v6 =	vld [tilespmem:s16+$0x0];
	[tilespmem:s15+$0x30] =	vst v7;
	s15 =	smov.u32 s13  }
0x3f: {  	v7 =	vld [tilespmem:s17+$0x0]  }
0x40: {  	v5 =	vld [tilespmem:s17+$0xFFFFFFE0]  }
0x41: {  	v8 =	vld [tilespmem:s16+$0xFFFFFFD0]  }
0x42: {  	v13 =	vld [tilespmem:s16+$0x20]  }
0x43: {  	[tilespmem:v4+s10+$0x0] =	vst.idx.add.f32.msk $0xffff, v1  }
0x44: {  	v4 =	vshll.u32 v6, $0xE;
	v14 =	vld [tilespmem:s17+$0x20]  }
0x45: {  	v4 =	vor.u32 v7, v4;
	[tilespmem:v3+s10+$0x0] =	vst.idx.add.f32.msk $0xffff, v1  }
0x46: {  	v6 =	vshll.u32 v9, $0xE;
	v3 =	vld [tilespmem:s17+$0xFFFFFFC0];
	[tilespmem:s13+$0x0] =	vst v4  }
0x47: {  	v4 =	vor.u32 v12, v6;
	v6 =	vshll.u32 v13, $0xE;
	v13 =	vld [tilespmem:s16+$0x30]  }
0x48: {  	v9 =	vshll.u32 v10, $0xE;
	[tilespmem:s13+$0xFFFFFFF0] =	vst v4;
	v4 =	vld [tilespmem:s17+$0x30]  }
.Ltmp1:
0x49: {  	v9 =	vor.u32 v5, v9;
	[tilespmem:v7+s10+$0x0] =	vst.idx.add.f32.msk $0xffff, v1;
	v7 =	vor.u32 v14, v6;
	(pc) =	sbr.rel @p0 .LBB2_4-.Ltmp1, $4  }
0x4a: {  	v10 =	vshll.u32 v11, $0xE;
	v8 =	vshll.u32 v8, $0xE;
	[tilespmem:s13+$0xFFFFFFE0] =	vst v9;
	v6 =	vld [tilespmem:s17+$0x10]  }
0x4b: {  	v9 =	vor.u32 v3, v10;
	v10 =	vor.u32 v2, v8;
	v8 =	vld [tilespmem:s16+$0x10];
	[tilespmem:s13+$0x20] =	vst v7  }
0x4c: {  	[tilespmem:v14+s10+$0x0] =	vst.idx.add.f32.msk $0xffff, v1;
	v7 =	vshll.u32 v13, $0xE  }
0x4d: {  	s17 =	sadd.s32 $0x80, s17;
	s16 =	sadd.s32 $0x80, s16;
	[tilespmem:v12+s10+$0x0] =	vst.idx.add.f32.msk $0xffff, v1;
	v7 =	vor.u32 v4, v7  }
0x4e: {  	_ =	sdelay $0x3  }
0x4f: {  	[tilespmem:v5+s10+$0x0] =	vst.idx.add.f32.msk $0xffff, v1  }
0x50: {  	[tilespmem:s15+$0xFFFFFFD0] =	vst v10  }
0x51: {  	[tilespmem:s15+$0xFFFFFFC0] =	vst v9  }
0x52: {  	[tilespmem:s15+$0x30] =	vst v7  }
0x53: {  	[tilespmem:v2+s10+$0x0] =	vst.idx.add.f32.msk $0xffff, v1  }
0x54: {  	[tilespmem:v4+s10+$0x0] =	vst.idx.add.f32.msk $0xffff, v1;
	v63 =	vshll.u32 v8, $0xE  }
0x55: {  	[tilespmem:v3+s10+$0x0] =	vst.idx.add.f32.msk $0xffff, v1;
	v2 =	vor.u32 v6, v63  }
0x56: {  	[tilespmem:s15+$0x10] =	vst v2  }
0x57: {  	[tilespmem:v6+s10+$0x0] =	vst.idx.add.f32.msk $0xffff, v1  }
0x58: {  	v2 =	vld [tilespmem:$0x2700]  }
0x59: {  	v3 =	vld [tilespmem:$0x4E80];
	_ =	sdelay $0x4  }
0x5a: {  	v2 =	vshll.u32 v2, $0xE  }
0x5b: {  	v2 =	vor.u32 v3, v2  }
0x5c: {  	[tilespmem:$0x7600] =	vst v2  }
0x5d: {  	[tilespmem:v3+s10+$0x0] =	vst.idx.add.f32.msk $0xffff, v1  }
0x5e: {  	[hbm4b:s5+s2] =	stream.linear.scatter [tilespmem:s11], [sflag:$0x1], $0x2710, $0x38;
	[tilespmem:$0x9E00] =	vst v63  }
0x5f: {  	s12 =	sadd.s32 $0x1, s12;
	_ =	swait.ge [sflag:s8], $0x2710  }
0x60: {  	p0 =	sne.s32 s12, s7;
	[sflag:s8] =	ssyncset.done $0x0  }
.Ltmp2:
0x61: {  	[sflag:s8] =	ssyncadd.s32 $0xFFFFD8F0;
	(pc) =	sbr.rel @p0 .LBB2_1-.Ltmp2, $4  }
0x62: {  	[hbm4b:s6+s2] =	stream.linear.scatter [tilespmem:s10], [sflag:$0x1], $0x2710, $0x38;
	[tilespmem:$0x9E00] =	vst v63  }
0x63: {  	_ =	swait.ge [sflag:s8], $0x2710  }
0x64: {  	[sflag:s8] =	ssyncset.done $0x0  }
0x65: {  	[sflag:s8] =	ssyncadd.s32 $0xFFFFD8F0  }
0x66: {  	_ =	sfence.sel $0x180000  }
0x67: {  	[bflag:$0x0] =	sbarrier.arrive $0xFFFF  }
0x68: {  	p0 =	sne.s32 s0, $0x0;
	_ =	strace $0x90000047  }
0x69: {  	s0 =	sadd.s32 @!p0 $0x100000, s1;
	[bflag:$0x2] =	sbarrier.arrive $0xFFFF  }
0x6a: {  	[sflag:s0] =	ssyncadd.tile.s32 @!p0 $0x1;
	_ =	shalt  }
.Lfunc_end2:
_tile_overlayer_lowered:
.L_overlay_start_2:
0x6b: {  	(tag) =	ssettag $0x2  }
0x6c: {  	s0 =	rddreg [dreg:$0x0];
	s2 =	stileid.u32  }
0x6d: {  	s1 =	rddreg [dreg:$0x1];
	p0 =	sne.s32 s2, $0x0  }
0x6e: {  	s3 =	rddreg [dreg:$0x2];
	[bflag:$0x3] =	sbarrier.arrive $0xFFFF;
	s2 =	simm.s32 @!p0 $0x1C01  }
0x6f: {  	[timem:s3], [sflag:s2] =	dma.local @!p0 [hbm:s0], s1  }
0x70: {  	s0 =	simm.s32 @!p0 $0x1  }
0x71: {  	_ =	swait.ge @!p0 [sflag:s0], s1  }
0x72: {  	s1 =	ssub.s32 @!p0 $0x0, s1;
	[sflag:s0] =	ssyncset.done @!p0 $0x0  }
0x73: {  	[sflag:s0] =	ssyncadd.s32 @!p0 s1  }
0x74: {  	[bflag:$0x3] =	sbarrier.arrive $0xFFFF  }
0x75: {  	_ =	shalt  }

// kernel: kernel.13.cloned.1.call-start
scs
__scs_entry_jumppad:
0x0: {  	(pc) =	sbr.rel $0x88, $3  }
0x1: {  	(tag) =	ssettag $0x0;
	lr =	simm.s32 $0x1  }
0x2: {  	[smem:$0x3F91] =	sst lr;
	_ =	strace $0xD0000000  }
0x3: {  	_ = 	snop  }
0x4: {  	_ = 	snop  }
0x5: {  	_ = 	snop  }
0x6: {  	_ = 	snop  }
0x7: {  	_ = 	snop  }
__scs_overlays_trampoline_lowered:
0x8: {  	[smem:$0x3FA0] =	sst s0  }
0x9: {  	[smem:$0x3FA1] =	sst s1  }
0xa: {  	[smem:$0x3FA2] =	sst s2  }
0xb: {  	[smem:$0x3FA3] =	sst s3  }
0xc: {  	[smem:$0x3FA4] =	sst s4  }
0xd: {  	[smem:$0x3FA5] =	sst s5  }
0xe: {  	[smem:$0x3FA6] =	sst s6  }
0xf: {  	[smem:$0x3FA7] =	sst s7  }
0x10: {  	[smem:$0x3FA8] =	sst s8  }
0x11: {  	[smem:$0x3FA9] =	sst s9;
	s0 =	simm.s32 @!p0 $0x0  }
0x12: {  	s1 =	sld [smem:$0x3F8F];
	s0 =	simm.s32 @p0 $0x1  }
0x13: {  	[smem:$0x3FAA] =	sst s0;
	s0 =	simm.s32 @!p1 $0x0  }
0x14: {  	s2 =	sld [smem:$0x3F8E];
	s0 =	simm.s32 @p1 $0x1  }
0x15: {  	[smem:$0x3FAB] =	sst s0;
	s0 =	simm.s32 @!p2 $0x0  }
0x16: {  	s3 =	sld [smem:$0x3FDB];
	s0 =	simm.s32 @p2 $0x1  }
0x17: {  	s4 =	simm.s32 $0x1BF5;
	[smem:$0x3FAD] =	sst s0  }
0x18: {  	s0 =	sld [smem:$0x3F90];
	_ =	swait.ge [sflag:s4], $0x0  }
0x19: {  	s7 =	sld [smem:$0x3F91]  }
0x1a: {  	s8 =	sadd.s32 $0xFFFFE003, lr  }
0x1b: {  	s9 =	sadd.s32 $0xFFFFFEF7, lr;
	s5 =	simm.s32 $0xFFFFFFFF;
	p2 =	slt.u32 s8, $0xFFFFF086  }
0x1c: {  	p1 =	slt.u32 s9, $0xF7A;
	s5 =	simm.s32 @!p2 $0x0  }
0x1d: {  	s5 =	simm.s32 @p1 $0x1;
	p0 =	seq.s32 s7, s2  }
0x1e: {  	s7 =	smul.u32 @!p0 $0xF7A, s2;
	p2 =	seq.s32 @!p0 s5, $0x0  }
0x1f: {  	s9 =	smul.u32 $0xF7A, s1;
	s8 =	simm.s32 @!p0 $0x1BF5;
	p2 =	por !p2, p0  }
0x20: {  	[sflag:s8] =	ssyncset.s32 @!p0 $0xFFFFF086;
	s6 =	sadd.s32 @!p0 s3, s7;
	s7 =	simm.s32 @!p0 $0x108  }
0x21: {  	s3 =	sadd.s32 s3, s9;
	s6 =	sadd.s32 @!p0 $0x88, s6;
	s7 =	simm.s32 @p2 $0x1082  }
0x22: {  	[simem:s7], [sflag:s8] =	dma.local @!p0 [hbm:s6], $0xF7A  }
0x23: {  	s9 =	sor.u32 $0xD0000000, s2;
	s6 =	simm.s32 $0x108;
	_ =	swait.ge @!p0 [sflag:s8], $0x0  }
0x24: {  	s3 =	sadd.s32 $0x88, s3;
	s6 =	simm.s32 @!p1 $0x1082;
	[sflag:s4] =	ssyncset.s32 $0xFFFFF086  }
0x25: {  	[simem:s6], [sflag:s4] =	dma.local [hbm:s3], $0xF7A  }
0x26: {  	[smem:$0x3F91] =	sst s1;
	(tag) =	ssettag s2;
	_ =	strace s9  }
0x27: {  	s1 =	sld [smem:$0x3FA1]  }
0x28: {  	s2 =	sld [smem:$0x3FA2]  }
0x29: {  	s4 =	sld [smem:$0x3FA4]  }
0x2a: {  	p0 =	seq.s32 s5, $0x0;
	s5 =	sld [smem:$0x3FA5]  }
0x2b: {  	s6 =	sld [smem:$0x3FA6]  }
0x2c: {  	s7 =	sld [smem:$0x3FA7]  }
0x2d: {  	s3 =	simm.s32 $0x108;
	s8 =	sld [smem:$0x3FA8]  }
0x2e: {  	s3 =	simm.s32 @!p0 $0x1082;
	s9 =	sld [smem:$0x3FA9]  }
0x2f: {  	lr =	sadd.s32 s0, s3;
	s0 =	sld [smem:$0x3FA0]  }
0x30: {  	s3 =	sld [smem:$0x3FA3]  }
0x31: {  	[smem:$0x3FAC] =	sst s10  }
0x32: {  	s10 =	sld [smem:$0x3FAA];
	_ =	sdelay $0x3  }
0x33: {  	p0 =	seq.s32 s10, $0x1;
	s10 =	sld [smem:$0x3FAC];
	_ =	sdelay $0x3  }
0x34: {  	[smem:$0x3FAC] =	sst s10  }
0x35: {  	s10 =	sld [smem:$0x3FAB];
	_ =	sdelay $0x3  }
0x36: {  	p1 =	seq.s32 s10, $0x1;
	s10 =	sld [smem:$0x3FAC];
	_ =	sdelay $0x3  }
0x37: {  	[smem:$0x3FAC] =	sst s10  }
0x38: {  	s10 =	sld [smem:$0x3FAD]  }
0x39: {  	_ = 	snop;
	(pc) =	sbr.ind lr, $3  }
0x3a: {  	_ = 	snop  }
0x3b: {  	_ = 	snop  }
0x3c: {  	p2 =	seq.s32 s10, $0x1;
	s10 =	sld [smem:$0x3FAC]  }
0x3d: {  	_ =	shalt  }
0x3e: {  	_ =	shalt  }
0x3f: {  	_ =	shalt  }
0x40: {  	_ =	shalt  }
0x41: {  	_ =	shalt  }
0x42: {  	_ =	shalt  }
0x43: {  	_ =	shalt  }
0x44: {  	_ =	shalt  }
0x45: {  	_ =	shalt  }
0x46: {  	_ =	shalt  }
0x47: {  	_ =	shalt  }
0x48: {  	_ =	shalt  }
0x49: {  	_ =	shalt  }
0x4a: {  	_ =	shalt  }
0x4b: {  	_ =	shalt  }
0x4c: {  	_ =	shalt  }
0x4d: {  	_ =	shalt  }
0x4e: {  	_ =	shalt  }
0x4f: {  	_ =	shalt  }
0x50: {  	_ =	shalt  }
0x51: {  	_ =	shalt  }
0x52: {  	_ =	shalt  }
0x53: {  	_ =	shalt  }
0x54: {  	_ =	shalt  }
0x55: {  	_ =	shalt  }
0x56: {  	_ =	shalt  }
0x57: {  	_ =	shalt  }
0x58: {  	_ =	shalt  }
0x59: {  	_ =	shalt  }
0x5a: {  	_ =	shalt  }
0x5b: {  	_ =	shalt  }
0x5c: {  	_ =	shalt  }
0x5d: {  	_ =	shalt  }
0x5e: {  	_ =	shalt  }
0x5f: {  	_ =	shalt  }
0x60: {  	_ =	shalt  }
0x61: {  	_ =	shalt  }
0x62: {  	_ =	shalt  }
0x63: {  	_ =	shalt  }
0x64: {  	_ =	shalt  }
0x65: {  	_ =	shalt  }
0x66: {  	_ =	shalt  }
0x67: {  	_ =	shalt  }
0x68: {  	_ =	shalt  }
0x69: {  	_ =	shalt  }
0x6a: {  	_ =	shalt  }
0x6b: {  	_ =	shalt  }
0x6c: {  	_ =	shalt  }
0x6d: {  	_ =	shalt  }
0x6e: {  	_ =	shalt  }
0x6f: {  	_ =	shalt  }
0x70: {  	_ =	shalt  }
0x71: {  	_ =	shalt  }
0x72: {  	_ =	shalt  }
0x73: {  	_ =	shalt  }
0x74: {  	_ =	shalt  }
0x75: {  	_ =	shalt  }
0x76: {  	_ =	shalt  }
0x77: {  	_ =	shalt  }
0x78: {  	_ =	shalt  }
0x79: {  	_ =	shalt  }
0x7a: {  	_ =	shalt  }
0x7b: {  	_ =	shalt  }
0x7c: {  	_ =	shalt  }
0x7d: {  	_ =	shalt  }
0x7e: {  	_ =	shalt  }
0x7f: {  	_ =	shalt  }
0x80: {  	_ =	shalt  }
0x81: {  	_ =	shalt  }
0x82: {  	_ =	shalt  }
0x83: {  	_ =	shalt  }
0x84: {  	_ =	shalt  }
0x85: {  	_ =	shalt  }
0x86: {  	_ =	shalt  }
0x87: {  	_ =	shalt  }
.Lfunc_end0:
.L_simem_size_0:
called_computation.1_lowered:
.L_overlay_start_0:
0x88: {  	s2 =	sld [smem:$0x3FD9]  }
0x89: {  	s3 =	sld [smem:$0x3FFE];
	_ =	sdelay $0x1  }
0x8a: {  	s1 =	srdreg.scid  }
0x8b: {  	s0 =	sand.u32 $0x1, s1  }
0x8c: {  	s16 =	sshll.u32 s0, $0xA;
	s2 =	sadd.s32 s3, s2  }
0x8d: {  	s2 =	sadd.s32 s2, s16  }
0x8e: {  	[smem:$0x3FB8] =	sst s2  }
0x8f: {  	_ = 	snop  }
0x90: {  	(tm) =	ssettm $0x1  }
0x91: {  	s17 =	sld [smem:$0x3FFB];
	_ =	sdelay $0x3  }
0x92: {  	_ =	strace s17  }
0x93: {  	s2 =	sld [smem:$0x3FFC];
	_ =	sdelay $0x3  }
0x94: {  	_ =	strace s2  }
0x95: {  	s2 =	sld [smem:$0x3FFD];
	_ =	sdelay $0x3  }
0x96: {  	_ =	strace s2  }
0x97: {  	_ =	strace $0x8FFFFFFF  }
0x98: {  	s18 =	sld [smem:$0x3FDB];
	_ =	sdelay $0x1  }
0x99: {  	s19 =	simm.s32 $_scs_section_size  }
0x9a: {  	s4 =	simm.s32 $_size__tile_overlayer_lowered;
	s5 =	simm.s32 $_tile_overlayer_lowered  }
0x9b: {  	s22 =	simm.s32 $0x1BFF;
	s21 =	sshll.u32 s5, $0x1;
	s2 =	sadd.s32 s19, s18  }
0x9c: {  	s6 =	simm.s32 $0x0;
	s20 =	sshll.u32 s4, $0x1;
	s4 =	sadd.s32 s21, s2  }
0x9d: {  	[timem:s6], [sflag:s22] =	dma.local [hbm:s4], s20  }
0x9e: {  	_ =	swait.ge [sflag:s22], s20  }
0x9f: {  	s3 =	ssub.s32 $0x0, s20;
	[sflag:s22] =	ssyncset.done $0x0  }
0xa0: {  	[sflag:s22] =	ssyncadd.s32 s3;
	_ =	sdelay $0x1  }
0xa1: {  	s23 =	simm.s32 $0x1B8B  }
0xa2: {  	_ =	swait.ge [sflag:s23], $0x1  }
0xa3: {  	[sflag:s23] =	ssyncset.done $0x0  }
0xa4: {  	s25 =	simm.s32 $0x1B8E;
	s24 =	sld [smem:$0x3FFE];
	[sflag:s23] =	ssyncadd.s32 $0xFFFFFFFF  }
0xa5: {  	s26 =	simm.s32 $execute0_lowered;
	[smem:$0x3FD2] =	sst s25  }
0xa6: {  	s4 =	sshll.u32 s26, $0x1;
	_ =	strace $0x80000049;
	[dreg:$0x1] =	wrdreg $0xFFFFFFFF  }
0xa7: {  	s28 =	simm.s32 $_size_execute0_lowered;
	s2 =	sadd.s32 s2, s4;
	[dreg:$0x0] =	wrdreg $0x0  }
0xa8: {  	s4 =	sshll.u32 s28, $0x1;
	[dreg:$0x2] =	wrdreg s2  }
0xa9: {  	[dreg:$0x3] =	wrdreg s4  }
0xaa: {  	[dreg:$0x4] =	wrdreg $0xC0  }
0xab: {  	_ =	task [dreg:s6], $0x5FFFF  }
0xac: {  	[dreg:$0x1] =	wrdreg $0xFFFFFFFF  }
0xad: {  	[dreg:$0x0] =	wrdreg $0x60  }
0xae: {  	[dreg:$0x2] =	wrdreg s24  }
0xaf: {  	[dreg:$0x3] =	wrdreg $0x9  }
0xb0: {  	_ =	task.clear_ibuf [dreg:s6], $0x4FFFF;
	_ =	strace $0x90000049  }
0xb1: {  	s29 =	simm.s32 $0x9;
	_ =	strace $0x8000004B  }
0xb2: {  	_ =	swait.ge [sflag:s29], $0x1  }
0xb3: {  	[sflag:s29] =	ssyncadd.s32 $0xFFFFFFFF  }
0xb4: {  	_ =	strace $0x9000004B  }
0xb5: {  	_ =	sfence  }
0xb6: {  	s30 =	sld [smem:$0x0];
	_ =	sdelay $0x2  }
0xb7: {  	s31 =	sshll.u32 s1, $0xD;
	s1 =	sshrl.u32 s1, $0x2  }
0xb8: {  	s3 =	sand.u32 $0x4000, s31;
	s1 =	sadd.s32 s1, s30  }
0xb9: {  	s0 =	sor.u32 s3, s0;
	s1 =	sshll.u32 s1, $0x11  }
0xba: {  	s0 =	sor.u32 s1, s0  }
0xbb: {  	s0 =	sadd.s32 $0x8F2B, s0  }
0xbc: {  	[sflag:s0] =	ssyncadd.remote.s32 $0x1  }
0xbd: {  	_ =	sfence.sel $0xFFFF  }
0xbe: {  	[dreg:$0x0] =	wrdreg $0xFFFFFFFF;
	(pc) =	sbr.abs _section_cstart, $3  }
0xbf: {  	[dreg:$0x1] =	wrdreg $0xFFFFFFFF  }
0xc0: {  	_ =	task.clear_ibuf [dreg:s6], $0x2FFFF;
	_ =	strace $0x9FFFFFFF  }
0xc1: {  	(tm) =	ssettm $0x7FFFFFFF  }
tec
execute0_lowered:
.L_overlay_start_1:
0x0: {  	(tag) =	ssettag $0x1  }
0x1: {  	s0 =	stileid.u32;
	s1 =	srdreg.scid  }
0x2: {  	s3 =	rddreg [dreg:$0x0];
	s2 =	simm.s32 $0x0;
	s13 =	simm.s32 $0x2780  }
0x3: {  	s14 =	simm.s32 $0x9E00;
	s15 =	simm.s32 $0x3;
	s16 =	simm.s32 $0x11B00  }
0x4: {  	s17 =	simm.s32 $0x1;
	s18 =	simm.s32 $0x4F00;
	s19 =	simm.s32 $0x7680  }
0x5: {  	s20 =	simm.s32 $0x2;
	s4 =	smul.u32 $0x4E20, s0;
	s5 =	sand.u32 $0x1, s1  }
0x6: {  	s21 =	simm.s32 $0x4;
	s1 =	rddreg [dreg:$0x1];
	s6 =	smul.u32 $0x4E200, s5  }
0x7: {  	s22 =	simm.s32 $0x0;
	[smem:$0x7FF] =	sst s2;
	s8 =	smul.u32 $0x27100, s5  }
0x8: {  	_ =	strace $0x8000004A;
	s5 =	ssub.s32 $0x2, s5;
	s7 =	sshrl.u32 s4, $0x3  }
0x9: {  	s31 =	sshrl.u32 s5, $0x1;
	s7 =	sadd.s32 s7, s3;
	s4 =	sadd.s32 s4, s6  }
0xa: {  	s30 =	sshrl.u32 s8, $0x3;
	s12 =	ssub.s32 s5, s31;
	s4 =	sshrl.u32 s4, $0x3  }
0xb: {  	s9 =	sadd.s32 s30, s3;
	s12 =	smax.u32 s12, $0x1;
	s11 =	sadd.s32 s4, s3  }
0xc: {  	s3 =	sadd.s32 $0x3A00, s7;
	s4 =	sadd.s32 $0x3EE2, s7;
	s5 =	sadd.s32 $0x21200, s9  }
0xd: {  	s6 =	sadd.s32 $0x221A0, s9;
	s7 =	sadd.s32 $0x23140, s9;
	s8 =	sadd.s32 $0x240E0, s9  }
0xe: {  	v0 =	vimm.f32 $0.0e+00;
	s9 =	sadd.s32 $0x25080, s9;
	s10 =	sadd.s32 $0xD800, s11;
	s11 =	sadd.s32 $0xDCE2, s11  }
.LBB2_1:
0xf: {  	[tilespmem:s2], [sflag:$0x3] =	stream.linear.gather [hbm4b:s3+s2], $0x2710, $0x38;
	[tilespmem:$0x19800] =	vst v63  }
0x10: {  	_ = 	snop  }
0x11: {  	[tilespmem:s13], [sflag:$0x3] =	stream.linear.gather [hbm4b:s4+s2], $0x2710, $0x38;
	[tilespmem:$0x19800] =	vst v63  }
0x12: {  	s24 =	simm.s32 $0x4F40  }
0x13: {  	[tilespmem:s14], [sflag:$0x1] =	stream.linear.gather [hbm4b:s5+s2], $0x7D00, $0x38;
	[tilespmem:$0x19800] =	vst v63  }
0x14: {  	s23 =	simm.s32 $0x76C0;
	[tilespmem:s24+$0xFFFFFFC0] =	vst v0  }
0x15: {  	[tilespmem:s23+$0xFFFFFFC0] =	vst v0  }
0x16: {  	[tilespmem:s24+$0xFFFFFFD0] =	vst v0  }
0x17: {  	[tilespmem:s23+$0xFFFFFFD0] =	vst v0  }
0x18: {  	[tilespmem:s24+$0xFFFFFFE0] =	vst v0  }
0x19: {  	[tilespmem:s23+$0xFFFFFFE0] =	vst v0  }
0x1a: {  	[tilespmem:s24+$0xFFFFFFF0] =	vst v0  }
0x1b: {  	[tilespmem:s23+$0xFFFFFFF0] =	vst v0  }
0x1c: {  	[tilespmem:s24+$0x0] =	vst v0  }
0x1d: {  	[tilespmem:s23+$0x0] =	vst v0  }
0x1e: {  	[tilespmem:s24+$0x10] =	vst v0  }
0x1f: {  	[tilespmem:s23+$0x10] =	vst v0  }
0x20: {  	[tilespmem:s24+$0x20] =	vst v0  }
0x21: {  	[tilespmem:s23+$0x20] =	vst v0  }
0x22: {  	[tilespmem:s24+$0x30] =	vst v0  }
0x23: {  	s25 =	simm.s32 $0x4FC0;
	s24 =	simm.s32 $0x0;
	[tilespmem:s23+$0x30] =	vst v0  }
.LBB2_2:
0x24: {  	[tilespmem:s25+$0xFFFFFFC0] =	vst v0;
	s23 =	sadd.s32 $0x80, s23  }
0x25: {  	[tilespmem:s23+$0xFFFFFFC0] =	vst v0  }
0x26: {  	[tilespmem:s25+$0xFFFFFFD0] =	vst v0  }
0x27: {  	[tilespmem:s23+$0xFFFFFFD0] =	vst v0  }
0x28: {  	[tilespmem:s25+$0xFFFFFFE0] =	vst v0  }
0x29: {  	[tilespmem:s23+$0xFFFFFFE0] =	vst v0  }
0x2a: {  	[tilespmem:s25+$0xFFFFFFF0] =	vst v0  }
0x2b: {  	[tilespmem:s23+$0xFFFFFFF0] =	vst v0  }
0x2c: {  	[tilespmem:s25+$0x0] =	vst v0  }
0x2d: {  	s24 =	sadd.s32 $0x8, s24;
	[tilespmem:s23+$0x0] =	vst v0  }
0x2e: {  	p0 =	slt.u32 s24, $0x268;
	[tilespmem:s25+$0x10] =	vst v0  }
.Ltmp0:
0x2f: {  	[tilespmem:s23+$0x10] =	vst v0;
	(pc) =	sbr.rel @p0 .LBB2_2-.Ltmp0, $4  }
0x30: {  	[tilespmem:s25+$0x20] =	vst v0  }
0x31: {  	[tilespmem:s23+$0x20] =	vst v0  }
0x32: {  	[tilespmem:s25+$0x30] =	vst v0  }
0x33: {  	s25 =	sadd.s32 $0x80, s25;
	[tilespmem:s23+$0x30] =	vst v0  }
0x34: {  	[tilespmem:$0x7600] =	vst v0  }
0x35: {  	[tilespmem:$0x9D80] =	vst v0  }
0x36: {  	_ =	swait.ge [sflag:s15], $0x2710  }
0x37: {  	[sflag:s15] =	ssyncset.done $0x0  }
0x38: {  	[sflag:s15] =	ssyncadd.s32 $0xFFFFD8F0  }
0x39: {  	_ =	swait.ge [sflag:s15], $0x2710  }
0x3a: {  	[sflag:s15] =	ssyncset.done $0x0  }
0x3b: {  	[sflag:s15] =	ssyncadd.s32 $0xFFFFD8F0  }
0x3c: {  	[tilespmem:s16], [sflag:$0x2] =	stream.linear.gather [hbm4b:s6+s2], $0x7D00, $0x38;
	[tilespmem:$0x19800] =	vst v63  }
0x3d: {  	_ =	swait.ge [sflag:s17], $0x7D00  }
0x3e: {  	[sflag:s17] =	ssyncset.done $0x0  }
0x3f: {  	s23 =	simm.s32 $0x9E80;
	[sflag:s17] =	ssyncadd.s32 $0xFFFF8300  }
0x40: {  	v12 =	vld [tilespmem:s23+$0x0]  }
0x41: {  	v11 =	vld [tilespmem:s23+$0x10]  }
0x42: {  	v5 =	vld [tilespmem:s23+$0x20]  }
0x43: {  	v2 =	vld [tilespmem:s23+$0xFFFFFF80]  }
0x44: {  	v3 =	vld [tilespmem:s23+$0x70]  }
0x45: {  	v4 =	vld [tilespmem:s23+$0x60]  }
0x46: {  	v15 =	vld [tilespmem:s23+$0xFFFFFFA0]  }
0x47: {  	v1 =	vld [tilespmem:s23+$0xFFFFFFB0]  }
0x48: {  	v14 =	vld [tilespmem:s23+$0xFFFFFFC0]  }
0x49: {  	v9 =	vld [tilespmem:s23+$0x40]  }
0x4a: {  	v7 =	vld [tilespmem:s23+$0x50];
	v6 =	vshrl.u32 v2, $0xE  }
0x4b: {  	v13 =	vld [tilespmem:s23+$0xFFFFFF90]  }
0x4c: {  	v18 =	vld [tilespmem:s23+$0x30];
	v8 =	vshrl.u32 v3, $0xE  }
0x4d: {  	v21 =	vld [tilespmem:s23+$0xFFFFFFF0];
	v10 =	vshrl.u32 v4, $0xE  }
0x4e: {  	v24 =	vld [tilespmem:s23+$0xFFFFFFE0];
	v22 =	vand.u32 $0x3FFF, v3;
	v3 =	vshrl.u32 v9, $0xE  }
0x4f: {  	v17 =	vand.u32 $0x3FFF, v2;
	v16 =	vld.idx.msk [tilespmem:v6+s2+$0x0], $0xffff  }
0x50: {  	v30 =	vld [tilespmem:s23+$0xFFFFFFD0];
	v20 =	vshrl.u32 v7, $0xE  }
0x51: {  	v2 =	vld.idx.msk [tilespmem:v8+s2+$0x0], $0xffff  }
0x52: {  	v31 =	vand.u32 $0x3FFF, v4;
	v19 =	vld.idx.msk [tilespmem:v10+s2+$0x0], $0xffff  }
0x53: {  	v9 =	vand.u32 $0x3FFF, v9;
	v26 =	vld.idx.msk [tilespmem:v3+s2+$0x0], $0xffff  }
0x54: {  	[tilespmem:v17+s18+$0x0] =	vst.idx.add.f32.msk $0xffff, v16  }
0x55: {  	v16 =	vld.idx.msk [tilespmem:v20+s2+$0x0], $0xffff  }
0x56: {  	[tilespmem:v22+s18+$0x0] =	vst.idx.add.f32.msk $0xffff, v2  }
0x57: {  	v2 =	vshrl.u32 v5, $0xE;
	[tilespmem:v31+s18+$0x0] =	vst.idx.add.f32.msk $0xffff, v19  }
0x58: {  	v32 =	vand.u32 $0x3FFF, v7;
	[tilespmem:v9+s18+$0x0] =	vst.idx.add.f32.msk $0xffff, v26  }
0x59: {  	v19 =	vshrl.u32 v30, $0xE;
	v4 =	vld.idx.msk [tilespmem:v6+s13+$0x0], $0xffff  }
0x5a: {  	v23 =	vld.idx.msk [tilespmem:v8+s13+$0x0], $0xffff  }
0x5b: {  	v6 =	vshrl.u32 v13, $0xE;
	v33 =	vld.idx.msk [tilespmem:v10+s13+$0x0], $0xffff  }
0x5c: {  	v35 =	vld.idx.msk [tilespmem:v2+s2+$0x0], $0xffff  }
0x5d: {  	[tilespmem:v32+s18+$0x0] =	vst.idx.add.f32.msk $0xffff, v16  }
0x5e: {  	v10 =	vshrl.u32 v11, $0xE;
	v26 =	vld.idx.msk [tilespmem:v19+s2+$0x0], $0xffff  }
0x5f: {  	v8 =	vshrl.u32 v12, $0xE;
	[tilespmem:v17+s19+$0x0] =	vst.idx.add.f32.msk $0xffff, v4  }
0x60: {  	v34 =	vld.idx.msk [tilespmem:v6+s2+$0x0], $0xffff  }
0x61: {  	v16 =	vshrl.u32 v24, $0xE;
	[tilespmem:v22+s19+$0x0] =	vst.idx.add.f32.msk $0xffff, v23  }
0x62: {  	v4 =	vshrl.u32 v18, $0xE;
	v36 =	vld.idx.msk [tilespmem:v20+s13+$0x0], $0xffff  }
0x63: {  	v5 =	vand.u32 $0x3FFF, v5;
	v25 =	vld.idx.msk [tilespmem:v10+s2+$0x0], $0xffff  }
0x64: {  	v23 =	vshrl.u32 v21, $0xE;
	v27 =	vld.idx.msk [tilespmem:v8+s2+$0x0], $0xffff  }
0x65: {  	v17 =	vand.u32 $0x3FFF, v13;
	[tilespmem:v31+s19+$0x0] =	vst.idx.add.f32.msk $0xffff, v33  }
0x66: {  	v28 =	vld.idx.msk [tilespmem:v16+s2+$0x0], $0xffff  }
0x67: {  	v7 =	vand.u32 $0x3FFF, v18;
	v13 =	vld.idx.msk [tilespmem:v4+s2+$0x0], $0xffff  }
0x68: {  	v20 =	vshrl.u32 v14, $0xE;
	[tilespmem:v5+s18+$0x0] =	vst.idx.add.f32.msk $0xffff, v35  }
0x69: {  	v11 =	vand.u32 $0x3FFF, v11;
	v29 =	vld.idx.msk [tilespmem:v23+s2+$0x0], $0xffff  }
0x6a: {  	v24 =	vand.u32 $0x3FFF, v24;
	v22 =	vand.u32 $0x3FFF, v12;
	[tilespmem:v17+s18+$0x0] =	vst.idx.add.f32.msk $0xffff, v34  }
0x6b: {  	v18 =	vshrl.u32 v15, $0xE;
	v12 =	vand.u32 $0x3FFF, v15;
	v15 =	vand.u32 $0x3FFF, v21;
	[tilespmem:v32+s19+$0x0] =	vst.idx.add.f32.msk $0xffff, v36  }
0x6c: {  	s24 =	simm.s32 $0x0;
	v14 =	vand.u32 $0x3FFF, v14;
	v21 =	vand.u32 $0x3FFF, v30;
	[tilespmem:v7+s18+$0x0] =	vst.idx.add.f32.msk $0xffff, v13;
	v13 =	vshrl.u32 v1, $0xE  }
.LBB2_4:
0x6d: {  	s24 =	sadd.s32 $0x100, s24;
	v30 =	vld.idx.msk [tilespmem:v20+s2+$0x0], $0xffff;
	s23 =	sadd.s32 $0x100, s23  }
0x6e: {  	p0 =	slt.u32 s24, $0x7C00;
	[tilespmem:v11+s18+$0x0] =	vst.idx.add.f32.msk $0xffff, v25  }
0x6f: {  	v1 =	vand.u32 $0x3FFF, v1;
	[tilespmem:v22+s18+$0x0] =	vst.idx.add.f32.msk $0xffff, v27  }
0x70: {  	[tilespmem:v15+s18+$0x0] =	vst.idx.add.f32.msk $0xffff, v29  }
0x71: {  	v23 =	vld.idx.msk [tilespmem:v23+s13+$0x0], $0xffff  }
0x72: {  	v25 =	vld.idx.msk [tilespmem:v18+s2+$0x0], $0xffff  }
0x73: {  	[tilespmem:v24+s18+$0x0] =	vst.idx.add.f32.msk $0xffff, v28  }
0x74: {  	v27 =	vld.idx.msk [tilespmem:v13+s2+$0x0], $0xffff  }
0x75: {  	[tilespmem:v14+s18+$0x0] =	vst.idx.add.f32.msk $0xffff, v30  }
0x76: {  	v6 =	vld.idx.msk [tilespmem:v6+s13+$0x0], $0xffff  }
0x77: {  	[tilespmem:v21+s18+$0x0] =	vst.idx.add.f32.msk $0xffff, v26  }
0x78: {  	v10 =	vld.idx.msk [tilespmem:v10+s13+$0x0], $0xffff  }
0x79: {  	v16 =	vld.idx.msk [tilespmem:v16+s13+$0x0], $0xffff  }
0x7a: {  	v3 =	vld.idx.msk [tilespmem:v3+s13+$0x0], $0xffff  }
0x7b: {  	v19 =	vld.idx.msk [tilespmem:v19+s13+$0x0], $0xffff  }
0x7c: {  	[tilespmem:v17+s19+$0x0] =	vst.idx.add.f32.msk $0xffff, v6  }
0x7d: {  	v6 =	vld.idx.msk [tilespmem:v8+s13+$0x0], $0xffff  }
0x7e: {  	[tilespmem:v1+s18+$0x0] =	vst.idx.add.f32.msk $0xffff, v27  }
0x7f: {  	v8 =	vld.idx.msk [tilespmem:v20+s13+$0x0], $0xffff  }
0x80: {  	[tilespmem:v9+s19+$0x0] =	vst.idx.add.f32.msk $0xffff, v3  }
0x81: {  	v3 =	vld.idx.msk [tilespmem:v4+s13+$0x0], $0xffff  }
0x82: {  	[tilespmem:v12+s18+$0x0] =	vst.idx.add.f32.msk $0xffff, v25  }
0x83: {  	v4 =	vld.idx.msk [tilespmem:v18+s13+$0x0], $0xffff  }
0x84: {  	v9 =	vld.idx.msk [tilespmem:v13+s13+$0x0], $0xffff  }
0x85: {  	v2 =	vld.idx.msk [tilespmem:v2+s13+$0x0], $0xffff  }
0x86: {  	[tilespmem:v22+s19+$0x0] =	vst.idx.add.f32.msk $0xffff, v6  }
0x87: {  	[tilespmem:v7+s19+$0x0] =	vst.idx.add.f32.msk $0xffff, v3  }
0x88: {  	[tilespmem:v24+s19+$0x0] =	vst.idx.add.f32.msk $0xffff, v16  }
0x89: {  	[tilespmem:v11+s19+$0x0] =	vst.idx.add.f32.msk $0xffff, v10  }
0x8a: {  	[tilespmem:v14+s19+$0x0] =	vst.idx.add.f32.msk $0xffff, v8  }
0x8b: {  	[tilespmem:v1+s19+$0x0] =	vst.idx.add.f32.msk $0xffff, v9  }
0x8c: {  	[tilespmem:v5+s19+$0x0] =	vst.idx.add.f32.msk $0xffff, v2  }
0x8d: {  	[tilespmem:v12+s19+$0x0] =	vst.idx.add.f32.msk $0xffff, v4  }
0x8e: {  	[tilespmem:v21+s19+$0x0] =	vst.idx.add.f32.msk $0xffff, v19  }
0x8f: {  	[tilespmem:v15+s19+$0x0] =	vst.idx.add.f32.msk $0xffff, v23  }
0x90: {  	v12 =	vld [tilespmem:s23+$0x0]  }
0x91: {  	v11 =	vld [tilespmem:s23+$0x10]  }
0x92: {  	v5 =	vld [tilespmem:s23+$0x20]  }
0x93: {  	v2 =	vld [tilespmem:s23+$0xFFFFFF80]  }
0x94: {  	v4 =	vld [tilespmem:s23+$0x70]  }
0x95: {  	v7 =	vld [tilespmem:s23+$0x60]  }
0x96: {  	v15 =	vld [tilespmem:s23+$0xFFFFFFA0]  }
0x97: {  	v1 =	vld [tilespmem:s23+$0xFFFFFFB0]  }
0x98: {  	v8 =	vshrl.u32 v2, $0xE;
	v14 =	vld [tilespmem:s23+$0xFFFFFFC0]  }
0x99: {  	v9 =	vld [tilespmem:s23+$0x50];
	v13 =	vshrl.u32 v4, $0xE  }
0x9a: {  	v17 =	vld [tilespmem:s23+$0x40];
	v21 =	vshrl.u32 v7, $0xE  }
0x9b: {  	v18 =	vld [tilespmem:s23+$0xFFFFFF90]  }
0x9c: {  	v22 =	vld [tilespmem:s23+$0x30]  }
0x9d: {  	v10 =	vld.idx.msk [tilespmem:v8+s2+$0x0], $0xffff  }
0x9e: {  	v24 =	vand.u32 $0x3FFF, v2;
	v25 =	vshrl.u32 v9, $0xE;
	v19 =	vld.idx.msk [tilespmem:v13+s2+$0x0], $0xffff  }
0x9f: {  	v27 =	vand.u32 $0x3FFF, v4;
	v3 =	vshrl.u32 v17, $0xE;
	v26 =	vld.idx.msk [tilespmem:v21+s2+$0x0], $0xffff  }
0xa0: {  	v30 =	vand.u32 $0x3FFF, v7;
	v6 =	vshrl.u32 v18, $0xE;
	v28 =	vld [tilespmem:s23+$0xFFFFFFF0]  }
0xa1: {  	v31 =	vld [tilespmem:s23+$0xFFFFFFE0];
	v4 =	vshrl.u32 v22, $0xE  }
0xa2: {  	v2 =	vshrl.u32 v5, $0xE;
	v29 =	vld [tilespmem:s23+$0xFFFFFFD0]  }
0xa3: {  	[tilespmem:v24+s18+$0x0] =	vst.idx.add.f32.msk $0xffff, v10;
	v10 =	vshrl.u32 v11, $0xE  }
0xa4: {  	v32 =	vld.idx.msk [tilespmem:v8+s13+$0x0], $0xffff;
	v8 =	vshrl.u32 v12, $0xE  }
0xa5: {  	v34 =	vand.u32 $0x3FFF, v9;
	v23 =	vshrl.u32 v28, $0xE;
	v33 =	vld.idx.msk [tilespmem:v25+s2+$0x0], $0xffff  }
0xa6: {  	v16 =	vshrl.u32 v31, $0xE;
	[tilespmem:v27+s18+$0x0] =	vst.idx.add.f32.msk $0xffff, v19  }
0xa7: {  	v9 =	vand.u32 $0x3FFF, v17;
	v19 =	vshrl.u32 v29, $0xE;
	v35 =	vld.idx.msk [tilespmem:v13+s13+$0x0], $0xffff  }
0xa8: {  	v20 =	vshrl.u32 v14, $0xE;
	v17 =	vand.u32 $0x3FFF, v18;
	v7 =	vand.u32 $0x3FFF, v22;
	v36 =	vld.idx.msk [tilespmem:v3+s2+$0x0], $0xffff  }
0xa9: {  	v13 =	vshrl.u32 v1, $0xE;
	[tilespmem:v30+s18+$0x0] =	vst.idx.add.f32.msk $0xffff, v26  }
0xaa: {  	v5 =	vand.u32 $0x3FFF, v5;
	v18 =	vshrl.u32 v15, $0xE;
	v37 =	vld.idx.msk [tilespmem:v21+s13+$0x0], $0xffff  }
0xab: {  	v11 =	vand.u32 $0x3FFF, v11;
	[tilespmem:v24+s19+$0x0] =	vst.idx.add.f32.msk $0xffff, v32  }
0xac: {  	v24 =	vld.idx.msk [tilespmem:v6+s2+$0x0], $0xffff  }
0xad: {  	v32 =	vld.idx.msk [tilespmem:v2+s2+$0x0], $0xffff  }
0xae: {  	v14 =	vand.u32 $0x3FFF, v14;
	[tilespmem:v27+s19+$0x0] =	vst.idx.add.f32.msk $0xffff, v35  }
0xaf: {  	v22 =	vand.u32 $0x3FFF, v12;
	[tilespmem:v34+s18+$0x0] =	vst.idx.add.f32.msk $0xffff, v33  }
0xb0: {  	v12 =	vand.u32 $0x3FFF, v15;
	v33 =	vld.idx.msk [tilespmem:v25+s13+$0x0], $0xffff  }
0xb1: {  	v25 =	vld.idx.msk [tilespmem:v10+s2+$0x0], $0xffff  }
0xb2: {  	v15 =	vand.u32 $0x3FFF, v28;
	v35 =	vld.idx.msk [tilespmem:v4+s2+$0x0], $0xffff  }
0xb3: {  	v27 =	vld.idx.msk [tilespmem:v8+s2+$0x0], $0xffff  }
0xb4: {  	[tilespmem:v9+s18+$0x0] =	vst.idx.add.f32.msk $0xffff, v36  }
0xb5: {  	v21 =	vand.u32 $0x3FFF, v29;
	v29 =	vld.idx.msk [tilespmem:v23+s2+$0x0], $0xffff  }
0xb6: {  	v28 =	vld.idx.msk [tilespmem:v16+s2+$0x0], $0xffff  }
0xb7: {  	[tilespmem:v17+s18+$0x0] =	vst.idx.add.f32.msk $0xffff, v24;
	v24 =	vand.u32 $0x3FFF, v31  }
.Ltmp1:
0xb8: {  	v26 =	vld.idx.msk [tilespmem:v19+s2+$0x0], $0xffff;
	(pc) =	sbr.rel @p0 .LBB2_4-.Ltmp1, $4  }
0xb9: {  	[tilespmem:v7+s18+$0x0] =	vst.idx.add.f32.msk $0xffff, v35  }
0xba: {  	[tilespmem:v5+s18+$0x0] =	vst.idx.add.f32.msk $0xffff, v32  }
0xbb: {  	[tilespmem:v34+s19+$0x0] =	vst.idx.add.f32.msk $0xffff, v33  }
0xbc: {  	[tilespmem:v30+s19+$0x0] =	vst.idx.add.f32.msk $0xffff, v37  }
0xbd: {  	_ =	sdelay $0x3  }
0xbe: {  	v30 =	vld.idx.msk [tilespmem:v20+s2+$0x0], $0xffff  }
0xbf: {  	[tilespmem:v11+s18+$0x0] =	vst.idx.add.f32.msk $0xffff, v25  }
0xc0: {  	[tilespmem:v22+s18+$0x0] =	vst.idx.add.f32.msk $0xffff, v27  }
0xc1: {  	[tilespmem:v15+s18+$0x0] =	vst.idx.add.f32.msk $0xffff, v29  }
0xc2: {  	v25 =	vld.idx.msk [tilespmem:v18+s2+$0x0], $0xffff  }
0xc3: {  	[tilespmem:v24+s18+$0x0] =	vst.idx.add.f32.msk $0xffff, v28  }
0xc4: {  	v27 =	vld.idx.msk [tilespmem:v13+s2+$0x0], $0xffff  }
0xc5: {  	v6 =	vld.idx.msk [tilespmem:v6+s13+$0x0], $0xffff  }
0xc6: {  	[tilespmem:v21+s18+$0x0] =	vst.idx.add.f32.msk $0xffff, v26  }
0xc7: {  	v3 =	vld.idx.msk [tilespmem:v3+s13+$0x0], $0xffff  }
0xc8: {  	v2 =	vld.idx.msk [tilespmem:v2+s13+$0x0], $0xffff  }
0xc9: {  	v23 =	vld.idx.msk [tilespmem:v23+s13+$0x0], $0xffff  }
0xca: {  	v10 =	vld.idx.msk [tilespmem:v10+s13+$0x0], $0xffff  }
0xcb: {  	v1 =	vand.u32 $0x3FFF, v1;
	v16 =	vld.idx.msk [tilespmem:v16+s13+$0x0], $0xffff  }
0xcc: {  	v19 =	vld.idx.msk [tilespmem:v19+s13+$0x0], $0xffff  }
0xcd: {  	[tilespmem:v14+s18+$0x0] =	vst.idx.add.f32.msk $0xffff, v30  }
0xce: {  	[tilespmem:v17+s19+$0x0] =	vst.idx.add.f32.msk $0xffff, v6  }
0xcf: {  	v6 =	vld.idx.msk [tilespmem:v8+s13+$0x0], $0xffff  }
0xd0: {  	[tilespmem:v1+s18+$0x0] =	vst.idx.add.f32.msk $0xffff, v27  }
0xd1: {  	[tilespmem:v9+s19+$0x0] =	vst.idx.add.f32.msk $0xffff, v3  }
0xd2: {  	v3 =	vld.idx.msk [tilespmem:v4+s13+$0x0], $0xffff  }
0xd3: {  	[tilespmem:v12+s18+$0x0] =	vst.idx.add.f32.msk $0xffff, v25  }
0xd4: {  	[tilespmem:v5+s19+$0x0] =	vst.idx.add.f32.msk $0xffff, v2  }
0xd5: {  	v8 =	vld.idx.msk [tilespmem:v20+s13+$0x0], $0xffff  }
0xd6: {  	v4 =	vld.idx.msk [tilespmem:v18+s13+$0x0], $0xffff  }
0xd7: {  	v9 =	vld.idx.msk [tilespmem:v13+s13+$0x0], $0xffff  }
0xd8: {  	[tilespmem:v24+s19+$0x0] =	vst.idx.add.f32.msk $0xffff, v16  }
0xd9: {  	[tilespmem:v11+s19+$0x0] =	vst.idx.add.f32.msk $0xffff, v10  }
0xda: {  	[tilespmem:v21+s19+$0x0] =	vst.idx.add.f32.msk $0xffff, v19  }
0xdb: {  	[tilespmem:v15+s19+$0x0] =	vst.idx.add.f32.msk $0xffff, v23  }
0xdc: {  	[tilespmem:v22+s19+$0x0] =	vst.idx.add.f32.msk $0xffff, v6  }
0xdd: {  	[tilespmem:v7+s19+$0x0] =	vst.idx.add.f32.msk $0xffff, v3  }
0xde: {  	[tilespmem:v14+s19+$0x0] =	vst.idx.add.f32.msk $0xffff, v8  }
0xdf: {  	[tilespmem:v1+s19+$0x0] =	vst.idx.add.f32.msk $0xffff, v9  }
0xe0: {  	[tilespmem:v12+s19+$0x0] =	vst.idx.add.f32.msk $0xffff, v4  }
0xe1: {  	[tilespmem:s14], [sflag:$0x1] =	stream.linear.gather [hbm4b:s7+s2], $0x7D00, $0x38;
	[tilespmem:$0x19800] =	vst v63  }
0xe2: {  	_ =	swait.ge [sflag:s20], $0x7D00  }
0xe3: {  	[sflag:s20] =	ssyncset.done $0x0  }
0xe4: {  	s23 =	simm.s32 $0x11B80;
	[sflag:s20] =	ssyncadd.s32 $0xFFFF8300  }
0xe5: {  	v12 =	vld [tilespmem:s23+$0x0]  }
0xe6: {  	v11 =	vld [tilespmem:s23+$0x10]  }
0xe7: {  	v5 =	vld [tilespmem:s23+$0x20]  }
0xe8: {  	v2 =	vld [tilespmem:s23+$0xFFFFFF80]  }
0xe9: {  	v3 =	vld [tilespmem:s23+$0x70]  }
0xea: {  	v4 =	vld [tilespmem:s23+$0x60]  }
0xeb: {  	v15 =	vld [tilespmem:s23+$0xFFFFFFA0]  }
0xec: {  	v1 =	vld [tilespmem:s23+$0xFFFFFFB0]  }
0xed: {  	v14 =	vld [tilespmem:s23+$0xFFFFFFC0]  }
0xee: {  	v9 =	vld [tilespmem:s23+$0x40]  }
0xef: {  	v7 =	vld [tilespmem:s23+$0x50];
	v6 =	vshrl.u32 v2, $0xE  }
0xf0: {  	v13 =	vld [tilespmem:s23+$0xFFFFFF90]  }
0xf1: {  	v18 =	vld [tilespmem:s23+$0x30];
	v8 =	vshrl.u32 v3, $0xE  }
0xf2: {  	v21 =	vld [tilespmem:s23+$0xFFFFFFF0];
	v10 =	vshrl.u32 v4, $0xE  }
0xf3: {  	v24 =	vld [tilespmem:s23+$0xFFFFFFE0];
	v22 =	vand.u32 $0x3FFF, v3;
	v3 =	vshrl.u32 v9, $0xE  }
0xf4: {  	v17 =	vand.u32 $0x3FFF, v2;
	v16 =	vld.idx.msk [tilespmem:v6+s2+$0x0], $0xffff  }
0xf5: {  	v30 =	vld [tilespmem:s23+$0xFFFFFFD0];
	v20 =	vshrl.u32 v7, $0xE  }
0xf6: {  	v2 =	vld.idx.msk [tilespmem:v8+s2+$0x0], $0xffff  }
0xf7: {  	v31 =	vand.u32 $0x3FFF, v4;
	v19 =	vld.idx.msk [tilespmem:v10+s2+$0x0], $0xffff  }
0xf8: {  	v9 =	vand.u32 $0x3FFF, v9;
	v26 =	vld.idx.msk [tilespmem:v3+s2+$0x0], $0xffff  }
0xf9: {  	[tilespmem:v17+s18+$0x0] =	vst.idx.add.f32.msk $0xffff, v16  }
0xfa: {  	v16 =	vld.idx.msk [tilespmem:v20+s2+$0x0], $0xffff  }
0xfb: {  	[tilespmem:v22+s18+$0x0] =	vst.idx.add.f32.msk $0xffff, v2  }
0xfc: {  	v2 =	vshrl.u32 v5, $0xE;
	[tilespmem:v31+s18+$0x0] =	vst.idx.add.f32.msk $0xffff, v19  }
0xfd: {  	v32 =	vand.u32 $0x3FFF, v7;
	[tilespmem:v9+s18+$0x0] =	vst.idx.add.f32.msk $0xffff, v26  }
0xfe: {  	v19 =	vshrl.u32 v30, $0xE;
	v4 =	vld.idx.msk [tilespmem:v6+s13+$0x0], $0xffff  }
0xff: {  	v23 =	vld.idx.msk [tilespmem:v8+s13+$0x0], $0xffff  }
0x100: {  	v6 =	vshrl.u32 v13, $0xE;
	v33 =	vld.idx.msk [tilespmem:v10+s13+$0x0], $0xffff  }
0x101: {  	v35 =	vld.idx.msk [tilespmem:v2+s2+$0x0], $0xffff  }
0x102: {  	[tilespmem:v32+s18+$0x0] =	vst.idx.add.f32.msk $0xffff, v16  }
0x103: {  	v10 =	vshrl.u32 v11, $0xE;
	v26 =	vld.idx.msk [tilespmem:v19+s2+$0x0], $0xffff  }
0x104: {  	v8 =	vshrl.u32 v12, $0xE;
	[tilespmem:v17+s19+$0x0] =	vst.idx.add.f32.msk $0xffff, v4  }
0x105: {  	v34 =	vld.idx.msk [tilespmem:v6+s2+$0x0], $0xffff  }
0x106: {  	v16 =	vshrl.u32 v24, $0xE;
	[tilespmem:v22+s19+$0x0] =	vst.idx.add.f32.msk $0xffff, v23  }
0x107: {  	v4 =	vshrl.u32 v18, $0xE;
	v36 =	vld.idx.msk [tilespmem:v20+s13+$0x0], $0xffff  }
0x108: {  	v5 =	vand.u32 $0x3FFF, v5;
	v25 =	vld.idx.msk [tilespmem:v10+s2+$0x0], $0xffff  }
0x109: {  	v23 =	vshrl.u32 v21, $0xE;
	v27 =	vld.idx.msk [tilespmem:v8+s2+$0x0], $0xffff  }
0x10a: {  	v17 =	vand.u32 $0x3FFF, v13;
	[tilespmem:v31+s19+$0x0] =	vst.idx.add.f32.msk $0xffff, v33  }
0x10b: {  	v28 =	vld.idx.msk [tilespmem:v16+s2+$0x0], $0xffff  }
0x10c: {  	v7 =	vand.u32 $0x3FFF, v18;
	v13 =	vld.idx.msk [tilespmem:v4+s2+$0x0], $0xffff  }
0x10d: {  	v20 =	vshrl.u32 v14, $0xE;
	[tilespmem:v5+s18+$0x0] =	vst.idx.add.f32.msk $0xffff, v35  }
0x10e: {  	v11 =	vand.u32 $0x3FFF, v11;
	v29 =	vld.idx.msk [tilespmem:v23+s2+$0x0], $0xffff  }
0x10f: {  	v24 =	vand.u32 $0x3FFF, v24;
	v22 =	vand.u32 $0x3FFF, v12;
	[tilespmem:v17+s18+$0x0] =	vst.idx.add.f32.msk $0xffff, v34  }
0x110: {  	v18 =	vshrl.u32 v15, $0xE;
	v12 =	vand.u32 $0x3FFF, v15;
	v15 =	vand.u32 $0x3FFF, v21;
	[tilespmem:v32+s19+$0x0] =	vst.idx.add.f32.msk $0xffff, v36  }
0x111: {  	s24 =	simm.s32 $0x0;
	v14 =	vand.u32 $0x3FFF, v14;
	v21 =	vand.u32 $0x3FFF, v30;
	[tilespmem:v7+s18+$0x0] =	vst.idx.add.f32.msk $0xffff, v13;
	v13 =	vshrl.u32 v1, $0xE  }
.LBB2_6:
0x112: {  	s24 =	sadd.s32 $0x100, s24;
	v30 =	vld.idx.msk [tilespmem:v20+s2+$0x0], $0xffff;
	s23 =	sadd.s32 $0x100, s23  }
0x113: {  	p0 =	slt.u32 s24, $0x7C00;
	[tilespmem:v11+s18+$0x0] =	vst.idx.add.f32.msk $0xffff, v25  }
0x114: {  	v1 =	vand.u32 $0x3FFF, v1;
	[tilespmem:v22+s18+$0x0] =	vst.idx.add.f32.msk $0xffff, v27  }
0x115: {  	[tilespmem:v15+s18+$0x0] =	vst.idx.add.f32.msk $0xffff, v29  }
0x116: {  	v23 =	vld.idx.msk [tilespmem:v23+s13+$0x0], $0xffff  }
0x117: {  	v25 =	vld.idx.msk [tilespmem:v18+s2+$0x0], $0xffff  }
0x118: {  	[tilespmem:v24+s18+$0x0] =	vst.idx.add.f32.msk $0xffff, v28  }
0x119: {  	v27 =	vld.idx.msk [tilespmem:v13+s2+$0x0], $0xffff  }
0x11a: {  	[tilespmem:v14+s18+$0x0] =	vst.idx.add.f32.msk $0xffff, v30  }
0x11b: {  	v6 =	vld.idx.msk [tilespmem:v6+s13+$0x0], $0xffff  }
0x11c: {  	[tilespmem:v21+s18+$0x0] =	vst.idx.add.f32.msk $0xffff, v26  }
0x11d: {  	v10 =	vld.idx.msk [tilespmem:v10+s13+$0x0], $0xffff  }
0x11e: {  	v16 =	vld.idx.msk [tilespmem:v16+s13+$0x0], $0xffff  }
0x11f: {  	v3 =	vld.idx.msk [tilespmem:v3+s13+$0x0], $0xffff  }
0x120: {  	v19 =	vld.idx.msk [tilespmem:v19+s13+$0x0], $0xffff  }
0x121: {  	[tilespmem:v17+s19+$0x0] =	vst.idx.add.f32.msk $0xffff, v6  }
0x122: {  	v6 =	vld.idx.msk [tilespmem:v8+s13+$0x0], $0xffff  }
0x123: {  	[tilespmem:v1+s18+$0x0] =	vst.idx.add.f32.msk $0xffff, v27  }
0x124: {  	v8 =	vld.idx.msk [tilespmem:v20+s13+$0x0], $0xffff  }
0x125: {  	[tilespmem:v9+s19+$0x0] =	vst.idx.add.f32.msk $0xffff, v3  }
0x126: {  	v3 =	vld.idx.msk [tilespmem:v4+s13+$0x0], $0xffff  }
0x127: {  	[tilespmem:v12+s18+$0x0] =	vst.idx.add.f32.msk $0xffff, v25  }
0x128: {  	v4 =	vld.idx.msk [tilespmem:v18+s13+$0x0], $0xffff  }
0x129: {  	v9 =	vld.idx.msk [tilespmem:v13+s13+$0x0], $0xffff  }
0x12a: {  	v2 =	vld.idx.msk [tilespmem:v2+s13+$0x0], $0xffff  }
0x12b: {  	[tilespmem:v22+s19+$0x0] =	vst.idx.add.f32.msk $0xffff, v6  }
0x12c: {  	[tilespmem:v7+s19+$0x0] =	vst.idx.add.f32.msk $0xffff, v3  }
0x12d: {  	[tilespmem:v24+s19+$0x0] =	vst.idx.add.f32.msk $0xffff, v16  }
0x12e: {  	[tilespmem:v11+s19+$0x0] =	vst.idx.add.f32.msk $0xffff, v10  }
0x12f: {  	[tilespmem:v14+s19+$0x0] =	vst.idx.add.f32.msk $0xffff, v8  }
0x130: {  	[tilespmem:v1+s19+$0x0] =	vst.idx.add.f32.msk $0xffff, v9  }
0x131: {  	[tilespmem:v5+s19+$0x0] =	vst.idx.add.f32.msk $0xffff, v2  }
0x132: {  	[tilespmem:v12+s19+$0x0] =	vst.idx.add.f32.msk $0xffff, v4  }
0x133: {  	[tilespmem:v21+s19+$0x0] =	vst.idx.add.f32.msk $0xffff, v19  }
0x134: {  	[tilespmem:v15+s19+$0x0] =	vst.idx.add.f32.msk $0xffff, v23  }
0x135: {  	v12 =	vld [tilespmem:s23+$0x0]  }
0x136: {  	v11 =	vld [tilespmem:s23+$0x10]  }
0x137: {  	v5 =	vld [tilespmem:s23+$0x20]  }
0x138: {  	v2 =	vld [tilespmem:s23+$0xFFFFFF80]  }
0x139: {  	v4 =	vld [tilespmem:s23+$0x70]  }
0x13a: {  	v7 =	vld [tilespmem:s23+$0x60]  }
0x13b: {  	v15 =	vld [tilespmem:s23+$0xFFFFFFA0]  }
0x13c: {  	v1 =	vld [tilespmem:s23+$0xFFFFFFB0]  }
0x13d: {  	v8 =	vshrl.u32 v2, $0xE;
	v14 =	vld [tilespmem:s23+$0xFFFFFFC0]  }
0x13e: {  	v9 =	vld [tilespmem:s23+$0x50];
	v13 =	vshrl.u32 v4, $0xE  }
0x13f: {  	v17 =	vld [tilespmem:s23+$0x40];
	v21 =	vshrl.u32 v7, $0xE  }
0x140: {  	v18 =	vld [tilespmem:s23+$0xFFFFFF90]  }
0x141: {  	v22 =	vld [tilespmem:s23+$0x30]  }
0x142: {  	v10 =	vld.idx.msk [tilespmem:v8+s2+$0x0], $0xffff  }
0x143: {  	v24 =	vand.u32 $0x3FFF, v2;
	v25 =	vshrl.u32 v9, $0xE;
	v19 =	vld.idx.msk [tilespmem:v13+s2+$0x0], $0xffff  }
0x144: {  	v27 =	vand.u32 $0x3FFF, v4;
	v3 =	vshrl.u32 v17, $0xE;
	v26 =	vld.idx.msk [tilespmem:v21+s2+$0x0], $0xffff  }
0x145: {  	v30 =	vand.u32 $0x3FFF, v7;
	v6 =	vshrl.u32 v18, $0xE;
	v28 =	vld [tilespmem:s23+$0xFFFFFFF0]  }
0x146: {  	v31 =	vld [tilespmem:s23+$0xFFFFFFE0];
	v4 =	vshrl.u32 v22, $0xE  }
0x147: {  	v2 =	vshrl.u32 v5, $0xE;
	v29 =	vld [tilespmem:s23+$0xFFFFFFD0]  }
0x148: {  	[tilespmem:v24+s18+$0x0] =	vst.idx.add.f32.msk $0xffff, v10;
	v10 =	vshrl.u32 v11, $0xE  }
0x149: {  	v32 =	vld.idx.msk [tilespmem:v8+s13+$0x0], $0xffff;
	v8 =	vshrl.u32 v12, $0xE  }
0x14a: {  	v34 =	vand.u32 $0x3FFF, v9;
	v23 =	vshrl.u32 v28, $0xE;
	v33 =	vld.idx.msk [tilespmem:v25+s2+$0x0], $0xffff  }
0x14b: {  	v16 =	vshrl.u32 v31, $0xE;
	[tilespmem:v27+s18+$0x0] =	vst.idx.add.f32.msk $0xffff, v19  }
0x14c: {  	v9 =	vand.u32 $0x3FFF, v17;
	v19 =	vshrl.u32 v29, $0xE;
	v35 =	vld.idx.msk [tilespmem:v13+s13+$0x0], $0xffff  }
0x14d: {  	v20 =	vshrl.u32 v14, $0xE;
	v17 =	vand.u32 $0x3FFF, v18;
	v7 =	vand.u32 $0x3FFF, v22;
	v36 =	vld.idx.msk [tilespmem:v3+s2+$0x0], $0xffff  }
0x14e: {  	v13 =	vshrl.u32 v1, $0xE;
	[tilespmem:v30+s18+$0x0] =	vst.idx.add.f32.msk $0xffff, v26  }
0x14f: {  	v5 =	vand.u32 $0x3FFF, v5;
	v18 =	vshrl.u32 v15, $0xE;
	v37 =	vld.idx.msk [tilespmem:v21+s13+$0x0], $0xffff  }
0x150: {  	v11 =	vand.u32 $0x3FFF, v11;
	[tilespmem:v24+s19+$0x0] =	vst.idx.add.f32.msk $0xffff, v32  }
0x151: {  	v24 =	vld.idx.msk [tilespmem:v6+s2+$0x0], $0xffff  }
0x152: {  	v32 =	vld.idx.msk [tilespmem:v2+s2+$0x0], $0xffff  }
0x153: {  	v14 =	vand.u32 $0x3FFF, v14;
	[tilespmem:v27+s19+$0x0] =	vst.idx.add.f32.msk $0xffff, v35  }
0x154: {  	v22 =	vand.u32 $0x3FFF, v12;
	[tilespmem:v34+s18+$0x0] =	vst.idx.add.f32.msk $0xffff, v33  }
0x155: {  	v12 =	vand.u32 $0x3FFF, v15;
	v33 =	vld.idx.msk [tilespmem:v25+s13+$0x0], $0xffff  }
0x156: {  	v25 =	vld.idx.msk [tilespmem:v10+s2+$0x0], $0xffff  }
0x157: {  	v15 =	vand.u32 $0x3FFF, v28;
	v35 =	vld.idx.msk [tilespmem:v4+s2+$0x0], $0xffff  }
0x158: {  	v27 =	vld.idx.msk [tilespmem:v8+s2+$0x0], $0xffff  }
0x159: {  	[tilespmem:v9+s18+$0x0] =	vst.idx.add.f32.msk $0xffff, v36  }
0x15a: {  	v21 =	vand.u32 $0x3FFF, v29;
	v29 =	vld.idx.msk [tilespmem:v23+s2+$0x0], $0xffff  }
0x15b: {  	v28 =	vld.idx.msk [tilespmem:v16+s2+$0x0], $0xffff  }
0x15c: {  	[tilespmem:v17+s18+$0x0] =	vst.idx.add.f32.msk $0xffff, v24;
	v24 =	vand.u32 $0x3FFF, v31  }
.Ltmp2:
0x15d: {  	v26 =	vld.idx.msk [tilespmem:v19+s2+$0x0], $0xffff;
	(pc) =	sbr.rel @p0 .LBB2_6-.Ltmp2, $4  }
0x15e: {  	[tilespmem:v7+s18+$0x0] =	vst.idx.add.f32.msk $0xffff, v35  }
0x15f: {  	[tilespmem:v5+s18+$0x0] =	vst.idx.add.f32.msk $0xffff, v32  }
0x160: {  	[tilespmem:v34+s19+$0x0] =	vst.idx.add.f32.msk $0xffff, v33  }
0x161: {  	[tilespmem:v30+s19+$0x0] =	vst.idx.add.f32.msk $0xffff, v37  }
0x162: {  	_ =	sdelay $0x3  }
0x163: {  	v30 =	vld.idx.msk [tilespmem:v20+s2+$0x0], $0xffff  }
0x164: {  	[tilespmem:v11+s18+$0x0] =	vst.idx.add.f32.msk $0xffff, v25  }
0x165: {  	[tilespmem:v22+s18+$0x0] =	vst.idx.add.f32.msk $0xffff, v27  }
0x166: {  	[tilespmem:v15+s18+$0x0] =	vst.idx.add.f32.msk $0xffff, v29  }
0x167: {  	v25 =	vld.idx.msk [tilespmem:v18+s2+$0x0], $0xffff  }
0x168: {  	[tilespmem:v24+s18+$0x0] =	vst.idx.add.f32.msk $0xffff, v28  }
0x169: {  	v27 =	vld.idx.msk [tilespmem:v13+s2+$0x0], $0xffff  }
0x16a: {  	v6 =	vld.idx.msk [tilespmem:v6+s13+$0x0], $0xffff  }
0x16b: {  	[tilespmem:v21+s18+$0x0] =	vst.idx.add.f32.msk $0xffff, v26  }
0x16c: {  	v3 =	vld.idx.msk [tilespmem:v3+s13+$0x0], $0xffff  }
0x16d: {  	v2 =	vld.idx.msk [tilespmem:v2+s13+$0x0], $0xffff  }
0x16e: {  	v23 =	vld.idx.msk [tilespmem:v23+s13+$0x0], $0xffff  }
0x16f: {  	v10 =	vld.idx.msk [tilespmem:v10+s13+$0x0], $0xffff  }
0x170: {  	v1 =	vand.u32 $0x3FFF, v1;
	v16 =	vld.idx.msk [tilespmem:v16+s13+$0x0], $0xffff  }
0x171: {  	v19 =	vld.idx.msk [tilespmem:v19+s13+$0x0], $0xffff  }
0x172: {  	[tilespmem:v14+s18+$0x0] =	vst.idx.add.f32.msk $0xffff, v30  }
0x173: {  	[tilespmem:v17+s19+$0x0] =	vst.idx.add.f32.msk $0xffff, v6  }
0x174: {  	v6 =	vld.idx.msk [tilespmem:v8+s13+$0x0], $0xffff  }
0x175: {  	[tilespmem:v1+s18+$0x0] =	vst.idx.add.f32.msk $0xffff, v27  }
0x176: {  	[tilespmem:v9+s19+$0x0] =	vst.idx.add.f32.msk $0xffff, v3  }
0x177: {  	v3 =	vld.idx.msk [tilespmem:v4+s13+$0x0], $0xffff  }
0x178: {  	[tilespmem:v12+s18+$0x0] =	vst.idx.add.f32.msk $0xffff, v25  }
0x179: {  	[tilespmem:v5+s19+$0x0] =	vst.idx.add.f32.msk $0xffff, v2  }
0x17a: {  	v8 =	vld.idx.msk [tilespmem:v20+s13+$0x0], $0xffff  }
0x17b: {  	v4 =	vld.idx.msk [tilespmem:v18+s13+$0x0], $0xffff  }
0x17c: {  	v9 =	vld.idx.msk [tilespmem:v13+s13+$0x0], $0xffff  }
0x17d: {  	[tilespmem:v24+s19+$0x0] =	vst.idx.add.f32.msk $0xffff, v16  }
0x17e: {  	[tilespmem:v11+s19+$0x0] =	vst.idx.add.f32.msk $0xffff, v10  }
0x17f: {  	[tilespmem:v21+s19+$0x0] =	vst.idx.add.f32.msk $0xffff, v19  }
0x180: {  	[tilespmem:v15+s19+$0x0] =	vst.idx.add.f32.msk $0xffff, v23  }
0x181: {  	[tilespmem:v22+s19+$0x0] =	vst.idx.add.f32.msk $0xffff, v6  }
0x182: {  	[tilespmem:v7+s19+$0x0] =	vst.idx.add.f32.msk $0xffff, v3  }
0x183: {  	[tilespmem:v14+s19+$0x0] =	vst.idx.add.f32.msk $0xffff, v8  }
0x184: {  	[tilespmem:v1+s19+$0x0] =	vst.idx.add.f32.msk $0xffff, v9  }
0x185: {  	[tilespmem:v12+s19+$0x0] =	vst.idx.add.f32.msk $0xffff, v4  }
0x186: {  	[tilespmem:s16], [sflag:$0x2] =	stream.linear.gather [hbm4b:s8+s2], $0x7D00, $0x38;
	[tilespmem:$0x19800] =	vst v63  }
0x187: {  	_ =	swait.ge [sflag:s17], $0x7D00  }
0x188: {  	[sflag:s17] =	ssyncset.done $0x0  }
0x189: {  	s23 =	simm.s32 $0x9E80;
	[sflag:s17] =	ssyncadd.s32 $0xFFFF8300  }
0x18a: {  	v12 =	vld [tilespmem:s23+$0x0]  }
0x18b: {  	v11 =	vld [tilespmem:s23+$0x10]  }
0x18c: {  	v5 =	vld [tilespmem:s23+$0x20]  }
0x18d: {  	v2 =	vld [tilespmem:s23+$0xFFFFFF80]  }
0x18e: {  	v3 =	vld [tilespmem:s23+$0x70]  }
0x18f: {  	v4 =	vld [tilespmem:s23+$0x60]  }
0x190: {  	v15 =	vld [tilespmem:s23+$0xFFFFFFA0]  }
0x191: {  	v1 =	vld [tilespmem:s23+$0xFFFFFFB0]  }
0x192: {  	v14 =	vld [tilespmem:s23+$0xFFFFFFC0]  }
0x193: {  	v9 =	vld [tilespmem:s23+$0x40]  }
0x194: {  	v7 =	vld [tilespmem:s23+$0x50];
	v6 =	vshrl.u32 v2, $0xE  }
0x195: {  	v13 =	vld [tilespmem:s23+$0xFFFFFF90]  }
0x196: {  	v18 =	vld [tilespmem:s23+$0x30];
	v8 =	vshrl.u32 v3, $0xE  }
0x197: {  	v21 =	vld [tilespmem:s23+$0xFFFFFFF0];
	v10 =	vshrl.u32 v4, $0xE  }
0x198: {  	v24 =	vld [tilespmem:s23+$0xFFFFFFE0];
	v22 =	vand.u32 $0x3FFF, v3;
	v3 =	vshrl.u32 v9, $0xE  }
0x199: {  	v17 =	vand.u32 $0x3FFF, v2;
	v16 =	vld.idx.msk [tilespmem:v6+s2+$0x0], $0xffff  }
0x19a: {  	v30 =	vld [tilespmem:s23+$0xFFFFFFD0];
	v20 =	vshrl.u32 v7, $0xE  }
0x19b: {  	v2 =	vld.idx.msk [tilespmem:v8+s2+$0x0], $0xffff  }
0x19c: {  	v31 =	vand.u32 $0x3FFF, v4;
	v19 =	vld.idx.msk [tilespmem:v10+s2+$0x0], $0xffff  }
0x19d: {  	v9 =	vand.u32 $0x3FFF, v9;
	v26 =	vld.idx.msk [tilespmem:v3+s2+$0x0], $0xffff  }
0x19e: {  	[tilespmem:v17+s18+$0x0] =	vst.idx.add.f32.msk $0xffff, v16  }
0x19f: {  	v16 =	vld.idx.msk [tilespmem:v20+s2+$0x0], $0xffff  }
0x1a0: {  	[tilespmem:v22+s18+$0x0] =	vst.idx.add.f32.msk $0xffff, v2  }
0x1a1: {  	v2 =	vshrl.u32 v5, $0xE;
	[tilespmem:v31+s18+$0x0] =	vst.idx.add.f32.msk $0xffff, v19  }
0x1a2: {  	v32 =	vand.u32 $0x3FFF, v7;
	[tilespmem:v9+s18+$0x0] =	vst.idx.add.f32.msk $0xffff, v26  }
0x1a3: {  	v19 =	vshrl.u32 v30, $0xE;
	v4 =	vld.idx.msk [tilespmem:v6+s13+$0x0], $0xffff  }
0x1a4: {  	v23 =	vld.idx.msk [tilespmem:v8+s13+$0x0], $0xffff  }
0x1a5: {  	v6 =	vshrl.u32 v13, $0xE;
	v33 =	vld.idx.msk [tilespmem:v10+s13+$0x0], $0xffff  }
0x1a6: {  	v35 =	vld.idx.msk [tilespmem:v2+s2+$0x0], $0xffff  }
0x1a7: {  	[tilespmem:v32+s18+$0x0] =	vst.idx.add.f32.msk $0xffff, v16  }
0x1a8: {  	v10 =	vshrl.u32 v11, $0xE;
	v26 =	vld.idx.msk [tilespmem:v19+s2+$0x0], $0xffff  }
0x1a9: {  	v8 =	vshrl.u32 v12, $0xE;
	[tilespmem:v17+s19+$0x0] =	vst.idx.add.f32.msk $0xffff, v4  }
0x1aa: {  	v34 =	vld.idx.msk [tilespmem:v6+s2+$0x0], $0xffff  }
0x1ab: {  	v16 =	vshrl.u32 v24, $0xE;
	[tilespmem:v22+s19+$0x0] =	vst.idx.add.f32.msk $0xffff, v23  }
0x1ac: {  	v4 =	vshrl.u32 v18, $0xE;
	v36 =	vld.idx.msk [tilespmem:v20+s13+$0x0], $0xffff  }
0x1ad: {  	v5 =	vand.u32 $0x3FFF, v5;
	v25 =	vld.idx.msk [tilespmem:v10+s2+$0x0], $0xffff  }
0x1ae: {  	v23 =	vshrl.u32 v21, $0xE;
	v27 =	vld.idx.msk [tilespmem:v8+s2+$0x0], $0xffff  }
0x1af: {  	v17 =	vand.u32 $0x3FFF, v13;
	[tilespmem:v31+s19+$0x0] =	vst.idx.add.f32.msk $0xffff, v33  }
0x1b0: {  	v28 =	vld.idx.msk [tilespmem:v16+s2+$0x0], $0xffff  }
0x1b1: {  	v7 =	vand.u32 $0x3FFF, v18;
	v13 =	vld.idx.msk [tilespmem:v4+s2+$0x0], $0xffff  }
0x1b2: {  	v20 =	vshrl.u32 v14, $0xE;
	[tilespmem:v5+s18+$0x0] =	vst.idx.add.f32.msk $0xffff, v35  }
0x1b3: {  	v11 =	vand.u32 $0x3FFF, v11;
	v29 =	vld.idx.msk [tilespmem:v23+s2+$0x0], $0xffff  }
0x1b4: {  	v24 =	vand.u32 $0x3FFF, v24;
	v22 =	vand.u32 $0x3FFF, v12;
	[tilespmem:v17+s18+$0x0] =	vst.idx.add.f32.msk $0xffff, v34  }
0x1b5: {  	v18 =	vshrl.u32 v15, $0xE;
	v12 =	vand.u32 $0x3FFF, v15;
	v15 =	vand.u32 $0x3FFF, v21;
	[tilespmem:v32+s19+$0x0] =	vst.idx.add.f32.msk $0xffff, v36  }
0x1b6: {  	s24 =	simm.s32 $0x0;
	v14 =	vand.u32 $0x3FFF, v14;
	v21 =	vand.u32 $0x3FFF, v30;
	[tilespmem:v7+s18+$0x0] =	vst.idx.add.f32.msk $0xffff, v13;
	v13 =	vshrl.u32 v1, $0xE  }
.LBB2_8:
0x1b7: {  	s24 =	sadd.s32 $0x100, s24;
	v30 =	vld.idx.msk [tilespmem:v20+s2+$0x0], $0xffff;
	s23 =	sadd.s32 $0x100, s23  }
0x1b8: {  	p0 =	slt.u32 s24, $0x7C00;
	[tilespmem:v11+s18+$0x0] =	vst.idx.add.f32.msk $0xffff, v25  }
0x1b9: {  	v1 =	vand.u32 $0x3FFF, v1;
	[tilespmem:v22+s18+$0x0] =	vst.idx.add.f32.msk $0xffff, v27  }
0x1ba: {  	[tilespmem:v15+s18+$0x0] =	vst.idx.add.f32.msk $0xffff, v29  }
0x1bb: {  	v23 =	vld.idx.msk [tilespmem:v23+s13+$0x0], $0xffff  }
0x1bc: {  	v25 =	vld.idx.msk [tilespmem:v18+s2+$0x0], $0xffff  }
0x1bd: {  	[tilespmem:v24+s18+$0x0] =	vst.idx.add.f32.msk $0xffff, v28  }
0x1be: {  	v27 =	vld.idx.msk [tilespmem:v13+s2+$0x0], $0xffff  }
0x1bf: {  	[tilespmem:v14+s18+$0x0] =	vst.idx.add.f32.msk $0xffff, v30  }
0x1c0: {  	v6 =	vld.idx.msk [tilespmem:v6+s13+$0x0], $0xffff  }
0x1c1: {  	[tilespmem:v21+s18+$0x0] =	vst.idx.add.f32.msk $0xffff, v26  }
0x1c2: {  	v10 =	vld.idx.msk [tilespmem:v10+s13+$0x0], $0xffff  }
0x1c3: {  	v16 =	vld.idx.msk [tilespmem:v16+s13+$0x0], $0xffff  }
0x1c4: {  	v3 =	vld.idx.msk [tilespmem:v3+s13+$0x0], $0xffff  }
0x1c5: {  	v19 =	vld.idx.msk [tilespmem:v19+s13+$0x0], $0xffff  }
0x1c6: {  	[tilespmem:v17+s19+$0x0] =	vst.idx.add.f32.msk $0xffff, v6  }
0x1c7: {  	v6 =	vld.idx.msk [tilespmem:v8+s13+$0x0], $0xffff  }
0x1c8: {  	[tilespmem:v1+s18+$0x0] =	vst.idx.add.f32.msk $0xffff, v27  }
0x1c9: {  	v8 =	vld.idx.msk [tilespmem:v20+s13+$0x0], $0xffff  }
0x1ca: {  	[tilespmem:v9+s19+$0x0] =	vst.idx.add.f32.msk $0xffff, v3  }
0x1cb: {  	v3 =	vld.idx.msk [tilespmem:v4+s13+$0x0], $0xffff  }
0x1cc: {  	[tilespmem:v12+s18+$0x0] =	vst.idx.add.f32.msk $0xffff, v25  }
0x1cd: {  	v4 =	vld.idx.msk [tilespmem:v18+s13+$0x0], $0xffff  }
0x1ce: {  	v9 =	vld.idx.msk [tilespmem:v13+s13+$0x0], $0xffff  }
0x1cf: {  	v2 =	vld.idx.msk [tilespmem:v2+s13+$0x0], $0xffff  }
0x1d0: {  	[tilespmem:v22+s19+$0x0] =	vst.idx.add.f32.msk $0xffff, v6  }
0x1d1: {  	[tilespmem:v7+s19+$0x0] =	vst.idx.add.f32.msk $0xffff, v3  }
0x1d2: {  	[tilespmem:v24+s19+$0x0] =	vst.idx.add.f32.msk $0xffff, v16  }
0x1d3: {  	[tilespmem:v11+s19+$0x0] =	vst.idx.add.f32.msk $0xffff, v10  }
0x1d4: {  	[tilespmem:v14+s19+$0x0] =	vst.idx.add.f32.msk $0xffff, v8  }
0x1d5: {  	[tilespmem:v1+s19+$0x0] =	vst.idx.add.f32.msk $0xffff, v9  }
0x1d6: {  	[tilespmem:v5+s19+$0x0] =	vst.idx.add.f32.msk $0xffff, v2  }
0x1d7: {  	[tilespmem:v12+s19+$0x0] =	vst.idx.add.f32.msk $0xffff, v4  }
0x1d8: {  	[tilespmem:v21+s19+$0x0] =	vst.idx.add.f32.msk $0xffff, v19  }
0x1d9: {  	[tilespmem:v15+s19+$0x0] =	vst.idx.add.f32.msk $0xffff, v23  }
0x1da: {  	v12 =	vld [tilespmem:s23+$0x0]  }
0x1db: {  	v11 =	vld [tilespmem:s23+$0x10]  }
0x1dc: {  	v5 =	vld [tilespmem:s23+$0x20]  }
0x1dd: {  	v2 =	vld [tilespmem:s23+$0xFFFFFF80]  }
0x1de: {  	v4 =	vld [tilespmem:s23+$0x70]  }
0x1df: {  	v7 =	vld [tilespmem:s23+$0x60]  }
0x1e0: {  	v15 =	vld [tilespmem:s23+$0xFFFFFFA0]  }
0x1e1: {  	v1 =	vld [tilespmem:s23+$0xFFFFFFB0]  }
0x1e2: {  	v8 =	vshrl.u32 v2, $0xE;
	v14 =	vld [tilespmem:s23+$0xFFFFFFC0]  }
0x1e3: {  	v9 =	vld [tilespmem:s23+$0x50];
	v13 =	vshrl.u32 v4, $0xE  }
0x1e4: {  	v17 =	vld [tilespmem:s23+$0x40];
	v21 =	vshrl.u32 v7, $0xE  }
0x1e5: {  	v18 =	vld [tilespmem:s23+$0xFFFFFF90]  }
0x1e6: {  	v22 =	vld [tilespmem:s23+$0x30]  }
0x1e7: {  	v10 =	vld.idx.msk [tilespmem:v8+s2+$0x0], $0xffff  }
0x1e8: {  	v24 =	vand.u32 $0x3FFF, v2;
	v25 =	vshrl.u32 v9, $0xE;
	v19 =	vld.idx.msk [tilespmem:v13+s2+$0x0], $0xffff  }
0x1e9: {  	v27 =	vand.u32 $0x3FFF, v4;
	v3 =	vshrl.u32 v17, $0xE;
	v26 =	vld.idx.msk [tilespmem:v21+s2+$0x0], $0xffff  }
0x1ea: {  	v30 =	vand.u32 $0x3FFF, v7;
	v6 =	vshrl.u32 v18, $0xE;
	v28 =	vld [tilespmem:s23+$0xFFFFFFF0]  }
0x1eb: {  	v31 =	vld [tilespmem:s23+$0xFFFFFFE0];
	v4 =	vshrl.u32 v22, $0xE  }
0x1ec: {  	v2 =	vshrl.u32 v5, $0xE;
	v29 =	vld [tilespmem:s23+$0xFFFFFFD0]  }
0x1ed: {  	[tilespmem:v24+s18+$0x0] =	vst.idx.add.f32.msk $0xffff, v10;
	v10 =	vshrl.u32 v11, $0xE  }
0x1ee: {  	v32 =	vld.idx.msk [tilespmem:v8+s13+$0x0], $0xffff;
	v8 =	vshrl.u32 v12, $0xE  }
0x1ef: {  	v34 =	vand.u32 $0x3FFF, v9;
	v23 =	vshrl.u32 v28, $0xE;
	v33 =	vld.idx.msk [tilespmem:v25+s2+$0x0], $0xffff  }
0x1f0: {  	v16 =	vshrl.u32 v31, $0xE;
	[tilespmem:v27+s18+$0x0] =	vst.idx.add.f32.msk $0xffff, v19  }
0x1f1: {  	v9 =	vand.u32 $0x3FFF, v17;
	v19 =	vshrl.u32 v29, $0xE;
	v35 =	vld.idx.msk [tilespmem:v13+s13+$0x0], $0xffff  }
0x1f2: {  	v20 =	vshrl.u32 v14, $0xE;
	v17 =	vand.u32 $0x3FFF, v18;
	v7 =	vand.u32 $0x3FFF, v22;
	v36 =	vld.idx.msk [tilespmem:v3+s2+$0x0], $0xffff  }
0x1f3: {  	v13 =	vshrl.u32 v1, $0xE;
	[tilespmem:v30+s18+$0x0] =	vst.idx.add.f32.msk $0xffff, v26  }
0x1f4: {  	v5 =	vand.u32 $0x3FFF, v5;
	v18 =	vshrl.u32 v15, $0xE;
	v37 =	vld.idx.msk [tilespmem:v21+s13+$0x0], $0xffff  }
0x1f5: {  	v11 =	vand.u32 $0x3FFF, v11;
	[tilespmem:v24+s19+$0x0] =	vst.idx.add.f32.msk $0xffff, v32  }
0x1f6: {  	v24 =	vld.idx.msk [tilespmem:v6+s2+$0x0], $0xffff  }
0x1f7: {  	v32 =	vld.idx.msk [tilespmem:v2+s2+$0x0], $0xffff  }
0x1f8: {  	v14 =	vand.u32 $0x3FFF, v14;
	[tilespmem:v27+s19+$0x0] =	vst.idx.add.f32.msk $0xffff, v35  }
0x1f9: {  	v22 =	vand.u32 $0x3FFF, v12;
	[tilespmem:v34+s18+$0x0] =	vst.idx.add.f32.msk $0xffff, v33  }
0x1fa: {  	v12 =	vand.u32 $0x3FFF, v15;
	v33 =	vld.idx.msk [tilespmem:v25+s13+$0x0], $0xffff  }
0x1fb: {  	v25 =	vld.idx.msk [tilespmem:v10+s2+$0x0], $0xffff  }
0x1fc: {  	v15 =	vand.u32 $0x3FFF, v28;
	v35 =	vld.idx.msk [tilespmem:v4+s2+$0x0], $0xffff  }
0x1fd: {  	v27 =	vld.idx.msk [tilespmem:v8+s2+$0x0], $0xffff  }
0x1fe: {  	[tilespmem:v9+s18+$0x0] =	vst.idx.add.f32.msk $0xffff, v36  }
0x1ff: {  	v21 =	vand.u32 $0x3FFF, v29;
	v29 =	vld.idx.msk [tilespmem:v23+s2+$0x0], $0xffff  }
0x200: {  	v28 =	vld.idx.msk [tilespmem:v16+s2+$0x0], $0xffff  }
0x201: {  	[tilespmem:v17+s18+$0x0] =	vst.idx.add.f32.msk $0xffff, v24;
	v24 =	vand.u32 $0x3FFF, v31  }
.Ltmp3:
0x202: {  	v26 =	vld.idx.msk [tilespmem:v19+s2+$0x0], $0xffff;
	(pc) =	sbr.rel @p0 .LBB2_8-.Ltmp3, $4  }
0x203: {  	[tilespmem:v7+s18+$0x0] =	vst.idx.add.f32.msk $0xffff, v35  }
0x204: {  	[tilespmem:v5+s18+$0x0] =	vst.idx.add.f32.msk $0xffff, v32  }
0x205: {  	[tilespmem:v34+s19+$0x0] =	vst.idx.add.f32.msk $0xffff, v33  }
0x206: {  	[tilespmem:v30+s19+$0x0] =	vst.idx.add.f32.msk $0xffff, v37  }
0x207: {  	_ =	sdelay $0x3  }
0x208: {  	v30 =	vld.idx.msk [tilespmem:v20+s2+$0x0], $0xffff  }
0x209: {  	[tilespmem:v11+s18+$0x0] =	vst.idx.add.f32.msk $0xffff, v25  }
0x20a: {  	[tilespmem:v22+s18+$0x0] =	vst.idx.add.f32.msk $0xffff, v27  }
0x20b: {  	[tilespmem:v15+s18+$0x0] =	vst.idx.add.f32.msk $0xffff, v29  }
0x20c: {  	v25 =	vld.idx.msk [tilespmem:v18+s2+$0x0], $0xffff  }
0x20d: {  	[tilespmem:v24+s18+$0x0] =	vst.idx.add.f32.msk $0xffff, v28  }
0x20e: {  	v27 =	vld.idx.msk [tilespmem:v13+s2+$0x0], $0xffff  }
0x20f: {  	v6 =	vld.idx.msk [tilespmem:v6+s13+$0x0], $0xffff  }
0x210: {  	[tilespmem:v21+s18+$0x0] =	vst.idx.add.f32.msk $0xffff, v26  }
0x211: {  	v3 =	vld.idx.msk [tilespmem:v3+s13+$0x0], $0xffff  }
0x212: {  	v2 =	vld.idx.msk [tilespmem:v2+s13+$0x0], $0xffff  }
0x213: {  	v23 =	vld.idx.msk [tilespmem:v23+s13+$0x0], $0xffff  }
0x214: {  	v10 =	vld.idx.msk [tilespmem:v10+s13+$0x0], $0xffff  }
0x215: {  	v1 =	vand.u32 $0x3FFF, v1;
	v16 =	vld.idx.msk [tilespmem:v16+s13+$0x0], $0xffff  }
0x216: {  	v19 =	vld.idx.msk [tilespmem:v19+s13+$0x0], $0xffff  }
0x217: {  	[tilespmem:v14+s18+$0x0] =	vst.idx.add.f32.msk $0xffff, v30  }
0x218: {  	[tilespmem:v17+s19+$0x0] =	vst.idx.add.f32.msk $0xffff, v6  }
0x219: {  	v6 =	vld.idx.msk [tilespmem:v8+s13+$0x0], $0xffff  }
0x21a: {  	[tilespmem:v1+s18+$0x0] =	vst.idx.add.f32.msk $0xffff, v27  }
0x21b: {  	[tilespmem:v9+s19+$0x0] =	vst.idx.add.f32.msk $0xffff, v3  }
0x21c: {  	v3 =	vld.idx.msk [tilespmem:v4+s13+$0x0], $0xffff  }
0x21d: {  	[tilespmem:v12+s18+$0x0] =	vst.idx.add.f32.msk $0xffff, v25  }
0x21e: {  	[tilespmem:v5+s19+$0x0] =	vst.idx.add.f32.msk $0xffff, v2  }
0x21f: {  	v8 =	vld.idx.msk [tilespmem:v20+s13+$0x0], $0xffff  }
0x220: {  	v4 =	vld.idx.msk [tilespmem:v18+s13+$0x0], $0xffff  }
0x221: {  	v9 =	vld.idx.msk [tilespmem:v13+s13+$0x0], $0xffff  }
0x222: {  	[tilespmem:v24+s19+$0x0] =	vst.idx.add.f32.msk $0xffff, v16  }
0x223: {  	[tilespmem:v11+s19+$0x0] =	vst.idx.add.f32.msk $0xffff, v10  }
0x224: {  	[tilespmem:v21+s19+$0x0] =	vst.idx.add.f32.msk $0xffff, v19  }
0x225: {  	[tilespmem:v15+s19+$0x0] =	vst.idx.add.f32.msk $0xffff, v23  }
0x226: {  	[tilespmem:v22+s19+$0x0] =	vst.idx.add.f32.msk $0xffff, v6  }
0x227: {  	[tilespmem:v7+s19+$0x0] =	vst.idx.add.f32.msk $0xffff, v3  }
0x228: {  	[tilespmem:v14+s19+$0x0] =	vst.idx.add.f32.msk $0xffff, v8  }
0x229: {  	[tilespmem:v1+s19+$0x0] =	vst.idx.add.f32.msk $0xffff, v9  }
0x22a: {  	[tilespmem:v12+s19+$0x0] =	vst.idx.add.f32.msk $0xffff, v4  }
0x22b: {  	[tilespmem:s14], [sflag:$0x1] =	stream.linear.gather [hbm4b:s9+s2], $0x7D00, $0x38;
	[tilespmem:$0x19800] =	vst v63  }
0x22c: {  	_ =	swait.ge [sflag:s20], $0x7D00  }
0x22d: {  	[sflag:s20] =	ssyncset.done $0x0  }
0x22e: {  	s23 =	simm.s32 $0x11B80;
	[sflag:s20] =	ssyncadd.s32 $0xFFFF8300  }
0x22f: {  	v12 =	vld [tilespmem:s23+$0x0]  }
0x230: {  	v11 =	vld [tilespmem:s23+$0x10]  }
0x231: {  	v5 =	vld [tilespmem:s23+$0x20]  }
0x232: {  	v2 =	vld [tilespmem:s23+$0xFFFFFF80]  }
0x233: {  	v3 =	vld [tilespmem:s23+$0x70]  }
0x234: {  	v4 =	vld [tilespmem:s23+$0x60]  }
0x235: {  	v15 =	vld [tilespmem:s23+$0xFFFFFFA0]  }
0x236: {  	v1 =	vld [tilespmem:s23+$0xFFFFFFB0]  }
0x237: {  	v14 =	vld [tilespmem:s23+$0xFFFFFFC0]  }
0x238: {  	v9 =	vld [tilespmem:s23+$0x40]  }
0x239: {  	v7 =	vld [tilespmem:s23+$0x50];
	v6 =	vshrl.u32 v2, $0xE  }
0x23a: {  	v13 =	vld [tilespmem:s23+$0xFFFFFF90]  }
0x23b: {  	v18 =	vld [tilespmem:s23+$0x30];
	v8 =	vshrl.u32 v3, $0xE  }
0x23c: {  	v21 =	vld [tilespmem:s23+$0xFFFFFFF0];
	v10 =	vshrl.u32 v4, $0xE  }
0x23d: {  	v24 =	vld [tilespmem:s23+$0xFFFFFFE0];
	v22 =	vand.u32 $0x3FFF, v3;
	v3 =	vshrl.u32 v9, $0xE  }
0x23e: {  	v17 =	vand.u32 $0x3FFF, v2;
	v16 =	vld.idx.msk [tilespmem:v6+s2+$0x0], $0xffff  }
0x23f: {  	v30 =	vld [tilespmem:s23+$0xFFFFFFD0];
	v20 =	vshrl.u32 v7, $0xE  }
0x240: {  	v2 =	vld.idx.msk [tilespmem:v8+s2+$0x0], $0xffff  }
0x241: {  	v31 =	vand.u32 $0x3FFF, v4;
	v19 =	vld.idx.msk [tilespmem:v10+s2+$0x0], $0xffff  }
0x242: {  	v9 =	vand.u32 $0x3FFF, v9;
	v26 =	vld.idx.msk [tilespmem:v3+s2+$0x0], $0xffff  }
0x243: {  	[tilespmem:v17+s18+$0x0] =	vst.idx.add.f32.msk $0xffff, v16  }
0x244: {  	v16 =	vld.idx.msk [tilespmem:v20+s2+$0x0], $0xffff  }
0x245: {  	[tilespmem:v22+s18+$0x0] =	vst.idx.add.f32.msk $0xffff, v2  }
0x246: {  	v2 =	vshrl.u32 v5, $0xE;
	[tilespmem:v31+s18+$0x0] =	vst.idx.add.f32.msk $0xffff, v19  }
0x247: {  	v32 =	vand.u32 $0x3FFF, v7;
	[tilespmem:v9+s18+$0x0] =	vst.idx.add.f32.msk $0xffff, v26  }
0x248: {  	v19 =	vshrl.u32 v30, $0xE;
	v4 =	vld.idx.msk [tilespmem:v6+s13+$0x0], $0xffff  }
0x249: {  	v23 =	vld.idx.msk [tilespmem:v8+s13+$0x0], $0xffff  }
0x24a: {  	v6 =	vshrl.u32 v13, $0xE;
	v33 =	vld.idx.msk [tilespmem:v10+s13+$0x0], $0xffff  }
0x24b: {  	v35 =	vld.idx.msk [tilespmem:v2+s2+$0x0], $0xffff  }
0x24c: {  	[tilespmem:v32+s18+$0x0] =	vst.idx.add.f32.msk $0xffff, v16  }
0x24d: {  	v10 =	vshrl.u32 v11, $0xE;
	v26 =	vld.idx.msk [tilespmem:v19+s2+$0x0], $0xffff  }
0x24e: {  	v8 =	vshrl.u32 v12, $0xE;
	[tilespmem:v17+s19+$0x0] =	vst.idx.add.f32.msk $0xffff, v4  }
0x24f: {  	v34 =	vld.idx.msk [tilespmem:v6+s2+$0x0], $0xffff  }
0x250: {  	v16 =	vshrl.u32 v24, $0xE;
	[tilespmem:v22+s19+$0x0] =	vst.idx.add.f32.msk $0xffff, v23  }
0x251: {  	v4 =	vshrl.u32 v18, $0xE;
	v36 =	vld.idx.msk [tilespmem:v20+s13+$0x0], $0xffff  }
0x252: {  	v5 =	vand.u32 $0x3FFF, v5;
	v25 =	vld.idx.msk [tilespmem:v10+s2+$0x0], $0xffff  }
0x253: {  	v23 =	vshrl.u32 v21, $0xE;
	v27 =	vld.idx.msk [tilespmem:v8+s2+$0x0], $0xffff  }
0x254: {  	v17 =	vand.u32 $0x3FFF, v13;
	[tilespmem:v31+s19+$0x0] =	vst.idx.add.f32.msk $0xffff, v33  }
0x255: {  	v28 =	vld.idx.msk [tilespmem:v16+s2+$0x0], $0xffff  }
0x256: {  	v7 =	vand.u32 $0x3FFF, v18;
	v13 =	vld.idx.msk [tilespmem:v4+s2+$0x0], $0xffff  }
0x257: {  	v20 =	vshrl.u32 v14, $0xE;
	[tilespmem:v5+s18+$0x0] =	vst.idx.add.f32.msk $0xffff, v35  }
0x258: {  	v11 =	vand.u32 $0x3FFF, v11;
	v29 =	vld.idx.msk [tilespmem:v23+s2+$0x0], $0xffff  }
0x259: {  	v24 =	vand.u32 $0x3FFF, v24;
	v22 =	vand.u32 $0x3FFF, v12;
	[tilespmem:v17+s18+$0x0] =	vst.idx.add.f32.msk $0xffff, v34  }
0x25a: {  	v18 =	vshrl.u32 v15, $0xE;
	v12 =	vand.u32 $0x3FFF, v15;
	v15 =	vand.u32 $0x3FFF, v21;
	[tilespmem:v32+s19+$0x0] =	vst.idx.add.f32.msk $0xffff, v36  }
0x25b: {  	s24 =	simm.s32 $0x0;
	v14 =	vand.u32 $0x3FFF, v14;
	v21 =	vand.u32 $0x3FFF, v30;
	[tilespmem:v7+s18+$0x0] =	vst.idx.add.f32.msk $0xffff, v13;
	v13 =	vshrl.u32 v1, $0xE  }
.LBB2_10:
0x25c: {  	s24 =	sadd.s32 $0x100, s24;
	v30 =	vld.idx.msk [tilespmem:v20+s2+$0x0], $0xffff;
	s23 =	sadd.s32 $0x100, s23  }
0x25d: {  	p0 =	slt.u32 s24, $0x7C00;
	[tilespmem:v11+s18+$0x0] =	vst.idx.add.f32.msk $0xffff, v25  }
0x25e: {  	v1 =	vand.u32 $0x3FFF, v1;
	[tilespmem:v22+s18+$0x0] =	vst.idx.add.f32.msk $0xffff, v27  }
0x25f: {  	[tilespmem:v15+s18+$0x0] =	vst.idx.add.f32.msk $0xffff, v29  }
0x260: {  	v23 =	vld.idx.msk [tilespmem:v23+s13+$0x0], $0xffff  }
0x261: {  	v25 =	vld.idx.msk [tilespmem:v18+s2+$0x0], $0xffff  }
0x262: {  	[tilespmem:v24+s18+$0x0] =	vst.idx.add.f32.msk $0xffff, v28  }
0x263: {  	v27 =	vld.idx.msk [tilespmem:v13+s2+$0x0], $0xffff  }
0x264: {  	[tilespmem:v14+s18+$0x0] =	vst.idx.add.f32.msk $0xffff, v30  }
0x265: {  	v6 =	vld.idx.msk [tilespmem:v6+s13+$0x0], $0xffff  }
0x266: {  	[tilespmem:v21+s18+$0x0] =	vst.idx.add.f32.msk $0xffff, v26  }
0x267: {  	v10 =	vld.idx.msk [tilespmem:v10+s13+$0x0], $0xffff  }
0x268: {  	v16 =	vld.idx.msk [tilespmem:v16+s13+$0x0], $0xffff  }
0x269: {  	v3 =	vld.idx.msk [tilespmem:v3+s13+$0x0], $0xffff  }
0x26a: {  	v19 =	vld.idx.msk [tilespmem:v19+s13+$0x0], $0xffff  }
0x26b: {  	[tilespmem:v17+s19+$0x0] =	vst.idx.add.f32.msk $0xffff, v6  }
0x26c: {  	v6 =	vld.idx.msk [tilespmem:v8+s13+$0x0], $0xffff  }
0x26d: {  	[tilespmem:v1+s18+$0x0] =	vst.idx.add.f32.msk $0xffff, v27  }
0x26e: {  	v8 =	vld.idx.msk [tilespmem:v20+s13+$0x0], $0xffff  }
0x26f: {  	[tilespmem:v9+s19+$0x0] =	vst.idx.add.f32.msk $0xffff, v3  }
0x270: {  	v3 =	vld.idx.msk [tilespmem:v4+s13+$0x0], $0xffff  }
0x271: {  	[tilespmem:v12+s18+$0x0] =	vst.idx.add.f32.msk $0xffff, v25  }
0x272: {  	v4 =	vld.idx.msk [tilespmem:v18+s13+$0x0], $0xffff  }
0x273: {  	v9 =	vld.idx.msk [tilespmem:v13+s13+$0x0], $0xffff  }
0x274: {  	v2 =	vld.idx.msk [tilespmem:v2+s13+$0x0], $0xffff  }
0x275: {  	[tilespmem:v22+s19+$0x0] =	vst.idx.add.f32.msk $0xffff, v6  }
0x276: {  	[tilespmem:v7+s19+$0x0] =	vst.idx.add.f32.msk $0xffff, v3  }
0x277: {  	[tilespmem:v24+s19+$0x0] =	vst.idx.add.f32.msk $0xffff, v16  }
0x278: {  	[tilespmem:v11+s19+$0x0] =	vst.idx.add.f32.msk $0xffff, v10  }
0x279: {  	[tilespmem:v14+s19+$0x0] =	vst.idx.add.f32.msk $0xffff, v8  }
0x27a: {  	[tilespmem:v1+s19+$0x0] =	vst.idx.add.f32.msk $0xffff, v9  }
0x27b: {  	[tilespmem:v5+s19+$0x0] =	vst.idx.add.f32.msk $0xffff, v2  }
0x27c: {  	[tilespmem:v12+s19+$0x0] =	vst.idx.add.f32.msk $0xffff, v4  }
0x27d: {  	[tilespmem:v21+s19+$0x0] =	vst.idx.add.f32.msk $0xffff, v19  }
0x27e: {  	[tilespmem:v15+s19+$0x0] =	vst.idx.add.f32.msk $0xffff, v23  }
0x27f: {  	v12 =	vld [tilespmem:s23+$0x0]  }
0x280: {  	v11 =	vld [tilespmem:s23+$0x10]  }
0x281: {  	v5 =	vld [tilespmem:s23+$0x20]  }
0x282: {  	v2 =	vld [tilespmem:s23+$0xFFFFFF80]  }
0x283: {  	v4 =	vld [tilespmem:s23+$0x70]  }
0x284: {  	v7 =	vld [tilespmem:s23+$0x60]  }
0x285: {  	v15 =	vld [tilespmem:s23+$0xFFFFFFA0]  }
0x286: {  	v1 =	vld [tilespmem:s23+$0xFFFFFFB0]  }
0x287: {  	v8 =	vshrl.u32 v2, $0xE;
	v14 =	vld [tilespmem:s23+$0xFFFFFFC0]  }
0x288: {  	v9 =	vld [tilespmem:s23+$0x50];
	v13 =	vshrl.u32 v4, $0xE  }
0x289: {  	v17 =	vld [tilespmem:s23+$0x40];
	v21 =	vshrl.u32 v7, $0xE  }
0x28a: {  	v18 =	vld [tilespmem:s23+$0xFFFFFF90]  }
0x28b: {  	v22 =	vld [tilespmem:s23+$0x30]  }
0x28c: {  	v10 =	vld.idx.msk [tilespmem:v8+s2+$0x0], $0xffff  }
0x28d: {  	v24 =	vand.u32 $0x3FFF, v2;
	v25 =	vshrl.u32 v9, $0xE;
	v19 =	vld.idx.msk [tilespmem:v13+s2+$0x0], $0xffff  }
0x28e: {  	v27 =	vand.u32 $0x3FFF, v4;
	v3 =	vshrl.u32 v17, $0xE;
	v26 =	vld.idx.msk [tilespmem:v21+s2+$0x0], $0xffff  }
0x28f: {  	v30 =	vand.u32 $0x3FFF, v7;
	v6 =	vshrl.u32 v18, $0xE;
	v28 =	vld [tilespmem:s23+$0xFFFFFFF0]  }
0x290: {  	v31 =	vld [tilespmem:s23+$0xFFFFFFE0];
	v4 =	vshrl.u32 v22, $0xE  }
0x291: {  	v2 =	vshrl.u32 v5, $0xE;
	v29 =	vld [tilespmem:s23+$0xFFFFFFD0]  }
0x292: {  	[tilespmem:v24+s18+$0x0] =	vst.idx.add.f32.msk $0xffff, v10;
	v10 =	vshrl.u32 v11, $0xE  }
0x293: {  	v32 =	vld.idx.msk [tilespmem:v8+s13+$0x0], $0xffff;
	v8 =	vshrl.u32 v12, $0xE  }
0x294: {  	v34 =	vand.u32 $0x3FFF, v9;
	v23 =	vshrl.u32 v28, $0xE;
	v33 =	vld.idx.msk [tilespmem:v25+s2+$0x0], $0xffff  }
0x295: {  	v16 =	vshrl.u32 v31, $0xE;
	[tilespmem:v27+s18+$0x0] =	vst.idx.add.f32.msk $0xffff, v19  }
0x296: {  	v9 =	vand.u32 $0x3FFF, v17;
	v19 =	vshrl.u32 v29, $0xE;
	v35 =	vld.idx.msk [tilespmem:v13+s13+$0x0], $0xffff  }
0x297: {  	v20 =	vshrl.u32 v14, $0xE;
	v17 =	vand.u32 $0x3FFF, v18;
	v7 =	vand.u32 $0x3FFF, v22;
	v36 =	vld.idx.msk [tilespmem:v3+s2+$0x0], $0xffff  }
0x298: {  	v13 =	vshrl.u32 v1, $0xE;
	[tilespmem:v30+s18+$0x0] =	vst.idx.add.f32.msk $0xffff, v26  }
0x299: {  	v5 =	vand.u32 $0x3FFF, v5;
	v18 =	vshrl.u32 v15, $0xE;
	v37 =	vld.idx.msk [tilespmem:v21+s13+$0x0], $0xffff  }
0x29a: {  	v11 =	vand.u32 $0x3FFF, v11;
	[tilespmem:v24+s19+$0x0] =	vst.idx.add.f32.msk $0xffff, v32  }
0x29b: {  	v24 =	vld.idx.msk [tilespmem:v6+s2+$0x0], $0xffff  }
0x29c: {  	v32 =	vld.idx.msk [tilespmem:v2+s2+$0x0], $0xffff  }
0x29d: {  	v14 =	vand.u32 $0x3FFF, v14;
	[tilespmem:v27+s19+$0x0] =	vst.idx.add.f32.msk $0xffff, v35  }
0x29e: {  	v22 =	vand.u32 $0x3FFF, v12;
	[tilespmem:v34+s18+$0x0] =	vst.idx.add.f32.msk $0xffff, v33  }
0x29f: {  	v12 =	vand.u32 $0x3FFF, v15;
	v33 =	vld.idx.msk [tilespmem:v25+s13+$0x0], $0xffff  }
0x2a0: {  	v25 =	vld.idx.msk [tilespmem:v10+s2+$0x0], $0xffff  }
0x2a1: {  	v15 =	vand.u32 $0x3FFF, v28;
	v35 =	vld.idx.msk [tilespmem:v4+s2+$0x0], $0xffff  }
0x2a2: {  	v27 =	vld.idx.msk [tilespmem:v8+s2+$0x0], $0xffff  }
0x2a3: {  	[tilespmem:v9+s18+$0x0] =	vst.idx.add.f32.msk $0xffff, v36  }
0x2a4: {  	v21 =	vand.u32 $0x3FFF, v29;
	v29 =	vld.idx.msk [tilespmem:v23+s2+$0x0], $0xffff  }
0x2a5: {  	v28 =	vld.idx.msk [tilespmem:v16+s2+$0x0], $0xffff  }
0x2a6: {  	[tilespmem:v17+s18+$0x0] =	vst.idx.add.f32.msk $0xffff, v24;
	v24 =	vand.u32 $0x3FFF, v31  }
.Ltmp4:
0x2a7: {  	v26 =	vld.idx.msk [tilespmem:v19+s2+$0x0], $0xffff;
	(pc) =	sbr.rel @p0 .LBB2_10-.Ltmp4, $4  }
0x2a8: {  	[tilespmem:v7+s18+$0x0] =	vst.idx.add.f32.msk $0xffff, v35  }
0x2a9: {  	[tilespmem:v5+s18+$0x0] =	vst.idx.add.f32.msk $0xffff, v32  }
0x2aa: {  	[tilespmem:v34+s19+$0x0] =	vst.idx.add.f32.msk $0xffff, v33  }
0x2ab: {  	[tilespmem:v30+s19+$0x0] =	vst.idx.add.f32.msk $0xffff, v37  }
0x2ac: {  	_ =	sdelay $0x3  }
0x2ad: {  	v30 =	vld.idx.msk [tilespmem:v20+s2+$0x0], $0xffff  }
0x2ae: {  	[tilespmem:v11+s18+$0x0] =	vst.idx.add.f32.msk $0xffff, v25  }
0x2af: {  	[tilespmem:v22+s18+$0x0] =	vst.idx.add.f32.msk $0xffff, v27  }
0x2b0: {  	[tilespmem:v15+s18+$0x0] =	vst.idx.add.f32.msk $0xffff, v29  }
0x2b1: {  	v25 =	vld.idx.msk [tilespmem:v18+s2+$0x0], $0xffff  }
0x2b2: {  	[tilespmem:v24+s18+$0x0] =	vst.idx.add.f32.msk $0xffff, v28  }
0x2b3: {  	v27 =	vld.idx.msk [tilespmem:v13+s2+$0x0], $0xffff  }
0x2b4: {  	v6 =	vld.idx.msk [tilespmem:v6+s13+$0x0], $0xffff  }
0x2b5: {  	[tilespmem:v21+s18+$0x0] =	vst.idx.add.f32.msk $0xffff, v26  }
0x2b6: {  	v3 =	vld.idx.msk [tilespmem:v3+s13+$0x0], $0xffff  }
0x2b7: {  	v2 =	vld.idx.msk [tilespmem:v2+s13+$0x0], $0xffff  }
0x2b8: {  	v23 =	vld.idx.msk [tilespmem:v23+s13+$0x0], $0xffff  }
0x2b9: {  	v10 =	vld.idx.msk [tilespmem:v10+s13+$0x0], $0xffff  }
0x2ba: {  	v1 =	vand.u32 $0x3FFF, v1;
	v16 =	vld.idx.msk [tilespmem:v16+s13+$0x0], $0xffff  }
0x2bb: {  	v19 =	vld.idx.msk [tilespmem:v19+s13+$0x0], $0xffff  }
0x2bc: {  	[tilespmem:v14+s18+$0x0] =	vst.idx.add.f32.msk $0xffff, v30  }
0x2bd: {  	[tilespmem:v17+s19+$0x0] =	vst.idx.add.f32.msk $0xffff, v6  }
0x2be: {  	v6 =	vld.idx.msk [tilespmem:v8+s13+$0x0], $0xffff  }
0x2bf: {  	[tilespmem:v1+s18+$0x0] =	vst.idx.add.f32.msk $0xffff, v27  }
0x2c0: {  	[tilespmem:v9+s19+$0x0] =	vst.idx.add.f32.msk $0xffff, v3  }
0x2c1: {  	v3 =	vld.idx.msk [tilespmem:v4+s13+$0x0], $0xffff  }
0x2c2: {  	[tilespmem:v12+s18+$0x0] =	vst.idx.add.f32.msk $0xffff, v25  }
0x2c3: {  	[tilespmem:v5+s19+$0x0] =	vst.idx.add.f32.msk $0xffff, v2  }
0x2c4: {  	v8 =	vld.idx.msk [tilespmem:v20+s13+$0x0], $0xffff  }
0x2c5: {  	v4 =	vld.idx.msk [tilespmem:v18+s13+$0x0], $0xffff  }
0x2c6: {  	v9 =	vld.idx.msk [tilespmem:v13+s13+$0x0], $0xffff  }
0x2c7: {  	[tilespmem:v24+s19+$0x0] =	vst.idx.add.f32.msk $0xffff, v16  }
0x2c8: {  	[tilespmem:v11+s19+$0x0] =	vst.idx.add.f32.msk $0xffff, v10  }
0x2c9: {  	[tilespmem:v21+s19+$0x0] =	vst.idx.add.f32.msk $0xffff, v19  }
0x2ca: {  	[tilespmem:v15+s19+$0x0] =	vst.idx.add.f32.msk $0xffff, v23  }
0x2cb: {  	[tilespmem:v22+s19+$0x0] =	vst.idx.add.f32.msk $0xffff, v6  }
0x2cc: {  	[tilespmem:v7+s19+$0x0] =	vst.idx.add.f32.msk $0xffff, v3  }
0x2cd: {  	[tilespmem:v14+s19+$0x0] =	vst.idx.add.f32.msk $0xffff, v8  }
0x2ce: {  	[tilespmem:v1+s19+$0x0] =	vst.idx.add.f32.msk $0xffff, v9  }
0x2cf: {  	[tilespmem:v12+s19+$0x0] =	vst.idx.add.f32.msk $0xffff, v4  }
0x2d0: {  	_ =	swait.ge [sflag:s17], $0x7D00  }
0x2d1: {  	[sflag:s17] =	ssyncset.done $0x0  }
0x2d2: {  	s23 =	simm.s32 $0x9E80;
	[sflag:s17] =	ssyncadd.s32 $0xFFFF8300  }
0x2d3: {  	v12 =	vld [tilespmem:s23+$0x0]  }
0x2d4: {  	v11 =	vld [tilespmem:s23+$0x10]  }
0x2d5: {  	v5 =	vld [tilespmem:s23+$0x20]  }
0x2d6: {  	v2 =	vld [tilespmem:s23+$0xFFFFFF80]  }
0x2d7: {  	v3 =	vld [tilespmem:s23+$0x70]  }
0x2d8: {  	v4 =	vld [tilespmem:s23+$0x60]  }
0x2d9: {  	v15 =	vld [tilespmem:s23+$0xFFFFFFA0]  }
0x2da: {  	v1 =	vld [tilespmem:s23+$0xFFFFFFB0]  }
0x2db: {  	v14 =	vld [tilespmem:s23+$0xFFFFFFC0]  }
0x2dc: {  	v9 =	vld [tilespmem:s23+$0x40]  }
0x2dd: {  	v7 =	vld [tilespmem:s23+$0x50];
	v6 =	vshrl.u32 v2, $0xE  }
0x2de: {  	v13 =	vld [tilespmem:s23+$0xFFFFFF90]  }
0x2df: {  	v18 =	vld [tilespmem:s23+$0x30];
	v8 =	vshrl.u32 v3, $0xE  }
0x2e0: {  	v21 =	vld [tilespmem:s23+$0xFFFFFFF0];
	v10 =	vshrl.u32 v4, $0xE  }
0x2e1: {  	v24 =	vld [tilespmem:s23+$0xFFFFFFE0];
	v22 =	vand.u32 $0x3FFF, v3;
	v3 =	vshrl.u32 v9, $0xE  }
0x2e2: {  	v17 =	vand.u32 $0x3FFF, v2;
	v16 =	vld.idx.msk [tilespmem:v6+s2+$0x0], $0xffff  }
0x2e3: {  	v30 =	vld [tilespmem:s23+$0xFFFFFFD0];
	v20 =	vshrl.u32 v7, $0xE  }
0x2e4: {  	v2 =	vld.idx.msk [tilespmem:v8+s2+$0x0], $0xffff  }
0x2e5: {  	v31 =	vand.u32 $0x3FFF, v4;
	v19 =	vld.idx.msk [tilespmem:v10+s2+$0x0], $0xffff  }
0x2e6: {  	v9 =	vand.u32 $0x3FFF, v9;
	v26 =	vld.idx.msk [tilespmem:v3+s2+$0x0], $0xffff  }
0x2e7: {  	[tilespmem:v17+s18+$0x0] =	vst.idx.add.f32.msk $0xffff, v16  }
0x2e8: {  	v16 =	vld.idx.msk [tilespmem:v20+s2+$0x0], $0xffff  }
0x2e9: {  	[tilespmem:v22+s18+$0x0] =	vst.idx.add.f32.msk $0xffff, v2  }
0x2ea: {  	v2 =	vshrl.u32 v5, $0xE;
	[tilespmem:v31+s18+$0x0] =	vst.idx.add.f32.msk $0xffff, v19  }
0x2eb: {  	v32 =	vand.u32 $0x3FFF, v7;
	[tilespmem:v9+s18+$0x0] =	vst.idx.add.f32.msk $0xffff, v26  }
0x2ec: {  	v19 =	vshrl.u32 v30, $0xE;
	v4 =	vld.idx.msk [tilespmem:v6+s13+$0x0], $0xffff  }
0x2ed: {  	v23 =	vld.idx.msk [tilespmem:v8+s13+$0x0], $0xffff  }
0x2ee: {  	v6 =	vshrl.u32 v13, $0xE;
	v33 =	vld.idx.msk [tilespmem:v10+s13+$0x0], $0xffff  }
0x2ef: {  	v35 =	vld.idx.msk [tilespmem:v2+s2+$0x0], $0xffff  }
0x2f0: {  	[tilespmem:v32+s18+$0x0] =	vst.idx.add.f32.msk $0xffff, v16  }
0x2f1: {  	v10 =	vshrl.u32 v11, $0xE;
	v26 =	vld.idx.msk [tilespmem:v19+s2+$0x0], $0xffff  }
0x2f2: {  	v8 =	vshrl.u32 v12, $0xE;
	[tilespmem:v17+s19+$0x0] =	vst.idx.add.f32.msk $0xffff, v4  }
0x2f3: {  	v34 =	vld.idx.msk [tilespmem:v6+s2+$0x0], $0xffff  }
0x2f4: {  	v16 =	vshrl.u32 v24, $0xE;
	[tilespmem:v22+s19+$0x0] =	vst.idx.add.f32.msk $0xffff, v23  }
0x2f5: {  	v4 =	vshrl.u32 v18, $0xE;
	v36 =	vld.idx.msk [tilespmem:v20+s13+$0x0], $0xffff  }
0x2f6: {  	v5 =	vand.u32 $0x3FFF, v5;
	v25 =	vld.idx.msk [tilespmem:v10+s2+$0x0], $0xffff  }
0x2f7: {  	v23 =	vshrl.u32 v21, $0xE;
	v27 =	vld.idx.msk [tilespmem:v8+s2+$0x0], $0xffff  }
0x2f8: {  	v17 =	vand.u32 $0x3FFF, v13;
	[tilespmem:v31+s19+$0x0] =	vst.idx.add.f32.msk $0xffff, v33  }
0x2f9: {  	v28 =	vld.idx.msk [tilespmem:v16+s2+$0x0], $0xffff  }
0x2fa: {  	v7 =	vand.u32 $0x3FFF, v18;
	v13 =	vld.idx.msk [tilespmem:v4+s2+$0x0], $0xffff  }
0x2fb: {  	v20 =	vshrl.u32 v14, $0xE;
	[tilespmem:v5+s18+$0x0] =	vst.idx.add.f32.msk $0xffff, v35  }
0x2fc: {  	v11 =	vand.u32 $0x3FFF, v11;
	v29 =	vld.idx.msk [tilespmem:v23+s2+$0x0], $0xffff  }
0x2fd: {  	v24 =	vand.u32 $0x3FFF, v24;
	v22 =	vand.u32 $0x3FFF, v12;
	[tilespmem:v17+s18+$0x0] =	vst.idx.add.f32.msk $0xffff, v34  }
0x2fe: {  	v18 =	vshrl.u32 v15, $0xE;
	v12 =	vand.u32 $0x3FFF, v15;
	v15 =	vand.u32 $0x3FFF, v21;
	[tilespmem:v32+s19+$0x0] =	vst.idx.add.f32.msk $0xffff, v36  }
0x2ff: {  	s24 =	simm.s32 $0x0;
	v14 =	vand.u32 $0x3FFF, v14;
	v21 =	vand.u32 $0x3FFF, v30;
	[tilespmem:v7+s18+$0x0] =	vst.idx.add.f32.msk $0xffff, v13;
	v13 =	vshrl.u32 v1, $0xE  }
.LBB2_12:
0x300: {  	s24 =	sadd.s32 $0x100, s24;
	v30 =	vld.idx.msk [tilespmem:v20+s2+$0x0], $0xffff;
	s23 =	sadd.s32 $0x100, s23  }
0x301: {  	p0 =	slt.u32 s24, $0x7C00;
	[tilespmem:v11+s18+$0x0] =	vst.idx.add.f32.msk $0xffff, v25  }
0x302: {  	v1 =	vand.u32 $0x3FFF, v1;
	[tilespmem:v22+s18+$0x0] =	vst.idx.add.f32.msk $0xffff, v27  }
0x303: {  	[tilespmem:v15+s18+$0x0] =	vst.idx.add.f32.msk $0xffff, v29  }
0x304: {  	v23 =	vld.idx.msk [tilespmem:v23+s13+$0x0], $0xffff  }
0x305: {  	v25 =	vld.idx.msk [tilespmem:v18+s2+$0x0], $0xffff  }
0x306: {  	[tilespmem:v24+s18+$0x0] =	vst.idx.add.f32.msk $0xffff, v28  }
0x307: {  	v27 =	vld.idx.msk [tilespmem:v13+s2+$0x0], $0xffff  }
0x308: {  	[tilespmem:v14+s18+$0x0] =	vst.idx.add.f32.msk $0xffff, v30  }
0x309: {  	v6 =	vld.idx.msk [tilespmem:v6+s13+$0x0], $0xffff  }
0x30a: {  	[tilespmem:v21+s18+$0x0] =	vst.idx.add.f32.msk $0xffff, v26  }
0x30b: {  	v10 =	vld.idx.msk [tilespmem:v10+s13+$0x0], $0xffff  }
0x30c: {  	v16 =	vld.idx.msk [tilespmem:v16+s13+$0x0], $0xffff  }
0x30d: {  	v3 =	vld.idx.msk [tilespmem:v3+s13+$0x0], $0xffff  }
0x30e: {  	v19 =	vld.idx.msk [tilespmem:v19+s13+$0x0], $0xffff  }
0x30f: {  	[tilespmem:v17+s19+$0x0] =	vst.idx.add.f32.msk $0xffff, v6  }
0x310: {  	v6 =	vld.idx.msk [tilespmem:v8+s13+$0x0], $0xffff  }
0x311: {  	[tilespmem:v1+s18+$0x0] =	vst.idx.add.f32.msk $0xffff, v27  }
0x312: {  	v8 =	vld.idx.msk [tilespmem:v20+s13+$0x0], $0xffff  }
0x313: {  	[tilespmem:v9+s19+$0x0] =	vst.idx.add.f32.msk $0xffff, v3  }
0x314: {  	v3 =	vld.idx.msk [tilespmem:v4+s13+$0x0], $0xffff  }
0x315: {  	[tilespmem:v12+s18+$0x0] =	vst.idx.add.f32.msk $0xffff, v25  }
0x316: {  	v4 =	vld.idx.msk [tilespmem:v18+s13+$0x0], $0xffff  }
0x317: {  	v9 =	vld.idx.msk [tilespmem:v13+s13+$0x0], $0xffff  }
0x318: {  	v2 =	vld.idx.msk [tilespmem:v2+s13+$0x0], $0xffff  }
0x319: {  	[tilespmem:v22+s19+$0x0] =	vst.idx.add.f32.msk $0xffff, v6  }
0x31a: {  	[tilespmem:v7+s19+$0x0] =	vst.idx.add.f32.msk $0xffff, v3  }
0x31b: {  	[tilespmem:v24+s19+$0x0] =	vst.idx.add.f32.msk $0xffff, v16  }
0x31c: {  	[tilespmem:v11+s19+$0x0] =	vst.idx.add.f32.msk $0xffff, v10  }
0x31d: {  	[tilespmem:v14+s19+$0x0] =	vst.idx.add.f32.msk $0xffff, v8  }
0x31e: {  	[tilespmem:v1+s19+$0x0] =	vst.idx.add.f32.msk $0xffff, v9  }
0x31f: {  	[tilespmem:v5+s19+$0x0] =	vst.idx.add.f32.msk $0xffff, v2  }
0x320: {  	[tilespmem:v12+s19+$0x0] =	vst.idx.add.f32.msk $0xffff, v4  }
0x321: {  	[tilespmem:v21+s19+$0x0] =	vst.idx.add.f32.msk $0xffff, v19  }
0x322: {  	[tilespmem:v15+s19+$0x0] =	vst.idx.add.f32.msk $0xffff, v23  }
0x323: {  	v12 =	vld [tilespmem:s23+$0x0]  }
0x324: {  	v11 =	vld [tilespmem:s23+$0x10]  }
0x325: {  	v5 =	vld [tilespmem:s23+$0x20]  }
0x326: {  	v2 =	vld [tilespmem:s23+$0xFFFFFF80]  }
0x327: {  	v4 =	vld [tilespmem:s23+$0x70]  }
0x328: {  	v7 =	vld [tilespmem:s23+$0x60]  }
0x329: {  	v15 =	vld [tilespmem:s23+$0xFFFFFFA0]  }
0x32a: {  	v1 =	vld [tilespmem:s23+$0xFFFFFFB0]  }
0x32b: {  	v8 =	vshrl.u32 v2, $0xE;
	v14 =	vld [tilespmem:s23+$0xFFFFFFC0]  }
0x32c: {  	v9 =	vld [tilespmem:s23+$0x50];
	v13 =	vshrl.u32 v4, $0xE  }
0x32d: {  	v17 =	vld [tilespmem:s23+$0x40];
	v21 =	vshrl.u32 v7, $0xE  }
0x32e: {  	v18 =	vld [tilespmem:s23+$0xFFFFFF90]  }
0x32f: {  	v22 =	vld [tilespmem:s23+$0x30]  }
0x330: {  	v10 =	vld.idx.msk [tilespmem:v8+s2+$0x0], $0xffff  }
0x331: {  	v24 =	vand.u32 $0x3FFF, v2;
	v25 =	vshrl.u32 v9, $0xE;
	v19 =	vld.idx.msk [tilespmem:v13+s2+$0x0], $0xffff  }
0x332: {  	v27 =	vand.u32 $0x3FFF, v4;
	v3 =	vshrl.u32 v17, $0xE;
	v26 =	vld.idx.msk [tilespmem:v21+s2+$0x0], $0xffff  }
0x333: {  	v30 =	vand.u32 $0x3FFF, v7;
	v6 =	vshrl.u32 v18, $0xE;
	v28 =	vld [tilespmem:s23+$0xFFFFFFF0]  }
0x334: {  	v31 =	vld [tilespmem:s23+$0xFFFFFFE0];
	v4 =	vshrl.u32 v22, $0xE  }
0x335: {  	v2 =	vshrl.u32 v5, $0xE;
	v29 =	vld [tilespmem:s23+$0xFFFFFFD0]  }
0x336: {  	[tilespmem:v24+s18+$0x0] =	vst.idx.add.f32.msk $0xffff, v10;
	v10 =	vshrl.u32 v11, $0xE  }
0x337: {  	v32 =	vld.idx.msk [tilespmem:v8+s13+$0x0], $0xffff;
	v8 =	vshrl.u32 v12, $0xE  }
0x338: {  	v34 =	vand.u32 $0x3FFF, v9;
	v23 =	vshrl.u32 v28, $0xE;
	v33 =	vld.idx.msk [tilespmem:v25+s2+$0x0], $0xffff  }
0x339: {  	v16 =	vshrl.u32 v31, $0xE;
	[tilespmem:v27+s18+$0x0] =	vst.idx.add.f32.msk $0xffff, v19  }
0x33a: {  	v9 =	vand.u32 $0x3FFF, v17;
	v19 =	vshrl.u32 v29, $0xE;
	v35 =	vld.idx.msk [tilespmem:v13+s13+$0x0], $0xffff  }
0x33b: {  	v20 =	vshrl.u32 v14, $0xE;
	v17 =	vand.u32 $0x3FFF, v18;
	v7 =	vand.u32 $0x3FFF, v22;
	v36 =	vld.idx.msk [tilespmem:v3+s2+$0x0], $0xffff  }
0x33c: {  	v13 =	vshrl.u32 v1, $0xE;
	[tilespmem:v30+s18+$0x0] =	vst.idx.add.f32.msk $0xffff, v26  }
0x33d: {  	v5 =	vand.u32 $0x3FFF, v5;
	v18 =	vshrl.u32 v15, $0xE;
	v37 =	vld.idx.msk [tilespmem:v21+s13+$0x0], $0xffff  }
0x33e: {  	v11 =	vand.u32 $0x3FFF, v11;
	[tilespmem:v24+s19+$0x0] =	vst.idx.add.f32.msk $0xffff, v32  }
0x33f: {  	v24 =	vld.idx.msk [tilespmem:v6+s2+$0x0], $0xffff  }
0x340: {  	v32 =	vld.idx.msk [tilespmem:v2+s2+$0x0], $0xffff  }
0x341: {  	v14 =	vand.u32 $0x3FFF, v14;
	[tilespmem:v27+s19+$0x0] =	vst.idx.add.f32.msk $0xffff, v35  }
0x342: {  	v22 =	vand.u32 $0x3FFF, v12;
	[tilespmem:v34+s18+$0x0] =	vst.idx.add.f32.msk $0xffff, v33  }
0x343: {  	v12 =	vand.u32 $0x3FFF, v15;
	v33 =	vld.idx.msk [tilespmem:v25+s13+$0x0], $0xffff  }
0x344: {  	v25 =	vld.idx.msk [tilespmem:v10+s2+$0x0], $0xffff  }
0x345: {  	v15 =	vand.u32 $0x3FFF, v28;
	v35 =	vld.idx.msk [tilespmem:v4+s2+$0x0], $0xffff  }
0x346: {  	v27 =	vld.idx.msk [tilespmem:v8+s2+$0x0], $0xffff  }
0x347: {  	[tilespmem:v9+s18+$0x0] =	vst.idx.add.f32.msk $0xffff, v36  }
0x348: {  	v21 =	vand.u32 $0x3FFF, v29;
	v29 =	vld.idx.msk [tilespmem:v23+s2+$0x0], $0xffff  }
0x349: {  	v28 =	vld.idx.msk [tilespmem:v16+s2+$0x0], $0xffff  }
0x34a: {  	[tilespmem:v17+s18+$0x0] =	vst.idx.add.f32.msk $0xffff, v24;
	v24 =	vand.u32 $0x3FFF, v31  }
.Ltmp5:
0x34b: {  	v26 =	vld.idx.msk [tilespmem:v19+s2+$0x0], $0xffff;
	(pc) =	sbr.rel @p0 .LBB2_12-.Ltmp5, $4  }
0x34c: {  	[tilespmem:v7+s18+$0x0] =	vst.idx.add.f32.msk $0xffff, v35  }
0x34d: {  	[tilespmem:v5+s18+$0x0] =	vst.idx.add.f32.msk $0xffff, v32  }
0x34e: {  	[tilespmem:v34+s19+$0x0] =	vst.idx.add.f32.msk $0xffff, v33  }
0x34f: {  	[tilespmem:v30+s19+$0x0] =	vst.idx.add.f32.msk $0xffff, v37  }
0x350: {  	_ =	sdelay $0x3  }
0x351: {  	v30 =	vld.idx.msk [tilespmem:v20+s2+$0x0], $0xffff  }
0x352: {  	[tilespmem:v11+s18+$0x0] =	vst.idx.add.f32.msk $0xffff, v25  }
0x353: {  	[tilespmem:v22+s18+$0x0] =	vst.idx.add.f32.msk $0xffff, v27  }
0x354: {  	[tilespmem:v15+s18+$0x0] =	vst.idx.add.f32.msk $0xffff, v29  }
0x355: {  	v58 =	vld.idx.msk [tilespmem:v18+s2+$0x0], $0xffff  }
0x356: {  	[tilespmem:v24+s18+$0x0] =	vst.idx.add.f32.msk $0xffff, v28  }
0x357: {  	v59 =	vld.idx.msk [tilespmem:v13+s2+$0x0], $0xffff  }
0x358: {  	v6 =	vld.idx.msk [tilespmem:v6+s13+$0x0], $0xffff  }
0x359: {  	[tilespmem:v21+s18+$0x0] =	vst.idx.add.f32.msk $0xffff, v26  }
0x35a: {  	v3 =	vld.idx.msk [tilespmem:v3+s13+$0x0], $0xffff  }
0x35b: {  	v2 =	vld.idx.msk [tilespmem:v2+s13+$0x0], $0xffff  }
0x35c: {  	v23 =	vld.idx.msk [tilespmem:v23+s13+$0x0], $0xffff  }
0x35d: {  	v10 =	vld.idx.msk [tilespmem:v10+s13+$0x0], $0xffff  }
0x35e: {  	v1 =	vand.u32 $0x3FFF, v1;
	v16 =	vld.idx.msk [tilespmem:v16+s13+$0x0], $0xffff  }
0x35f: {  	v19 =	vld.idx.msk [tilespmem:v19+s13+$0x0], $0xffff  }
0x360: {  	v60 =	vld.idx.msk [tilespmem:v8+s13+$0x0], $0xffff  }
0x361: {  	[tilespmem:v14+s18+$0x0] =	vst.idx.add.f32.msk $0xffff, v30  }
0x362: {  	[tilespmem:v17+s19+$0x0] =	vst.idx.add.f32.msk $0xffff, v6  }
0x363: {  	[tilespmem:v1+s18+$0x0] =	vst.idx.add.f32.msk $0xffff, v59  }
0x364: {  	[tilespmem:v9+s19+$0x0] =	vst.idx.add.f32.msk $0xffff, v3  }
0x365: {  	v3 =	vld.idx.msk [tilespmem:v4+s13+$0x0], $0xffff  }
0x366: {  	[tilespmem:v12+s18+$0x0] =	vst.idx.add.f32.msk $0xffff, v58  }
0x367: {  	[tilespmem:v5+s19+$0x0] =	vst.idx.add.f32.msk $0xffff, v2  }
0x368: {  	v61 =	vld.idx.msk [tilespmem:v20+s13+$0x0], $0xffff  }
0x369: {  	v62 =	vld.idx.msk [tilespmem:v18+s13+$0x0], $0xffff  }
0x36a: {  	v63 =	vld.idx.msk [tilespmem:v13+s13+$0x0], $0xffff  }
0x36b: {  	[tilespmem:v22+s19+$0x0] =	vst.idx.add.f32.msk $0xffff, v60  }
0x36c: {  	[tilespmem:v24+s19+$0x0] =	vst.idx.add.f32.msk $0xffff, v16  }
0x36d: {  	[tilespmem:v11+s19+$0x0] =	vst.idx.add.f32.msk $0xffff, v10  }
0x36e: {  	[tilespmem:v21+s19+$0x0] =	vst.idx.add.f32.msk $0xffff, v19  }
0x36f: {  	[tilespmem:v15+s19+$0x0] =	vst.idx.add.f32.msk $0xffff, v23  }
0x370: {  	[tilespmem:v7+s19+$0x0] =	vst.idx.add.f32.msk $0xffff, v3  }
0x371: {  	[tilespmem:v14+s19+$0x0] =	vst.idx.add.f32.msk $0xffff, v61  }
0x372: {  	[tilespmem:v1+s19+$0x0] =	vst.idx.add.f32.msk $0xffff, v63  }
0x373: {  	[tilespmem:v12+s19+$0x0] =	vst.idx.add.f32.msk $0xffff, v62  }
0x374: {  	[hbm4b:s10+s2] =	stream.linear.scatter [tilespmem:s18], [sflag:$0x4], $0x2710, $0x38;
	[tilespmem:$0x19800] =	vst v63  }
0x375: {  	s22 =	sadd.s32 $0x1, s22;
	_ =	swait.ge [sflag:s21], $0x2710  }
0x376: {  	p0 =	sne.s32 s22, s12;
	[sflag:s21] =	ssyncset.done $0x0  }
.Ltmp6:
0x377: {  	[sflag:s21] =	ssyncadd.s32 $0xFFFFD8F0;
	(pc) =	sbr.rel @p0 .LBB2_1-.Ltmp6, $4  }
0x378: {  	[hbm4b:s11+s2] =	stream.linear.scatter [tilespmem:s19], [sflag:$0x4], $0x2710, $0x38;
	[tilespmem:$0x19800] =	vst v63  }
0x379: {  	_ =	swait.ge [sflag:s21], $0x2710  }
0x37a: {  	[sflag:s21] =	ssyncset.done $0x0  }
0x37b: {  	[sflag:s21] =	ssyncadd.s32 $0xFFFFD8F0  }
0x37c: {  	_ =	sfence.sel $0x180000  }
0x37d: {  	[bflag:$0x0] =	sbarrier.arrive $0xFFFF  }
0x37e: {  	p0 =	sne.s32 s0, $0x0;
	_ =	strace $0x9000004A  }
0x37f: {  	s0 =	sadd.s32 @!p0 $0x100000, s1;
	[bflag:$0x2] =	sbarrier.arrive $0xFFFF  }
0x380: {  	[sflag:s0] =	ssyncadd.tile.s32 @!p0 $0x1;
	_ =	shalt  }
.Lfunc_end2:
_tile_overlayer_lowered:
.L_overlay_start_2:
0x381: {  	(tag) =	ssettag $0x2  }
0x382: {  	s0 =	rddreg [dreg:$0x0];
	s2 =	stileid.u32  }
0x383: {  	s1 =	rddreg [dreg:$0x1];
	p0 =	sne.s32 s2, $0x0  }
0x384: {  	s3 =	rddreg [dreg:$0x2];
	[bflag:$0x3] =	sbarrier.arrive $0xFFFF;
	s2 =	simm.s32 @!p0 $0x1C04  }
0x385: {  	[timem:s3], [sflag:s2] =	dma.local @!p0 [hbm:s0], s1  }
0x386: {  	s0 =	simm.s32 @!p0 $0x4  }
0x387: {  	_ =	swait.ge @!p0 [sflag:s0], s1  }
0x388: {  	s1 =	ssub.s32 @!p0 $0x0, s1;
	[sflag:s0] =	ssyncset.done @!p0 $0x0  }
0x389: {  	[sflag:s0] =	ssyncadd.s32 @!p0 s1  }
0x38a: {  	[bflag:$0x3] =	sbarrier.arrive $0xFFFF  }
0x38b: {  	_ =	shalt  }

// kernel: kernel.16.cloned.1.call-start
scs
__scs_entry_jumppad:
0x0: {  	(pc) =	sbr.rel $0x88, $3  }
0x1: {  	(tag) =	ssettag $0x0;
	lr =	simm.s32 $0x1  }
0x2: {  	[smem:$0x3F91] =	sst lr;
	_ =	strace $0xD0000000  }
0x3: {  	_ = 	snop  }
0x4: {  	_ = 	snop  }
0x5: {  	_ = 	snop  }
0x6: {  	_ = 	snop  }
0x7: {  	_ = 	snop  }
__scs_overlays_trampoline_lowered:
0x8: {  	[smem:$0x3FA0] =	sst s0  }
0x9: {  	[smem:$0x3FA1] =	sst s1  }
0xa: {  	[smem:$0x3FA2] =	sst s2  }
0xb: {  	[smem:$0x3FA3] =	sst s3  }
0xc: {  	[smem:$0x3FA4] =	sst s4  }
0xd: {  	[smem:$0x3FA5] =	sst s5  }
0xe: {  	[smem:$0x3FA6] =	sst s6  }
0xf: {  	[smem:$0x3FA7] =	sst s7  }
0x10: {  	[smem:$0x3FA8] =	sst s8  }
0x11: {  	[smem:$0x3FA9] =	sst s9;
	s0 =	simm.s32 @!p0 $0x0  }
0x12: {  	s1 =	sld [smem:$0x3F8F];
	s0 =	simm.s32 @p0 $0x1  }
0x13: {  	[smem:$0x3FAA] =	sst s0;
	s0 =	simm.s32 @!p1 $0x0  }
0x14: {  	s2 =	sld [smem:$0x3F8E];
	s0 =	simm.s32 @p1 $0x1  }
0x15: {  	[smem:$0x3FAB] =	sst s0;
	s0 =	simm.s32 @!p2 $0x0  }
0x16: {  	s3 =	sld [smem:$0x3FDB];
	s0 =	simm.s32 @p2 $0x1  }
0x17: {  	s4 =	simm.s32 $0x1BF5;
	[smem:$0x3FAD] =	sst s0  }
0x18: {  	s0 =	sld [smem:$0x3F90];
	_ =	swait.ge [sflag:s4], $0x0  }
0x19: {  	s7 =	sld [smem:$0x3F91]  }
0x1a: {  	s8 =	sadd.s32 $0xFFFFE003, lr  }
0x1b: {  	s9 =	sadd.s32 $0xFFFFFEF7, lr;
	s5 =	simm.s32 $0xFFFFFFFF;
	p2 =	slt.u32 s8, $0xFFFFF086  }
0x1c: {  	p1 =	slt.u32 s9, $0xF7A;
	s5 =	simm.s32 @!p2 $0x0  }
0x1d: {  	s5 =	simm.s32 @p1 $0x1;
	p0 =	seq.s32 s7, s2  }
0x1e: {  	s7 =	smul.u32 @!p0 $0xF7A, s2;
	p2 =	seq.s32 @!p0 s5, $0x0  }
0x1f: {  	s9 =	smul.u32 $0xF7A, s1;
	s8 =	simm.s32 @!p0 $0x1BF5;
	p2 =	por !p2, p0  }
0x20: {  	[sflag:s8] =	ssyncset.s32 @!p0 $0xFFFFF086;
	s6 =	sadd.s32 @!p0 s3, s7;
	s7 =	simm.s32 @!p0 $0x108  }
0x21: {  	s3 =	sadd.s32 s3, s9;
	s6 =	sadd.s32 @!p0 $0x88, s6;
	s7 =	simm.s32 @p2 $0x1082  }
0x22: {  	[simem:s7], [sflag:s8] =	dma.local @!p0 [hbm:s6], $0xF7A  }
0x23: {  	s9 =	sor.u32 $0xD0000000, s2;
	s6 =	simm.s32 $0x108;
	_ =	swait.ge @!p0 [sflag:s8], $0x0  }
0x24: {  	s3 =	sadd.s32 $0x88, s3;
	s6 =	simm.s32 @!p1 $0x1082;
	[sflag:s4] =	ssyncset.s32 $0xFFFFF086  }
0x25: {  	[simem:s6], [sflag:s4] =	dma.local [hbm:s3], $0xF7A  }
0x26: {  	[smem:$0x3F91] =	sst s1;
	(tag) =	ssettag s2;
	_ =	strace s9  }
0x27: {  	s1 =	sld [smem:$0x3FA1]  }
0x28: {  	s2 =	sld [smem:$0x3FA2]  }
0x29: {  	s4 =	sld [smem:$0x3FA4]  }
0x2a: {  	p0 =	seq.s32 s5, $0x0;
	s5 =	sld [smem:$0x3FA5]  }
0x2b: {  	s6 =	sld [smem:$0x3FA6]  }
0x2c: {  	s7 =	sld [smem:$0x3FA7]  }
0x2d: {  	s3 =	simm.s32 $0x108;
	s8 =	sld [smem:$0x3FA8]  }
0x2e: {  	s3 =	simm.s32 @!p0 $0x1082;
	s9 =	sld [smem:$0x3FA9]  }
0x2f: {  	lr =	sadd.s32 s0, s3;
	s0 =	sld [smem:$0x3FA0]  }
0x30: {  	s3 =	sld [smem:$0x3FA3]  }
0x31: {  	[smem:$0x3FAC] =	sst s10  }
0x32: {  	s10 =	sld [smem:$0x3FAA];
	_ =	sdelay $0x3  }
0x33: {  	p0 =	seq.s32 s10, $0x1;
	s10 =	sld [smem:$0x3FAC];
	_ =	sdelay $0x3  }
0x34: {  	[smem:$0x3FAC] =	sst s10  }
0x35: {  	s10 =	sld [smem:$0x3FAB];
	_ =	sdelay $0x3  }
0x36: {  	p1 =	seq.s32 s10, $0x1;
	s10 =	sld [smem:$0x3FAC];
	_ =	sdelay $0x3  }
0x37: {  	[smem:$0x3FAC] =	sst s10  }
0x38: {  	s10 =	sld [smem:$0x3FAD]  }
0x39: {  	_ = 	snop;
	(pc) =	sbr.ind lr, $3  }
0x3a: {  	_ = 	snop  }
0x3b: {  	_ = 	snop  }
0x3c: {  	p2 =	seq.s32 s10, $0x1;
	s10 =	sld [smem:$0x3FAC]  }
0x3d: {  	_ =	shalt  }
0x3e: {  	_ =	shalt  }
0x3f: {  	_ =	shalt  }
0x40: {  	_ =	shalt  }
0x41: {  	_ =	shalt  }
0x42: {  	_ =	shalt  }
0x43: {  	_ =	shalt  }
0x44: {  	_ =	shalt  }
0x45: {  	_ =	shalt  }
0x46: {  	_ =	shalt  }
0x47: {  	_ =	shalt  }
0x48: {  	_ =	shalt  }
0x49: {  	_ =	shalt  }
0x4a: {  	_ =	shalt  }
0x4b: {  	_ =	shalt  }
0x4c: {  	_ =	shalt  }
0x4d: {  	_ =	shalt  }
0x4e: {  	_ =	shalt  }
0x4f: {  	_ =	shalt  }
0x50: {  	_ =	shalt  }
0x51: {  	_ =	shalt  }
0x52: {  	_ =	shalt  }
0x53: {  	_ =	shalt  }
0x54: {  	_ =	shalt  }
0x55: {  	_ =	shalt  }
0x56: {  	_ =	shalt  }
0x57: {  	_ =	shalt  }
0x58: {  	_ =	shalt  }
0x59: {  	_ =	shalt  }
0x5a: {  	_ =	shalt  }
0x5b: {  	_ =	shalt  }
0x5c: {  	_ =	shalt  }
0x5d: {  	_ =	shalt  }
0x5e: {  	_ =	shalt  }
0x5f: {  	_ =	shalt  }
0x60: {  	_ =	shalt  }
0x61: {  	_ =	shalt  }
0x62: {  	_ =	shalt  }
0x63: {  	_ =	shalt  }
0x64: {  	_ =	shalt  }
0x65: {  	_ =	shalt  }
0x66: {  	_ =	shalt  }
0x67: {  	_ =	shalt  }
0x68: {  	_ =	shalt  }
0x69: {  	_ =	shalt  }
0x6a: {  	_ =	shalt  }
0x6b: {  	_ =	shalt  }
0x6c: {  	_ =	shalt  }
0x6d: {  	_ =	shalt  }
0x6e: {  	_ =	shalt  }
0x6f: {  	_ =	shalt  }
0x70: {  	_ =	shalt  }
0x71: {  	_ =	shalt  }
0x72: {  	_ =	shalt  }
0x73: {  	_ =	shalt  }
0x74: {  	_ =	shalt  }
0x75: {  	_ =	shalt  }
0x76: {  	_ =	shalt  }
0x77: {  	_ =	shalt  }
0x78: {  	_ =	shalt  }
0x79: {  	_ =	shalt  }
0x7a: {  	_ =	shalt  }
0x7b: {  	_ =	shalt  }
0x7c: {  	_ =	shalt  }
0x7d: {  	_ =	shalt  }
0x7e: {  	_ =	shalt  }
0x7f: {  	_ =	shalt  }
0x80: {  	_ =	shalt  }
0x81: {  	_ =	shalt  }
0x82: {  	_ =	shalt  }
0x83: {  	_ =	shalt  }
0x84: {  	_ =	shalt  }
0x85: {  	_ =	shalt  }
0x86: {  	_ =	shalt  }
0x87: {  	_ =	shalt  }
.Lfunc_end0:
.L_simem_size_0:
called_computation.2_lowered:
.L_overlay_start_0:
0x88: {  	s2 =	sld [smem:$0x3FD9]  }
0x89: {  	s3 =	sld [smem:$0x3FFE];
	_ =	sdelay $0x1  }
0x8a: {  	s1 =	srdreg.scid  }
0x8b: {  	s0 =	sand.u32 $0x1, s1  }
0x8c: {  	s16 =	sshll.u32 s0, $0xA;
	s2 =	sadd.s32 s3, s2  }
0x8d: {  	s2 =	sadd.s32 s2, s16  }
0x8e: {  	[smem:$0x3FB8] =	sst s2  }
0x8f: {  	_ = 	snop  }
0x90: {  	(tm) =	ssettm $0x1  }
0x91: {  	s17 =	sld [smem:$0x3FFB];
	_ =	sdelay $0x3  }
0x92: {  	_ =	strace s17  }
0x93: {  	s2 =	sld [smem:$0x3FFC];
	_ =	sdelay $0x3  }
0x94: {  	_ =	strace s2  }
0x95: {  	s2 =	sld [smem:$0x3FFD];
	_ =	sdelay $0x3  }
0x96: {  	_ =	strace s2  }
0x97: {  	_ =	strace $0x8FFFFFFF  }
0x98: {  	s18 =	sld [smem:$0x3FDB];
	_ =	sdelay $0x1  }
0x99: {  	s19 =	simm.s32 $_scs_section_size  }
0x9a: {  	s4 =	simm.s32 $_size__tile_overlayer_lowered;
	s5 =	simm.s32 $_tile_overlayer_lowered  }
0x9b: {  	s22 =	simm.s32 $0x1BFF;
	s21 =	sshll.u32 s5, $0x1;
	s2 =	sadd.s32 s19, s18  }
0x9c: {  	s6 =	simm.s32 $0x0;
	s20 =	sshll.u32 s4, $0x1;
	s4 =	sadd.s32 s21, s2  }
0x9d: {  	[timem:s6], [sflag:s22] =	dma.local [hbm:s4], s20  }
0x9e: {  	_ =	swait.ge [sflag:s22], s20  }
0x9f: {  	s3 =	ssub.s32 $0x0, s20;
	[sflag:s22] =	ssyncset.done $0x0  }
0xa0: {  	[sflag:s22] =	ssyncadd.s32 s3;
	_ =	sdelay $0x1  }
0xa1: {  	s23 =	simm.s32 $0x1B8B  }
0xa2: {  	_ =	swait.ge [sflag:s23], $0x1  }
0xa3: {  	[sflag:s23] =	ssyncset.done $0x0  }
0xa4: {  	s25 =	simm.s32 $0x1B8E;
	s24 =	sld [smem:$0x3FFE];
	[sflag:s23] =	ssyncadd.s32 $0xFFFFFFFF  }
0xa5: {  	s26 =	simm.s32 $execute0_lowered;
	[smem:$0x3FD2] =	sst s25  }
0xa6: {  	s4 =	sshll.u32 s26, $0x1;
	_ =	strace $0x8000004C;
	[dreg:$0x1] =	wrdreg $0xFFFFFFFF  }
0xa7: {  	s28 =	simm.s32 $_size_execute0_lowered;
	s2 =	sadd.s32 s2, s4;
	[dreg:$0x0] =	wrdreg $0x0  }
0xa8: {  	s4 =	sshll.u32 s28, $0x1;
	[dreg:$0x2] =	wrdreg s2  }
0xa9: {  	[dreg:$0x3] =	wrdreg s4  }
0xaa: {  	[dreg:$0x4] =	wrdreg $0xC0  }
0xab: {  	_ =	task [dreg:s6], $0x5FFFF  }
0xac: {  	[dreg:$0x1] =	wrdreg $0xFFFFFFFF  }
0xad: {  	[dreg:$0x0] =	wrdreg $0x60  }
0xae: {  	[dreg:$0x2] =	wrdreg s24  }
0xaf: {  	[dreg:$0x3] =	wrdreg $0x9  }
0xb0: {  	_ =	task.clear_ibuf [dreg:s6], $0x4FFFF;
	_ =	strace $0x9000004C  }
0xb1: {  	s29 =	simm.s32 $0x9;
	_ =	strace $0x8000004E  }
0xb2: {  	_ =	swait.ge [sflag:s29], $0x1  }
0xb3: {  	[sflag:s29] =	ssyncadd.s32 $0xFFFFFFFF  }
0xb4: {  	_ =	strace $0x9000004E  }
0xb5: {  	_ =	sfence  }
0xb6: {  	s30 =	sld [smem:$0x0];
	_ =	sdelay $0x2  }
0xb7: {  	s31 =	sshll.u32 s1, $0xD;
	s1 =	sshrl.u32 s1, $0x2  }
0xb8: {  	s3 =	sand.u32 $0x4000, s31;
	s1 =	sadd.s32 s1, s30  }
0xb9: {  	s0 =	sor.u32 s3, s0;
	s1 =	sshll.u32 s1, $0x11  }
0xba: {  	s0 =	sor.u32 s1, s0  }
0xbb: {  	s0 =	sadd.s32 $0x8F2B, s0  }
0xbc: {  	[sflag:s0] =	ssyncadd.remote.s32 $0x1  }
0xbd: {  	_ =	sfence.sel $0xFFFF  }
0xbe: {  	[dreg:$0x0] =	wrdreg $0xFFFFFFFF;
	(pc) =	sbr.abs _section_cstart, $3  }
0xbf: {  	[dreg:$0x1] =	wrdreg $0xFFFFFFFF  }
0xc0: {  	_ =	task.clear_ibuf [dreg:s6], $0x2FFFF;
	_ =	strace $0x9FFFFFFF  }
0xc1: {  	(tm) =	ssettm $0x7FFFFFFF  }
tec
execute0_lowered:
.L_overlay_start_1:
0x0: {  	(tag) =	ssettag $0x1  }
0x1: {  	s0 =	stileid.u32;
	s1 =	srdreg.scid  }
0x2: {  	s3 =	rddreg [dreg:$0x0];
	s2 =	simm.s32 $0x0;
	s13 =	simm.s32 $0x2780  }
0x3: {  	s14 =	simm.s32 $0x9E00;
	s15 =	simm.s32 $0x3;
	s16 =	simm.s32 $0x11B00  }
0x4: {  	s17 =	simm.s32 $0x1;
	s18 =	simm.s32 $0x4F00;
	s19 =	simm.s32 $0x7680  }
0x5: {  	s20 =	simm.s32 $0x2;
	s4 =	smul.u32 $0x4E20, s0;
	s5 =	sand.u32 $0x1, s1  }
0x6: {  	s21 =	simm.s32 $0x4;
	s1 =	rddreg [dreg:$0x1];
	s6 =	smul.u32 $0x4E200, s5  }
0x7: {  	s22 =	simm.s32 $0x0;
	[smem:$0x7FF] =	sst s2;
	s8 =	smul.u32 $0x27100, s5  }
0x8: {  	_ =	strace $0x8000004D;
	s5 =	ssub.s32 $0x2, s5;
	s7 =	sshrl.u32 s4, $0x3  }
0x9: {  	s31 =	sshrl.u32 s5, $0x1;
	s7 =	sadd.s32 s7, s3;
	s4 =	sadd.s32 s4, s6  }
0xa: {  	s30 =	sshrl.u32 s8, $0x3;
	s12 =	ssub.s32 s5, s31;
	s4 =	sshrl.u32 s4, $0x3  }
0xb: {  	s9 =	sadd.s32 s30, s3;
	s12 =	smax.u32 s12, $0x1;
	s11 =	sadd.s32 s4, s3  }
0xc: {  	s3 =	sadd.s32 $0x3A00, s7;
	s4 =	sadd.s32 $0x3EE2, s7;
	s5 =	sadd.s32 $0x21200, s9  }
0xd: {  	s6 =	sadd.s32 $0x221A0, s9;
	s7 =	sadd.s32 $0x23140, s9;
	s8 =	sadd.s32 $0x240E0, s9  }
0xe: {  	v0 =	vimm.f32 $0.0e+00;
	s9 =	sadd.s32 $0x25080, s9;
	s10 =	sadd.s32 $0xD800, s11;
	s11 =	sadd.s32 $0xDCE2, s11  }
.LBB2_1:
0xf: {  	[tilespmem:s2], [sflag:$0x3] =	stream.linear.gather [hbm4b:s3+s2], $0x2710, $0x38;
	[tilespmem:$0x19800] =	vst v63  }
0x10: {  	_ = 	snop  }
0x11: {  	[tilespmem:s13], [sflag:$0x3] =	stream.linear.gather [hbm4b:s4+s2], $0x2710, $0x38;
	[tilespmem:$0x19800] =	vst v63  }
0x12: {  	s24 =	simm.s32 $0x4F40  }
0x13: {  	[tilespmem:s14], [sflag:$0x1] =	stream.linear.gather [hbm4b:s5+s2], $0x7D00, $0x38;
	[tilespmem:$0x19800] =	vst v63  }
0x14: {  	s23 =	simm.s32 $0x76C0;
	[tilespmem:s24+$0xFFFFFFC0] =	vst v0  }
0x15: {  	[tilespmem:s23+$0xFFFFFFC0] =	vst v0  }
0x16: {  	[tilespmem:s24+$0xFFFFFFD0] =	vst v0  }
0x17: {  	[tilespmem:s23+$0xFFFFFFD0] =	vst v0  }
0x18: {  	[tilespmem:s24+$0xFFFFFFE0] =	vst v0  }
0x19: {  	[tilespmem:s23+$0xFFFFFFE0] =	vst v0  }
0x1a: {  	[tilespmem:s24+$0xFFFFFFF0] =	vst v0  }
0x1b: {  	[tilespmem:s23+$0xFFFFFFF0] =	vst v0  }
0x1c: {  	[tilespmem:s24+$0x0] =	vst v0  }
0x1d: {  	[tilespmem:s23+$0x0] =	vst v0  }
0x1e: {  	[tilespmem:s24+$0x10] =	vst v0  }
0x1f: {  	[tilespmem:s23+$0x10] =	vst v0  }
0x20: {  	[tilespmem:s24+$0x20] =	vst v0  }
0x21: {  	[tilespmem:s23+$0x20] =	vst v0  }
0x22: {  	[tilespmem:s24+$0x30] =	vst v0  }
0x23: {  	s25 =	simm.s32 $0x4FC0;
	s24 =	simm.s32 $0x0;
	[tilespmem:s23+$0x30] =	vst v0  }
.LBB2_2:
0x24: {  	[tilespmem:s25+$0xFFFFFFC0] =	vst v0;
	s23 =	sadd.s32 $0x80, s23  }
0x25: {  	[tilespmem:s23+$0xFFFFFFC0] =	vst v0  }
0x26: {  	[tilespmem:s25+$0xFFFFFFD0] =	vst v0  }
0x27: {  	[tilespmem:s23+$0xFFFFFFD0] =	vst v0  }
0x28: {  	[tilespmem:s25+$0xFFFFFFE0] =	vst v0  }
0x29: {  	[tilespmem:s23+$0xFFFFFFE0] =	vst v0  }
0x2a: {  	[tilespmem:s25+$0xFFFFFFF0] =	vst v0  }
0x2b: {  	[tilespmem:s23+$0xFFFFFFF0] =	vst v0  }
0x2c: {  	[tilespmem:s25+$0x0] =	vst v0  }
0x2d: {  	s24 =	sadd.s32 $0x8, s24;
	[tilespmem:s23+$0x0] =	vst v0  }
0x2e: {  	p0 =	slt.u32 s24, $0x268;
	[tilespmem:s25+$0x10] =	vst v0  }
.Ltmp0:
0x2f: {  	[tilespmem:s23+$0x10] =	vst v0;
	(pc) =	sbr.rel @p0 .LBB2_2-.Ltmp0, $4  }
0x30: {  	[tilespmem:s25+$0x20] =	vst v0  }
0x31: {  	[tilespmem:s23+$0x20] =	vst v0  }
0x32: {  	[tilespmem:s25+$0x30] =	vst v0  }
0x33: {  	s25 =	sadd.s32 $0x80, s25;
	[tilespmem:s23+$0x30] =	vst v0  }
0x34: {  	[tilespmem:$0x7600] =	vst v0  }
0x35: {  	[tilespmem:$0x9D80] =	vst v0  }
0x36: {  	_ =	swait.ge [sflag:s15], $0x2710  }
0x37: {  	[sflag:s15] =	ssyncset.done $0x0  }
0x38: {  	[sflag:s15] =	ssyncadd.s32 $0xFFFFD8F0  }
0x39: {  	_ =	swait.ge [sflag:s15], $0x2710  }
0x3a: {  	[sflag:s15] =	ssyncset.done $0x0  }
0x3b: {  	[sflag:s15] =	ssyncadd.s32 $0xFFFFD8F0  }
0x3c: {  	[tilespmem:s16], [sflag:$0x2] =	stream.linear.gather [hbm4b:s6+s2], $0x7D00, $0x38;
	[tilespmem:$0x19800] =	vst v63  }
0x3d: {  	_ =	swait.ge [sflag:s17], $0x7D00  }
0x3e: {  	[sflag:s17] =	ssyncset.done $0x0  }
0x3f: {  	s23 =	simm.s32 $0x9E80;
	[sflag:s17] =	ssyncadd.s32 $0xFFFF8300  }
0x40: {  	v12 =	vld [tilespmem:s23+$0x0]  }
0x41: {  	v11 =	vld [tilespmem:s23+$0x10]  }
0x42: {  	v5 =	vld [tilespmem:s23+$0x20]  }
0x43: {  	v2 =	vld [tilespmem:s23+$0xFFFFFF80]  }
0x44: {  	v3 =	vld [tilespmem:s23+$0x70]  }
0x45: {  	v4 =	vld [tilespmem:s23+$0x60]  }
0x46: {  	v15 =	vld [tilespmem:s23+$0xFFFFFFA0]  }
0x47: {  	v1 =	vld [tilespmem:s23+$0xFFFFFFB0]  }
0x48: {  	v14 =	vld [tilespmem:s23+$0xFFFFFFC0]  }
0x49: {  	v9 =	vld [tilespmem:s23+$0x40]  }
0x4a: {  	v7 =	vld [tilespmem:s23+$0x50];
	v6 =	vshrl.u32 v2, $0xE  }
0x4b: {  	v13 =	vld [tilespmem:s23+$0xFFFFFF90]  }
0x4c: {  	v18 =	vld [tilespmem:s23+$0x30];
	v8 =	vshrl.u32 v3, $0xE  }
0x4d: {  	v21 =	vld [tilespmem:s23+$0xFFFFFFF0];
	v10 =	vshrl.u32 v4, $0xE  }
0x4e: {  	v24 =	vld [tilespmem:s23+$0xFFFFFFE0];
	v22 =	vand.u32 $0x3FFF, v3;
	v3 =	vshrl.u32 v9, $0xE  }
0x4f: {  	v17 =	vand.u32 $0x3FFF, v2;
	v16 =	vld.idx.msk [tilespmem:v6+s2+$0x0], $0xffff  }
0x50: {  	v30 =	vld [tilespmem:s23+$0xFFFFFFD0];
	v20 =	vshrl.u32 v7, $0xE  }
0x51: {  	v2 =	vld.idx.msk [tilespmem:v8+s2+$0x0], $0xffff  }
0x52: {  	v31 =	vand.u32 $0x3FFF, v4;
	v19 =	vld.idx.msk [tilespmem:v10+s2+$0x0], $0xffff  }
0x53: {  	v9 =	vand.u32 $0x3FFF, v9;
	v26 =	vld.idx.msk [tilespmem:v3+s2+$0x0], $0xffff  }
0x54: {  	[tilespmem:v17+s18+$0x0] =	vst.idx.add.f32.msk $0xffff, v16  }
0x55: {  	v16 =	vld.idx.msk [tilespmem:v20+s2+$0x0], $0xffff  }
0x56: {  	[tilespmem:v22+s18+$0x0] =	vst.idx.add.f32.msk $0xffff, v2  }
0x57: {  	v2 =	vshrl.u32 v5, $0xE;
	[tilespmem:v31+s18+$0x0] =	vst.idx.add.f32.msk $0xffff, v19  }
0x58: {  	v32 =	vand.u32 $0x3FFF, v7;
	[tilespmem:v9+s18+$0x0] =	vst.idx.add.f32.msk $0xffff, v26  }
0x59: {  	v19 =	vshrl.u32 v30, $0xE;
	v4 =	vld.idx.msk [tilespmem:v6+s13+$0x0], $0xffff  }
0x5a: {  	v23 =	vld.idx.msk [tilespmem:v8+s13+$0x0], $0xffff  }
0x5b: {  	v6 =	vshrl.u32 v13, $0xE;
	v33 =	vld.idx.msk [tilespmem:v10+s13+$0x0], $0xffff  }
0x5c: {  	v35 =	vld.idx.msk [tilespmem:v2+s2+$0x0], $0xffff  }
0x5d: {  	[tilespmem:v32+s18+$0x0] =	vst.idx.add.f32.msk $0xffff, v16  }
0x5e: {  	v10 =	vshrl.u32 v11, $0xE;
	v26 =	vld.idx.msk [tilespmem:v19+s2+$0x0], $0xffff  }
0x5f: {  	v8 =	vshrl.u32 v12, $0xE;
	[tilespmem:v17+s19+$0x0] =	vst.idx.add.f32.msk $0xffff, v4  }
0x60: {  	v34 =	vld.idx.msk [tilespmem:v6+s2+$0x0], $0xffff  }
0x61: {  	v16 =	vshrl.u32 v24, $0xE;
	[tilespmem:v22+s19+$0x0] =	vst.idx.add.f32.msk $0xffff, v23  }
0x62: {  	v4 =	vshrl.u32 v18, $0xE;
	v36 =	vld.idx.msk [tilespmem:v20+s13+$0x0], $0xffff  }
0x63: {  	v5 =	vand.u32 $0x3FFF, v5;
	v25 =	vld.idx.msk [tilespmem:v10+s2+$0x0], $0xffff  }
0x64: {  	v23 =	vshrl.u32 v21, $0xE;
	v27 =	vld.idx.msk [tilespmem:v8+s2+$0x0], $0xffff  }
0x65: {  	v17 =	vand.u32 $0x3FFF, v13;
	[tilespmem:v31+s19+$0x0] =	vst.idx.add.f32.msk $0xffff, v33  }
0x66: {  	v28 =	vld.idx.msk [tilespmem:v16+s2+$0x0], $0xffff  }
0x67: {  	v7 =	vand.u32 $0x3FFF, v18;
	v13 =	vld.idx.msk [tilespmem:v4+s2+$0x0], $0xffff  }
0x68: {  	v20 =	vshrl.u32 v14, $0xE;
	[tilespmem:v5+s18+$0x0] =	vst.idx.add.f32.msk $0xffff, v35  }
0x69: {  	v11 =	vand.u32 $0x3FFF, v11;
	v29 =	vld.idx.msk [tilespmem:v23+s2+$0x0], $0xffff  }
0x6a: {  	v24 =	vand.u32 $0x3FFF, v24;
	v22 =	vand.u32 $0x3FFF, v12;
	[tilespmem:v17+s18+$0x0] =	vst.idx.add.f32.msk $0xffff, v34  }
0x6b: {  	v18 =	vshrl.u32 v15, $0xE;
	v12 =	vand.u32 $0x3FFF, v15;
	v15 =	vand.u32 $0x3FFF, v21;
	[tilespmem:v32+s19+$0x0] =	vst.idx.add.f32.msk $0xffff, v36  }
0x6c: {  	s24 =	simm.s32 $0x0;
	v14 =	vand.u32 $0x3FFF, v14;
	v21 =	vand.u32 $0x3FFF, v30;
	[tilespmem:v7+s18+$0x0] =	vst.idx.add.f32.msk $0xffff, v13;
	v13 =	vshrl.u32 v1, $0xE  }
.LBB2_4:
0x6d: {  	s24 =	sadd.s32 $0x100, s24;
	v30 =	vld.idx.msk [tilespmem:v20+s2+$0x0], $0xffff;
	s23 =	sadd.s32 $0x100, s23  }
0x6e: {  	p0 =	slt.u32 s24, $0x7C00;
	[tilespmem:v11+s18+$0x0] =	vst.idx.add.f32.msk $0xffff, v25  }
0x6f: {  	v1 =	vand.u32 $0x3FFF, v1;
	[tilespmem:v22+s18+$0x0] =	vst.idx.add.f32.msk $0xffff, v27  }
0x70: {  	[tilespmem:v15+s18+$0x0] =	vst.idx.add.f32.msk $0xffff, v29  }
0x71: {  	v23 =	vld.idx.msk [tilespmem:v23+s13+$0x0], $0xffff  }
0x72: {  	v25 =	vld.idx.msk [tilespmem:v18+s2+$0x0], $0xffff  }
0x73: {  	[tilespmem:v24+s18+$0x0] =	vst.idx.add.f32.msk $0xffff, v28  }
0x74: {  	v27 =	vld.idx.msk [tilespmem:v13+s2+$0x0], $0xffff  }
0x75: {  	[tilespmem:v14+s18+$0x0] =	vst.idx.add.f32.msk $0xffff, v30  }
0x76: {  	v6 =	vld.idx.msk [tilespmem:v6+s13+$0x0], $0xffff  }
0x77: {  	[tilespmem:v21+s18+$0x0] =	vst.idx.add.f32.msk $0xffff, v26  }
0x78: {  	v10 =	vld.idx.msk [tilespmem:v10+s13+$0x0], $0xffff  }
0x79: {  	v16 =	vld.idx.msk [tilespmem:v16+s13+$0x0], $0xffff  }
0x7a: {  	v3 =	vld.idx.msk [tilespmem:v3+s13+$0x0], $0xffff  }
0x7b: {  	v19 =	vld.idx.msk [tilespmem:v19+s13+$0x0], $0xffff  }
0x7c: {  	[tilespmem:v17+s19+$0x0] =	vst.idx.add.f32.msk $0xffff, v6  }
0x7d: {  	v6 =	vld.idx.msk [tilespmem:v8+s13+$0x0], $0xffff  }
0x7e: {  	[tilespmem:v1+s18+$0x0] =	vst.idx.add.f32.msk $0xffff, v27  }
0x7f: {  	v8 =	vld.idx.msk [tilespmem:v20+s13+$0x0], $0xffff  }
0x80: {  	[tilespmem:v9+s19+$0x0] =	vst.idx.add.f32.msk $0xffff, v3  }
0x81: {  	v3 =	vld.idx.msk [tilespmem:v4+s13+$0x0], $0xffff  }
0x82: {  	[tilespmem:v12+s18+$0x0] =	vst.idx.add.f32.msk $0xffff, v25  }
0x83: {  	v4 =	vld.idx.msk [tilespmem:v18+s13+$0x0], $0xffff  }
0x84: {  	v9 =	vld.idx.msk [tilespmem:v13+s13+$0x0], $0xffff  }
0x85: {  	v2 =	vld.idx.msk [tilespmem:v2+s13+$0x0], $0xffff  }
0x86: {  	[tilespmem:v22+s19+$0x0] =	vst.idx.add.f32.msk $0xffff, v6  }
0x87: {  	[tilespmem:v7+s19+$0x0] =	vst.idx.add.f32.msk $0xffff, v3  }
0x88: {  	[tilespmem:v24+s19+$0x0] =	vst.idx.add.f32.msk $0xffff, v16  }
0x89: {  	[tilespmem:v11+s19+$0x0] =	vst.idx.add.f32.msk $0xffff, v10  }
0x8a: {  	[tilespmem:v14+s19+$0x0] =	vst.idx.add.f32.msk $0xffff, v8  }
0x8b: {  	[tilespmem:v1+s19+$0x0] =	vst.idx.add.f32.msk $0xffff, v9  }
0x8c: {  	[tilespmem:v5+s19+$0x0] =	vst.idx.add.f32.msk $0xffff, v2  }
0x8d: {  	[tilespmem:v12+s19+$0x0] =	vst.idx.add.f32.msk $0xffff, v4  }
0x8e: {  	[tilespmem:v21+s19+$0x0] =	vst.idx.add.f32.msk $0xffff, v19  }
0x8f: {  	[tilespmem:v15+s19+$0x0] =	vst.idx.add.f32.msk $0xffff, v23  }
0x90: {  	v12 =	vld [tilespmem:s23+$0x0]  }
0x91: {  	v11 =	vld [tilespmem:s23+$0x10]  }
0x92: {  	v5 =	vld [tilespmem:s23+$0x20]  }
0x93: {  	v2 =	vld [tilespmem:s23+$0xFFFFFF80]  }
0x94: {  	v4 =	vld [tilespmem:s23+$0x70]  }
0x95: {  	v7 =	vld [tilespmem:s23+$0x60]  }
0x96: {  	v15 =	vld [tilespmem:s23+$0xFFFFFFA0]  }
0x97: {  	v1 =	vld [tilespmem:s23+$0xFFFFFFB0]  }
0x98: {  	v8 =	vshrl.u32 v2, $0xE;
	v14 =	vld [tilespmem:s23+$0xFFFFFFC0]  }
0x99: {  	v9 =	vld [tilespmem:s23+$0x50];
	v13 =	vshrl.u32 v4, $0xE  }
0x9a: {  	v17 =	vld [tilespmem:s23+$0x40];
	v21 =	vshrl.u32 v7, $0xE  }
0x9b: {  	v18 =	vld [tilespmem:s23+$0xFFFFFF90]  }
0x9c: {  	v22 =	vld [tilespmem:s23+$0x30]  }
0x9d: {  	v10 =	vld.idx.msk [tilespmem:v8+s2+$0x0], $0xffff  }
0x9e: {  	v24 =	vand.u32 $0x3FFF, v2;
	v25 =	vshrl.u32 v9, $0xE;
	v19 =	vld.idx.msk [tilespmem:v13+s2+$0x0], $0xffff  }
0x9f: {  	v27 =	vand.u32 $0x3FFF, v4;
	v3 =	vshrl.u32 v17, $0xE;
	v26 =	vld.idx.msk [tilespmem:v21+s2+$0x0], $0xffff  }
0xa0: {  	v30 =	vand.u32 $0x3FFF, v7;
	v6 =	vshrl.u32 v18, $0xE;
	v28 =	vld [tilespmem:s23+$0xFFFFFFF0]  }
0xa1: {  	v31 =	vld [tilespmem:s23+$0xFFFFFFE0];
	v4 =	vshrl.u32 v22, $0xE  }
0xa2: {  	v2 =	vshrl.u32 v5, $0xE;
	v29 =	vld [tilespmem:s23+$0xFFFFFFD0]  }
0xa3: {  	[tilespmem:v24+s18+$0x0] =	vst.idx.add.f32.msk $0xffff, v10;
	v10 =	vshrl.u32 v11, $0xE  }
0xa4: {  	v32 =	vld.idx.msk [tilespmem:v8+s13+$0x0], $0xffff;
	v8 =	vshrl.u32 v12, $0xE  }
0xa5: {  	v34 =	vand.u32 $0x3FFF, v9;
	v23 =	vshrl.u32 v28, $0xE;
	v33 =	vld.idx.msk [tilespmem:v25+s2+$0x0], $0xffff  }
0xa6: {  	v16 =	vshrl.u32 v31, $0xE;
	[tilespmem:v27+s18+$0x0] =	vst.idx.add.f32.msk $0xffff, v19  }
0xa7: {  	v9 =	vand.u32 $0x3FFF, v17;
	v19 =	vshrl.u32 v29, $0xE;
	v35 =	vld.idx.msk [tilespmem:v13+s13+$0x0], $0xffff  }
0xa8: {  	v20 =	vshrl.u32 v14, $0xE;
	v17 =	vand.u32 $0x3FFF, v18;
	v7 =	vand.u32 $0x3FFF, v22;
	v36 =	vld.idx.msk [tilespmem:v3+s2+$0x0], $0xffff  }
0xa9: {  	v13 =	vshrl.u32 v1, $0xE;
	[tilespmem:v30+s18+$0x0] =	vst.idx.add.f32.msk $0xffff, v26  }
0xaa: {  	v5 =	vand.u32 $0x3FFF, v5;
	v18 =	vshrl.u32 v15, $0xE;
	v37 =	vld.idx.msk [tilespmem:v21+s13+$0x0], $0xffff  }
0xab: {  	v11 =	vand.u32 $0x3FFF, v11;
	[tilespmem:v24+s19+$0x0] =	vst.idx.add.f32.msk $0xffff, v32  }
0xac: {  	v24 =	vld.idx.msk [tilespmem:v6+s2+$0x0], $0xffff  }
0xad: {  	v32 =	vld.idx.msk [tilespmem:v2+s2+$0x0], $0xffff  }
0xae: {  	v14 =	vand.u32 $0x3FFF, v14;
	[tilespmem:v27+s19+$0x0] =	vst.idx.add.f32.msk $0xffff, v35  }
0xaf: {  	v22 =	vand.u32 $0x3FFF, v12;
	[tilespmem:v34+s18+$0x0] =	vst.idx.add.f32.msk $0xffff, v33  }
0xb0: {  	v12 =	vand.u32 $0x3FFF, v15;
	v33 =	vld.idx.msk [tilespmem:v25+s13+$0x0], $0xffff  }
0xb1: {  	v25 =	vld.idx.msk [tilespmem:v10+s2+$0x0], $0xffff  }
0xb2: {  	v15 =	vand.u32 $0x3FFF, v28;
	v35 =	vld.idx.msk [tilespmem:v4+s2+$0x0], $0xffff  }
0xb3: {  	v27 =	vld.idx.msk [tilespmem:v8+s2+$0x0], $0xffff  }
0xb4: {  	[tilespmem:v9+s18+$0x0] =	vst.idx.add.f32.msk $0xffff, v36  }
0xb5: {  	v21 =	vand.u32 $0x3FFF, v29;
	v29 =	vld.idx.msk [tilespmem:v23+s2+$0x0], $0xffff  }
0xb6: {  	v28 =	vld.idx.msk [tilespmem:v16+s2+$0x0], $0xffff  }
0xb7: {  	[tilespmem:v17+s18+$0x0] =	vst.idx.add.f32.msk $0xffff, v24;
	v24 =	vand.u32 $0x3FFF, v31  }
.Ltmp1:
0xb8: {  	v26 =	vld.idx.msk [tilespmem:v19+s2+$0x0], $0xffff;
	(pc) =	sbr.rel @p0 .LBB2_4-.Ltmp1, $4  }
0xb9: {  	[tilespmem:v7+s18+$0x0] =	vst.idx.add.f32.msk $0xffff, v35  }
0xba: {  	[tilespmem:v5+s18+$0x0] =	vst.idx.add.f32.msk $0xffff, v32  }
0xbb: {  	[tilespmem:v34+s19+$0x0] =	vst.idx.add.f32.msk $0xffff, v33  }
0xbc: {  	[tilespmem:v30+s19+$0x0] =	vst.idx.add.f32.msk $0xffff, v37  }
0xbd: {  	_ =	sdelay $0x3  }
0xbe: {  	v30 =	vld.idx.msk [tilespmem:v20+s2+$0x0], $0xffff  }
0xbf: {  	[tilespmem:v11+s18+$0x0] =	vst.idx.add.f32.msk $0xffff, v25  }
0xc0: {  	[tilespmem:v22+s18+$0x0] =	vst.idx.add.f32.msk $0xffff, v27  }
0xc1: {  	[tilespmem:v15+s18+$0x0] =	vst.idx.add.f32.msk $0xffff, v29  }
0xc2: {  	v25 =	vld.idx.msk [tilespmem:v18+s2+$0x0], $0xffff  }
0xc3: {  	[tilespmem:v24+s18+$0x0] =	vst.idx.add.f32.msk $0xffff, v28  }
0xc4: {  	v27 =	vld.idx.msk [tilespmem:v13+s2+$0x0], $0xffff  }
0xc5: {  	v6 =	vld.idx.msk [tilespmem:v6+s13+$0x0], $0xffff  }
0xc6: {  	[tilespmem:v21+s18+$0x0] =	vst.idx.add.f32.msk $0xffff, v26  }
0xc7: {  	v3 =	vld.idx.msk [tilespmem:v3+s13+$0x0], $0xffff  }
0xc8: {  	v2 =	vld.idx.msk [tilespmem:v2+s13+$0x0], $0xffff  }
0xc9: {  	v23 =	vld.idx.msk [tilespmem:v23+s13+$0x0], $0xffff  }
0xca: {  	v10 =	vld.idx.msk [tilespmem:v10+s13+$0x0], $0xffff  }
0xcb: {  	v1 =	vand.u32 $0x3FFF, v1;
	v16 =	vld.idx.msk [tilespmem:v16+s13+$0x0], $0xffff  }
0xcc: {  	v19 =	vld.idx.msk [tilespmem:v19+s13+$0x0], $0xffff  }
0xcd: {  	[tilespmem:v14+s18+$0x0] =	vst.idx.add.f32.msk $0xffff, v30  }
0xce: {  	[tilespmem:v17+s19+$0x0] =	vst.idx.add.f32.msk $0xffff, v6  }
0xcf: {  	v6 =	vld.idx.msk [tilespmem:v8+s13+$0x0], $0xffff  }
0xd0: {  	[tilespmem:v1+s18+$0x0] =	vst.idx.add.f32.msk $0xffff, v27  }
0xd1: {  	[tilespmem:v9+s19+$0x0] =	vst.idx.add.f32.msk $0xffff, v3  }
0xd2: {  	v3 =	vld.idx.msk [tilespmem:v4+s13+$0x0], $0xffff  }
0xd3: {  	[tilespmem:v12+s18+$0x0] =	vst.idx.add.f32.msk $0xffff, v25  }
0xd4: {  	[tilespmem:v5+s19+$0x0] =	vst.idx.add.f32.msk $0xffff, v2  }
0xd5: {  	v8 =	vld.idx.msk [tilespmem:v20+s13+$0x0], $0xffff  }
0xd6: {  	v4 =	vld.idx.msk [tilespmem:v18+s13+$0x0], $0xffff  }
0xd7: {  	v9 =	vld.idx.msk [tilespmem:v13+s13+$0x0], $0xffff  }
0xd8: {  	[tilespmem:v24+s19+$0x0] =	vst.idx.add.f32.msk $0xffff, v16  }
0xd9: {  	[tilespmem:v11+s19+$0x0] =	vst.idx.add.f32.msk $0xffff, v10  }
0xda: {  	[tilespmem:v21+s19+$0x0] =	vst.idx.add.f32.msk $0xffff, v19  }
0xdb: {  	[tilespmem:v15+s19+$0x0] =	vst.idx.add.f32.msk $0xffff, v23  }
0xdc: {  	[tilespmem:v22+s19+$0x0] =	vst.idx.add.f32.msk $0xffff, v6  }
0xdd: {  	[tilespmem:v7+s19+$0x0] =	vst.idx.add.f32.msk $0xffff, v3  }
0xde: {  	[tilespmem:v14+s19+$0x0] =	vst.idx.add.f32.msk $0xffff, v8  }
0xdf: {  	[tilespmem:v1+s19+$0x0] =	vst.idx.add.f32.msk $0xffff, v9  }
0xe0: {  	[tilespmem:v12+s19+$0x0] =	vst.idx.add.f32.msk $0xffff, v4  }
0xe1: {  	[tilespmem:s14], [sflag:$0x1] =	stream.linear.gather [hbm4b:s7+s2], $0x7D00, $0x38;
	[tilespmem:$0x19800] =	vst v63  }
0xe2: {  	_ =	swait.ge [sflag:s20], $0x7D00  }
0xe3: {  	[sflag:s20] =	ssyncset.done $0x0  }
0xe4: {  	s23 =	simm.s32 $0x11B80;
	[sflag:s20] =	ssyncadd.s32 $0xFFFF8300  }
0xe5: {  	v12 =	vld [tilespmem:s23+$0x0]  }
0xe6: {  	v11 =	vld [tilespmem:s23+$0x10]  }
0xe7: {  	v5 =	vld [tilespmem:s23+$0x20]  }
0xe8: {  	v2 =	vld [tilespmem:s23+$0xFFFFFF80]  }
0xe9: {  	v3 =	vld [tilespmem:s23+$0x70]  }
0xea: {  	v4 =	vld [tilespmem:s23+$0x60]  }
0xeb: {  	v15 =	vld [tilespmem:s23+$0xFFFFFFA0]  }
0xec: {  	v1 =	vld [tilespmem:s23+$0xFFFFFFB0]  }
0xed: {  	v14 =	vld [tilespmem:s23+$0xFFFFFFC0]  }
0xee: {  	v9 =	vld [tilespmem:s23+$0x40]  }
0xef: {  	v7 =	vld [tilespmem:s23+$0x50];
	v6 =	vshrl.u32 v2, $0xE  }
0xf0: {  	v13 =	vld [tilespmem:s23+$0xFFFFFF90]  }
0xf1: {  	v18 =	vld [tilespmem:s23+$0x30];
	v8 =	vshrl.u32 v3, $0xE  }
0xf2: {  	v21 =	vld [tilespmem:s23+$0xFFFFFFF0];
	v10 =	vshrl.u32 v4, $0xE  }
0xf3: {  	v24 =	vld [tilespmem:s23+$0xFFFFFFE0];
	v22 =	vand.u32 $0x3FFF, v3;
	v3 =	vshrl.u32 v9, $0xE  }
0xf4: {  	v17 =	vand.u32 $0x3FFF, v2;
	v16 =	vld.idx.msk [tilespmem:v6+s2+$0x0], $0xffff  }
0xf5: {  	v30 =	vld [tilespmem:s23+$0xFFFFFFD0];
	v20 =	vshrl.u32 v7, $0xE  }
0xf6: {  	v2 =	vld.idx.msk [tilespmem:v8+s2+$0x0], $0xffff  }
0xf7: {  	v31 =	vand.u32 $0x3FFF, v4;
	v19 =	vld.idx.msk [tilespmem:v10+s2+$0x0], $0xffff  }
0xf8: {  	v9 =	vand.u32 $0x3FFF, v9;
	v26 =	vld.idx.msk [tilespmem:v3+s2+$0x0], $0xffff  }
0xf9: {  	[tilespmem:v17+s18+$0x0] =	vst.idx.add.f32.msk $0xffff, v16  }
0xfa: {  	v16 =	vld.idx.msk [tilespmem:v20+s2+$0x0], $0xffff  }
0xfb: {  	[tilespmem:v22+s18+$0x0] =	vst.idx.add.f32.msk $0xffff, v2  }
0xfc: {  	v2 =	vshrl.u32 v5, $0xE;
	[tilespmem:v31+s18+$0x0] =	vst.idx.add.f32.msk $0xffff, v19  }
0xfd: {  	v32 =	vand.u32 $0x3FFF, v7;
	[tilespmem:v9+s18+$0x0] =	vst.idx.add.f32.msk $0xffff, v26  }
0xfe: {  	v19 =	vshrl.u32 v30, $0xE;
	v4 =	vld.idx.msk [tilespmem:v6+s13+$0x0], $0xffff  }
0xff: {  	v23 =	vld.idx.msk [tilespmem:v8+s13+$0x0], $0xffff  }
0x100: {  	v6 =	vshrl.u32 v13, $0xE;
	v33 =	vld.idx.msk [tilespmem:v10+s13+$0x0], $0xffff  }
0x101: {  	v35 =	vld.idx.msk [tilespmem:v2+s2+$0x0], $0xffff  }
0x102: {  	[tilespmem:v32+s18+$0x0] =	vst.idx.add.f32.msk $0xffff, v16  }
0x103: {  	v10 =	vshrl.u32 v11, $0xE;
	v26 =	vld.idx.msk [tilespmem:v19+s2+$0x0], $0xffff  }
0x104: {  	v8 =	vshrl.u32 v12, $0xE;
	[tilespmem:v17+s19+$0x0] =	vst.idx.add.f32.msk $0xffff, v4  }
0x105: {  	v34 =	vld.idx.msk [tilespmem:v6+s2+$0x0], $0xffff  }
0x106: {  	v16 =	vshrl.u32 v24, $0xE;
	[tilespmem:v22+s19+$0x0] =	vst.idx.add.f32.msk $0xffff, v23  }
0x107: {  	v4 =	vshrl.u32 v18, $0xE;
	v36 =	vld.idx.msk [tilespmem:v20+s13+$0x0], $0xffff  }
0x108: {  	v5 =	vand.u32 $0x3FFF, v5;
	v25 =	vld.idx.msk [tilespmem:v10+s2+$0x0], $0xffff  }
0x109: {  	v23 =	vshrl.u32 v21, $0xE;
	v27 =	vld.idx.msk [tilespmem:v8+s2+$0x0], $0xffff  }
0x10a: {  	v17 =	vand.u32 $0x3FFF, v13;
	[tilespmem:v31+s19+$0x0] =	vst.idx.add.f32.msk $0xffff, v33  }
0x10b: {  	v28 =	vld.idx.msk [tilespmem:v16+s2+$0x0], $0xffff  }
0x10c: {  	v7 =	vand.u32 $0x3FFF, v18;
	v13 =	vld.idx.msk [tilespmem:v4+s2+$0x0], $0xffff  }
0x10d: {  	v20 =	vshrl.u32 v14, $0xE;
	[tilespmem:v5+s18+$0x0] =	vst.idx.add.f32.msk $0xffff, v35  }
0x10e: {  	v11 =	vand.u32 $0x3FFF, v11;
	v29 =	vld.idx.msk [tilespmem:v23+s2+$0x0], $0xffff  }
0x10f: {  	v24 =	vand.u32 $0x3FFF, v24;
	v22 =	vand.u32 $0x3FFF, v12;
	[tilespmem:v17+s18+$0x0] =	vst.idx.add.f32.msk $0xffff, v34  }
0x110: {  	v18 =	vshrl.u32 v15, $0xE;
	v12 =	vand.u32 $0x3FFF, v15;
	v15 =	vand.u32 $0x3FFF, v21;
	[tilespmem:v32+s19+$0x0] =	vst.idx.add.f32.msk $0xffff, v36  }
0x111: {  	s24 =	simm.s32 $0x0;
	v14 =	vand.u32 $0x3FFF, v14;
	v21 =	vand.u32 $0x3FFF, v30;
	[tilespmem:v7+s18+$0x0] =	vst.idx.add.f32.msk $0xffff, v13;
	v13 =	vshrl.u32 v1, $0xE  }
.LBB2_6:
0x112: {  	s24 =	sadd.s32 $0x100, s24;
	v30 =	vld.idx.msk [tilespmem:v20+s2+$0x0], $0xffff;
	s23 =	sadd.s32 $0x100, s23  }
0x113: {  	p0 =	slt.u32 s24, $0x7C00;
	[tilespmem:v11+s18+$0x0] =	vst.idx.add.f32.msk $0xffff, v25  }
0x114: {  	v1 =	vand.u32 $0x3FFF, v1;
	[tilespmem:v22+s18+$0x0] =	vst.idx.add.f32.msk $0xffff, v27  }
0x115: {  	[tilespmem:v15+s18+$0x0] =	vst.idx.add.f32.msk $0xffff, v29  }
0x116: {  	v23 =	vld.idx.msk [tilespmem:v23+s13+$0x0], $0xffff  }
0x117: {  	v25 =	vld.idx.msk [tilespmem:v18+s2+$0x0], $0xffff  }
0x118: {  	[tilespmem:v24+s18+$0x0] =	vst.idx.add.f32.msk $0xffff, v28  }
0x119: {  	v27 =	vld.idx.msk [tilespmem:v13+s2+$0x0], $0xffff  }
0x11a: {  	[tilespmem:v14+s18+$0x0] =	vst.idx.add.f32.msk $0xffff, v30  }
0x11b: {  	v6 =	vld.idx.msk [tilespmem:v6+s13+$0x0], $0xffff  }
0x11c: {  	[tilespmem:v21+s18+$0x0] =	vst.idx.add.f32.msk $0xffff, v26  }
0x11d: {  	v10 =	vld.idx.msk [tilespmem:v10+s13+$0x0], $0xffff  }
0x11e: {  	v16 =	vld.idx.msk [tilespmem:v16+s13+$0x0], $0xffff  }
0x11f: {  	v3 =	vld.idx.msk [tilespmem:v3+s13+$0x0], $0xffff  }
0x120: {  	v19 =	vld.idx.msk [tilespmem:v19+s13+$0x0], $0xffff  }
0x121: {  	[tilespmem:v17+s19+$0x0] =	vst.idx.add.f32.msk $0xffff, v6  }
0x122: {  	v6 =	vld.idx.msk [tilespmem:v8+s13+$0x0], $0xffff  }
0x123: {  	[tilespmem:v1+s18+$0x0] =	vst.idx.add.f32.msk $0xffff, v27  }
0x124: {  	v8 =	vld.idx.msk [tilespmem:v20+s13+$0x0], $0xffff  }
0x125: {  	[tilespmem:v9+s19+$0x0] =	vst.idx.add.f32.msk $0xffff, v3  }
0x126: {  	v3 =	vld.idx.msk [tilespmem:v4+s13+$0x0], $0xffff  }
0x127: {  	[tilespmem:v12+s18+$0x0] =	vst.idx.add.f32.msk $0xffff, v25  }
0x128: {  	v4 =	vld.idx.msk [tilespmem:v18+s13+$0x0], $0xffff  }
0x129: {  	v9 =	vld.idx.msk [tilespmem:v13+s13+$0x0], $0xffff  }
0x12a: {  	v2 =	vld.idx.msk [tilespmem:v2+s13+$0x0], $0xffff  }
0x12b: {  	[tilespmem:v22+s19+$0x0] =	vst.idx.add.f32.msk $0xffff, v6  }
0x12c: {  	[tilespmem:v7+s19+$0x0] =	vst.idx.add.f32.msk $0xffff, v3  }
0x12d: {  	[tilespmem:v24+s19+$0x0] =	vst.idx.add.f32.msk $0xffff, v16  }
0x12e: {  	[tilespmem:v11+s19+$0x0] =	vst.idx.add.f32.msk $0xffff, v10  }
0x12f: {  	[tilespmem:v14+s19+$0x0] =	vst.idx.add.f32.msk $0xffff, v8  }
0x130: {  	[tilespmem:v1+s19+$0x0] =	vst.idx.add.f32.msk $0xffff, v9  }
0x131: {  	[tilespmem:v5+s19+$0x0] =	vst.idx.add.f32.msk $0xffff, v2  }
0x132: {  	[tilespmem:v12+s19+$0x0] =	vst.idx.add.f32.msk $0xffff, v4  }
0x133: {  	[tilespmem:v21+s19+$0x0] =	vst.idx.add.f32.msk $0xffff, v19  }
0x134: {  	[tilespmem:v15+s19+$0x0] =	vst.idx.add.f32.msk $0xffff, v23  }
0x135: {  	v12 =	vld [tilespmem:s23+$0x0]  }
0x136: {  	v11 =	vld [tilespmem:s23+$0x10]  }
0x137: {  	v5 =	vld [tilespmem:s23+$0x20]  }
0x138: {  	v2 =	vld [tilespmem:s23+$0xFFFFFF80]  }
0x139: {  	v4 =	vld [tilespmem:s23+$0x70]  }
0x13a: {  	v7 =	vld [tilespmem:s23+$0x60]  }
0x13b: {  	v15 =	vld [tilespmem:s23+$0xFFFFFFA0]  }
0x13c: {  	v1 =	vld [tilespmem:s23+$0xFFFFFFB0]  }
0x13d: {  	v8 =	vshrl.u32 v2, $0xE;
	v14 =	vld [tilespmem:s23+$0xFFFFFFC0]  }
0x13e: {  	v9 =	vld [tilespmem:s23+$0x50];
	v13 =	vshrl.u32 v4, $0xE  }
0x13f: {  	v17 =	vld [tilespmem:s23+$0x40];
	v21 =	vshrl.u32 v7, $0xE  }
0x140: {  	v18 =	vld [tilespmem:s23+$0xFFFFFF90]  }
0x141: {  	v22 =	vld [tilespmem:s23+$0x30]  }
0x142: {  	v10 =	vld.idx.msk [tilespmem:v8+s2+$0x0], $0xffff  }
0x143: {  	v24 =	vand.u32 $0x3FFF, v2;
	v25 =	vshrl.u32 v9, $0xE;
	v19 =	vld.idx.msk [tilespmem:v13+s2+$0x0], $0xffff  }
0x144: {  	v27 =	vand.u32 $0x3FFF, v4;
	v3 =	vshrl.u32 v17, $0xE;
	v26 =	vld.idx.msk [tilespmem:v21+s2+$0x0], $0xffff  }
0x145: {  	v30 =	vand.u32 $0x3FFF, v7;
	v6 =	vshrl.u32 v18, $0xE;
	v28 =	vld [tilespmem:s23+$0xFFFFFFF0]  }
0x146: {  	v31 =	vld [tilespmem:s23+$0xFFFFFFE0];
	v4 =	vshrl.u32 v22, $0xE  }
0x147: {  	v2 =	vshrl.u32 v5, $0xE;
	v29 =	vld [tilespmem:s23+$0xFFFFFFD0]  }
0x148: {  	[tilespmem:v24+s18+$0x0] =	vst.idx.add.f32.msk $0xffff, v10;
	v10 =	vshrl.u32 v11, $0xE  }
0x149: {  	v32 =	vld.idx.msk [tilespmem:v8+s13+$0x0], $0xffff;
	v8 =	vshrl.u32 v12, $0xE  }
0x14a: {  	v34 =	vand.u32 $0x3FFF, v9;
	v23 =	vshrl.u32 v28, $0xE;
	v33 =	vld.idx.msk [tilespmem:v25+s2+$0x0], $0xffff  }
0x14b: {  	v16 =	vshrl.u32 v31, $0xE;
	[tilespmem:v27+s18+$0x0] =	vst.idx.add.f32.msk $0xffff, v19  }
0x14c: {  	v9 =	vand.u32 $0x3FFF, v17;
	v19 =	vshrl.u32 v29, $0xE;
	v35 =	vld.idx.msk [tilespmem:v13+s13+$0x0], $0xffff  }
0x14d: {  	v20 =	vshrl.u32 v14, $0xE;
	v17 =	vand.u32 $0x3FFF, v18;
	v7 =	vand.u32 $0x3FFF, v22;
	v36 =	vld.idx.msk [tilespmem:v3+s2+$0x0], $0xffff  }
0x14e: {  	v13 =	vshrl.u32 v1, $0xE;
	[tilespmem:v30+s18+$0x0] =	vst.idx.add.f32.msk $0xffff, v26  }
0x14f: {  	v5 =	vand.u32 $0x3FFF, v5;
	v18 =	vshrl.u32 v15, $0xE;
	v37 =	vld.idx.msk [tilespmem:v21+s13+$0x0], $0xffff  }
0x150: {  	v11 =	vand.u32 $0x3FFF, v11;
	[tilespmem:v24+s19+$0x0] =	vst.idx.add.f32.msk $0xffff, v32  }
0x151: {  	v24 =	vld.idx.msk [tilespmem:v6+s2+$0x0], $0xffff  }
0x152: {  	v32 =	vld.idx.msk [tilespmem:v2+s2+$0x0], $0xffff  }
0x153: {  	v14 =	vand.u32 $0x3FFF, v14;
	[tilespmem:v27+s19+$0x0] =	vst.idx.add.f32.msk $0xffff, v35  }
0x154: {  	v22 =	vand.u32 $0x3FFF, v12;
	[tilespmem:v34+s18+$0x0] =	vst.idx.add.f32.msk $0xffff, v33  }
0x155: {  	v12 =	vand.u32 $0x3FFF, v15;
	v33 =	vld.idx.msk [tilespmem:v25+s13+$0x0], $0xffff  }
0x156: {  	v25 =	vld.idx.msk [tilespmem:v10+s2+$0x0], $0xffff  }
0x157: {  	v15 =	vand.u32 $0x3FFF, v28;
	v35 =	vld.idx.msk [tilespmem:v4+s2+$0x0], $0xffff  }
0x158: {  	v27 =	vld.idx.msk [tilespmem:v8+s2+$0x0], $0xffff  }
0x159: {  	[tilespmem:v9+s18+$0x0] =	vst.idx.add.f32.msk $0xffff, v36  }
0x15a: {  	v21 =	vand.u32 $0x3FFF, v29;
	v29 =	vld.idx.msk [tilespmem:v23+s2+$0x0], $0xffff  }
0x15b: {  	v28 =	vld.idx.msk [tilespmem:v16+s2+$0x0], $0xffff  }
0x15c: {  	[tilespmem:v17+s18+$0x0] =	vst.idx.add.f32.msk $0xffff, v24;
	v24 =	vand.u32 $0x3FFF, v31  }
.Ltmp2:
0x15d: {  	v26 =	vld.idx.msk [tilespmem:v19+s2+$0x0], $0xffff;
	(pc) =	sbr.rel @p0 .LBB2_6-.Ltmp2, $4  }
0x15e: {  	[tilespmem:v7+s18+$0x0] =	vst.idx.add.f32.msk $0xffff, v35  }
0x15f: {  	[tilespmem:v5+s18+$0x0] =	vst.idx.add.f32.msk $0xffff, v32  }
0x160: {  	[tilespmem:v34+s19+$0x0] =	vst.idx.add.f32.msk $0xffff, v33  }
0x161: {  	[tilespmem:v30+s19+$0x0] =	vst.idx.add.f32.msk $0xffff, v37  }
0x162: {  	_ =	sdelay $0x3  }
0x163: {  	v30 =	vld.idx.msk [tilespmem:v20+s2+$0x0], $0xffff  }
0x164: {  	[tilespmem:v11+s18+$0x0] =	vst.idx.add.f32.msk $0xffff, v25  }
0x165: {  	[tilespmem:v22+s18+$0x0] =	vst.idx.add.f32.msk $0xffff, v27  }
0x166: {  	[tilespmem:v15+s18+$0x0] =	vst.idx.add.f32.msk $0xffff, v29  }
0x167: {  	v25 =	vld.idx.msk [tilespmem:v18+s2+$0x0], $0xffff  }
0x168: {  	[tilespmem:v24+s18+$0x0] =	vst.idx.add.f32.msk $0xffff, v28  }
0x169: {  	v27 =	vld.idx.msk [tilespmem:v13+s2+$0x0], $0xffff  }
0x16a: {  	v6 =	vld.idx.msk [tilespmem:v6+s13+$0x0], $0xffff  }
0x16b: {  	[tilespmem:v21+s18+$0x0] =	vst.idx.add.f32.msk $0xffff, v26  }
0x16c: {  	v3 =	vld.idx.msk [tilespmem:v3+s13+$0x0], $0xffff  }
0x16d: {  	v2 =	vld.idx.msk [tilespmem:v2+s13+$0x0], $0xffff  }
0x16e: {  	v23 =	vld.idx.msk [tilespmem:v23+s13+$0x0], $0xffff  }
0x16f: {  	v10 =	vld.idx.msk [tilespmem:v10+s13+$0x0], $0xffff  }
0x170: {  	v1 =	vand.u32 $0x3FFF, v1;
	v16 =	vld.idx.msk [tilespmem:v16+s13+$0x0], $0xffff  }
0x171: {  	v19 =	vld.idx.msk [tilespmem:v19+s13+$0x0], $0xffff  }
0x172: {  	[tilespmem:v14+s18+$0x0] =	vst.idx.add.f32.msk $0xffff, v30  }
0x173: {  	[tilespmem:v17+s19+$0x0] =	vst.idx.add.f32.msk $0xffff, v6  }
0x174: {  	v6 =	vld.idx.msk [tilespmem:v8+s13+$0x0], $0xffff  }
0x175: {  	[tilespmem:v1+s18+$0x0] =	vst.idx.add.f32.msk $0xffff, v27  }
0x176: {  	[tilespmem:v9+s19+$0x0] =	vst.idx.add.f32.msk $0xffff, v3  }
0x177: {  	v3 =	vld.idx.msk [tilespmem:v4+s13+$0x0], $0xffff  }
0x178: {  	[tilespmem:v12+s18+$0x0] =	vst.idx.add.f32.msk $0xffff, v25  }
0x179: {  	[tilespmem:v5+s19+$0x0] =	vst.idx.add.f32.msk $0xffff, v2  }
0x17a: {  	v8 =	vld.idx.msk [tilespmem:v20+s13+$0x0], $0xffff  }
0x17b: {  	v4 =	vld.idx.msk [tilespmem:v18+s13+$0x0], $0xffff  }
0x17c: {  	v9 =	vld.idx.msk [tilespmem:v13+s13+$0x0], $0xffff  }
0x17d: {  	[tilespmem:v24+s19+$0x0] =	vst.idx.add.f32.msk $0xffff, v16  }
0x17e: {  	[tilespmem:v11+s19+$0x0] =	vst.idx.add.f32.msk $0xffff, v10  }
0x17f: {  	[tilespmem:v21+s19+$0x0] =	vst.idx.add.f32.msk $0xffff, v19  }
0x180: {  	[tilespmem:v15+s19+$0x0] =	vst.idx.add.f32.msk $0xffff, v23  }
0x181: {  	[tilespmem:v22+s19+$0x0] =	vst.idx.add.f32.msk $0xffff, v6  }
0x182: {  	[tilespmem:v7+s19+$0x0] =	vst.idx.add.f32.msk $0xffff, v3  }
0x183: {  	[tilespmem:v14+s19+$0x0] =	vst.idx.add.f32.msk $0xffff, v8  }
0x184: {  	[tilespmem:v1+s19+$0x0] =	vst.idx.add.f32.msk $0xffff, v9  }
0x185: {  	[tilespmem:v12+s19+$0x0] =	vst.idx.add.f32.msk $0xffff, v4  }
0x186: {  	[tilespmem:s16], [sflag:$0x2] =	stream.linear.gather [hbm4b:s8+s2], $0x7D00, $0x38;
	[tilespmem:$0x19800] =	vst v63  }
0x187: {  	_ =	swait.ge [sflag:s17], $0x7D00  }
0x188: {  	[sflag:s17] =	ssyncset.done $0x0  }
0x189: {  	s23 =	simm.s32 $0x9E80;
	[sflag:s17] =	ssyncadd.s32 $0xFFFF8300  }
0x18a: {  	v12 =	vld [tilespmem:s23+$0x0]  }
0x18b: {  	v11 =	vld [tilespmem:s23+$0x10]  }
0x18c: {  	v5 =	vld [tilespmem:s23+$0x20]  }
0x18d: {  	v2 =	vld [tilespmem:s23+$0xFFFFFF80]  }
0x18e: {  	v3 =	vld [tilespmem:s23+$0x70]  }
0x18f: {  	v4 =	vld [tilespmem:s23+$0x60]  }
0x190: {  	v15 =	vld [tilespmem:s23+$0xFFFFFFA0]  }
0x191: {  	v1 =	vld [tilespmem:s23+$0xFFFFFFB0]  }
0x192: {  	v14 =	vld [tilespmem:s23+$0xFFFFFFC0]  }
0x193: {  	v9 =	vld [tilespmem:s23+$0x40]  }
0x194: {  	v7 =	vld [tilespmem:s23+$0x50];
	v6 =	vshrl.u32 v2, $0xE  }
0x195: {  	v13 =	vld [tilespmem:s23+$0xFFFFFF90]  }
0x196: {  	v18 =	vld [tilespmem:s23+$0x30];
	v8 =	vshrl.u32 v3, $0xE  }
0x197: {  	v21 =	vld [tilespmem:s23+$0xFFFFFFF0];
	v10 =	vshrl.u32 v4, $0xE  }
0x198: {  	v24 =	vld [tilespmem:s23+$0xFFFFFFE0];
	v22 =	vand.u32 $0x3FFF, v3;
	v3 =	vshrl.u32 v9, $0xE  }
0x199: {  	v17 =	vand.u32 $0x3FFF, v2;
	v16 =	vld.idx.msk [tilespmem:v6+s2+$0x0], $0xffff  }
0x19a: {  	v30 =	vld [tilespmem:s23+$0xFFFFFFD0];
	v20 =	vshrl.u32 v7, $0xE  }
0x19b: {  	v2 =	vld.idx.msk [tilespmem:v8+s2+$0x0], $0xffff  }
0x19c: {  	v31 =	vand.u32 $0x3FFF, v4;
	v19 =	vld.idx.msk [tilespmem:v10+s2+$0x0], $0xffff  }
0x19d: {  	v9 =	vand.u32 $0x3FFF, v9;
	v26 =	vld.idx.msk [tilespmem:v3+s2+$0x0], $0xffff  }
0x19e: {  	[tilespmem:v17+s18+$0x0] =	vst.idx.add.f32.msk $0xffff, v16  }
0x19f: {  	v16 =	vld.idx.msk [tilespmem:v20+s2+$0x0], $0xffff  }
0x1a0: {  	[tilespmem:v22+s18+$0x0] =	vst.idx.add.f32.msk $0xffff, v2  }
0x1a1: {  	v2 =	vshrl.u32 v5, $0xE;
	[tilespmem:v31+s18+$0x0] =	vst.idx.add.f32.msk $0xffff, v19  }
0x1a2: {  	v32 =	vand.u32 $0x3FFF, v7;
	[tilespmem:v9+s18+$0x0] =	vst.idx.add.f32.msk $0xffff, v26  }
0x1a3: {  	v19 =	vshrl.u32 v30, $0xE;
	v4 =	vld.idx.msk [tilespmem:v6+s13+$0x0], $0xffff  }
0x1a4: {  	v23 =	vld.idx.msk [tilespmem:v8+s13+$0x0], $0xffff  }
0x1a5: {  	v6 =	vshrl.u32 v13, $0xE;
	v33 =	vld.idx.msk [tilespmem:v10+s13+$0x0], $0xffff  }
0x1a6: {  	v35 =	vld.idx.msk [tilespmem:v2+s2+$0x0], $0xffff  }
0x1a7: {  	[tilespmem:v32+s18+$0x0] =	vst.idx.add.f32.msk $0xffff, v16  }
0x1a8: {  	v10 =	vshrl.u32 v11, $0xE;
	v26 =	vld.idx.msk [tilespmem:v19+s2+$0x0], $0xffff  }
0x1a9: {  	v8 =	vshrl.u32 v12, $0xE;
	[tilespmem:v17+s19+$0x0] =	vst.idx.add.f32.msk $0xffff, v4  }
0x1aa: {  	v34 =	vld.idx.msk [tilespmem:v6+s2+$0x0], $0xffff  }
0x1ab: {  	v16 =	vshrl.u32 v24, $0xE;
	[tilespmem:v22+s19+$0x0] =	vst.idx.add.f32.msk $0xffff, v23  }
0x1ac: {  	v4 =	vshrl.u32 v18, $0xE;
	v36 =	vld.idx.msk [tilespmem:v20+s13+$0x0], $0xffff  }
0x1ad: {  	v5 =	vand.u32 $0x3FFF, v5;
	v25 =	vld.idx.msk [tilespmem:v10+s2+$0x0], $0xffff  }
0x1ae: {  	v23 =	vshrl.u32 v21, $0xE;
	v27 =	vld.idx.msk [tilespmem:v8+s2+$0x0], $0xffff  }
0x1af: {  	v17 =	vand.u32 $0x3FFF, v13;
	[tilespmem:v31+s19+$0x0] =	vst.idx.add.f32.msk $0xffff, v33  }
0x1b0: {  	v28 =	vld.idx.msk [tilespmem:v16+s2+$0x0], $0xffff  }
0x1b1: {  	v7 =	vand.u32 $0x3FFF, v18;
	v13 =	vld.idx.msk [tilespmem:v4+s2+$0x0], $0xffff  }
0x1b2: {  	v20 =	vshrl.u32 v14, $0xE;
	[tilespmem:v5+s18+$0x0] =	vst.idx.add.f32.msk $0xffff, v35  }
0x1b3: {  	v11 =	vand.u32 $0x3FFF, v11;
	v29 =	vld.idx.msk [tilespmem:v23+s2+$0x0], $0xffff  }
0x1b4: {  	v24 =	vand.u32 $0x3FFF, v24;
	v22 =	vand.u32 $0x3FFF, v12;
	[tilespmem:v17+s18+$0x0] =	vst.idx.add.f32.msk $0xffff, v34  }
0x1b5: {  	v18 =	vshrl.u32 v15, $0xE;
	v12 =	vand.u32 $0x3FFF, v15;
	v15 =	vand.u32 $0x3FFF, v21;
	[tilespmem:v32+s19+$0x0] =	vst.idx.add.f32.msk $0xffff, v36  }
0x1b6: {  	s24 =	simm.s32 $0x0;
	v14 =	vand.u32 $0x3FFF, v14;
	v21 =	vand.u32 $0x3FFF, v30;
	[tilespmem:v7+s18+$0x0] =	vst.idx.add.f32.msk $0xffff, v13;
	v13 =	vshrl.u32 v1, $0xE  }
.LBB2_8:
0x1b7: {  	s24 =	sadd.s32 $0x100, s24;
	v30 =	vld.idx.msk [tilespmem:v20+s2+$0x0], $0xffff;
	s23 =	sadd.s32 $0x100, s23  }
0x1b8: {  	p0 =	slt.u32 s24, $0x7C00;
	[tilespmem:v11+s18+$0x0] =	vst.idx.add.f32.msk $0xffff, v25  }
0x1b9: {  	v1 =	vand.u32 $0x3FFF, v1;
	[tilespmem:v22+s18+$0x0] =	vst.idx.add.f32.msk $0xffff, v27  }
0x1ba: {  	[tilespmem:v15+s18+$0x0] =	vst.idx.add.f32.msk $0xffff, v29  }
0x1bb: {  	v23 =	vld.idx.msk [tilespmem:v23+s13+$0x0], $0xffff  }
0x1bc: {  	v25 =	vld.idx.msk [tilespmem:v18+s2+$0x0], $0xffff  }
0x1bd: {  	[tilespmem:v24+s18+$0x0] =	vst.idx.add.f32.msk $0xffff, v28  }
0x1be: {  	v27 =	vld.idx.msk [tilespmem:v13+s2+$0x0], $0xffff  }
0x1bf: {  	[tilespmem:v14+s18+$0x0] =	vst.idx.add.f32.msk $0xffff, v30  }
0x1c0: {  	v6 =	vld.idx.msk [tilespmem:v6+s13+$0x0], $0xffff  }
0x1c1: {  	[tilespmem:v21+s18+$0x0] =	vst.idx.add.f32.msk $0xffff, v26  }
0x1c2: {  	v10 =	vld.idx.msk [tilespmem:v10+s13+$0x0], $0xffff  }
0x1c3: {  	v16 =	vld.idx.msk [tilespmem:v16+s13+$0x0], $0xffff  }
0x1c4: {  	v3 =	vld.idx.msk [tilespmem:v3+s13+$0x0], $0xffff  }
0x1c5: {  	v19 =	vld.idx.msk [tilespmem:v19+s13+$0x0], $0xffff  }
0x1c6: {  	[tilespmem:v17+s19+$0x0] =	vst.idx.add.f32.msk $0xffff, v6  }
0x1c7: {  	v6 =	vld.idx.msk [tilespmem:v8+s13+$0x0], $0xffff  }
0x1c8: {  	[tilespmem:v1+s18+$0x0] =	vst.idx.add.f32.msk $0xffff, v27  }
0x1c9: {  	v8 =	vld.idx.msk [tilespmem:v20+s13+$0x0], $0xffff  }
0x1ca: {  	[tilespmem:v9+s19+$0x0] =	vst.idx.add.f32.msk $0xffff, v3  }
0x1cb: {  	v3 =	vld.idx.msk [tilespmem:v4+s13+$0x0], $0xffff  }
0x1cc: {  	[tilespmem:v12+s18+$0x0] =	vst.idx.add.f32.msk $0xffff, v25  }
0x1cd: {  	v4 =	vld.idx.msk [tilespmem:v18+s13+$0x0], $0xffff  }
0x1ce: {  	v9 =	vld.idx.msk [tilespmem:v13+s13+$0x0], $0xffff  }
0x1cf: {  	v2 =	vld.idx.msk [tilespmem:v2+s13+$0x0], $0xffff  }
0x1d0: {  	[tilespmem:v22+s19+$0x0] =	vst.idx.add.f32.msk $0xffff, v6  }
0x1d1: {  	[tilespmem:v7+s19+$0x0] =	vst.idx.add.f32.msk $0xffff, v3  }
0x1d2: {  	[tilespmem:v24+s19+$0x0] =	vst.idx.add.f32.msk $0xffff, v16  }
0x1d3: {  	[tilespmem:v11+s19+$0x0] =	vst.idx.add.f32.msk $0xffff, v10  }
0x1d4: {  	[tilespmem:v14+s19+$0x0] =	vst.idx.add.f32.msk $0xffff, v8  }
0x1d5: {  	[tilespmem:v1+s19+$0x0] =	vst.idx.add.f32.msk $0xffff, v9  }
0x1d6: {  	[tilespmem:v5+s19+$0x0] =	vst.idx.add.f32.msk $0xffff, v2  }
0x1d7: {  	[tilespmem:v12+s19+$0x0] =	vst.idx.add.f32.msk $0xffff, v4  }
0x1d8: {  	[tilespmem:v21+s19+$0x0] =	vst.idx.add.f32.msk $0xffff, v19  }
0x1d9: {  	[tilespmem:v15+s19+$0x0] =	vst.idx.add.f32.msk $0xffff, v23  }
0x1da: {  	v12 =	vld [tilespmem:s23+$0x0]  }
0x1db: {  	v11 =	vld [tilespmem:s23+$0x10]  }
0x1dc: {  	v5 =	vld [tilespmem:s23+$0x20]  }
0x1dd: {  	v2 =	vld [tilespmem:s23+$0xFFFFFF80]  }
0x1de: {  	v4 =	vld [tilespmem:s23+$0x70]  }
0x1df: {  	v7 =	vld [tilespmem:s23+$0x60]  }
0x1e0: {  	v15 =	vld [tilespmem:s23+$0xFFFFFFA0]  }
0x1e1: {  	v1 =	vld [tilespmem:s23+$0xFFFFFFB0]  }
0x1e2: {  	v8 =	vshrl.u32 v2, $0xE;
	v14 =	vld [tilespmem:s23+$0xFFFFFFC0]  }
0x1e3: {  	v9 =	vld [tilespmem:s23+$0x50];
	v13 =	vshrl.u32 v4, $0xE  }
0x1e4: {  	v17 =	vld [tilespmem:s23+$0x40];
	v21 =	vshrl.u32 v7, $0xE  }
0x1e5: {  	v18 =	vld [tilespmem:s23+$0xFFFFFF90]  }
0x1e6: {  	v22 =	vld [tilespmem:s23+$0x30]  }
0x1e7: {  	v10 =	vld.idx.msk [tilespmem:v8+s2+$0x0], $0xffff  }
0x1e8: {  	v24 =	vand.u32 $0x3FFF, v2;
	v25 =	vshrl.u32 v9, $0xE;
	v19 =	vld.idx.msk [tilespmem:v13+s2+$0x0], $0xffff  }
0x1e9: {  	v27 =	vand.u32 $0x3FFF, v4;
	v3 =	vshrl.u32 v17, $0xE;
	v26 =	vld.idx.msk [tilespmem:v21+s2+$0x0], $0xffff  }
0x1ea: {  	v30 =	vand.u32 $0x3FFF, v7;
	v6 =	vshrl.u32 v18, $0xE;
	v28 =	vld [tilespmem:s23+$0xFFFFFFF0]  }
0x1eb: {  	v31 =	vld [tilespmem:s23+$0xFFFFFFE0];
	v4 =	vshrl.u32 v22, $0xE  }
0x1ec: {  	v2 =	vshrl.u32 v5, $0xE;
	v29 =	vld [tilespmem:s23+$0xFFFFFFD0]  }
0x1ed: {  	[tilespmem:v24+s18+$0x0] =	vst.idx.add.f32.msk $0xffff, v10;
	v10 =	vshrl.u32 v11, $0xE  }
0x1ee: {  	v32 =	vld.idx.msk [tilespmem:v8+s13+$0x0], $0xffff;
	v8 =	vshrl.u32 v12, $0xE  }
0x1ef: {  	v34 =	vand.u32 $0x3FFF, v9;
	v23 =	vshrl.u32 v28, $0xE;
	v33 =	vld.idx.msk [tilespmem:v25+s2+$0x0], $0xffff  }
0x1f0: {  	v16 =	vshrl.u32 v31, $0xE;
	[tilespmem:v27+s18+$0x0] =	vst.idx.add.f32.msk $0xffff, v19  }
0x1f1: {  	v9 =	vand.u32 $0x3FFF, v17;
	v19 =	vshrl.u32 v29, $0xE;
	v35 =	vld.idx.msk [tilespmem:v13+s13+$0x0], $0xffff  }
0x1f2: {  	v20 =	vshrl.u32 v14, $0xE;
	v17 =	vand.u32 $0x3FFF, v18;
	v7 =	vand.u32 $0x3FFF, v22;
	v36 =	vld.idx.msk [tilespmem:v3+s2+$0x0], $0xffff  }
0x1f3: {  	v13 =	vshrl.u32 v1, $0xE;
	[tilespmem:v30+s18+$0x0] =	vst.idx.add.f32.msk $0xffff, v26  }
0x1f4: {  	v5 =	vand.u32 $0x3FFF, v5;
	v18 =	vshrl.u32 v15, $0xE;
	v37 =	vld.idx.msk [tilespmem:v21+s13+$0x0], $0xffff  }
0x1f5: {  	v11 =	vand.u32 $0x3FFF, v11;
	[tilespmem:v24+s19+$0x0] =	vst.idx.add.f32.msk $0xffff, v32  }
0x1f6: {  	v24 =	vld.idx.msk [tilespmem:v6+s2+$0x0], $0xffff  }
0x1f7: {  	v32 =	vld.idx.msk [tilespmem:v2+s2+$0x0], $0xffff  }
0x1f8: {  	v14 =	vand.u32 $0x3FFF, v14;
	[tilespmem:v27+s19+$0x0] =	vst.idx.add.f32.msk $0xffff, v35  }
0x1f9: {  	v22 =	vand.u32 $0x3FFF, v12;
	[tilespmem:v34+s18+$0x0] =	vst.idx.add.f32.msk $0xffff, v33  }
0x1fa: {  	v12 =	vand.u32 $0x3FFF, v15;
	v33 =	vld.idx.msk [tilespmem:v25+s13+$0x0], $0xffff  }
0x1fb: {  	v25 =	vld.idx.msk [tilespmem:v10+s2+$0x0], $0xffff  }
0x1fc: {  	v15 =	vand.u32 $0x3FFF, v28;
	v35 =	vld.idx.msk [tilespmem:v4+s2+$0x0], $0xffff  }
0x1fd: {  	v27 =	vld.idx.msk [tilespmem:v8+s2+$0x0], $0xffff  }
0x1fe: {  	[tilespmem:v9+s18+$0x0] =	vst.idx.add.f32.msk $0xffff, v36  }
0x1ff: {  	v21 =	vand.u32 $0x3FFF, v29;
	v29 =	vld.idx.msk [tilespmem:v23+s2+$0x0], $0xffff  }
0x200: {  	v28 =	vld.idx.msk [tilespmem:v16+s2+$0x0], $0xffff  }
0x201: {  	[tilespmem:v17+s18+$0x0] =	vst.idx.add.f32.msk $0xffff, v24;
	v24 =	vand.u32 $0x3FFF, v31  }
.Ltmp3:
0x202: {  	v26 =	vld.idx.msk [tilespmem:v19+s2+$0x0], $0xffff;
	(pc) =	sbr.rel @p0 .LBB2_8-.Ltmp3, $4  }
0x203: {  	[tilespmem:v7+s18+$0x0] =	vst.idx.add.f32.msk $0xffff, v35  }
0x204: {  	[tilespmem:v5+s18+$0x0] =	vst.idx.add.f32.msk $0xffff, v32  }
0x205: {  	[tilespmem:v34+s19+$0x0] =	vst.idx.add.f32.msk $0xffff, v33  }
0x206: {  	[tilespmem:v30+s19+$0x0] =	vst.idx.add.f32.msk $0xffff, v37  }
0x207: {  	_ =	sdelay $0x3  }
0x208: {  	v30 =	vld.idx.msk [tilespmem:v20+s2+$0x0], $0xffff  }
0x209: {  	[tilespmem:v11+s18+$0x0] =	vst.idx.add.f32.msk $0xffff, v25  }
0x20a: {  	[tilespmem:v22+s18+$0x0] =	vst.idx.add.f32.msk $0xffff, v27  }
0x20b: {  	[tilespmem:v15+s18+$0x0] =	vst.idx.add.f32.msk $0xffff, v29  }
0x20c: {  	v25 =	vld.idx.msk [tilespmem:v18+s2+$0x0], $0xffff  }
0x20d: {  	[tilespmem:v24+s18+$0x0] =	vst.idx.add.f32.msk $0xffff, v28  }
0x20e: {  	v27 =	vld.idx.msk [tilespmem:v13+s2+$0x0], $0xffff  }
0x20f: {  	v6 =	vld.idx.msk [tilespmem:v6+s13+$0x0], $0xffff  }
0x210: {  	[tilespmem:v21+s18+$0x0] =	vst.idx.add.f32.msk $0xffff, v26  }
0x211: {  	v3 =	vld.idx.msk [tilespmem:v3+s13+$0x0], $0xffff  }
0x212: {  	v2 =	vld.idx.msk [tilespmem:v2+s13+$0x0], $0xffff  }
0x213: {  	v23 =	vld.idx.msk [tilespmem:v23+s13+$0x0], $0xffff  }
0x214: {  	v10 =	vld.idx.msk [tilespmem:v10+s13+$0x0], $0xffff  }
0x215: {  	v1 =	vand.u32 $0x3FFF, v1;
	v16 =	vld.idx.msk [tilespmem:v16+s13+$0x0], $0xffff  }
0x216: {  	v19 =	vld.idx.msk [tilespmem:v19+s13+$0x0], $0xffff  }
0x217: {  	[tilespmem:v14+s18+$0x0] =	vst.idx.add.f32.msk $0xffff, v30  }
0x218: {  	[tilespmem:v17+s19+$0x0] =	vst.idx.add.f32.msk $0xffff, v6  }
0x219: {  	v6 =	vld.idx.msk [tilespmem:v8+s13+$0x0], $0xffff  }
0x21a: {  	[tilespmem:v1+s18+$0x0] =	vst.idx.add.f32.msk $0xffff, v27  }
0x21b: {  	[tilespmem:v9+s19+$0x0] =	vst.idx.add.f32.msk $0xffff, v3  }
0x21c: {  	v3 =	vld.idx.msk [tilespmem:v4+s13+$0x0], $0xffff  }
0x21d: {  	[tilespmem:v12+s18+$0x0] =	vst.idx.add.f32.msk $0xffff, v25  }
0x21e: {  	[tilespmem:v5+s19+$0x0] =	vst.idx.add.f32.msk $0xffff, v2  }
0x21f: {  	v8 =	vld.idx.msk [tilespmem:v20+s13+$0x0], $0xffff  }
0x220: {  	v4 =	vld.idx.msk [tilespmem:v18+s13+$0x0], $0xffff  }
0x221: {  	v9 =	vld.idx.msk [tilespmem:v13+s13+$0x0], $0xffff  }
0x222: {  	[tilespmem:v24+s19+$0x0] =	vst.idx.add.f32.msk $0xffff, v16  }
0x223: {  	[tilespmem:v11+s19+$0x0] =	vst.idx.add.f32.msk $0xffff, v10  }
0x224: {  	[tilespmem:v21+s19+$0x0] =	vst.idx.add.f32.msk $0xffff, v19  }
0x225: {  	[tilespmem:v15+s19+$0x0] =	vst.idx.add.f32.msk $0xffff, v23  }
0x226: {  	[tilespmem:v22+s19+$0x0] =	vst.idx.add.f32.msk $0xffff, v6  }
0x227: {  	[tilespmem:v7+s19+$0x0] =	vst.idx.add.f32.msk $0xffff, v3  }
0x228: {  	[tilespmem:v14+s19+$0x0] =	vst.idx.add.f32.msk $0xffff, v8  }
0x229: {  	[tilespmem:v1+s19+$0x0] =	vst.idx.add.f32.msk $0xffff, v9  }
0x22a: {  	[tilespmem:v12+s19+$0x0] =	vst.idx.add.f32.msk $0xffff, v4  }
0x22b: {  	[tilespmem:s14], [sflag:$0x1] =	stream.linear.gather [hbm4b:s9+s2], $0x7D00, $0x38;
	[tilespmem:$0x19800] =	vst v63  }
0x22c: {  	_ =	swait.ge [sflag:s20], $0x7D00  }
0x22d: {  	[sflag:s20] =	ssyncset.done $0x0  }
0x22e: {  	s23 =	simm.s32 $0x11B80;
	[sflag:s20] =	ssyncadd.s32 $0xFFFF8300  }
0x22f: {  	v12 =	vld [tilespmem:s23+$0x0]  }
0x230: {  	v11 =	vld [tilespmem:s23+$0x10]  }
0x231: {  	v5 =	vld [tilespmem:s23+$0x20]  }
0x232: {  	v2 =	vld [tilespmem:s23+$0xFFFFFF80]  }
0x233: {  	v3 =	vld [tilespmem:s23+$0x70]  }
0x234: {  	v4 =	vld [tilespmem:s23+$0x60]  }
0x235: {  	v15 =	vld [tilespmem:s23+$0xFFFFFFA0]  }
0x236: {  	v1 =	vld [tilespmem:s23+$0xFFFFFFB0]  }
0x237: {  	v14 =	vld [tilespmem:s23+$0xFFFFFFC0]  }
0x238: {  	v9 =	vld [tilespmem:s23+$0x40]  }
0x239: {  	v7 =	vld [tilespmem:s23+$0x50];
	v6 =	vshrl.u32 v2, $0xE  }
0x23a: {  	v13 =	vld [tilespmem:s23+$0xFFFFFF90]  }
0x23b: {  	v18 =	vld [tilespmem:s23+$0x30];
	v8 =	vshrl.u32 v3, $0xE  }
0x23c: {  	v21 =	vld [tilespmem:s23+$0xFFFFFFF0];
	v10 =	vshrl.u32 v4, $0xE  }
0x23d: {  	v24 =	vld [tilespmem:s23+$0xFFFFFFE0];
	v22 =	vand.u32 $0x3FFF, v3;
	v3 =	vshrl.u32 v9, $0xE  }
0x23e: {  	v17 =	vand.u32 $0x3FFF, v2;
	v16 =	vld.idx.msk [tilespmem:v6+s2+$0x0], $0xffff  }
0x23f: {  	v30 =	vld [tilespmem:s23+$0xFFFFFFD0];
	v20 =	vshrl.u32 v7, $0xE  }
0x240: {  	v2 =	vld.idx.msk [tilespmem:v8+s2+$0x0], $0xffff  }
0x241: {  	v31 =	vand.u32 $0x3FFF, v4;
	v19 =	vld.idx.msk [tilespmem:v10+s2+$0x0], $0xffff  }
0x242: {  	v9 =	vand.u32 $0x3FFF, v9;
	v26 =	vld.idx.msk [tilespmem:v3+s2+$0x0], $0xffff  }
0x243: {  	[tilespmem:v17+s18+$0x0] =	vst.idx.add.f32.msk $0xffff, v16  }
0x244: {  	v16 =	vld.idx.msk [tilespmem:v20+s2+$0x0], $0xffff  }
0x245: {  	[tilespmem:v22+s18+$0x0] =	vst.idx.add.f32.msk $0xffff, v2  }
0x246: {  	v2 =	vshrl.u32 v5, $0xE;
	[tilespmem:v31+s18+$0x0] =	vst.idx.add.f32.msk $0xffff, v19  }
0x247: {  	v32 =	vand.u32 $0x3FFF, v7;
	[tilespmem:v9+s18+$0x0] =	vst.idx.add.f32.msk $0xffff, v26  }
0x248: {  	v19 =	vshrl.u32 v30, $0xE;
	v4 =	vld.idx.msk [tilespmem:v6+s13+$0x0], $0xffff  }
0x249: {  	v23 =	vld.idx.msk [tilespmem:v8+s13+$0x0], $0xffff  }
0x24a: {  	v6 =	vshrl.u32 v13, $0xE;
	v33 =	vld.idx.msk [tilespmem:v10+s13+$0x0], $0xffff  }
0x24b: {  	v35 =	vld.idx.msk [tilespmem:v2+s2+$0x0], $0xffff  }
0x24c: {  	[tilespmem:v32+s18+$0x0] =	vst.idx.add.f32.msk $0xffff, v16  }
0x24d: {  	v10 =	vshrl.u32 v11, $0xE;
	v26 =	vld.idx.msk [tilespmem:v19+s2+$0x0], $0xffff  }
0x24e: {  	v8 =	vshrl.u32 v12, $0xE;
	[tilespmem:v17+s19+$0x0] =	vst.idx.add.f32.msk $0xffff, v4  }
0x24f: {  	v34 =	vld.idx.msk [tilespmem:v6+s2+$0x0], $0xffff  }
0x250: {  	v16 =	vshrl.u32 v24, $0xE;
	[tilespmem:v22+s19+$0x0] =	vst.idx.add.f32.msk $0xffff, v23  }
0x251: {  	v4 =	vshrl.u32 v18, $0xE;
	v36 =	vld.idx.msk [tilespmem:v20+s13+$0x0], $0xffff  }
0x252: {  	v5 =	vand.u32 $0x3FFF, v5;
	v25 =	vld.idx.msk [tilespmem:v10+s2+$0x0], $0xffff  }
0x253: {  	v23 =	vshrl.u32 v21, $0xE;
	v27 =	vld.idx.msk [tilespmem:v8+s2+$0x0], $0xffff  }
0x254: {  	v17 =	vand.u32 $0x3FFF, v13;
	[tilespmem:v31+s19+$0x0] =	vst.idx.add.f32.msk $0xffff, v33  }
0x255: {  	v28 =	vld.idx.msk [tilespmem:v16+s2+$0x0], $0xffff  }
0x256: {  	v7 =	vand.u32 $0x3FFF, v18;
	v13 =	vld.idx.msk [tilespmem:v4+s2+$0x0], $0xffff  }
0x257: {  	v20 =	vshrl.u32 v14, $0xE;
	[tilespmem:v5+s18+$0x0] =	vst.idx.add.f32.msk $0xffff, v35  }
0x258: {  	v11 =	vand.u32 $0x3FFF, v11;
	v29 =	vld.idx.msk [tilespmem:v23+s2+$0x0], $0xffff  }
0x259: {  	v24 =	vand.u32 $0x3FFF, v24;
	v22 =	vand.u32 $0x3FFF, v12;
	[tilespmem:v17+s18+$0x0] =	vst.idx.add.f32.msk $0xffff, v34  }
0x25a: {  	v18 =	vshrl.u32 v15, $0xE;
	v12 =	vand.u32 $0x3FFF, v15;
	v15 =	vand.u32 $0x3FFF, v21;
	[tilespmem:v32+s19+$0x0] =	vst.idx.add.f32.msk $0xffff, v36  }
0x25b: {  	s24 =	simm.s32 $0x0;
	v14 =	vand.u32 $0x3FFF, v14;
	v21 =	vand.u32 $0x3FFF, v30;
	[tilespmem:v7+s18+$0x0] =	vst.idx.add.f32.msk $0xffff, v13;
	v13 =	vshrl.u32 v1, $0xE  }
.LBB2_10:
0x25c: {  	s24 =	sadd.s32 $0x100, s24;
	v30 =	vld.idx.msk [tilespmem:v20+s2+$0x0], $0xffff;
	s23 =	sadd.s32 $0x100, s23  }
0x25d: {  	p0 =	slt.u32 s24, $0x7C00;
	[tilespmem:v11+s18+$0x0] =	vst.idx.add.f32.msk $0xffff, v25  }
0x25e: {  	v1 =	vand.u32 $0x3FFF, v1;
	[tilespmem:v22+s18+$0x0] =	vst.idx.add.f32.msk $0xffff, v27  }
0x25f: {  	[tilespmem:v15+s18+$0x0] =	vst.idx.add.f32.msk $0xffff, v29  }
0x260: {  	v23 =	vld.idx.msk [tilespmem:v23+s13+$0x0], $0xffff  }
0x261: {  	v25 =	vld.idx.msk [tilespmem:v18+s2+$0x0], $0xffff  }
0x262: {  	[tilespmem:v24+s18+$0x0] =	vst.idx.add.f32.msk $0xffff, v28  }
0x263: {  	v27 =	vld.idx.msk [tilespmem:v13+s2+$0x0], $0xffff  }
0x264: {  	[tilespmem:v14+s18+$0x0] =	vst.idx.add.f32.msk $0xffff, v30  }
0x265: {  	v6 =	vld.idx.msk [tilespmem:v6+s13+$0x0], $0xffff  }
0x266: {  	[tilespmem:v21+s18+$0x0] =	vst.idx.add.f32.msk $0xffff, v26  }
0x267: {  	v10 =	vld.idx.msk [tilespmem:v10+s13+$0x0], $0xffff  }
0x268: {  	v16 =	vld.idx.msk [tilespmem:v16+s13+$0x0], $0xffff  }
0x269: {  	v3 =	vld.idx.msk [tilespmem:v3+s13+$0x0], $0xffff  }
0x26a: {  	v19 =	vld.idx.msk [tilespmem:v19+s13+$0x0], $0xffff  }
0x26b: {  	[tilespmem:v17+s19+$0x0] =	vst.idx.add.f32.msk $0xffff, v6  }
0x26c: {  	v6 =	vld.idx.msk [tilespmem:v8+s13+$0x0], $0xffff  }
0x26d: {  	[tilespmem:v1+s18+$0x0] =	vst.idx.add.f32.msk $0xffff, v27  }
0x26e: {  	v8 =	vld.idx.msk [tilespmem:v20+s13+$0x0], $0xffff  }
0x26f: {  	[tilespmem:v9+s19+$0x0] =	vst.idx.add.f32.msk $0xffff, v3  }
0x270: {  	v3 =	vld.idx.msk [tilespmem:v4+s13+$0x0], $0xffff  }
0x271: {  	[tilespmem:v12+s18+$0x0] =	vst.idx.add.f32.msk $0xffff, v25  }
0x272: {  	v4 =	vld.idx.msk [tilespmem:v18+s13+$0x0], $0xffff  }
0x273: {  	v9 =	vld.idx.msk [tilespmem:v13+s13+$0x0], $0xffff  }
0x274: {  	v2 =	vld.idx.msk [tilespmem:v2+s13+$0x0], $0xffff  }
0x275: {  	[tilespmem:v22+s19+$0x0] =	vst.idx.add.f32.msk $0xffff, v6  }
0x276: {  	[tilespmem:v7+s19+$0x0] =	vst.idx.add.f32.msk $0xffff, v3  }
0x277: {  	[tilespmem:v24+s19+$0x0] =	vst.idx.add.f32.msk $0xffff, v16  }
0x278: {  	[tilespmem:v11+s19+$0x0] =	vst.idx.add.f32.msk $0xffff, v10  }
0x279: {  	[tilespmem:v14+s19+$0x0] =	vst.idx.add.f32.msk $0xffff, v8  }
0x27a: {  	[tilespmem:v1+s19+$0x0] =	vst.idx.add.f32.msk $0xffff, v9  }
0x27b: {  	[tilespmem:v5+s19+$0x0] =	vst.idx.add.f32.msk $0xffff, v2  }
0x27c: {  	[tilespmem:v12+s19+$0x0] =	vst.idx.add.f32.msk $0xffff, v4  }
0x27d: {  	[tilespmem:v21+s19+$0x0] =	vst.idx.add.f32.msk $0xffff, v19  }
0x27e: {  	[tilespmem:v15+s19+$0x0] =	vst.idx.add.f32.msk $0xffff, v23  }
0x27f: {  	v12 =	vld [tilespmem:s23+$0x0]  }
0x280: {  	v11 =	vld [tilespmem:s23+$0x10]  }
0x281: {  	v5 =	vld [tilespmem:s23+$0x20]  }
0x282: {  	v2 =	vld [tilespmem:s23+$0xFFFFFF80]  }
0x283: {  	v4 =	vld [tilespmem:s23+$0x70]  }
0x284: {  	v7 =	vld [tilespmem:s23+$0x60]  }
0x285: {  	v15 =	vld [tilespmem:s23+$0xFFFFFFA0]  }
0x286: {  	v1 =	vld [tilespmem:s23+$0xFFFFFFB0]  }
0x287: {  	v8 =	vshrl.u32 v2, $0xE;
	v14 =	vld [tilespmem:s23+$0xFFFFFFC0]  }
0x288: {  	v9 =	vld [tilespmem:s23+$0x50];
	v13 =	vshrl.u32 v4, $0xE  }
0x289: {  	v17 =	vld [tilespmem:s23+$0x40];
	v21 =	vshrl.u32 v7, $0xE  }
0x28a: {  	v18 =	vld [tilespmem:s23+$0xFFFFFF90]  }
0x28b: {  	v22 =	vld [tilespmem:s23+$0x30]  }
0x28c: {  	v10 =	vld.idx.msk [tilespmem:v8+s2+$0x0], $0xffff  }
0x28d: {  	v24 =	vand.u32 $0x3FFF, v2;
	v25 =	vshrl.u32 v9, $0xE;
	v19 =	vld.idx.msk [tilespmem:v13+s2+$0x0], $0xffff  }
0x28e: {  	v27 =	vand.u32 $0x3FFF, v4;
	v3 =	vshrl.u32 v17, $0xE;
	v26 =	vld.idx.msk [tilespmem:v21+s2+$0x0], $0xffff  }
0x28f: {  	v30 =	vand.u32 $0x3FFF, v7;
	v6 =	vshrl.u32 v18, $0xE;
	v28 =	vld [tilespmem:s23+$0xFFFFFFF0]  }
0x290: {  	v31 =	vld [tilespmem:s23+$0xFFFFFFE0];
	v4 =	vshrl.u32 v22, $0xE  }
0x291: {  	v2 =	vshrl.u32 v5, $0xE;
	v29 =	vld [tilespmem:s23+$0xFFFFFFD0]  }
0x292: {  	[tilespmem:v24+s18+$0x0] =	vst.idx.add.f32.msk $0xffff, v10;
	v10 =	vshrl.u32 v11, $0xE  }
0x293: {  	v32 =	vld.idx.msk [tilespmem:v8+s13+$0x0], $0xffff;
	v8 =	vshrl.u32 v12, $0xE  }
0x294: {  	v34 =	vand.u32 $0x3FFF, v9;
	v23 =	vshrl.u32 v28, $0xE;
	v33 =	vld.idx.msk [tilespmem:v25+s2+$0x0], $0xffff  }
0x295: {  	v16 =	vshrl.u32 v31, $0xE;
	[tilespmem:v27+s18+$0x0] =	vst.idx.add.f32.msk $0xffff, v19  }
0x296: {  	v9 =	vand.u32 $0x3FFF, v17;
	v19 =	vshrl.u32 v29, $0xE;
	v35 =	vld.idx.msk [tilespmem:v13+s13+$0x0], $0xffff  }
0x297: {  	v20 =	vshrl.u32 v14, $0xE;
	v17 =	vand.u32 $0x3FFF, v18;
	v7 =	vand.u32 $0x3FFF, v22;
	v36 =	vld.idx.msk [tilespmem:v3+s2+$0x0], $0xffff  }
0x298: {  	v13 =	vshrl.u32 v1, $0xE;
	[tilespmem:v30+s18+$0x0] =	vst.idx.add.f32.msk $0xffff, v26  }
0x299: {  	v5 =	vand.u32 $0x3FFF, v5;
	v18 =	vshrl.u32 v15, $0xE;
	v37 =	vld.idx.msk [tilespmem:v21+s13+$0x0], $0xffff  }
0x29a: {  	v11 =	vand.u32 $0x3FFF, v11;
	[tilespmem:v24+s19+$0x0] =	vst.idx.add.f32.msk $0xffff, v32  }
0x29b: {  	v24 =	vld.idx.msk [tilespmem:v6+s2+$0x0], $0xffff  }
0x29c: {  	v32 =	vld.idx.msk [tilespmem:v2+s2+$0x0], $0xffff  }
0x29d: {  	v14 =	vand.u32 $0x3FFF, v14;
	[tilespmem:v27+s19+$0x0] =	vst.idx.add.f32.msk $0xffff, v35  }
0x29e: {  	v22 =	vand.u32 $0x3FFF, v12;
	[tilespmem:v34+s18+$0x0] =	vst.idx.add.f32.msk $0xffff, v33  }
0x29f: {  	v12 =	vand.u32 $0x3FFF, v15;
	v33 =	vld.idx.msk [tilespmem:v25+s13+$0x0], $0xffff  }
0x2a0: {  	v25 =	vld.idx.msk [tilespmem:v10+s2+$0x0], $0xffff  }
0x2a1: {  	v15 =	vand.u32 $0x3FFF, v28;
	v35 =	vld.idx.msk [tilespmem:v4+s2+$0x0], $0xffff  }
0x2a2: {  	v27 =	vld.idx.msk [tilespmem:v8+s2+$0x0], $0xffff  }
0x2a3: {  	[tilespmem:v9+s18+$0x0] =	vst.idx.add.f32.msk $0xffff, v36  }
0x2a4: {  	v21 =	vand.u32 $0x3FFF, v29;
	v29 =	vld.idx.msk [tilespmem:v23+s2+$0x0], $0xffff  }
0x2a5: {  	v28 =	vld.idx.msk [tilespmem:v16+s2+$0x0], $0xffff  }
0x2a6: {  	[tilespmem:v17+s18+$0x0] =	vst.idx.add.f32.msk $0xffff, v24;
	v24 =	vand.u32 $0x3FFF, v31  }
.Ltmp4:
0x2a7: {  	v26 =	vld.idx.msk [tilespmem:v19+s2+$0x0], $0xffff;
	(pc) =	sbr.rel @p0 .LBB2_10-.Ltmp4, $4  }
0x2a8: {  	[tilespmem:v7+s18+$0x0] =	vst.idx.add.f32.msk $0xffff, v35  }
0x2a9: {  	[tilespmem:v5+s18+$0x0] =	vst.idx.add.f32.msk $0xffff, v32  }
0x2aa: {  	[tilespmem:v34+s19+$0x0] =	vst.idx.add.f32.msk $0xffff, v33  }
0x2ab: {  	[tilespmem:v30+s19+$0x0] =	vst.idx.add.f32.msk $0xffff, v37  }
0x2ac: {  	_ =	sdelay $0x3  }
0x2ad: {  	v30 =	vld.idx.msk [tilespmem:v20+s2+$0x0], $0xffff  }
0x2ae: {  	[tilespmem:v11+s18+$0x0] =	vst.idx.add.f32.msk $0xffff, v25  }
0x2af: {  	[tilespmem:v22+s18+$0x0] =	vst.idx.add.f32.msk $0xffff, v27  }
0x2b0: {  	[tilespmem:v15+s18+$0x0] =	vst.idx.add.f32.msk $0xffff, v29  }
0x2b1: {  	v25 =	vld.idx.msk [tilespmem:v18+s2+$0x0], $0xffff  }
0x2b2: {  	[tilespmem:v24+s18+$0x0] =	vst.idx.add.f32.msk $0xffff, v28  }
0x2b3: {  	v27 =	vld.idx.msk [tilespmem:v13+s2+$0x0], $0xffff  }
0x2b4: {  	v6 =	vld.idx.msk [tilespmem:v6+s13+$0x0], $0xffff  }
0x2b5: {  	[tilespmem:v21+s18+$0x0] =	vst.idx.add.f32.msk $0xffff, v26  }
0x2b6: {  	v3 =	vld.idx.msk [tilespmem:v3+s13+$0x0], $0xffff  }
0x2b7: {  	v2 =	vld.idx.msk [tilespmem:v2+s13+$0x0], $0xffff  }
0x2b8: {  	v23 =	vld.idx.msk [tilespmem:v23+s13+$0x0], $0xffff  }
0x2b9: {  	v10 =	vld.idx.msk [tilespmem:v10+s13+$0x0], $0xffff  }
0x2ba: {  	v1 =	vand.u32 $0x3FFF, v1;
	v16 =	vld.idx.msk [tilespmem:v16+s13+$0x0], $0xffff  }
0x2bb: {  	v19 =	vld.idx.msk [tilespmem:v19+s13+$0x0], $0xffff  }
0x2bc: {  	[tilespmem:v14+s18+$0x0] =	vst.idx.add.f32.msk $0xffff, v30  }
0x2bd: {  	[tilespmem:v17+s19+$0x0] =	vst.idx.add.f32.msk $0xffff, v6  }
0x2be: {  	v6 =	vld.idx.msk [tilespmem:v8+s13+$0x0], $0xffff  }
0x2bf: {  	[tilespmem:v1+s18+$0x0] =	vst.idx.add.f32.msk $0xffff, v27  }
0x2c0: {  	[tilespmem:v9+s19+$0x0] =	vst.idx.add.f32.msk $0xffff, v3  }
0x2c1: {  	v3 =	vld.idx.msk [tilespmem:v4+s13+$0x0], $0xffff  }
0x2c2: {  	[tilespmem:v12+s18+$0x0] =	vst.idx.add.f32.msk $0xffff, v25  }
0x2c3: {  	[tilespmem:v5+s19+$0x0] =	vst.idx.add.f32.msk $0xffff, v2  }
0x2c4: {  	v8 =	vld.idx.msk [tilespmem:v20+s13+$0x0], $0xffff  }
0x2c5: {  	v4 =	vld.idx.msk [tilespmem:v18+s13+$0x0], $0xffff  }
0x2c6: {  	v9 =	vld.idx.msk [tilespmem:v13+s13+$0x0], $0xffff  }
0x2c7: {  	[tilespmem:v24+s19+$0x0] =	vst.idx.add.f32.msk $0xffff, v16  }
0x2c8: {  	[tilespmem:v11+s19+$0x0] =	vst.idx.add.f32.msk $0xffff, v10  }
0x2c9: {  	[tilespmem:v21+s19+$0x0] =	vst.idx.add.f32.msk $0xffff, v19  }
0x2ca: {  	[tilespmem:v15+s19+$0x0] =	vst.idx.add.f32.msk $0xffff, v23  }
0x2cb: {  	[tilespmem:v22+s19+$0x0] =	vst.idx.add.f32.msk $0xffff, v6  }
0x2cc: {  	[tilespmem:v7+s19+$0x0] =	vst.idx.add.f32.msk $0xffff, v3  }
0x2cd: {  	[tilespmem:v14+s19+$0x0] =	vst.idx.add.f32.msk $0xffff, v8  }
0x2ce: {  	[tilespmem:v1+s19+$0x0] =	vst.idx.add.f32.msk $0xffff, v9  }
0x2cf: {  	[tilespmem:v12+s19+$0x0] =	vst.idx.add.f32.msk $0xffff, v4  }
0x2d0: {  	_ =	swait.ge [sflag:s17], $0x7D00  }
0x2d1: {  	[sflag:s17] =	ssyncset.done $0x0  }
0x2d2: {  	s23 =	simm.s32 $0x9E80;
	[sflag:s17] =	ssyncadd.s32 $0xFFFF8300  }
0x2d3: {  	v12 =	vld [tilespmem:s23+$0x0]  }
0x2d4: {  	v11 =	vld [tilespmem:s23+$0x10]  }
0x2d5: {  	v5 =	vld [tilespmem:s23+$0x20]  }
0x2d6: {  	v2 =	vld [tilespmem:s23+$0xFFFFFF80]  }
0x2d7: {  	v3 =	vld [tilespmem:s23+$0x70]  }
0x2d8: {  	v4 =	vld [tilespmem:s23+$0x60]  }
0x2d9: {  	v15 =	vld [tilespmem:s23+$0xFFFFFFA0]  }
0x2da: {  	v1 =	vld [tilespmem:s23+$0xFFFFFFB0]  }
0x2db: {  	v14 =	vld [tilespmem:s23+$0xFFFFFFC0]  }
0x2dc: {  	v9 =	vld [tilespmem:s23+$0x40]  }
0x2dd: {  	v7 =	vld [tilespmem:s23+$0x50];
	v6 =	vshrl.u32 v2, $0xE  }
0x2de: {  	v13 =	vld [tilespmem:s23+$0xFFFFFF90]  }
0x2df: {  	v18 =	vld [tilespmem:s23+$0x30];
	v8 =	vshrl.u32 v3, $0xE  }
0x2e0: {  	v21 =	vld [tilespmem:s23+$0xFFFFFFF0];
	v10 =	vshrl.u32 v4, $0xE  }
0x2e1: {  	v24 =	vld [tilespmem:s23+$0xFFFFFFE0];
	v22 =	vand.u32 $0x3FFF, v3;
	v3 =	vshrl.u32 v9, $0xE  }
0x2e2: {  	v17 =	vand.u32 $0x3FFF, v2;
	v16 =	vld.idx.msk [tilespmem:v6+s2+$0x0], $0xffff  }
0x2e3: {  	v30 =	vld [tilespmem:s23+$0xFFFFFFD0];
	v20 =	vshrl.u32 v7, $0xE  }
0x2e4: {  	v2 =	vld.idx.msk [tilespmem:v8+s2+$0x0], $0xffff  }
0x2e5: {  	v31 =	vand.u32 $0x3FFF, v4;
	v19 =	vld.idx.msk [tilespmem:v10+s2+$0x0], $0xffff  }
0x2e6: {  	v9 =	vand.u32 $0x3FFF, v9;
	v26 =	vld.idx.msk [tilespmem:v3+s2+$0x0], $0xffff  }
0x2e7: {  	[tilespmem:v17+s18+$0x0] =	vst.idx.add.f32.msk $0xffff, v16  }
0x2e8: {  	v16 =	vld.idx.msk [tilespmem:v20+s2+$0x0], $0xffff  }
0x2e9: {  	[tilespmem:v22+s18+$0x0] =	vst.idx.add.f32.msk $0xffff, v2  }
0x2ea: {  	v2 =	vshrl.u32 v5, $0xE;
	[tilespmem:v31+s18+$0x0] =	vst.idx.add.f32.msk $0xffff, v19  }
0x2eb: {  	v32 =	vand.u32 $0x3FFF, v7;
	[tilespmem:v9+s18+$0x0] =	vst.idx.add.f32.msk $0xffff, v26  }
0x2ec: {  	v19 =	vshrl.u32 v30, $0xE;
	v4 =	vld.idx.msk [tilespmem:v6+s13+$0x0], $0xffff  }
0x2ed: {  	v23 =	vld.idx.msk [tilespmem:v8+s13+$0x0], $0xffff  }
0x2ee: {  	v6 =	vshrl.u32 v13, $0xE;
	v33 =	vld.idx.msk [tilespmem:v10+s13+$0x0], $0xffff  }
0x2ef: {  	v35 =	vld.idx.msk [tilespmem:v2+s2+$0x0], $0xffff  }
0x2f0: {  	[tilespmem:v32+s18+$0x0] =	vst.idx.add.f32.msk $0xffff, v16  }
0x2f1: {  	v10 =	vshrl.u32 v11, $0xE;
	v26 =	vld.idx.msk [tilespmem:v19+s2+$0x0], $0xffff  }
0x2f2: {  	v8 =	vshrl.u32 v12, $0xE;
	[tilespmem:v17+s19+$0x0] =	vst.idx.add.f32.msk $0xffff, v4  }
0x2f3: {  	v34 =	vld.idx.msk [tilespmem:v6+s2+$0x0], $0xffff  }
0x2f4: {  	v16 =	vshrl.u32 v24, $0xE;
	[tilespmem:v22+s19+$0x0] =	vst.idx.add.f32.msk $0xffff, v23  }
0x2f5: {  	v4 =	vshrl.u32 v18, $0xE;
	v36 =	vld.idx.msk [tilespmem:v20+s13+$0x0], $0xffff  }
0x2f6: {  	v5 =	vand.u32 $0x3FFF, v5;
	v25 =	vld.idx.msk [tilespmem:v10+s2+$0x0], $0xffff  }
0x2f7: {  	v23 =	vshrl.u32 v21, $0xE;
	v27 =	vld.idx.msk [tilespmem:v8+s2+$0x0], $0xffff  }
0x2f8: {  	v17 =	vand.u32 $0x3FFF, v13;
	[tilespmem:v31+s19+$0x0] =	vst.idx.add.f32.msk $0xffff, v33  }
0x2f9: {  	v28 =	vld.idx.msk [tilespmem:v16+s2+$0x0], $0xffff  }
0x2fa: {  	v7 =	vand.u32 $0x3FFF, v18;
	v13 =	vld.idx.msk [tilespmem:v4+s2+$0x0], $0xffff  }
0x2fb: {  	v20 =	vshrl.u32 v14, $0xE;
	[tilespmem:v5+s18+$0x0] =	vst.idx.add.f32.msk $0xffff, v35  }
0x2fc: {  	v11 =	vand.u32 $0x3FFF, v11;
	v29 =	vld.idx.msk [tilespmem:v23+s2+$0x0], $0xffff  }
0x2fd: {  	v24 =	vand.u32 $0x3FFF, v24;
	v22 =	vand.u32 $0x3FFF, v12;
	[tilespmem:v17+s18+$0x0] =	vst.idx.add.f32.msk $0xffff, v34  }
0x2fe: {  	v18 =	vshrl.u32 v15, $0xE;
	v12 =	vand.u32 $0x3FFF, v15;
	v15 =	vand.u32 $0x3FFF, v21;
	[tilespmem:v32+s19+$0x0] =	vst.idx.add.f32.msk $0xffff, v36  }
0x2ff: {  	s24 =	simm.s32 $0x0;
	v14 =	vand.u32 $0x3FFF, v14;
	v21 =	vand.u32 $0x3FFF, v30;
	[tilespmem:v7+s18+$0x0] =	vst.idx.add.f32.msk $0xffff, v13;
	v13 =	vshrl.u32 v1, $0xE  }
.LBB2_12:
0x300: {  	s24 =	sadd.s32 $0x100, s24;
	v30 =	vld.idx.msk [tilespmem:v20+s2+$0x0], $0xffff;
	s23 =	sadd.s32 $0x100, s23  }
0x301: {  	p0 =	slt.u32 s24, $0x7C00;
	[tilespmem:v11+s18+$0x0] =	vst.idx.add.f32.msk $0xffff, v25  }
0x302: {  	v1 =	vand.u32 $0x3FFF, v1;
	[tilespmem:v22+s18+$0x0] =	vst.idx.add.f32.msk $0xffff, v27  }
0x303: {  	[tilespmem:v15+s18+$0x0] =	vst.idx.add.f32.msk $0xffff, v29  }
0x304: {  	v23 =	vld.idx.msk [tilespmem:v23+s13+$0x0], $0xffff  }
0x305: {  	v25 =	vld.idx.msk [tilespmem:v18+s2+$0x0], $0xffff  }
0x306: {  	[tilespmem:v24+s18+$0x0] =	vst.idx.add.f32.msk $0xffff, v28  }
0x307: {  	v27 =	vld.idx.msk [tilespmem:v13+s2+$0x0], $0xffff  }
0x308: {  	[tilespmem:v14+s18+$0x0] =	vst.idx.add.f32.msk $0xffff, v30  }
0x309: {  	v6 =	vld.idx.msk [tilespmem:v6+s13+$0x0], $0xffff  }
0x30a: {  	[tilespmem:v21+s18+$0x0] =	vst.idx.add.f32.msk $0xffff, v26  }
0x30b: {  	v10 =	vld.idx.msk [tilespmem:v10+s13+$0x0], $0xffff  }
0x30c: {  	v16 =	vld.idx.msk [tilespmem:v16+s13+$0x0], $0xffff  }
0x30d: {  	v3 =	vld.idx.msk [tilespmem:v3+s13+$0x0], $0xffff  }
0x30e: {  	v19 =	vld.idx.msk [tilespmem:v19+s13+$0x0], $0xffff  }
0x30f: {  	[tilespmem:v17+s19+$0x0] =	vst.idx.add.f32.msk $0xffff, v6  }
0x310: {  	v6 =	vld.idx.msk [tilespmem:v8+s13+$0x0], $0xffff  }
0x311: {  	[tilespmem:v1+s18+$0x0] =	vst.idx.add.f32.msk $0xffff, v27  }
0x312: {  	v8 =	vld.idx.msk [tilespmem:v20+s13+$0x0], $0xffff  }
0x313: {  	[tilespmem:v9+s19+$0x0] =	vst.idx.add.f32.msk $0xffff, v3  }
0x314: {  	v3 =	vld.idx.msk [tilespmem:v4+s13+$0x0], $0xffff  }
0x315: {  	[tilespmem:v12+s18+$0x0] =	vst.idx.add.f32.msk $0xffff, v25  }
0x316: {  	v4 =	vld.idx.msk [tilespmem:v18+s13+$0x0], $0xffff  }
0x317: {  	v9 =	vld.idx.msk [tilespmem:v13+s13+$0x0], $0xffff  }
0x318: {  	v2 =	vld.idx.msk [tilespmem:v2+s13+$0x0], $0xffff  }
0x319: {  	[tilespmem:v22+s19+$0x0] =	vst.idx.add.f32.msk $0xffff, v6  }
0x31a: {  	[tilespmem:v7+s19+$0x0] =	vst.idx.add.f32.msk $0xffff, v3  }
0x31b: {  	[tilespmem:v24+s19+$0x0] =	vst.idx.add.f32.msk $0xffff, v16  }
0x31c: {  	[tilespmem:v11+s19+$0x0] =	vst.idx.add.f32.msk $0xffff, v10  }
0x31d: {  	[tilespmem:v14+s19+$0x0] =	vst.idx.add.f32.msk $0xffff, v8  }
0x31e: {  	[tilespmem:v1+s19+$0x0] =	vst.idx.add.f32.msk $0xffff, v9  }
0x31f: {  	[tilespmem:v5+s19+$0x0] =	vst.idx.add.f32.msk $0xffff, v2  }
0x320: {  	[tilespmem:v12+s19+$0x0] =	vst.idx.add.f32.msk $0xffff, v4  }
0x321: {  	[tilespmem:v21+s19+$0x0] =	vst.idx.add.f32.msk $0xffff, v19  }
0x322: {  	[tilespmem:v15+s19+$0x0] =	vst.idx.add.f32.msk $0xffff, v23  }
0x323: {  	v12 =	vld [tilespmem:s23+$0x0]  }
0x324: {  	v11 =	vld [tilespmem:s23+$0x10]  }
0x325: {  	v5 =	vld [tilespmem:s23+$0x20]  }
0x326: {  	v2 =	vld [tilespmem:s23+$0xFFFFFF80]  }
0x327: {  	v4 =	vld [tilespmem:s23+$0x70]  }
0x328: {  	v7 =	vld [tilespmem:s23+$0x60]  }
0x329: {  	v15 =	vld [tilespmem:s23+$0xFFFFFFA0]  }
0x32a: {  	v1 =	vld [tilespmem:s23+$0xFFFFFFB0]  }
0x32b: {  	v8 =	vshrl.u32 v2, $0xE;
	v14 =	vld [tilespmem:s23+$0xFFFFFFC0]  }
0x32c: {  	v9 =	vld [tilespmem:s23+$0x50];
	v13 =	vshrl.u32 v4, $0xE  }
0x32d: {  	v17 =	vld [tilespmem:s23+$0x40];
	v21 =	vshrl.u32 v7, $0xE  }
0x32e: {  	v18 =	vld [tilespmem:s23+$0xFFFFFF90]  }
0x32f: {  	v22 =	vld [tilespmem:s23+$0x30]  }
0x330: {  	v10 =	vld.idx.msk [tilespmem:v8+s2+$0x0], $0xffff  }
0x331: {  	v24 =	vand.u32 $0x3FFF, v2;
	v25 =	vshrl.u32 v9, $0xE;
	v19 =	vld.idx.msk [tilespmem:v13+s2+$0x0], $0xffff  }
0x332: {  	v27 =	vand.u32 $0x3FFF, v4;
	v3 =	vshrl.u32 v17, $0xE;
	v26 =	vld.idx.msk [tilespmem:v21+s2+$0x0], $0xffff  }
0x333: {  	v30 =	vand.u32 $0x3FFF, v7;
	v6 =	vshrl.u32 v18, $0xE;
	v28 =	vld [tilespmem:s23+$0xFFFFFFF0]  }
0x334: {  	v31 =	vld [tilespmem:s23+$0xFFFFFFE0];
	v4 =	vshrl.u32 v22, $0xE  }
0x335: {  	v2 =	vshrl.u32 v5, $0xE;
	v29 =	vld [tilespmem:s23+$0xFFFFFFD0]  }
0x336: {  	[tilespmem:v24+s18+$0x0] =	vst.idx.add.f32.msk $0xffff, v10;
	v10 =	vshrl.u32 v11, $0xE  }
0x337: {  	v32 =	vld.idx.msk [tilespmem:v8+s13+$0x0], $0xffff;
	v8 =	vshrl.u32 v12, $0xE  }
0x338: {  	v34 =	vand.u32 $0x3FFF, v9;
	v23 =	vshrl.u32 v28, $0xE;
	v33 =	vld.idx.msk [tilespmem:v25+s2+$0x0], $0xffff  }
0x339: {  	v16 =	vshrl.u32 v31, $0xE;
	[tilespmem:v27+s18+$0x0] =	vst.idx.add.f32.msk $0xffff, v19  }
0x33a: {  	v9 =	vand.u32 $0x3FFF, v17;
	v19 =	vshrl.u32 v29, $0xE;
	v35 =	vld.idx.msk [tilespmem:v13+s13+$0x0], $0xffff  }
0x33b: {  	v20 =	vshrl.u32 v14, $0xE;
	v17 =	vand.u32 $0x3FFF, v18;
	v7 =	vand.u32 $0x3FFF, v22;
	v36 =	vld.idx.msk [tilespmem:v3+s2+$0x0], $0xffff  }
0x33c: {  	v13 =	vshrl.u32 v1, $0xE;
	[tilespmem:v30+s18+$0x0] =	vst.idx.add.f32.msk $0xffff, v26  }
0x33d: {  	v5 =	vand.u32 $0x3FFF, v5;
	v18 =	vshrl.u32 v15, $0xE;
	v37 =	vld.idx.msk [tilespmem:v21+s13+$0x0], $0xffff  }
0x33e: {  	v11 =	vand.u32 $0x3FFF, v11;
	[tilespmem:v24+s19+$0x0] =	vst.idx.add.f32.msk $0xffff, v32  }
0x33f: {  	v24 =	vld.idx.msk [tilespmem:v6+s2+$0x0], $0xffff  }
0x340: {  	v32 =	vld.idx.msk [tilespmem:v2+s2+$0x0], $0xffff  }
0x341: {  	v14 =	vand.u32 $0x3FFF, v14;
	[tilespmem:v27+s19+$0x0] =	vst.idx.add.f32.msk $0xffff, v35  }
0x342: {  	v22 =	vand.u32 $0x3FFF, v12;
	[tilespmem:v34+s18+$0x0] =	vst.idx.add.f32.msk $0xffff, v33  }
0x343: {  	v12 =	vand.u32 $0x3FFF, v15;
	v33 =	vld.idx.msk [tilespmem:v25+s13+$0x0], $0xffff  }
0x344: {  	v25 =	vld.idx.msk [tilespmem:v10+s2+$0x0], $0xffff  }
0x345: {  	v15 =	vand.u32 $0x3FFF, v28;
	v35 =	vld.idx.msk [tilespmem:v4+s2+$0x0], $0xffff  }
0x346: {  	v27 =	vld.idx.msk [tilespmem:v8+s2+$0x0], $0xffff  }
0x347: {  	[tilespmem:v9+s18+$0x0] =	vst.idx.add.f32.msk $0xffff, v36  }
0x348: {  	v21 =	vand.u32 $0x3FFF, v29;
	v29 =	vld.idx.msk [tilespmem:v23+s2+$0x0], $0xffff  }
0x349: {  	v28 =	vld.idx.msk [tilespmem:v16+s2+$0x0], $0xffff  }
0x34a: {  	[tilespmem:v17+s18+$0x0] =	vst.idx.add.f32.msk $0xffff, v24;
	v24 =	vand.u32 $0x3FFF, v31  }
.Ltmp5:
0x34b: {  	v26 =	vld.idx.msk [tilespmem:v19+s2+$0x0], $0xffff;
	(pc) =	sbr.rel @p0 .LBB2_12-.Ltmp5, $4  }
0x34c: {  	[tilespmem:v7+s18+$0x0] =	vst.idx.add.f32.msk $0xffff, v35  }
0x34d: {  	[tilespmem:v5+s18+$0x0] =	vst.idx.add.f32.msk $0xffff, v32  }
0x34e: {  	[tilespmem:v34+s19+$0x0] =	vst.idx.add.f32.msk $0xffff, v33  }
0x34f: {  	[tilespmem:v30+s19+$0x0] =	vst.idx.add.f32.msk $0xffff, v37  }
0x350: {  	_ =	sdelay $0x3  }
0x351: {  	v30 =	vld.idx.msk [tilespmem:v20+s2+$0x0], $0xffff  }
0x352: {  	[tilespmem:v11+s18+$0x0] =	vst.idx.add.f32.msk $0xffff, v25  }
0x353: {  	[tilespmem:v22+s18+$0x0] =	vst.idx.add.f32.msk $0xffff, v27  }
0x354: {  	[tilespmem:v15+s18+$0x0] =	vst.idx.add.f32.msk $0xffff, v29  }
0x355: {  	v58 =	vld.idx.msk [tilespmem:v18+s2+$0x0], $0xffff  }
0x356: {  	[tilespmem:v24+s18+$0x0] =	vst.idx.add.f32.msk $0xffff, v28  }
0x357: {  	v59 =	vld.idx.msk [tilespmem:v13+s2+$0x0], $0xffff  }
0x358: {  	v6 =	vld.idx.msk [tilespmem:v6+s13+$0x0], $0xffff  }
0x359: {  	[tilespmem:v21+s18+$0x0] =	vst.idx.add.f32.msk $0xffff, v26  }
0x35a: {  	v3 =	vld.idx.msk [tilespmem:v3+s13+$0x0], $0xffff  }
0x35b: {  	v2 =	vld.idx.msk [tilespmem:v2+s13+$0x0], $0xffff  }
0x35c: {  	v23 =	vld.idx.msk [tilespmem:v23+s13+$0x0], $0xffff  }
0x35d: {  	v10 =	vld.idx.msk [tilespmem:v10+s13+$0x0], $0xffff  }
0x35e: {  	v1 =	vand.u32 $0x3FFF, v1;
	v16 =	vld.idx.msk [tilespmem:v16+s13+$0x0], $0xffff  }
0x35f: {  	v19 =	vld.idx.msk [tilespmem:v19+s13+$0x0], $0xffff  }
0x360: {  	v60 =	vld.idx.msk [tilespmem:v8+s13+$0x0], $0xffff  }
0x361: {  	[tilespmem:v14+s18+$0x0] =	vst.idx.add.f32.msk $0xffff, v30  }
0x362: {  	[tilespmem:v17+s19+$0x0] =	vst.idx.add.f32.msk $0xffff, v6  }
0x363: {  	[tilespmem:v1+s18+$0x0] =	vst.idx.add.f32.msk $0xffff, v59  }
0x364: {  	[tilespmem:v9+s19+$0x0] =	vst.idx.add.f32.msk $0xffff, v3  }
0x365: {  	v3 =	vld.idx.msk [tilespmem:v4+s13+$0x0], $0xffff  }
0x366: {  	[tilespmem:v12+s18+$0x0] =	vst.idx.add.f32.msk $0xffff, v58  }
0x367: {  	[tilespmem:v5+s19+$0x0] =	vst.idx.add.f32.msk $0xffff, v2  }
0x368: {  	v61 =	vld.idx.msk [tilespmem:v20+s13+$0x0], $0xffff  }
0x369: {  	v62 =	vld.idx.msk [tilespmem:v18+s13+$0x0], $0xffff  }
0x36a: {  	v63 =	vld.idx.msk [tilespmem:v13+s13+$0x0], $0xffff  }
0x36b: {  	[tilespmem:v22+s19+$0x0] =	vst.idx.add.f32.msk $0xffff, v60  }
0x36c: {  	[tilespmem:v24+s19+$0x0] =	vst.idx.add.f32.msk $0xffff, v16  }
0x36d: {  	[tilespmem:v11+s19+$0x0] =	vst.idx.add.f32.msk $0xffff, v10  }
0x36e: {  	[tilespmem:v21+s19+$0x0] =	vst.idx.add.f32.msk $0xffff, v19  }
0x36f: {  	[tilespmem:v15+s19+$0x0] =	vst.idx.add.f32.msk $0xffff, v23  }
0x370: {  	[tilespmem:v7+s19+$0x0] =	vst.idx.add.f32.msk $0xffff, v3  }
0x371: {  	[tilespmem:v14+s19+$0x0] =	vst.idx.add.f32.msk $0xffff, v61  }
0x372: {  	[tilespmem:v1+s19+$0x0] =	vst.idx.add.f32.msk $0xffff, v63  }
0x373: {  	[tilespmem:v12+s19+$0x0] =	vst.idx.add.f32.msk $0xffff, v62  }
0x374: {  	[hbm4b:s10+s2] =	stream.linear.scatter [tilespmem:s18], [sflag:$0x4], $0x2710, $0x38;
	[tilespmem:$0x19800] =	vst v63  }
0x375: {  	s22 =	sadd.s32 $0x1, s22;
	_ =	swait.ge [sflag:s21], $0x2710  }
0x376: {  	p0 =	sne.s32 s22, s12;
	[sflag:s21] =	ssyncset.done $0x0  }
.Ltmp6:
0x377: {  	[sflag:s21] =	ssyncadd.s32 $0xFFFFD8F0;
	(pc) =	sbr.rel @p0 .LBB2_1-.Ltmp6, $4  }
0x378: {  	[hbm4b:s11+s2] =	stream.linear.scatter [tilespmem:s19], [sflag:$0x4], $0x2710, $0x38;
	[tilespmem:$0x19800] =	vst v63  }
0x379: {  	_ =	swait.ge [sflag:s21], $0x2710  }
0x37a: {  	[sflag:s21] =	ssyncset.done $0x0  }
0x37b: {  	[sflag:s21] =	ssyncadd.s32 $0xFFFFD8F0  }
0x37c: {  	_ =	sfence.sel $0x180000  }
0x37d: {  	[bflag:$0x0] =	sbarrier.arrive $0xFFFF  }
0x37e: {  	p0 =	sne.s32 s0, $0x0;
	_ =	strace $0x9000004D  }
0x37f: {  	s0 =	sadd.s32 @!p0 $0x100000, s1;
	[bflag:$0x2] =	sbarrier.arrive $0xFFFF  }
0x380: {  	[sflag:s0] =	ssyncadd.tile.s32 @!p0 $0x1;
	_ =	shalt  }
.Lfunc_end2:
_tile_overlayer_lowered:
.L_overlay_start_2:
0x381: {  	(tag) =	ssettag $0x2  }
0x382: {  	s0 =	rddreg [dreg:$0x0];
	s2 =	stileid.u32  }
0x383: {  	s1 =	rddreg [dreg:$0x1];
	p0 =	sne.s32 s2, $0x0  }
0x384: {  	s3 =	rddreg [dreg:$0x2];
	[bflag:$0x3] =	sbarrier.arrive $0xFFFF;
	s2 =	simm.s32 @!p0 $0x1C04  }
0x385: {  	[timem:s3], [sflag:s2] =	dma.local @!p0 [hbm:s0], s1  }
0x386: {  	s0 =	simm.s32 @!p0 $0x4  }
0x387: {  	_ =	swait.ge @!p0 [sflag:s0], s1  }
0x388: {  	s1 =	ssub.s32 @!p0 $0x0, s1;
	[sflag:s0] =	ssyncset.done @!p0 $0x0  }
0x389: {  	[sflag:s0] =	ssyncadd.s32 @!p0 s1  }
0x38a: {  	[bflag:$0x3] =	sbarrier.arrive $0xFFFF  }
0x38b: {  	_ =	shalt  }

// kernel: kernel.19.cloned.1.call-start
scs
__scs_entry_jumppad:
0x0: {  	(pc) =	sbr.rel $0x88, $3  }
0x1: {  	(tag) =	ssettag $0x0;
	lr =	simm.s32 $0x1  }
0x2: {  	[smem:$0x3F91] =	sst lr;
	_ =	strace $0xD0000000  }
0x3: {  	_ = 	snop  }
0x4: {  	_ = 	snop  }
0x5: {  	_ = 	snop  }
0x6: {  	_ = 	snop  }
0x7: {  	_ = 	snop  }
__scs_overlays_trampoline_lowered:
0x8: {  	[smem:$0x3FA0] =	sst s0  }
0x9: {  	[smem:$0x3FA1] =	sst s1  }
0xa: {  	[smem:$0x3FA2] =	sst s2  }
0xb: {  	[smem:$0x3FA3] =	sst s3  }
0xc: {  	[smem:$0x3FA4] =	sst s4  }
0xd: {  	[smem:$0x3FA5] =	sst s5  }
0xe: {  	[smem:$0x3FA6] =	sst s6  }
0xf: {  	[smem:$0x3FA7] =	sst s7  }
0x10: {  	[smem:$0x3FA8] =	sst s8  }
0x11: {  	[smem:$0x3FA9] =	sst s9;
	s0 =	simm.s32 @!p0 $0x0  }
0x12: {  	s1 =	sld [smem:$0x3F8F];
	s0 =	simm.s32 @p0 $0x1  }
0x13: {  	[smem:$0x3FAA] =	sst s0;
	s0 =	simm.s32 @!p1 $0x0  }
0x14: {  	s2 =	sld [smem:$0x3F8E];
	s0 =	simm.s32 @p1 $0x1  }
0x15: {  	[smem:$0x3FAB] =	sst s0;
	s0 =	simm.s32 @!p2 $0x0  }
0x16: {  	s3 =	sld [smem:$0x3FDB];
	s0 =	simm.s32 @p2 $0x1  }
0x17: {  	s4 =	simm.s32 $0x1BF5;
	[smem:$0x3FAD] =	sst s0  }
0x18: {  	s0 =	sld [smem:$0x3F90];
	_ =	swait.ge [sflag:s4], $0x0  }
0x19: {  	s7 =	sld [smem:$0x3F91]  }
0x1a: {  	s8 =	sadd.s32 $0xFFFFE003, lr  }
0x1b: {  	s9 =	sadd.s32 $0xFFFFFEF7, lr;
	s5 =	simm.s32 $0xFFFFFFFF;
	p2 =	slt.u32 s8, $0xFFFFF086  }
0x1c: {  	p1 =	slt.u32 s9, $0xF7A;
	s5 =	simm.s32 @!p2 $0x0  }
0x1d: {  	s5 =	simm.s32 @p1 $0x1;
	p0 =	seq.s32 s7, s2  }
0x1e: {  	s7 =	smul.u32 @!p0 $0xF7A, s2;
	p2 =	seq.s32 @!p0 s5, $0x0  }
0x1f: {  	s9 =	smul.u32 $0xF7A, s1;
	s8 =	simm.s32 @!p0 $0x1BF5;
	p2 =	por !p2, p0  }
0x20: {  	[sflag:s8] =	ssyncset.s32 @!p0 $0xFFFFF086;
	s6 =	sadd.s32 @!p0 s3, s7;
	s7 =	simm.s32 @!p0 $0x108  }
0x21: {  	s3 =	sadd.s32 s3, s9;
	s6 =	sadd.s32 @!p0 $0x88, s6;
	s7 =	simm.s32 @p2 $0x1082  }
0x22: {  	[simem:s7], [sflag:s8] =	dma.local @!p0 [hbm:s6], $0xF7A  }
0x23: {  	s9 =	sor.u32 $0xD0000000, s2;
	s6 =	simm.s32 $0x108;
	_ =	swait.ge @!p0 [sflag:s8], $0x0  }
0x24: {  	s3 =	sadd.s32 $0x88, s3;
	s6 =	simm.s32 @!p1 $0x1082;
	[sflag:s4] =	ssyncset.s32 $0xFFFFF086  }
0x25: {  	[simem:s6], [sflag:s4] =	dma.local [hbm:s3], $0xF7A  }
0x26: {  	[smem:$0x3F91] =	sst s1;
	(tag) =	ssettag s2;
	_ =	strace s9  }
0x27: {  	s1 =	sld [smem:$0x3FA1]  }
0x28: {  	s2 =	sld [smem:$0x3FA2]  }
0x29: {  	s4 =	sld [smem:$0x3FA4]  }
0x2a: {  	p0 =	seq.s32 s5, $0x0;
	s5 =	sld [smem:$0x3FA5]  }
0x2b: {  	s6 =	sld [smem:$0x3FA6]  }
0x2c: {  	s7 =	sld [smem:$0x3FA7]  }
0x2d: {  	s3 =	simm.s32 $0x108;
	s8 =	sld [smem:$0x3FA8]  }
0x2e: {  	s3 =	simm.s32 @!p0 $0x1082;
	s9 =	sld [smem:$0x3FA9]  }
0x2f: {  	lr =	sadd.s32 s0, s3;
	s0 =	sld [smem:$0x3FA0]  }
0x30: {  	s3 =	sld [smem:$0x3FA3]  }
0x31: {  	[smem:$0x3FAC] =	sst s10  }
0x32: {  	s10 =	sld [smem:$0x3FAA];
	_ =	sdelay $0x3  }
0x33: {  	p0 =	seq.s32 s10, $0x1;
	s10 =	sld [smem:$0x3FAC];
	_ =	sdelay $0x3  }
0x34: {  	[smem:$0x3FAC] =	sst s10  }
0x35: {  	s10 =	sld [smem:$0x3FAB];
	_ =	sdelay $0x3  }
0x36: {  	p1 =	seq.s32 s10, $0x1;
	s10 =	sld [smem:$0x3FAC];
	_ =	sdelay $0x3  }
0x37: {  	[smem:$0x3FAC] =	sst s10  }
0x38: {  	s10 =	sld [smem:$0x3FAD]  }
0x39: {  	_ = 	snop;
	(pc) =	sbr.ind lr, $3  }
0x3a: {  	_ = 	snop  }
0x3b: {  	_ = 	snop  }
0x3c: {  	p2 =	seq.s32 s10, $0x1;
	s10 =	sld [smem:$0x3FAC]  }
0x3d: {  	_ =	shalt  }
0x3e: {  	_ =	shalt  }
0x3f: {  	_ =	shalt  }
0x40: {  	_ =	shalt  }
0x41: {  	_ =	shalt  }
0x42: {  	_ =	shalt  }
0x43: {  	_ =	shalt  }
0x44: {  	_ =	shalt  }
0x45: {  	_ =	shalt  }
0x46: {  	_ =	shalt  }
0x47: {  	_ =	shalt  }
0x48: {  	_ =	shalt  }
0x49: {  	_ =	shalt  }
0x4a: {  	_ =	shalt  }
0x4b: {  	_ =	shalt  }
0x4c: {  	_ =	shalt  }
0x4d: {  	_ =	shalt  }
0x4e: {  	_ =	shalt  }
0x4f: {  	_ =	shalt  }
0x50: {  	_ =	shalt  }
0x51: {  	_ =	shalt  }
0x52: {  	_ =	shalt  }
0x53: {  	_ =	shalt  }
0x54: {  	_ =	shalt  }
0x55: {  	_ =	shalt  }
0x56: {  	_ =	shalt  }
0x57: {  	_ =	shalt  }
0x58: {  	_ =	shalt  }
0x59: {  	_ =	shalt  }
0x5a: {  	_ =	shalt  }
0x5b: {  	_ =	shalt  }
0x5c: {  	_ =	shalt  }
0x5d: {  	_ =	shalt  }
0x5e: {  	_ =	shalt  }
0x5f: {  	_ =	shalt  }
0x60: {  	_ =	shalt  }
0x61: {  	_ =	shalt  }
0x62: {  	_ =	shalt  }
0x63: {  	_ =	shalt  }
0x64: {  	_ =	shalt  }
0x65: {  	_ =	shalt  }
0x66: {  	_ =	shalt  }
0x67: {  	_ =	shalt  }
0x68: {  	_ =	shalt  }
0x69: {  	_ =	shalt  }
0x6a: {  	_ =	shalt  }
0x6b: {  	_ =	shalt  }
0x6c: {  	_ =	shalt  }
0x6d: {  	_ =	shalt  }
0x6e: {  	_ =	shalt  }
0x6f: {  	_ =	shalt  }
0x70: {  	_ =	shalt  }
0x71: {  	_ =	shalt  }
0x72: {  	_ =	shalt  }
0x73: {  	_ =	shalt  }
0x74: {  	_ =	shalt  }
0x75: {  	_ =	shalt  }
0x76: {  	_ =	shalt  }
0x77: {  	_ =	shalt  }
0x78: {  	_ =	shalt  }
0x79: {  	_ =	shalt  }
0x7a: {  	_ =	shalt  }
0x7b: {  	_ =	shalt  }
0x7c: {  	_ =	shalt  }
0x7d: {  	_ =	shalt  }
0x7e: {  	_ =	shalt  }
0x7f: {  	_ =	shalt  }
0x80: {  	_ =	shalt  }
0x81: {  	_ =	shalt  }
0x82: {  	_ =	shalt  }
0x83: {  	_ =	shalt  }
0x84: {  	_ =	shalt  }
0x85: {  	_ =	shalt  }
0x86: {  	_ =	shalt  }
0x87: {  	_ =	shalt  }
.Lfunc_end0:
.L_simem_size_0:
called_computation.3_lowered:
.L_overlay_start_0:
0x88: {  	s2 =	sld [smem:$0x3FD9]  }
0x89: {  	s3 =	sld [smem:$0x3FFE];
	_ =	sdelay $0x1  }
0x8a: {  	s1 =	srdreg.scid  }
0x8b: {  	s0 =	sand.u32 $0x1, s1  }
0x8c: {  	s16 =	sshll.u32 s0, $0xA;
	s2 =	sadd.s32 s3, s2  }
0x8d: {  	s2 =	sadd.s32 s2, s16  }
0x8e: {  	[smem:$0x3FB8] =	sst s2  }
0x8f: {  	_ = 	snop  }
0x90: {  	(tm) =	ssettm $0x1  }
0x91: {  	s17 =	sld [smem:$0x3FFB];
	_ =	sdelay $0x3  }
0x92: {  	_ =	strace s17  }
0x93: {  	s2 =	sld [smem:$0x3FFC];
	_ =	sdelay $0x3  }
0x94: {  	_ =	strace s2  }
0x95: {  	s2 =	sld [smem:$0x3FFD];
	_ =	sdelay $0x3  }
0x96: {  	_ =	strace s2  }
0x97: {  	_ =	strace $0x8FFFFFFF  }
0x98: {  	s18 =	sld [smem:$0x3FDB];
	_ =	sdelay $0x1  }
0x99: {  	s19 =	simm.s32 $_scs_section_size  }
0x9a: {  	s4 =	simm.s32 $_size__tile_overlayer_lowered;
	s5 =	simm.s32 $_tile_overlayer_lowered  }
0x9b: {  	s22 =	simm.s32 $0x1BFF;
	s21 =	sshll.u32 s5, $0x1;
	s2 =	sadd.s32 s19, s18  }
0x9c: {  	s6 =	simm.s32 $0x0;
	s20 =	sshll.u32 s4, $0x1;
	s4 =	sadd.s32 s21, s2  }
0x9d: {  	[timem:s6], [sflag:s22] =	dma.local [hbm:s4], s20  }
0x9e: {  	_ =	swait.ge [sflag:s22], s20  }
0x9f: {  	s3 =	ssub.s32 $0x0, s20;
	[sflag:s22] =	ssyncset.done $0x0  }
0xa0: {  	[sflag:s22] =	ssyncadd.s32 s3;
	_ =	sdelay $0x1  }
0xa1: {  	s23 =	simm.s32 $0x1B8B  }
0xa2: {  	_ =	swait.ge [sflag:s23], $0x1  }
0xa3: {  	[sflag:s23] =	ssyncset.done $0x0  }
0xa4: {  	s25 =	simm.s32 $0x1B8E;
	s24 =	sld [smem:$0x3FFE];
	[sflag:s23] =	ssyncadd.s32 $0xFFFFFFFF  }
0xa5: {  	s26 =	simm.s32 $execute0_lowered;
	[smem:$0x3FD2] =	sst s25  }
0xa6: {  	s4 =	sshll.u32 s26, $0x1;
	_ =	strace $0x8000004F;
	[dreg:$0x1] =	wrdreg $0xFFFFFFFF  }
0xa7: {  	s28 =	simm.s32 $_size_execute0_lowered;
	s2 =	sadd.s32 s2, s4;
	[dreg:$0x0] =	wrdreg $0x0  }
0xa8: {  	s4 =	sshll.u32 s28, $0x1;
	[dreg:$0x2] =	wrdreg s2  }
0xa9: {  	[dreg:$0x3] =	wrdreg s4  }
0xaa: {  	[dreg:$0x4] =	wrdreg $0xC0  }
0xab: {  	_ =	task [dreg:s6], $0x5FFFF  }
0xac: {  	[dreg:$0x1] =	wrdreg $0xFFFFFFFF  }
0xad: {  	[dreg:$0x0] =	wrdreg $0x60  }
0xae: {  	[dreg:$0x2] =	wrdreg s24  }
0xaf: {  	[dreg:$0x3] =	wrdreg $0x9  }
0xb0: {  	_ =	task.clear_ibuf [dreg:s6], $0x4FFFF;
	_ =	strace $0x9000004F  }
0xb1: {  	s29 =	simm.s32 $0x9;
	_ =	strace $0x80000051  }
0xb2: {  	_ =	swait.ge [sflag:s29], $0x1  }
0xb3: {  	[sflag:s29] =	ssyncadd.s32 $0xFFFFFFFF  }
0xb4: {  	_ =	strace $0x90000051  }
0xb5: {  	_ =	sfence  }
0xb6: {  	s30 =	sld [smem:$0x0];
	_ =	sdelay $0x2  }
0xb7: {  	s31 =	sshll.u32 s1, $0xD;
	s1 =	sshrl.u32 s1, $0x2  }
0xb8: {  	s3 =	sand.u32 $0x4000, s31;
	s1 =	sadd.s32 s1, s30  }
0xb9: {  	s0 =	sor.u32 s3, s0;
	s1 =	sshll.u32 s1, $0x11  }
0xba: {  	s0 =	sor.u32 s1, s0  }
0xbb: {  	s0 =	sadd.s32 $0x8F2B, s0  }
0xbc: {  	[sflag:s0] =	ssyncadd.remote.s32 $0x1  }
0xbd: {  	_ =	sfence.sel $0xFFFF  }
0xbe: {  	[dreg:$0x0] =	wrdreg $0xFFFFFFFF;
	(pc) =	sbr.abs _section_cstart, $3  }
0xbf: {  	[dreg:$0x1] =	wrdreg $0xFFFFFFFF  }
0xc0: {  	_ =	task.clear_ibuf [dreg:s6], $0x2FFFF;
	_ =	strace $0x9FFFFFFF  }
0xc1: {  	(tm) =	ssettm $0x7FFFFFFF  }
tec
execute0_lowered:
.L_overlay_start_1:
0x0: {  	(tag) =	ssettag $0x1  }
0x1: {  	s0 =	stileid.u32;
	s1 =	srdreg.scid  }
0x2: {  	s3 =	rddreg [dreg:$0x0];
	s2 =	simm.s32 $0x0;
	s13 =	simm.s32 $0x2780  }
0x3: {  	s14 =	simm.s32 $0x9E00;
	s15 =	simm.s32 $0x3;
	s16 =	simm.s32 $0x11B00  }
0x4: {  	s17 =	simm.s32 $0x1;
	s18 =	simm.s32 $0x4F00;
	s19 =	simm.s32 $0x7680  }
0x5: {  	s20 =	simm.s32 $0x2;
	s4 =	smul.u32 $0x4E20, s0;
	s5 =	sand.u32 $0x1, s1  }
0x6: {  	s21 =	simm.s32 $0x4;
	s1 =	rddreg [dreg:$0x1];
	s6 =	smul.u32 $0x4E200, s5  }
0x7: {  	s22 =	simm.s32 $0x0;
	[smem:$0x7FF] =	sst s2;
	s8 =	smul.u32 $0x27100, s5  }
0x8: {  	_ =	strace $0x80000050;
	s5 =	ssub.s32 $0x2, s5;
	s7 =	sshrl.u32 s4, $0x3  }
0x9: {  	s31 =	sshrl.u32 s5, $0x1;
	s7 =	sadd.s32 s7, s3;
	s4 =	sadd.s32 s4, s6  }
0xa: {  	s30 =	sshrl.u32 s8, $0x3;
	s12 =	ssub.s32 s5, s31;
	s4 =	sshrl.u32 s4, $0x3  }
0xb: {  	s9 =	sadd.s32 s30, s3;
	s12 =	smax.u32 s12, $0x1;
	s11 =	sadd.s32 s4, s3  }
0xc: {  	s3 =	sadd.s32 $0x3A00, s7;
	s4 =	sadd.s32 $0x3EE2, s7;
	s5 =	sadd.s32 $0x21200, s9  }
0xd: {  	s6 =	sadd.s32 $0x221A0, s9;
	s7 =	sadd.s32 $0x23140, s9;
	s8 =	sadd.s32 $0x240E0, s9  }
0xe: {  	v0 =	vimm.f32 $0.0e+00;
	s9 =	sadd.s32 $0x25080, s9;
	s10 =	sadd.s32 $0xD800, s11;
	s11 =	sadd.s32 $0xDCE2, s11  }
.LBB2_1:
0xf: {  	[tilespmem:s2], [sflag:$0x3] =	stream.linear.gather [hbm4b:s3+s2], $0x2710, $0x38;
	[tilespmem:$0x19800] =	vst v63  }
0x10: {  	_ = 	snop  }
0x11: {  	[tilespmem:s13], [sflag:$0x3] =	stream.linear.gather [hbm4b:s4+s2], $0x2710, $0x38;
	[tilespmem:$0x19800] =	vst v63  }
0x12: {  	s24 =	simm.s32 $0x4F40  }
0x13: {  	[tilespmem:s14], [sflag:$0x1] =	stream.linear.gather [hbm4b:s5+s2], $0x7D00, $0x38;
	[tilespmem:$0x19800] =	vst v63  }
0x14: {  	s23 =	simm.s32 $0x76C0;
	[tilespmem:s24+$0xFFFFFFC0] =	vst v0  }
0x15: {  	[tilespmem:s23+$0xFFFFFFC0] =	vst v0  }
0x16: {  	[tilespmem:s24+$0xFFFFFFD0] =	vst v0  }
0x17: {  	[tilespmem:s23+$0xFFFFFFD0] =	vst v0  }
0x18: {  	[tilespmem:s24+$0xFFFFFFE0] =	vst v0  }
0x19: {  	[tilespmem:s23+$0xFFFFFFE0] =	vst v0  }
0x1a: {  	[tilespmem:s24+$0xFFFFFFF0] =	vst v0  }
0x1b: {  	[tilespmem:s23+$0xFFFFFFF0] =	vst v0  }
0x1c: {  	[tilespmem:s24+$0x0] =	vst v0  }
0x1d: {  	[tilespmem:s23+$0x0] =	vst v0  }
0x1e: {  	[tilespmem:s24+$0x10] =	vst v0  }
0x1f: {  	[tilespmem:s23+$0x10] =	vst v0  }
0x20: {  	[tilespmem:s24+$0x20] =	vst v0  }
0x21: {  	[tilespmem:s23+$0x20] =	vst v0  }
0x22: {  	[tilespmem:s24+$0x30] =	vst v0  }
0x23: {  	s25 =	simm.s32 $0x4FC0;
	s24 =	simm.s32 $0x0;
	[tilespmem:s23+$0x30] =	vst v0  }
.LBB2_2:
0x24: {  	[tilespmem:s25+$0xFFFFFFC0] =	vst v0;
	s23 =	sadd.s32 $0x80, s23  }
0x25: {  	[tilespmem:s23+$0xFFFFFFC0] =	vst v0  }
0x26: {  	[tilespmem:s25+$0xFFFFFFD0] =	vst v0  }
0x27: {  	[tilespmem:s23+$0xFFFFFFD0] =	vst v0  }
0x28: {  	[tilespmem:s25+$0xFFFFFFE0] =	vst v0  }
0x29: {  	[tilespmem:s23+$0xFFFFFFE0] =	vst v0  }
0x2a: {  	[tilespmem:s25+$0xFFFFFFF0] =	vst v0  }
0x2b: {  	[tilespmem:s23+$0xFFFFFFF0] =	vst v0  }
0x2c: {  	[tilespmem:s25+$0x0] =	vst v0  }
0x2d: {  	s24 =	sadd.s32 $0x8, s24;
	[tilespmem:s23+$0x0] =	vst v0  }
0x2e: {  	p0 =	slt.u32 s24, $0x268;
	[tilespmem:s25+$0x10] =	vst v0  }
.Ltmp0:
0x2f: {  	[tilespmem:s23+$0x10] =	vst v0;
	(pc) =	sbr.rel @p0 .LBB2_2-.Ltmp0, $4  }
0x30: {  	[tilespmem:s25+$0x20] =	vst v0  }
0x31: {  	[tilespmem:s23+$0x20] =	vst v0  }
0x32: {  	[tilespmem:s25+$0x30] =	vst v0  }
0x33: {  	s25 =	sadd.s32 $0x80, s25;
	[tilespmem:s23+$0x30] =	vst v0  }
0x34: {  	[tilespmem:$0x7600] =	vst v0  }
0x35: {  	[tilespmem:$0x9D80] =	vst v0  }
0x36: {  	_ =	swait.ge [sflag:s15], $0x2710  }
0x37: {  	[sflag:s15] =	ssyncset.done $0x0  }
0x38: {  	[sflag:s15] =	ssyncadd.s32 $0xFFFFD8F0  }
0x39: {  	_ =	swait.ge [sflag:s15], $0x2710  }
0x3a: {  	[sflag:s15] =	ssyncset.done $0x0  }
0x3b: {  	[sflag:s15] =	ssyncadd.s32 $0xFFFFD8F0  }
0x3c: {  	[tilespmem:s16], [sflag:$0x2] =	stream.linear.gather [hbm4b:s6+s2], $0x7D00, $0x38;
	[tilespmem:$0x19800] =	vst v63  }
0x3d: {  	_ =	swait.ge [sflag:s17], $0x7D00  }
0x3e: {  	[sflag:s17] =	ssyncset.done $0x0  }
0x3f: {  	s23 =	simm.s32 $0x9E80;
	[sflag:s17] =	ssyncadd.s32 $0xFFFF8300  }
0x40: {  	v12 =	vld [tilespmem:s23+$0x0]  }
0x41: {  	v11 =	vld [tilespmem:s23+$0x10]  }
0x42: {  	v5 =	vld [tilespmem:s23+$0x20]  }
0x43: {  	v2 =	vld [tilespmem:s23+$0xFFFFFF80]  }
0x44: {  	v3 =	vld [tilespmem:s23+$0x70]  }
0x45: {  	v4 =	vld [tilespmem:s23+$0x60]  }
0x46: {  	v15 =	vld [tilespmem:s23+$0xFFFFFFA0]  }
0x47: {  	v1 =	vld [tilespmem:s23+$0xFFFFFFB0]  }
0x48: {  	v14 =	vld [tilespmem:s23+$0xFFFFFFC0]  }
0x49: {  	v9 =	vld [tilespmem:s23+$0x40]  }
0x4a: {  	v7 =	vld [tilespmem:s23+$0x50];
	v6 =	vshrl.u32 v2, $0xE  }
0x4b: {  	v13 =	vld [tilespmem:s23+$0xFFFFFF90]  }
0x4c: {  	v18 =	vld [tilespmem:s23+$0x30];
	v8 =	vshrl.u32 v3, $0xE  }
0x4d: {  	v21 =	vld [tilespmem:s23+$0xFFFFFFF0];
	v10 =	vshrl.u32 v4, $0xE  }
0x4e: {  	v24 =	vld [tilespmem:s23+$0xFFFFFFE0];
	v22 =	vand.u32 $0x3FFF, v3;
	v3 =	vshrl.u32 v9, $0xE  }
0x4f: {  	v17 =	vand.u32 $0x3FFF, v2;
	v16 =	vld.idx.msk [tilespmem:v6+s2+$0x0], $0xffff  }
0x50: {  	v30 =	vld [tilespmem:s23+$0xFFFFFFD0];
	v20 =	vshrl.u32 v7, $0xE  }
0x51: {  	v2 =	vld.idx.msk [tilespmem:v8+s2+$0x0], $0xffff  }
0x52: {  	v31 =	vand.u32 $0x3FFF, v4;
	v19 =	vld.idx.msk [tilespmem:v10+s2+$0x0], $0xffff  }
0x53: {  	v9 =	vand.u32 $0x3FFF, v9;
	v26 =	vld.idx.msk [tilespmem:v3+s2+$0x0], $0xffff  }
0x54: {  	[tilespmem:v17+s18+$0x0] =	vst.idx.add.f32.msk $0xffff, v16  }
0x55: {  	v16 =	vld.idx.msk [tilespmem:v20+s2+$0x0], $0xffff  }
0x56: {  	[tilespmem:v22+s18+$0x0] =	vst.idx.add.f32.msk $0xffff, v2  }
0x57: {  	v2 =	vshrl.u32 v5, $0xE;
	[tilespmem:v31+s18+$0x0] =	vst.idx.add.f32.msk $0xffff, v19  }
0x58: {  	v32 =	vand.u32 $0x3FFF, v7;
	[tilespmem:v9+s18+$0x0] =	vst.idx.add.f32.msk $0xffff, v26  }
0x59: {  	v19 =	vshrl.u32 v30, $0xE;
	v4 =	vld.idx.msk [tilespmem:v6+s13+$0x0], $0xffff  }
0x5a: {  	v23 =	vld.idx.msk [tilespmem:v8+s13+$0x0], $0xffff  }
0x5b: {  	v6 =	vshrl.u32 v13, $0xE;
	v33 =	vld.idx.msk [tilespmem:v10+s13+$0x0], $0xffff  }
0x5c: {  	v35 =	vld.idx.msk [tilespmem:v2+s2+$0x0], $0xffff  }
0x5d: {  	[tilespmem:v32+s18+$0x0] =	vst.idx.add.f32.msk $0xffff, v16  }
0x5e: {  	v10 =	vshrl.u32 v11, $0xE;
	v26 =	vld.idx.msk [tilespmem:v19+s2+$0x0], $0xffff  }
0x5f: {  	v8 =	vshrl.u32 v12, $0xE;
	[tilespmem:v17+s19+$0x0] =	vst.idx.add.f32.msk $0xffff, v4  }
0x60: {  	v34 =	vld.idx.msk [tilespmem:v6+s2+$0x0], $0xffff  }
0x61: {  	v16 =	vshrl.u32 v24, $0xE;
	[tilespmem:v22+s19+$0x0] =	vst.idx.add.f32.msk $0xffff, v23  }
0x62: {  	v4 =	vshrl.u32 v18, $0xE;
	v36 =	vld.idx.msk [tilespmem:v20+s13+$0x0], $0xffff  }
0x63: {  	v5 =	vand.u32 $0x3FFF, v5;
	v25 =	vld.idx.msk [tilespmem:v10+s2+$0x0], $0xffff  }
0x64: {  	v23 =	vshrl.u32 v21, $0xE;
	v27 =	vld.idx.msk [tilespmem:v8+s2+$0x0], $0xffff  }
0x65: {  	v17 =	vand.u32 $0x3FFF, v13;
	[tilespmem:v31+s19+$0x0] =	vst.idx.add.f32.msk $0xffff, v33  }
0x66: {  	v28 =	vld.idx.msk [tilespmem:v16+s2+$0x0], $0xffff  }
0x67: {  	v7 =	vand.u32 $0x3FFF, v18;
	v13 =	vld.idx.msk [tilespmem:v4+s2+$0x0], $0xffff  }
0x68: {  	v20 =	vshrl.u32 v14, $0xE;
	[tilespmem:v5+s18+$0x0] =	vst.idx.add.f32.msk $0xffff, v35  }
0x69: {  	v11 =	vand.u32 $0x3FFF, v11;
	v29 =	vld.idx.msk [tilespmem:v23+s2+$0x0], $0xffff  }
0x6a: {  	v24 =	vand.u32 $0x3FFF, v24;
	v22 =	vand.u32 $0x3FFF, v12;
	[tilespmem:v17+s18+$0x0] =	vst.idx.add.f32.msk $0xffff, v34  }
0x6b: {  	v18 =	vshrl.u32 v15, $0xE;
	v12 =	vand.u32 $0x3FFF, v15;
	v15 =	vand.u32 $0x3FFF, v21;
	[tilespmem:v32+s19+$0x0] =	vst.idx.add.f32.msk $0xffff, v36  }
0x6c: {  	s24 =	simm.s32 $0x0;
	v14 =	vand.u32 $0x3FFF, v14;
	v21 =	vand.u32 $0x3FFF, v30;
	[tilespmem:v7+s18+$0x0] =	vst.idx.add.f32.msk $0xffff, v13;
	v13 =	vshrl.u32 v1, $0xE  }
.LBB2_4:
0x6d: {  	s24 =	sadd.s32 $0x100, s24;
	v30 =	vld.idx.msk [tilespmem:v20+s2+$0x0], $0xffff;
	s23 =	sadd.s32 $0x100, s23  }
0x6e: {  	p0 =	slt.u32 s24, $0x7C00;
	[tilespmem:v11+s18+$0x0] =	vst.idx.add.f32.msk $0xffff, v25  }
0x6f: {  	v1 =	vand.u32 $0x3FFF, v1;
	[tilespmem:v22+s18+$0x0] =	vst.idx.add.f32.msk $0xffff, v27  }
0x70: {  	[tilespmem:v15+s18+$0x0] =	vst.idx.add.f32.msk $0xffff, v29  }
0x71: {  	v23 =	vld.idx.msk [tilespmem:v23+s13+$0x0], $0xffff  }
0x72: {  	v25 =	vld.idx.msk [tilespmem:v18+s2+$0x0], $0xffff  }
0x73: {  	[tilespmem:v24+s18+$0x0] =	vst.idx.add.f32.msk $0xffff, v28  }
0x74: {  	v27 =	vld.idx.msk [tilespmem:v13+s2+$0x0], $0xffff  }
0x75: {  	[tilespmem:v14+s18+$0x0] =	vst.idx.add.f32.msk $0xffff, v30  }
0x76: {  	v6 =	vld.idx.msk [tilespmem:v6+s13+$0x0], $0xffff  }
0x77: {  	[tilespmem:v21+s18+$0x0] =	vst.idx.add.f32.msk $0xffff, v26  }
0x78: {  	v10 =	vld.idx.msk [tilespmem:v10+s13+$0x0], $0xffff  }
0x79: {  	v16 =	vld.idx.msk [tilespmem:v16+s13+$0x0], $0xffff  }
0x7a: {  	v3 =	vld.idx.msk [tilespmem:v3+s13+$0x0], $0xffff  }
0x7b: {  	v19 =	vld.idx.msk [tilespmem:v19+s13+$0x0], $0xffff  }
0x7c: {  	[tilespmem:v17+s19+$0x0] =	vst.idx.add.f32.msk $0xffff, v6  }
0x7d: {  	v6 =	vld.idx.msk [tilespmem:v8+s13+$0x0], $0xffff  }
0x7e: {  	[tilespmem:v1+s18+$0x0] =	vst.idx.add.f32.msk $0xffff, v27  }
0x7f: {  	v8 =	vld.idx.msk [tilespmem:v20+s13+$0x0], $0xffff  }
0x80: {  	[tilespmem:v9+s19+$0x0] =	vst.idx.add.f32.msk $0xffff, v3  }
0x81: {  	v3 =	vld.idx.msk [tilespmem:v4+s13+$0x0], $0xffff  }
0x82: {  	[tilespmem:v12+s18+$0x0] =	vst.idx.add.f32.msk $0xffff, v25  }
0x83: {  	v4 =	vld.idx.msk [tilespmem:v18+s13+$0x0], $0xffff  }
0x84: {  	v9 =	vld.idx.msk [tilespmem:v13+s13+$0x0], $0xffff  }
0x85: {  	v2 =	vld.idx.msk [tilespmem:v2+s13+$0x0], $0xffff  }
0x86: {  	[tilespmem:v22+s19+$0x0] =	vst.idx.add.f32.msk $0xffff, v6  }
0x87: {  	[tilespmem:v7+s19+$0x0] =	vst.idx.add.f32.msk $0xffff, v3  }
0x88: {  	[tilespmem:v24+s19+$0x0] =	vst.idx.add.f32.msk $0xffff, v16  }
0x89: {  	[tilespmem:v11+s19+$0x0] =	vst.idx.add.f32.msk $0xffff, v10  }
0x8a: {  	[tilespmem:v14+s19+$0x0] =	vst.idx.add.f32.msk $0xffff, v8  }
0x8b: {  	[tilespmem:v1+s19+$0x0] =	vst.idx.add.f32.msk $0xffff, v9  }
0x8c: {  	[tilespmem:v5+s19+$0x0] =	vst.idx.add.f32.msk $0xffff, v2  }
0x8d: {  	[tilespmem:v12+s19+$0x0] =	vst.idx.add.f32.msk $0xffff, v4  }
0x8e: {  	[tilespmem:v21+s19+$0x0] =	vst.idx.add.f32.msk $0xffff, v19  }
0x8f: {  	[tilespmem:v15+s19+$0x0] =	vst.idx.add.f32.msk $0xffff, v23  }
0x90: {  	v12 =	vld [tilespmem:s23+$0x0]  }
0x91: {  	v11 =	vld [tilespmem:s23+$0x10]  }
0x92: {  	v5 =	vld [tilespmem:s23+$0x20]  }
0x93: {  	v2 =	vld [tilespmem:s23+$0xFFFFFF80]  }
0x94: {  	v4 =	vld [tilespmem:s23+$0x70]  }
0x95: {  	v7 =	vld [tilespmem:s23+$0x60]  }
0x96: {  	v15 =	vld [tilespmem:s23+$0xFFFFFFA0]  }
0x97: {  	v1 =	vld [tilespmem:s23+$0xFFFFFFB0]  }
0x98: {  	v8 =	vshrl.u32 v2, $0xE;
	v14 =	vld [tilespmem:s23+$0xFFFFFFC0]  }
0x99: {  	v9 =	vld [tilespmem:s23+$0x50];
	v13 =	vshrl.u32 v4, $0xE  }
0x9a: {  	v17 =	vld [tilespmem:s23+$0x40];
	v21 =	vshrl.u32 v7, $0xE  }
0x9b: {  	v18 =	vld [tilespmem:s23+$0xFFFFFF90]  }
0x9c: {  	v22 =	vld [tilespmem:s23+$0x30]  }
0x9d: {  	v10 =	vld.idx.msk [tilespmem:v8+s2+$0x0], $0xffff  }
0x9e: {  	v24 =	vand.u32 $0x3FFF, v2;
	v25 =	vshrl.u32 v9, $0xE;
	v19 =	vld.idx.msk [tilespmem:v13+s2+$0x0], $0xffff  }
0x9f: {  	v27 =	vand.u32 $0x3FFF, v4;
	v3 =	vshrl.u32 v17, $0xE;
	v26 =	vld.idx.msk [tilespmem:v21+s2+$0x0], $0xffff  }
0xa0: {  	v30 =	vand.u32 $0x3FFF, v7;
	v6 =	vshrl.u32 v18, $0xE;
	v28 =	vld [tilespmem:s23+$0xFFFFFFF0]  }
0xa1: {  	v31 =	vld [tilespmem:s23+$0xFFFFFFE0];
	v4 =	vshrl.u32 v22, $0xE  }
0xa2: {  	v2 =	vshrl.u32 v5, $0xE;
	v29 =	vld [tilespmem:s23+$0xFFFFFFD0]  }
0xa3: {  	[tilespmem:v24+s18+$0x0] =	vst.idx.add.f32.msk $0xffff, v10;
	v10 =	vshrl.u32 v11, $0xE  }
0xa4: {  	v32 =	vld.idx.msk [tilespmem:v8+s13+$0x0], $0xffff;
	v8 =	vshrl.u32 v12, $0xE  }
0xa5: {  	v34 =	vand.u32 $0x3FFF, v9;
	v23 =	vshrl.u32 v28, $0xE;
	v33 =	vld.idx.msk [tilespmem:v25+s2+$0x0], $0xffff  }
0xa6: {  	v16 =	vshrl.u32 v31, $0xE;
	[tilespmem:v27+s18+$0x0] =	vst.idx.add.f32.msk $0xffff, v19  }
0xa7: {  	v9 =	vand.u32 $0x3FFF, v17;
	v19 =	vshrl.u32 v29, $0xE;
	v35 =	vld.idx.msk [tilespmem:v13+s13+$0x0], $0xffff  }
0xa8: {  	v20 =	vshrl.u32 v14, $0xE;
	v17 =	vand.u32 $0x3FFF, v18;
	v7 =	vand.u32 $0x3FFF, v22;
	v36 =	vld.idx.msk [tilespmem:v3+s2+$0x0], $0xffff  }
0xa9: {  	v13 =	vshrl.u32 v1, $0xE;
	[tilespmem:v30+s18+$0x0] =	vst.idx.add.f32.msk $0xffff, v26  }
0xaa: {  	v5 =	vand.u32 $0x3FFF, v5;
	v18 =	vshrl.u32 v15, $0xE;
	v37 =	vld.idx.msk [tilespmem:v21+s13+$0x0], $0xffff  }
0xab: {  	v11 =	vand.u32 $0x3FFF, v11;
	[tilespmem:v24+s19+$0x0] =	vst.idx.add.f32.msk $0xffff, v32  }
0xac: {  	v24 =	vld.idx.msk [tilespmem:v6+s2+$0x0], $0xffff  }
0xad: {  	v32 =	vld.idx.msk [tilespmem:v2+s2+$0x0], $0xffff  }
0xae: {  	v14 =	vand.u32 $0x3FFF, v14;
	[tilespmem:v27+s19+$0x0] =	vst.idx.add.f32.msk $0xffff, v35  }
0xaf: {  	v22 =	vand.u32 $0x3FFF, v12;
	[tilespmem:v34+s18+$0x0] =	vst.idx.add.f32.msk $0xffff, v33  }
0xb0: {  	v12 =	vand.u32 $0x3FFF, v15;
	v33 =	vld.idx.msk [tilespmem:v25+s13+$0x0], $0xffff  }
0xb1: {  	v25 =	vld.idx.msk [tilespmem:v10+s2+$0x0], $0xffff  }
0xb2: {  	v15 =	vand.u32 $0x3FFF, v28;
	v35 =	vld.idx.msk [tilespmem:v4+s2+$0x0], $0xffff  }
0xb3: {  	v27 =	vld.idx.msk [tilespmem:v8+s2+$0x0], $0xffff  }
0xb4: {  	[tilespmem:v9+s18+$0x0] =	vst.idx.add.f32.msk $0xffff, v36  }
0xb5: {  	v21 =	vand.u32 $0x3FFF, v29;
	v29 =	vld.idx.msk [tilespmem:v23+s2+$0x0], $0xffff  }
0xb6: {  	v28 =	vld.idx.msk [tilespmem:v16+s2+$0x0], $0xffff  }
0xb7: {  	[tilespmem:v17+s18+$0x0] =	vst.idx.add.f32.msk $0xffff, v24;
	v24 =	vand.u32 $0x3FFF, v31  }
.Ltmp1:
0xb8: {  	v26 =	vld.idx.msk [tilespmem:v19+s2+$0x0], $0xffff;
	(pc) =	sbr.rel @p0 .LBB2_4-.Ltmp1, $4  }
0xb9: {  	[tilespmem:v7+s18+$0x0] =	vst.idx.add.f32.msk $0xffff, v35  }
0xba: {  	[tilespmem:v5+s18+$0x0] =	vst.idx.add.f32.msk $0xffff, v32  }
0xbb: {  	[tilespmem:v34+s19+$0x0] =	vst.idx.add.f32.msk $0xffff, v33  }
0xbc: {  	[tilespmem:v30+s19+$0x0] =	vst.idx.add.f32.msk $0xffff, v37  }
0xbd: {  	_ =	sdelay $0x3  }
0xbe: {  	v30 =	vld.idx.msk [tilespmem:v20+s2+$0x0], $0xffff  }
0xbf: {  	[tilespmem:v11+s18+$0x0] =	vst.idx.add.f32.msk $0xffff, v25  }
0xc0: {  	[tilespmem:v22+s18+$0x0] =	vst.idx.add.f32.msk $0xffff, v27  }
0xc1: {  	[tilespmem:v15+s18+$0x0] =	vst.idx.add.f32.msk $0xffff, v29  }
0xc2: {  	v25 =	vld.idx.msk [tilespmem:v18+s2+$0x0], $0xffff  }
0xc3: {  	[tilespmem:v24+s18+$0x0] =	vst.idx.add.f32.msk $0xffff, v28  }
0xc4: {  	v27 =	vld.idx.msk [tilespmem:v13+s2+$0x0], $0xffff  }
0xc5: {  	v6 =	vld.idx.msk [tilespmem:v6+s13+$0x0], $0xffff  }
0xc6: {  	[tilespmem:v21+s18+$0x0] =	vst.idx.add.f32.msk $0xffff, v26  }
0xc7: {  	v3 =	vld.idx.msk [tilespmem:v3+s13+$0x0], $0xffff  }
0xc8: {  	v2 =	vld.idx.msk [tilespmem:v2+s13+$0x0], $0xffff  }
0xc9: {  	v23 =	vld.idx.msk [tilespmem:v23+s13+$0x0], $0xffff  }
0xca: {  	v10 =	vld.idx.msk [tilespmem:v10+s13+$0x0], $0xffff  }
0xcb: {  	v1 =	vand.u32 $0x3FFF, v1;
	v16 =	vld.idx.msk [tilespmem:v16+s13+$0x0], $0xffff  }
0xcc: {  	v19 =	vld.idx.msk [tilespmem:v19+s13+$0x0], $0xffff  }
0xcd: {  	[tilespmem:v14+s18+$0x0] =	vst.idx.add.f32.msk $0xffff, v30  }
0xce: {  	[tilespmem:v17+s19+$0x0] =	vst.idx.add.f32.msk $0xffff, v6  }
0xcf: {  	v6 =	vld.idx.msk [tilespmem:v8+s13+$0x0], $0xffff  }
0xd0: {  	[tilespmem:v1+s18+$0x0] =	vst.idx.add.f32.msk $0xffff, v27  }
0xd1: {  	[tilespmem:v9+s19+$0x0] =	vst.idx.add.f32.msk $0xffff, v3  }
0xd2: {  	v3 =	vld.idx.msk [tilespmem:v4+s13+$0x0], $0xffff  }
0xd3: {  	[tilespmem:v12+s18+$0x0] =	vst.idx.add.f32.msk $0xffff, v25  }
0xd4: {  	[tilespmem:v5+s19+$0x0] =	vst.idx.add.f32.msk $0xffff, v2  }
0xd5: {  	v8 =	vld.idx.msk [tilespmem:v20+s13+$0x0], $0xffff  }
0xd6: {  	v4 =	vld.idx.msk [tilespmem:v18+s13+$0x0], $0xffff  }
0xd7: {  	v9 =	vld.idx.msk [tilespmem:v13+s13+$0x0], $0xffff  }
0xd8: {  	[tilespmem:v24+s19+$0x0] =	vst.idx.add.f32.msk $0xffff, v16  }
0xd9: {  	[tilespmem:v11+s19+$0x0] =	vst.idx.add.f32.msk $0xffff, v10  }
0xda: {  	[tilespmem:v21+s19+$0x0] =	vst.idx.add.f32.msk $0xffff, v19  }
0xdb: {  	[tilespmem:v15+s19+$0x0] =	vst.idx.add.f32.msk $0xffff, v23  }
0xdc: {  	[tilespmem:v22+s19+$0x0] =	vst.idx.add.f32.msk $0xffff, v6  }
0xdd: {  	[tilespmem:v7+s19+$0x0] =	vst.idx.add.f32.msk $0xffff, v3  }
0xde: {  	[tilespmem:v14+s19+$0x0] =	vst.idx.add.f32.msk $0xffff, v8  }
0xdf: {  	[tilespmem:v1+s19+$0x0] =	vst.idx.add.f32.msk $0xffff, v9  }
0xe0: {  	[tilespmem:v12+s19+$0x0] =	vst.idx.add.f32.msk $0xffff, v4  }
0xe1: {  	[tilespmem:s14], [sflag:$0x1] =	stream.linear.gather [hbm4b:s7+s2], $0x7D00, $0x38;
	[tilespmem:$0x19800] =	vst v63  }
0xe2: {  	_ =	swait.ge [sflag:s20], $0x7D00  }
0xe3: {  	[sflag:s20] =	ssyncset.done $0x0  }
0xe4: {  	s23 =	simm.s32 $0x11B80;
	[sflag:s20] =	ssyncadd.s32 $0xFFFF8300  }
0xe5: {  	v12 =	vld [tilespmem:s23+$0x0]  }
0xe6: {  	v11 =	vld [tilespmem:s23+$0x10]  }
0xe7: {  	v5 =	vld [tilespmem:s23+$0x20]  }
0xe8: {  	v2 =	vld [tilespmem:s23+$0xFFFFFF80]  }
0xe9: {  	v3 =	vld [tilespmem:s23+$0x70]  }
0xea: {  	v4 =	vld [tilespmem:s23+$0x60]  }
0xeb: {  	v15 =	vld [tilespmem:s23+$0xFFFFFFA0]  }
0xec: {  	v1 =	vld [tilespmem:s23+$0xFFFFFFB0]  }
0xed: {  	v14 =	vld [tilespmem:s23+$0xFFFFFFC0]  }
0xee: {  	v9 =	vld [tilespmem:s23+$0x40]  }
0xef: {  	v7 =	vld [tilespmem:s23+$0x50];
	v6 =	vshrl.u32 v2, $0xE  }
0xf0: {  	v13 =	vld [tilespmem:s23+$0xFFFFFF90]  }
0xf1: {  	v18 =	vld [tilespmem:s23+$0x30];
	v8 =	vshrl.u32 v3, $0xE  }
0xf2: {  	v21 =	vld [tilespmem:s23+$0xFFFFFFF0];
	v10 =	vshrl.u32 v4, $0xE  }
0xf3: {  	v24 =	vld [tilespmem:s23+$0xFFFFFFE0];
	v22 =	vand.u32 $0x3FFF, v3;
	v3 =	vshrl.u32 v9, $0xE  }
0xf4: {  	v17 =	vand.u32 $0x3FFF, v2;
	v16 =	vld.idx.msk [tilespmem:v6+s2+$0x0], $0xffff  }
0xf5: {  	v30 =	vld [tilespmem:s23+$0xFFFFFFD0];
	v20 =	vshrl.u32 v7, $0xE  }
0xf6: {  	v2 =	vld.idx.msk [tilespmem:v8+s2+$0x0], $0xffff  }
0xf7: {  	v31 =	vand.u32 $0x3FFF, v4;
	v19 =	vld.idx.msk [tilespmem:v10+s2+$0x0], $0xffff  }
0xf8: {  	v9 =	vand.u32 $0x3FFF, v9;
	v26 =	vld.idx.msk [tilespmem:v3+s2+$0x0], $0xffff  }
0xf9: {  	[tilespmem:v17+s18+$0x0] =	vst.idx.add.f32.msk $0xffff, v16  }
0xfa: {  	v16 =	vld.idx.msk [tilespmem:v20+s2+$0x0], $0xffff  }
0xfb: {  	[tilespmem:v22+s18+$0x0] =	vst.idx.add.f32.msk $0xffff, v2  }
0xfc: {  	v2 =	vshrl.u32 v5, $0xE;
	[tilespmem:v31+s18+$0x0] =	vst.idx.add.f32.msk $0xffff, v19  }
0xfd: {  	v32 =	vand.u32 $0x3FFF, v7;
	[tilespmem:v9+s18+$0x0] =	vst.idx.add.f32.msk $0xffff, v26  }
0xfe: {  	v19 =	vshrl.u32 v30, $0xE;
	v4 =	vld.idx.msk [tilespmem:v6+s13+$0x0], $0xffff  }
0xff: {  	v23 =	vld.idx.msk [tilespmem:v8+s13+$0x0], $0xffff  }
0x100: {  	v6 =	vshrl.u32 v13, $0xE;
	v33 =	vld.idx.msk [tilespmem:v10+s13+$0x0], $0xffff  }
0x101: {  	v35 =	vld.idx.msk [tilespmem:v2+s2+$0x0], $0xffff  }
0x102: {  	[tilespmem:v32+s18+$0x0] =	vst.idx.add.f32.msk $0xffff, v16  }
0x103: {  	v10 =	vshrl.u32 v11, $0xE;
	v26 =	vld.idx.msk [tilespmem:v19+s2+$0x0], $0xffff  }
0x104: {  	v8 =	vshrl.u32 v12, $0xE;
	[tilespmem:v17+s19+$0x0] =	vst.idx.add.f32.msk $0xffff, v4  }
0x105: {  	v34 =	vld.idx.msk [tilespmem:v6+s2+$0x0], $0xffff  }
0x106: {  	v16 =	vshrl.u32 v24, $0xE;
	[tilespmem:v22+s19+$0x0] =	vst.idx.add.f32.msk $0xffff, v23  }
0x107: {  	v4 =	vshrl.u32 v18, $0xE;
	v36 =	vld.idx.msk [tilespmem:v20+s13+$0x0], $0xffff  }
0x108: {  	v5 =	vand.u32 $0x3FFF, v5;
	v25 =	vld.idx.msk [tilespmem:v10+s2+$0x0], $0xffff  }
0x109: {  	v23 =	vshrl.u32 v21, $0xE;
	v27 =	vld.idx.msk [tilespmem:v8+s2+$0x0], $0xffff  }
0x10a: {  	v17 =	vand.u32 $0x3FFF, v13;
	[tilespmem:v31+s19+$0x0] =	vst.idx.add.f32.msk $0xffff, v33  }
0x10b: {  	v28 =	vld.idx.msk [tilespmem:v16+s2+$0x0], $0xffff  }
0x10c: {  	v7 =	vand.u32 $0x3FFF, v18;
	v13 =	vld.idx.msk [tilespmem:v4+s2+$0x0], $0xffff  }
0x10d: {  	v20 =	vshrl.u32 v14, $0xE;
	[tilespmem:v5+s18+$0x0] =	vst.idx.add.f32.msk $0xffff, v35  }
0x10e: {  	v11 =	vand.u32 $0x3FFF, v11;
	v29 =	vld.idx.msk [tilespmem:v23+s2+$0x0], $0xffff  }
0x10f: {  	v24 =	vand.u32 $0x3FFF, v24;
	v22 =	vand.u32 $0x3FFF, v12;
	[tilespmem:v17+s18+$0x0] =	vst.idx.add.f32.msk $0xffff, v34  }
0x110: {  	v18 =	vshrl.u32 v15, $0xE;
	v12 =	vand.u32 $0x3FFF, v15;
	v15 =	vand.u32 $0x3FFF, v21;
	[tilespmem:v32+s19+$0x0] =	vst.idx.add.f32.msk $0xffff, v36  }
0x111: {  	s24 =	simm.s32 $0x0;
	v14 =	vand.u32 $0x3FFF, v14;
	v21 =	vand.u32 $0x3FFF, v30;
	[tilespmem:v7+s18+$0x0] =	vst.idx.add.f32.msk $0xffff, v13;
	v13 =	vshrl.u32 v1, $0xE  }
.LBB2_6:
0x112: {  	s24 =	sadd.s32 $0x100, s24;
	v30 =	vld.idx.msk [tilespmem:v20+s2+$0x0], $0xffff;
	s23 =	sadd.s32 $0x100, s23  }
0x113: {  	p0 =	slt.u32 s24, $0x7C00;
	[tilespmem:v11+s18+$0x0] =	vst.idx.add.f32.msk $0xffff, v25  }
0x114: {  	v1 =	vand.u32 $0x3FFF, v1;
	[tilespmem:v22+s18+$0x0] =	vst.idx.add.f32.msk $0xffff, v27  }
0x115: {  	[tilespmem:v15+s18+$0x0] =	vst.idx.add.f32.msk $0xffff, v29  }
0x116: {  	v23 =	vld.idx.msk [tilespmem:v23+s13+$0x0], $0xffff  }
0x117: {  	v25 =	vld.idx.msk [tilespmem:v18+s2+$0x0], $0xffff  }
0x118: {  	[tilespmem:v24+s18+$0x0] =	vst.idx.add.f32.msk $0xffff, v28  }
0x119: {  	v27 =	vld.idx.msk [tilespmem:v13+s2+$0x0], $0xffff  }
0x11a: {  	[tilespmem:v14+s18+$0x0] =	vst.idx.add.f32.msk $0xffff, v30  }
0x11b: {  	v6 =	vld.idx.msk [tilespmem:v6+s13+$0x0], $0xffff  }
0x11c: {  	[tilespmem:v21+s18+$0x0] =	vst.idx.add.f32.msk $0xffff, v26  }
0x11d: {  	v10 =	vld.idx.msk [tilespmem:v10+s13+$0x0], $0xffff  }
0x11e: {  	v16 =	vld.idx.msk [tilespmem:v16+s13+$0x0], $0xffff  }
0x11f: {  	v3 =	vld.idx.msk [tilespmem:v3+s13+$0x0], $0xffff  }
0x120: {  	v19 =	vld.idx.msk [tilespmem:v19+s13+$0x0], $0xffff  }
0x121: {  	[tilespmem:v17+s19+$0x0] =	vst.idx.add.f32.msk $0xffff, v6  }
0x122: {  	v6 =	vld.idx.msk [tilespmem:v8+s13+$0x0], $0xffff  }
0x123: {  	[tilespmem:v1+s18+$0x0] =	vst.idx.add.f32.msk $0xffff, v27  }
0x124: {  	v8 =	vld.idx.msk [tilespmem:v20+s13+$0x0], $0xffff  }
0x125: {  	[tilespmem:v9+s19+$0x0] =	vst.idx.add.f32.msk $0xffff, v3  }
0x126: {  	v3 =	vld.idx.msk [tilespmem:v4+s13+$0x0], $0xffff  }
0x127: {  	[tilespmem:v12+s18+$0x0] =	vst.idx.add.f32.msk $0xffff, v25  }
0x128: {  	v4 =	vld.idx.msk [tilespmem:v18+s13+$0x0], $0xffff  }
0x129: {  	v9 =	vld.idx.msk [tilespmem:v13+s13+$0x0], $0xffff  }
0x12a: {  	v2 =	vld.idx.msk [tilespmem:v2+s13+$0x0], $0xffff  }
0x12b: {  	[tilespmem:v22+s19+$0x0] =	vst.idx.add.f32.msk $0xffff, v6  }
0x12c: {  	[tilespmem:v7+s19+$0x0] =	vst.idx.add.f32.msk $0xffff, v3  }
0x12d: {  	[tilespmem:v24+s19+$0x0] =	vst.idx.add.f32.msk $0xffff, v16  }
0x12e: {  	[tilespmem:v11+s19+$0x0] =	vst.idx.add.f32.msk $0xffff, v10  }
0x12f: {  	[tilespmem:v14+s19+$0x0] =	vst.idx.add.f32.msk $0xffff, v8  }
0x130: {  	[tilespmem:v1+s19+$0x0] =	vst.idx.add.f32.msk $0xffff, v9  }
0x131: {  	[tilespmem:v5+s19+$0x0] =	vst.idx.add.f32.msk $0xffff, v2  }
0x132: {  	[tilespmem:v12+s19+$0x0] =	vst.idx.add.f32.msk $0xffff, v4  }
0x133: {  	[tilespmem:v21+s19+$0x0] =	vst.idx.add.f32.msk $0xffff, v19  }
0x134: {  	[tilespmem:v15+s19+$0x0] =	vst.idx.add.f32.msk $0xffff, v23  }
0x135: {  	v12 =	vld [tilespmem:s23+$0x0]  }
0x136: {  	v11 =	vld [tilespmem:s23+$0x10]  }
0x137: {  	v5 =	vld [tilespmem:s23+$0x20]  }
0x138: {  	v2 =	vld [tilespmem:s23+$0xFFFFFF80]  }
0x139: {  	v4 =	vld [tilespmem:s23+$0x70]  }
0x13a: {  	v7 =	vld [tilespmem:s23+$0x60]  }
0x13b: {  	v15 =	vld [tilespmem:s23+$0xFFFFFFA0]  }
0x13c: {  	v1 =	vld [tilespmem:s23+$0xFFFFFFB0]  }
0x13d: {  	v8 =	vshrl.u32 v2, $0xE;
	v14 =	vld [tilespmem:s23+$0xFFFFFFC0]  }
0x13e: {  	v9 =	vld [tilespmem:s23+$0x50];
	v13 =	vshrl.u32 v4, $0xE  }
0x13f: {  	v17 =	vld [tilespmem:s23+$0x40];
	v21 =	vshrl.u32 v7, $0xE  }
0x140: {  	v18 =	vld [tilespmem:s23+$0xFFFFFF90]  }
0x141: {  	v22 =	vld [tilespmem:s23+$0x30]  }
0x142: {  	v10 =	vld.idx.msk [tilespmem:v8+s2+$0x0], $0xffff  }
0x143: {  	v24 =	vand.u32 $0x3FFF, v2;
	v25 =	vshrl.u32 v9, $0xE;
	v19 =	vld.idx.msk [tilespmem:v13+s2+$0x0], $0xffff  }
0x144: {  	v27 =	vand.u32 $0x3FFF, v4;
	v3 =	vshrl.u32 v17, $0xE;
	v26 =	vld.idx.msk [tilespmem:v21+s2+$0x0], $0xffff  }
0x145: {  	v30 =	vand.u32 $0x3FFF, v7;
	v6 =	vshrl.u32 v18, $0xE;
	v28 =	vld [tilespmem:s23+$0xFFFFFFF0]  }
0x146: {  	v31 =	vld [tilespmem:s23+$0xFFFFFFE0];
	v4 =	vshrl.u32 v22, $0xE  }
0x147: {  	v2 =	vshrl.u32 v5, $0xE;
	v29 =	vld [tilespmem:s23+$0xFFFFFFD0]  }
0x148: {  	[tilespmem:v24+s18+$0x0] =	vst.idx.add.f32.msk $0xffff, v10;
	v10 =	vshrl.u32 v11, $0xE  }
0x149: {  	v32 =	vld.idx.msk [tilespmem:v8+s13+$0x0], $0xffff;
	v8 =	vshrl.u32 v12, $0xE  }
0x14a: {  	v34 =	vand.u32 $0x3FFF, v9;
	v23 =	vshrl.u32 v28, $0xE;
	v33 =	vld.idx.msk [tilespmem:v25+s2+$0x0], $0xffff  }
0x14b: {  	v16 =	vshrl.u32 v31, $0xE;
	[tilespmem:v27+s18+$0x0] =	vst.idx.add.f32.msk $0xffff, v19  }
0x14c: {  	v9 =	vand.u32 $0x3FFF, v17;
	v19 =	vshrl.u32 v29, $0xE;
	v35 =	vld.idx.msk [tilespmem:v13+s13+$0x0], $0xffff  }
0x14d: {  	v20 =	vshrl.u32 v14, $0xE;
	v17 =	vand.u32 $0x3FFF, v18;
	v7 =	vand.u32 $0x3FFF, v22;
	v36 =	vld.idx.msk [tilespmem:v3+s2+$0x0], $0xffff  }
0x14e: {  	v13 =	vshrl.u32 v1, $0xE;
	[tilespmem:v30+s18+$0x0] =	vst.idx.add.f32.msk $0xffff, v26  }
0x14f: {  	v5 =	vand.u32 $0x3FFF, v5;
	v18 =	vshrl.u32 v15, $0xE;
	v37 =	vld.idx.msk [tilespmem:v21+s13+$0x0], $0xffff  }
0x150: {  	v11 =	vand.u32 $0x3FFF, v11;
	[tilespmem:v24+s19+$0x0] =	vst.idx.add.f32.msk $0xffff, v32  }
0x151: {  	v24 =	vld.idx.msk [tilespmem:v6+s2+$0x0], $0xffff  }
0x152: {  	v32 =	vld.idx.msk [tilespmem:v2+s2+$0x0], $0xffff  }
0x153: {  	v14 =	vand.u32 $0x3FFF, v14;
	[tilespmem:v27+s19+$0x0] =	vst.idx.add.f32.msk $0xffff, v35  }
0x154: {  	v22 =	vand.u32 $0x3FFF, v12;
	[tilespmem:v34+s18+$0x0] =	vst.idx.add.f32.msk $0xffff, v33  }
0x155: {  	v12 =	vand.u32 $0x3FFF, v15;
	v33 =	vld.idx.msk [tilespmem:v25+s13+$0x0], $0xffff  }
0x156: {  	v25 =	vld.idx.msk [tilespmem:v10+s2+$0x0], $0xffff  }
0x157: {  	v15 =	vand.u32 $0x3FFF, v28;
	v35 =	vld.idx.msk [tilespmem:v4+s2+$0x0], $0xffff  }
0x158: {  	v27 =	vld.idx.msk [tilespmem:v8+s2+$0x0], $0xffff  }
0x159: {  	[tilespmem:v9+s18+$0x0] =	vst.idx.add.f32.msk $0xffff, v36  }
0x15a: {  	v21 =	vand.u32 $0x3FFF, v29;
	v29 =	vld.idx.msk [tilespmem:v23+s2+$0x0], $0xffff  }
0x15b: {  	v28 =	vld.idx.msk [tilespmem:v16+s2+$0x0], $0xffff  }
0x15c: {  	[tilespmem:v17+s18+$0x0] =	vst.idx.add.f32.msk $0xffff, v24;
	v24 =	vand.u32 $0x3FFF, v31  }
.Ltmp2:
0x15d: {  	v26 =	vld.idx.msk [tilespmem:v19+s2+$0x0], $0xffff;
	(pc) =	sbr.rel @p0 .LBB2_6-.Ltmp2, $4  }
0x15e: {  	[tilespmem:v7+s18+$0x0] =	vst.idx.add.f32.msk $0xffff, v35  }
0x15f: {  	[tilespmem:v5+s18+$0x0] =	vst.idx.add.f32.msk $0xffff, v32  }
0x160: {  	[tilespmem:v34+s19+$0x0] =	vst.idx.add.f32.msk $0xffff, v33  }
0x161: {  	[tilespmem:v30+s19+$0x0] =	vst.idx.add.f32.msk $0xffff, v37  }
0x162: {  	_ =	sdelay $0x3  }
0x163: {  	v30 =	vld.idx.msk [tilespmem:v20+s2+$0x0], $0xffff  }
0x164: {  	[tilespmem:v11+s18+$0x0] =	vst.idx.add.f32.msk $0xffff, v25  }
0x165: {  	[tilespmem:v22+s18+$0x0] =	vst.idx.add.f32.msk $0xffff, v27  }
0x166: {  	[tilespmem:v15+s18+$0x0] =	vst.idx.add.f32.msk $0xffff, v29  }
0x167: {  	v25 =	vld.idx.msk [tilespmem:v18+s2+$0x0], $0xffff  }
0x168: {  	[tilespmem:v24+s18+$0x0] =	vst.idx.add.f32.msk $0xffff, v28  }
0x169: {  	v27 =	vld.idx.msk [tilespmem:v13+s2+$0x0], $0xffff  }
0x16a: {  	v6 =	vld.idx.msk [tilespmem:v6+s13+$0x0], $0xffff  }
0x16b: {  	[tilespmem:v21+s18+$0x0] =	vst.idx.add.f32.msk $0xffff, v26  }
0x16c: {  	v3 =	vld.idx.msk [tilespmem:v3+s13+$0x0], $0xffff  }
0x16d: {  	v2 =	vld.idx.msk [tilespmem:v2+s13+$0x0], $0xffff  }
0x16e: {  	v23 =	vld.idx.msk [tilespmem:v23+s13+$0x0], $0xffff  }
0x16f: {  	v10 =	vld.idx.msk [tilespmem:v10+s13+$0x0], $0xffff  }
0x170: {  	v1 =	vand.u32 $0x3FFF, v1;
	v16 =	vld.idx.msk [tilespmem:v16+s13+$0x0], $0xffff  }
0x171: {  	v19 =	vld.idx.msk [tilespmem:v19+s13+$0x0], $0xffff  }
0x172: {  	[tilespmem:v14+s18+$0x0] =	vst.idx.add.f32.msk $0xffff, v30  }
0x173: {  	[tilespmem:v17+s19+$0x0] =	vst.idx.add.f32.msk $0xffff, v6  }
0x174: {  	v6 =	vld.idx.msk [tilespmem:v8+s13+$0x0], $0xffff  }
0x175: {  	[tilespmem:v1+s18+$0x0] =	vst.idx.add.f32.msk $0xffff, v27  }
0x176: {  	[tilespmem:v9+s19+$0x0] =	vst.idx.add.f32.msk $0xffff, v3  }
0x177: {  	v3 =	vld.idx.msk [tilespmem:v4+s13+$0x0], $0xffff  }
0x178: {  	[tilespmem:v12+s18+$0x0] =	vst.idx.add.f32.msk $0xffff, v25  }
0x179: {  	[tilespmem:v5+s19+$0x0] =	vst.idx.add.f32.msk $0xffff, v2  }
0x17a: {  	v8 =	vld.idx.msk [tilespmem:v20+s13+$0x0], $0xffff  }
0x17b: {  	v4 =	vld.idx.msk [tilespmem:v18+s13+$0x0], $0xffff  }
0x17c: {  	v9 =	vld.idx.msk [tilespmem:v13+s13+$0x0], $0xffff  }
0x17d: {  	[tilespmem:v24+s19+$0x0] =	vst.idx.add.f32.msk $0xffff, v16  }
0x17e: {  	[tilespmem:v11+s19+$0x0] =	vst.idx.add.f32.msk $0xffff, v10  }
0x17f: {  	[tilespmem:v21+s19+$0x0] =	vst.idx.add.f32.msk $0xffff, v19  }
0x180: {  	[tilespmem:v15+s19+$0x0] =	vst.idx.add.f32.msk $0xffff, v23  }
0x181: {  	[tilespmem:v22+s19+$0x0] =	vst.idx.add.f32.msk $0xffff, v6  }
0x182: {  	[tilespmem:v7+s19+$0x0] =	vst.idx.add.f32.msk $0xffff, v3  }
0x183: {  	[tilespmem:v14+s19+$0x0] =	vst.idx.add.f32.msk $0xffff, v8  }
0x184: {  	[tilespmem:v1+s19+$0x0] =	vst.idx.add.f32.msk $0xffff, v9  }
0x185: {  	[tilespmem:v12+s19+$0x0] =	vst.idx.add.f32.msk $0xffff, v4  }
0x186: {  	[tilespmem:s16], [sflag:$0x2] =	stream.linear.gather [hbm4b:s8+s2], $0x7D00, $0x38;
	[tilespmem:$0x19800] =	vst v63  }
0x187: {  	_ =	swait.ge [sflag:s17], $0x7D00  }
0x188: {  	[sflag:s17] =	ssyncset.done $0x0  }
0x189: {  	s23 =	simm.s32 $0x9E80;
	[sflag:s17] =	ssyncadd.s32 $0xFFFF8300  }
0x18a: {  	v12 =	vld [tilespmem:s23+$0x0]  }
0x18b: {  	v11 =	vld [tilespmem:s23+$0x10]  }
0x18c: {  	v5 =	vld [tilespmem:s23+$0x20]  }
0x18d: {  	v2 =	vld [tilespmem:s23+$0xFFFFFF80]  }
0x18e: {  	v3 =	vld [tilespmem:s23+$0x70]  }
0x18f: {  	v4 =	vld [tilespmem:s23+$0x60]  }
0x190: {  	v15 =	vld [tilespmem:s23+$0xFFFFFFA0]  }
0x191: {  	v1 =	vld [tilespmem:s23+$0xFFFFFFB0]  }
0x192: {  	v14 =	vld [tilespmem:s23+$0xFFFFFFC0]  }
0x193: {  	v9 =	vld [tilespmem:s23+$0x40]  }
0x194: {  	v7 =	vld [tilespmem:s23+$0x50];
	v6 =	vshrl.u32 v2, $0xE  }
0x195: {  	v13 =	vld [tilespmem:s23+$0xFFFFFF90]  }
0x196: {  	v18 =	vld [tilespmem:s23+$0x30];
	v8 =	vshrl.u32 v3, $0xE  }
0x197: {  	v21 =	vld [tilespmem:s23+$0xFFFFFFF0];
	v10 =	vshrl.u32 v4, $0xE  }
0x198: {  	v24 =	vld [tilespmem:s23+$0xFFFFFFE0];
	v22 =	vand.u32 $0x3FFF, v3;
	v3 =	vshrl.u32 v9, $0xE  }
0x199: {  	v17 =	vand.u32 $0x3FFF, v2;
	v16 =	vld.idx.msk [tilespmem:v6+s2+$0x0], $0xffff  }
0x19a: {  	v30 =	vld [tilespmem:s23+$0xFFFFFFD0];
	v20 =	vshrl.u32 v7, $0xE  }
0x19b: {  	v2 =	vld.idx.msk [tilespmem:v8+s2+$0x0], $0xffff  }
0x19c: {  	v31 =	vand.u32 $0x3FFF, v4;
	v19 =	vld.idx.msk [tilespmem:v10+s2+$0x0], $0xffff  }
0x19d: {  	v9 =	vand.u32 $0x3FFF, v9;
	v26 =	vld.idx.msk [tilespmem:v3+s2+$0x0], $0xffff  }
0x19e: {  	[tilespmem:v17+s18+$0x0] =	vst.idx.add.f32.msk $0xffff, v16  }
0x19f: {  	v16 =	vld.idx.msk [tilespmem:v20+s2+$0x0], $0xffff  }
0x1a0: {  	[tilespmem:v22+s18+$0x0] =	vst.idx.add.f32.msk $0xffff, v2  }
0x1a1: {  	v2 =	vshrl.u32 v5, $0xE;
	[tilespmem:v31+s18+$0x0] =	vst.idx.add.f32.msk $0xffff, v19  }
0x1a2: {  	v32 =	vand.u32 $0x3FFF, v7;
	[tilespmem:v9+s18+$0x0] =	vst.idx.add.f32.msk $0xffff, v26  }
0x1a3: {  	v19 =	vshrl.u32 v30, $0xE;
	v4 =	vld.idx.msk [tilespmem:v6+s13+$0x0], $0xffff  }
0x1a4: {  	v23 =	vld.idx.msk [tilespmem:v8+s13+$0x0], $0xffff  }
0x1a5: {  	v6 =	vshrl.u32 v13, $0xE;
	v33 =	vld.idx.msk [tilespmem:v10+s13+$0x0], $0xffff  }
0x1a6: {  	v35 =	vld.idx.msk [tilespmem:v2+s2+$0x0], $0xffff  }
0x1a7: {  	[tilespmem:v32+s18+$0x0] =	vst.idx.add.f32.msk $0xffff, v16  }
0x1a8: {  	v10 =	vshrl.u32 v11, $0xE;
	v26 =	vld.idx.msk [tilespmem:v19+s2+$0x0], $0xffff  }
0x1a9: {  	v8 =	vshrl.u32 v12, $0xE;
	[tilespmem:v17+s19+$0x0] =	vst.idx.add.f32.msk $0xffff, v4  }
0x1aa: {  	v34 =	vld.idx.msk [tilespmem:v6+s2+$0x0], $0xffff  }
0x1ab: {  	v16 =	vshrl.u32 v24, $0xE;
	[tilespmem:v22+s19+$0x0] =	vst.idx.add.f32.msk $0xffff, v23  }
0x1ac: {  	v4 =	vshrl.u32 v18, $0xE;
	v36 =	vld.idx.msk [tilespmem:v20+s13+$0x0], $0xffff  }
0x1ad: {  	v5 =	vand.u32 $0x3FFF, v5;
	v25 =	vld.idx.msk [tilespmem:v10+s2+$0x0], $0xffff  }
0x1ae: {  	v23 =	vshrl.u32 v21, $0xE;
	v27 =	vld.idx.msk [tilespmem:v8+s2+$0x0], $0xffff  }
0x1af: {  	v17 =	vand.u32 $0x3FFF, v13;
	[tilespmem:v31+s19+$0x0] =	vst.idx.add.f32.msk $0xffff, v33  }
0x1b0: {  	v28 =	vld.idx.msk [tilespmem:v16+s2+$0x0], $0xffff  }
0x1b1: {  	v7 =	vand.u32 $0x3FFF, v18;
	v13 =	vld.idx.msk [tilespmem:v4+s2+$0x0], $0xffff  }
0x1b2: {  	v20 =	vshrl.u32 v14, $0xE;
	[tilespmem:v5+s18+$0x0] =	vst.idx.add.f32.msk $0xffff, v35  }
0x1b3: {  	v11 =	vand.u32 $0x3FFF, v11;
	v29 =	vld.idx.msk [tilespmem:v23+s2+$0x0], $0xffff  }
0x1b4: {  	v24 =	vand.u32 $0x3FFF, v24;
	v22 =	vand.u32 $0x3FFF, v12;
	[tilespmem:v17+s18+$0x0] =	vst.idx.add.f32.msk $0xffff, v34  }
0x1b5: {  	v18 =	vshrl.u32 v15, $0xE;
	v12 =	vand.u32 $0x3FFF, v15;
	v15 =	vand.u32 $0x3FFF, v21;
	[tilespmem:v32+s19+$0x0] =	vst.idx.add.f32.msk $0xffff, v36  }
0x1b6: {  	s24 =	simm.s32 $0x0;
	v14 =	vand.u32 $0x3FFF, v14;
	v21 =	vand.u32 $0x3FFF, v30;
	[tilespmem:v7+s18+$0x0] =	vst.idx.add.f32.msk $0xffff, v13;
	v13 =	vshrl.u32 v1, $0xE  }
.LBB2_8:
0x1b7: {  	s24 =	sadd.s32 $0x100, s24;
	v30 =	vld.idx.msk [tilespmem:v20+s2+$0x0], $0xffff;
	s23 =	sadd.s32 $0x100, s23  }
0x1b8: {  	p0 =	slt.u32 s24, $0x7C00;
	[tilespmem:v11+s18+$0x0] =	vst.idx.add.f32.msk $0xffff, v25  }
0x1b9: {  	v1 =	vand.u32 $0x3FFF, v1;
	[tilespmem:v22+s18+$0x0] =	vst.idx.add.f32.msk $0xffff, v27  }
0x1ba: {  	[tilespmem:v15+s18+$0x0] =	vst.idx.add.f32.msk $0xffff, v29  }
0x1bb: {  	v23 =	vld.idx.msk [tilespmem:v23+s13+$0x0], $0xffff  }
0x1bc: {  	v25 =	vld.idx.msk [tilespmem:v18+s2+$0x0], $0xffff  }
0x1bd: {  	[tilespmem:v24+s18+$0x0] =	vst.idx.add.f32.msk $0xffff, v28  }
0x1be: {  	v27 =	vld.idx.msk [tilespmem:v13+s2+$0x0], $0xffff  }
0x1bf: {  	[tilespmem:v14+s18+$0x0] =	vst.idx.add.f32.msk $0xffff, v30  }
0x1c0: {  	v6 =	vld.idx.msk [tilespmem:v6+s13+$0x0], $0xffff  }
0x1c1: {  	[tilespmem:v21+s18+$0x0] =	vst.idx.add.f32.msk $0xffff, v26  }
0x1c2: {  	v10 =	vld.idx.msk [tilespmem:v10+s13+$0x0], $0xffff  }
0x1c3: {  	v16 =	vld.idx.msk [tilespmem:v16+s13+$0x0], $0xffff  }
0x1c4: {  	v3 =	vld.idx.msk [tilespmem:v3+s13+$0x0], $0xffff  }
0x1c5: {  	v19 =	vld.idx.msk [tilespmem:v19+s13+$0x0], $0xffff  }
0x1c6: {  	[tilespmem:v17+s19+$0x0] =	vst.idx.add.f32.msk $0xffff, v6  }
0x1c7: {  	v6 =	vld.idx.msk [tilespmem:v8+s13+$0x0], $0xffff  }
0x1c8: {  	[tilespmem:v1+s18+$0x0] =	vst.idx.add.f32.msk $0xffff, v27  }
0x1c9: {  	v8 =	vld.idx.msk [tilespmem:v20+s13+$0x0], $0xffff  }
0x1ca: {  	[tilespmem:v9+s19+$0x0] =	vst.idx.add.f32.msk $0xffff, v3  }
0x1cb: {  	v3 =	vld.idx.msk [tilespmem:v4+s13+$0x0], $0xffff  }
0x1cc: {  	[tilespmem:v12+s18+$0x0] =	vst.idx.add.f32.msk $0xffff, v25  }
0x1cd: {  	v4 =	vld.idx.msk [tilespmem:v18+s13+$0x0], $0xffff  }
0x1ce: {  	v9 =	vld.idx.msk [tilespmem:v13+s13+$0x0], $0xffff  }
0x1cf: {  	v2 =	vld.idx.msk [tilespmem:v2+s13+$0x0], $0xffff  }
0x1d0: {  	[tilespmem:v22+s19+$0x0] =	vst.idx.add.f32.msk $0xffff, v6  }
0x1d1: {  	[tilespmem:v7+s19+$0x0] =	vst.idx.add.f32.msk $0xffff, v3  }
0x1d2: {  	[tilespmem:v24+s19+$0x0] =	vst.idx.add.f32.msk $0xffff, v16  }
0x1d3: {  	[tilespmem:v11+s19+$0x0] =	vst.idx.add.f32.msk $0xffff, v10  }
0x1d4: {  	[tilespmem:v14+s19+$0x0] =	vst.idx.add.f32.msk $0xffff, v8  }
0x1d5: {  	[tilespmem:v1+s19+$0x0] =	vst.idx.add.f32.msk $0xffff, v9  }
0x1d6: {  	[tilespmem:v5+s19+$0x0] =	vst.idx.add.f32.msk $0xffff, v2  }
0x1d7: {  	[tilespmem:v12+s19+$0x0] =	vst.idx.add.f32.msk $0xffff, v4  }
0x1d8: {  	[tilespmem:v21+s19+$0x0] =	vst.idx.add.f32.msk $0xffff, v19  }
0x1d9: {  	[tilespmem:v15+s19+$0x0] =	vst.idx.add.f32.msk $0xffff, v23  }
0x1da: {  	v12 =	vld [tilespmem:s23+$0x0]  }
0x1db: {  	v11 =	vld [tilespmem:s23+$0x10]  }
0x1dc: {  	v5 =	vld [tilespmem:s23+$0x20]  }
0x1dd: {  	v2 =	vld [tilespmem:s23+$0xFFFFFF80]  }
0x1de: {  	v4 =	vld [tilespmem:s23+$0x70]  }
0x1df: {  	v7 =	vld [tilespmem:s23+$0x60]  }
0x1e0: {  	v15 =	vld [tilespmem:s23+$0xFFFFFFA0]  }
0x1e1: {  	v1 =	vld [tilespmem:s23+$0xFFFFFFB0]  }
0x1e2: {  	v8 =	vshrl.u32 v2, $0xE;
	v14 =	vld [tilespmem:s23+$0xFFFFFFC0]  }
0x1e3: {  	v9 =	vld [tilespmem:s23+$0x50];
	v13 =	vshrl.u32 v4, $0xE  }
0x1e4: {  	v17 =	vld [tilespmem:s23+$0x40];
	v21 =	vshrl.u32 v7, $0xE  }
0x1e5: {  	v18 =	vld [tilespmem:s23+$0xFFFFFF90]  }
0x1e6: {  	v22 =	vld [tilespmem:s23+$0x30]  }
0x1e7: {  	v10 =	vld.idx.msk [tilespmem:v8+s2+$0x0], $0xffff  }
0x1e8: {  	v24 =	vand.u32 $0x3FFF, v2;
	v25 =	vshrl.u32 v9, $0xE;
	v19 =	vld.idx.msk [tilespmem:v13+s2+$0x0], $0xffff  }
0x1e9: {  	v27 =	vand.u32 $0x3FFF, v4;
	v3 =	vshrl.u32 v17, $0xE;
	v26 =	vld.idx.msk [tilespmem:v21+s2+$0x0], $0xffff  }
0x1ea: {  	v30 =	vand.u32 $0x3FFF, v7;
	v6 =	vshrl.u32 v18, $0xE;
	v28 =	vld [tilespmem:s23+$0xFFFFFFF0]  }
0x1eb: {  	v31 =	vld [tilespmem:s23+$0xFFFFFFE0];
	v4 =	vshrl.u32 v22, $0xE  }
0x1ec: {  	v2 =	vshrl.u32 v5, $0xE;
	v29 =	vld [tilespmem:s23+$0xFFFFFFD0]  }
0x1ed: {  	[tilespmem:v24+s18+$0x0] =	vst.idx.add.f32.msk $0xffff, v10;
	v10 =	vshrl.u32 v11, $0xE  }
0x1ee: {  	v32 =	vld.idx.msk [tilespmem:v8+s13+$0x0], $0xffff;
	v8 =	vshrl.u32 v12, $0xE  }
0x1ef: {  	v34 =	vand.u32 $0x3FFF, v9;
	v23 =	vshrl.u32 v28, $0xE;
	v33 =	vld.idx.msk [tilespmem:v25+s2+$0x0], $0xffff  }
0x1f0: {  	v16 =	vshrl.u32 v31, $0xE;
	[tilespmem:v27+s18+$0x0] =	vst.idx.add.f32.msk $0xffff, v19  }
0x1f1: {  	v9 =	vand.u32 $0x3FFF, v17;
	v19 =	vshrl.u32 v29, $0xE;
	v35 =	vld.idx.msk [tilespmem:v13+s13+$0x0], $0xffff  }
0x1f2: {  	v20 =	vshrl.u32 v14, $0xE;
	v17 =	vand.u32 $0x3FFF, v18;
	v7 =	vand.u32 $0x3FFF, v22;
	v36 =	vld.idx.msk [tilespmem:v3+s2+$0x0], $0xffff  }
0x1f3: {  	v13 =	vshrl.u32 v1, $0xE;
	[tilespmem:v30+s18+$0x0] =	vst.idx.add.f32.msk $0xffff, v26  }
0x1f4: {  	v5 =	vand.u32 $0x3FFF, v5;
	v18 =	vshrl.u32 v15, $0xE;
	v37 =	vld.idx.msk [tilespmem:v21+s13+$0x0], $0xffff  }
0x1f5: {  	v11 =	vand.u32 $0x3FFF, v11;
	[tilespmem:v24+s19+$0x0] =	vst.idx.add.f32.msk $0xffff, v32  }
0x1f6: {  	v24 =	vld.idx.msk [tilespmem:v6+s2+$0x0], $0xffff  }
0x1f7: {  	v32 =	vld.idx.msk [tilespmem:v2+s2+$0x0], $0xffff  }
0x1f8: {  	v14 =	vand.u32 $0x3FFF, v14;
	[tilespmem:v27+s19+$0x0] =	vst.idx.add.f32.msk $0xffff, v35  }
0x1f9: {  	v22 =	vand.u32 $0x3FFF, v12;
	[tilespmem:v34+s18+$0x0] =	vst.idx.add.f32.msk $0xffff, v33  }
0x1fa: {  	v12 =	vand.u32 $0x3FFF, v15;
	v33 =	vld.idx.msk [tilespmem:v25+s13+$0x0], $0xffff  }
0x1fb: {  	v25 =	vld.idx.msk [tilespmem:v10+s2+$0x0], $0xffff  }
0x1fc: {  	v15 =	vand.u32 $0x3FFF, v28;
	v35 =	vld.idx.msk [tilespmem:v4+s2+$0x0], $0xffff  }
0x1fd: {  	v27 =	vld.idx.msk [tilespmem:v8+s2+$0x0], $0xffff  }
0x1fe: {  	[tilespmem:v9+s18+$0x0] =	vst.idx.add.f32.msk $0xffff, v36  }
0x1ff: {  	v21 =	vand.u32 $0x3FFF, v29;
	v29 =	vld.idx.msk [tilespmem:v23+s2+$0x0], $0xffff  }
0x200: {  	v28 =	vld.idx.msk [tilespmem:v16+s2+$0x0], $0xffff  }
0x201: {  	[tilespmem:v17+s18+$0x0] =	vst.idx.add.f32.msk $0xffff, v24;
	v24 =	vand.u32 $0x3FFF, v31  }
.Ltmp3:
0x202: {  	v26 =	vld.idx.msk [tilespmem:v19+s2+$0x0], $0xffff;
	(pc) =	sbr.rel @p0 .LBB2_8-.Ltmp3, $4  }
0x203: {  	[tilespmem:v7+s18+$0x0] =	vst.idx.add.f32.msk $0xffff, v35  }
0x204: {  	[tilespmem:v5+s18+$0x0] =	vst.idx.add.f32.msk $0xffff, v32  }
0x205: {  	[tilespmem:v34+s19+$0x0] =	vst.idx.add.f32.msk $0xffff, v33  }
0x206: {  	[tilespmem:v30+s19+$0x0] =	vst.idx.add.f32.msk $0xffff, v37  }
0x207: {  	_ =	sdelay $0x3  }
0x208: {  	v30 =	vld.idx.msk [tilespmem:v20+s2+$0x0], $0xffff  }
0x209: {  	[tilespmem:v11+s18+$0x0] =	vst.idx.add.f32.msk $0xffff, v25  }
0x20a: {  	[tilespmem:v22+s18+$0x0] =	vst.idx.add.f32.msk $0xffff, v27  }
0x20b: {  	[tilespmem:v15+s18+$0x0] =	vst.idx.add.f32.msk $0xffff, v29  }
0x20c: {  	v25 =	vld.idx.msk [tilespmem:v18+s2+$0x0], $0xffff  }
0x20d: {  	[tilespmem:v24+s18+$0x0] =	vst.idx.add.f32.msk $0xffff, v28  }
0x20e: {  	v27 =	vld.idx.msk [tilespmem:v13+s2+$0x0], $0xffff  }
0x20f: {  	v6 =	vld.idx.msk [tilespmem:v6+s13+$0x0], $0xffff  }
0x210: {  	[tilespmem:v21+s18+$0x0] =	vst.idx.add.f32.msk $0xffff, v26  }
0x211: {  	v3 =	vld.idx.msk [tilespmem:v3+s13+$0x0], $0xffff  }
0x212: {  	v2 =	vld.idx.msk [tilespmem:v2+s13+$0x0], $0xffff  }
0x213: {  	v23 =	vld.idx.msk [tilespmem:v23+s13+$0x0], $0xffff  }
0x214: {  	v10 =	vld.idx.msk [tilespmem:v10+s13+$0x0], $0xffff  }
0x215: {  	v1 =	vand.u32 $0x3FFF, v1;
	v16 =	vld.idx.msk [tilespmem:v16+s13+$0x0], $0xffff  }
0x216: {  	v19 =	vld.idx.msk [tilespmem:v19+s13+$0x0], $0xffff  }
0x217: {  	[tilespmem:v14+s18+$0x0] =	vst.idx.add.f32.msk $0xffff, v30  }
0x218: {  	[tilespmem:v17+s19+$0x0] =	vst.idx.add.f32.msk $0xffff, v6  }
0x219: {  	v6 =	vld.idx.msk [tilespmem:v8+s13+$0x0], $0xffff  }
0x21a: {  	[tilespmem:v1+s18+$0x0] =	vst.idx.add.f32.msk $0xffff, v27  }
0x21b: {  	[tilespmem:v9+s19+$0x0] =	vst.idx.add.f32.msk $0xffff, v3  }
0x21c: {  	v3 =	vld.idx.msk [tilespmem:v4+s13+$0x0], $0xffff  }
0x21d: {  	[tilespmem:v12+s18+$0x0] =	vst.idx.add.f32.msk $0xffff, v25  }
0x21e: {  	[tilespmem:v5+s19+$0x0] =	vst.idx.add.f32.msk $0xffff, v2  }
0x21f: {  	v8 =	vld.idx.msk [tilespmem:v20+s13+$0x0], $0xffff  }
0x220: {  	v4 =	vld.idx.msk [tilespmem:v18+s13+$0x0], $0xffff  }
0x221: {  	v9 =	vld.idx.msk [tilespmem:v13+s13+$0x0], $0xffff  }
0x222: {  	[tilespmem:v24+s19+$0x0] =	vst.idx.add.f32.msk $0xffff, v16  }
0x223: {  	[tilespmem:v11+s19+$0x0] =	vst.idx.add.f32.msk $0xffff, v10  }
0x224: {  	[tilespmem:v21+s19+$0x0] =	vst.idx.add.f32.msk $0xffff, v19  }
0x225: {  	[tilespmem:v15+s19+$0x0] =	vst.idx.add.f32.msk $0xffff, v23  }
0x226: {  	[tilespmem:v22+s19+$0x0] =	vst.idx.add.f32.msk $0xffff, v6  }
0x227: {  	[tilespmem:v7+s19+$0x0] =	vst.idx.add.f32.msk $0xffff, v3  }
0x228: {  	[tilespmem:v14+s19+$0x0] =	vst.idx.add.f32.msk $0xffff, v8  }
0x229: {  	[tilespmem:v1+s19+$0x0] =	vst.idx.add.f32.msk $0xffff, v9  }
0x22a: {  	[tilespmem:v12+s19+$0x0] =	vst.idx.add.f32.msk $0xffff, v4  }
0x22b: {  	[tilespmem:s14], [sflag:$0x1] =	stream.linear.gather [hbm4b:s9+s2], $0x7D00, $0x38;
	[tilespmem:$0x19800] =	vst v63  }
0x22c: {  	_ =	swait.ge [sflag:s20], $0x7D00  }
0x22d: {  	[sflag:s20] =	ssyncset.done $0x0  }
0x22e: {  	s23 =	simm.s32 $0x11B80;
	[sflag:s20] =	ssyncadd.s32 $0xFFFF8300  }
0x22f: {  	v12 =	vld [tilespmem:s23+$0x0]  }
0x230: {  	v11 =	vld [tilespmem:s23+$0x10]  }
0x231: {  	v5 =	vld [tilespmem:s23+$0x20]  }
0x232: {  	v2 =	vld [tilespmem:s23+$0xFFFFFF80]  }
0x233: {  	v3 =	vld [tilespmem:s23+$0x70]  }
0x234: {  	v4 =	vld [tilespmem:s23+$0x60]  }
0x235: {  	v15 =	vld [tilespmem:s23+$0xFFFFFFA0]  }
0x236: {  	v1 =	vld [tilespmem:s23+$0xFFFFFFB0]  }
0x237: {  	v14 =	vld [tilespmem:s23+$0xFFFFFFC0]  }
0x238: {  	v9 =	vld [tilespmem:s23+$0x40]  }
0x239: {  	v7 =	vld [tilespmem:s23+$0x50];
	v6 =	vshrl.u32 v2, $0xE  }
0x23a: {  	v13 =	vld [tilespmem:s23+$0xFFFFFF90]  }
0x23b: {  	v18 =	vld [tilespmem:s23+$0x30];
	v8 =	vshrl.u32 v3, $0xE  }
0x23c: {  	v21 =	vld [tilespmem:s23+$0xFFFFFFF0];
	v10 =	vshrl.u32 v4, $0xE  }
0x23d: {  	v24 =	vld [tilespmem:s23+$0xFFFFFFE0];
	v22 =	vand.u32 $0x3FFF, v3;
	v3 =	vshrl.u32 v9, $0xE  }
0x23e: {  	v17 =	vand.u32 $0x3FFF, v2;
	v16 =	vld.idx.msk [tilespmem:v6+s2+$0x0], $0xffff  }
0x23f: {  	v30 =	vld [tilespmem:s23+$0xFFFFFFD0];
	v20 =	vshrl.u32 v7, $0xE  }
0x240: {  	v2 =	vld.idx.msk [tilespmem:v8+s2+$0x0], $0xffff  }
0x241: {  	v31 =	vand.u32 $0x3FFF, v4;
	v19 =	vld.idx.msk [tilespmem:v10+s2+$0x0], $0xffff  }
0x242: {  	v9 =	vand.u32 $0x3FFF, v9;
	v26 =	vld.idx.msk [tilespmem:v3+s2+$0x0], $0xffff  }
0x243: {  	[tilespmem:v17+s18+$0x0] =	vst.idx.add.f32.msk $0xffff, v16  }
0x244: {  	v16 =	vld.idx.msk [tilespmem:v20+s2+$0x0], $0xffff  }
0x245: {  	[tilespmem:v22+s18+$0x0] =	vst.idx.add.f32.msk $0xffff, v2  }
0x246: {  	v2 =	vshrl.u32 v5, $0xE;
	[tilespmem:v31+s18+$0x0] =	vst.idx.add.f32.msk $0xffff, v19  }
0x247: {  	v32 =	vand.u32 $0x3FFF, v7;
	[tilespmem:v9+s18+$0x0] =	vst.idx.add.f32.msk $0xffff, v26  }
0x248: {  	v19 =	vshrl.u32 v30, $0xE;
	v4 =	vld.idx.msk [tilespmem:v6+s13+$0x0], $0xffff  }
0x249: {  	v23 =	vld.idx.msk [tilespmem:v8+s13+$0x0], $0xffff  }
0x24a: {  	v6 =	vshrl.u32 v13, $0xE;
	v33 =	vld.idx.msk [tilespmem:v10+s13+$0x0], $0xffff  }
0x24b: {  	v35 =	vld.idx.msk [tilespmem:v2+s2+$0x0], $0xffff  }
0x24c: {  	[tilespmem:v32+s18+$0x0] =	vst.idx.add.f32.msk $0xffff, v16  }
0x24d: {  	v10 =	vshrl.u32 v11, $0xE;
	v26 =	vld.idx.msk [tilespmem:v19+s2+$0x0], $0xffff  }
0x24e: {  	v8 =	vshrl.u32 v12, $0xE;
	[tilespmem:v17+s19+$0x0] =	vst.idx.add.f32.msk $0xffff, v4  }
0x24f: {  	v34 =	vld.idx.msk [tilespmem:v6+s2+$0x0], $0xffff  }
0x250: {  	v16 =	vshrl.u32 v24, $0xE;
	[tilespmem:v22+s19+$0x0] =	vst.idx.add.f32.msk $0xffff, v23  }
0x251: {  	v4 =	vshrl.u32 v18, $0xE;
	v36 =	vld.idx.msk [tilespmem:v20+s13+$0x0], $0xffff  }
0x252: {  	v5 =	vand.u32 $0x3FFF, v5;
	v25 =	vld.idx.msk [tilespmem:v10+s2+$0x0], $0xffff  }
0x253: {  	v23 =	vshrl.u32 v21, $0xE;
	v27 =	vld.idx.msk [tilespmem:v8+s2+$0x0], $0xffff  }
0x254: {  	v17 =	vand.u32 $0x3FFF, v13;
	[tilespmem:v31+s19+$0x0] =	vst.idx.add.f32.msk $0xffff, v33  }
0x255: {  	v28 =	vld.idx.msk [tilespmem:v16+s2+$0x0], $0xffff  }
0x256: {  	v7 =	vand.u32 $0x3FFF, v18;
	v13 =	vld.idx.msk [tilespmem:v4+s2+$0x0], $0xffff  }
0x257: {  	v20 =	vshrl.u32 v14, $0xE;
	[tilespmem:v5+s18+$0x0] =	vst.idx.add.f32.msk $0xffff, v35  }
0x258: {  	v11 =	vand.u32 $0x3FFF, v11;
	v29 =	vld.idx.msk [tilespmem:v23+s2+$0x0], $0xffff  }
0x259: {  	v24 =	vand.u32 $0x3FFF, v24;
	v22 =	vand.u32 $0x3FFF, v12;
	[tilespmem:v17+s18+$0x0] =	vst.idx.add.f32.msk $0xffff, v34  }
0x25a: {  	v18 =	vshrl.u32 v15, $0xE;
	v12 =	vand.u32 $0x3FFF, v15;
	v15 =	vand.u32 $0x3FFF, v21;
	[tilespmem:v32+s19+$0x0] =	vst.idx.add.f32.msk $0xffff, v36  }
0x25b: {  	s24 =	simm.s32 $0x0;
	v14 =	vand.u32 $0x3FFF, v14;
	v21 =	vand.u32 $0x3FFF, v30;
	[tilespmem:v7+s18+$0x0] =	vst.idx.add.f32.msk $0xffff, v13;
	v13 =	vshrl.u32 v1, $0xE  }
.LBB2_10:
0x25c: {  	s24 =	sadd.s32 $0x100, s24;
	v30 =	vld.idx.msk [tilespmem:v20+s2+$0x0], $0xffff;
	s23 =	sadd.s32 $0x100, s23  }
0x25d: {  	p0 =	slt.u32 s24, $0x7C00;
	[tilespmem:v11+s18+$0x0] =	vst.idx.add.f32.msk $0xffff, v25  }
0x25e: {  	v1 =	vand.u32 $0x3FFF, v1;
	[tilespmem:v22+s18+$0x0] =	vst.idx.add.f32.msk $0xffff, v27  }
0x25f: {  	[tilespmem:v15+s18+$0x0] =	vst.idx.add.f32.msk $0xffff, v29  }
0x260: {  	v23 =	vld.idx.msk [tilespmem:v23+s13+$0x0], $0xffff  }
0x261: {  	v25 =	vld.idx.msk [tilespmem:v18+s2+$0x0], $0xffff  }
0x262: {  	[tilespmem:v24+s18+$0x0] =	vst.idx.add.f32.msk $0xffff, v28  }
0x263: {  	v27 =	vld.idx.msk [tilespmem:v13+s2+$0x0], $0xffff  }
0x264: {  	[tilespmem:v14+s18+$0x0] =	vst.idx.add.f32.msk $0xffff, v30  }
0x265: {  	v6 =	vld.idx.msk [tilespmem:v6+s13+$0x0], $0xffff  }
0x266: {  	[tilespmem:v21+s18+$0x0] =	vst.idx.add.f32.msk $0xffff, v26  }
0x267: {  	v10 =	vld.idx.msk [tilespmem:v10+s13+$0x0], $0xffff  }
0x268: {  	v16 =	vld.idx.msk [tilespmem:v16+s13+$0x0], $0xffff  }
0x269: {  	v3 =	vld.idx.msk [tilespmem:v3+s13+$0x0], $0xffff  }
0x26a: {  	v19 =	vld.idx.msk [tilespmem:v19+s13+$0x0], $0xffff  }
0x26b: {  	[tilespmem:v17+s19+$0x0] =	vst.idx.add.f32.msk $0xffff, v6  }
0x26c: {  	v6 =	vld.idx.msk [tilespmem:v8+s13+$0x0], $0xffff  }
0x26d: {  	[tilespmem:v1+s18+$0x0] =	vst.idx.add.f32.msk $0xffff, v27  }
0x26e: {  	v8 =	vld.idx.msk [tilespmem:v20+s13+$0x0], $0xffff  }
0x26f: {  	[tilespmem:v9+s19+$0x0] =	vst.idx.add.f32.msk $0xffff, v3  }
0x270: {  	v3 =	vld.idx.msk [tilespmem:v4+s13+$0x0], $0xffff  }
0x271: {  	[tilespmem:v12+s18+$0x0] =	vst.idx.add.f32.msk $0xffff, v25  }
0x272: {  	v4 =	vld.idx.msk [tilespmem:v18+s13+$0x0], $0xffff  }
0x273: {  	v9 =	vld.idx.msk [tilespmem:v13+s13+$0x0], $0xffff  }
0x274: {  	v2 =	vld.idx.msk [tilespmem:v2+s13+$0x0], $0xffff  }
0x275: {  	[tilespmem:v22+s19+$0x0] =	vst.idx.add.f32.msk $0xffff, v6  }
0x276: {  	[tilespmem:v7+s19+$0x0] =	vst.idx.add.f32.msk $0xffff, v3  }
0x277: {  	[tilespmem:v24+s19+$0x0] =	vst.idx.add.f32.msk $0xffff, v16  }
0x278: {  	[tilespmem:v11+s19+$0x0] =	vst.idx.add.f32.msk $0xffff, v10  }
0x279: {  	[tilespmem:v14+s19+$0x0] =	vst.idx.add.f32.msk $0xffff, v8  }
0x27a: {  	[tilespmem:v1+s19+$0x0] =	vst.idx.add.f32.msk $0xffff, v9  }
0x27b: {  	[tilespmem:v5+s19+$0x0] =	vst.idx.add.f32.msk $0xffff, v2  }
0x27c: {  	[tilespmem:v12+s19+$0x0] =	vst.idx.add.f32.msk $0xffff, v4  }
0x27d: {  	[tilespmem:v21+s19+$0x0] =	vst.idx.add.f32.msk $0xffff, v19  }
0x27e: {  	[tilespmem:v15+s19+$0x0] =	vst.idx.add.f32.msk $0xffff, v23  }
0x27f: {  	v12 =	vld [tilespmem:s23+$0x0]  }
0x280: {  	v11 =	vld [tilespmem:s23+$0x10]  }
0x281: {  	v5 =	vld [tilespmem:s23+$0x20]  }
0x282: {  	v2 =	vld [tilespmem:s23+$0xFFFFFF80]  }
0x283: {  	v4 =	vld [tilespmem:s23+$0x70]  }
0x284: {  	v7 =	vld [tilespmem:s23+$0x60]  }
0x285: {  	v15 =	vld [tilespmem:s23+$0xFFFFFFA0]  }
0x286: {  	v1 =	vld [tilespmem:s23+$0xFFFFFFB0]  }
0x287: {  	v8 =	vshrl.u32 v2, $0xE;
	v14 =	vld [tilespmem:s23+$0xFFFFFFC0]  }
0x288: {  	v9 =	vld [tilespmem:s23+$0x50];
	v13 =	vshrl.u32 v4, $0xE  }
0x289: {  	v17 =	vld [tilespmem:s23+$0x40];
	v21 =	vshrl.u32 v7, $0xE  }
0x28a: {  	v18 =	vld [tilespmem:s23+$0xFFFFFF90]  }
0x28b: {  	v22 =	vld [tilespmem:s23+$0x30]  }
0x28c: {  	v10 =	vld.idx.msk [tilespmem:v8+s2+$0x0], $0xffff  }
0x28d: {  	v24 =	vand.u32 $0x3FFF, v2;
	v25 =	vshrl.u32 v9, $0xE;
	v19 =	vld.idx.msk [tilespmem:v13+s2+$0x0], $0xffff  }
0x28e: {  	v27 =	vand.u32 $0x3FFF, v4;
	v3 =	vshrl.u32 v17, $0xE;
	v26 =	vld.idx.msk [tilespmem:v21+s2+$0x0], $0xffff  }
0x28f: {  	v30 =	vand.u32 $0x3FFF, v7;
	v6 =	vshrl.u32 v18, $0xE;
	v28 =	vld [tilespmem:s23+$0xFFFFFFF0]  }
0x290: {  	v31 =	vld [tilespmem:s23+$0xFFFFFFE0];
	v4 =	vshrl.u32 v22, $0xE  }
0x291: {  	v2 =	vshrl.u32 v5, $0xE;
	v29 =	vld [tilespmem:s23+$0xFFFFFFD0]  }
0x292: {  	[tilespmem:v24+s18+$0x0] =	vst.idx.add.f32.msk $0xffff, v10;
	v10 =	vshrl.u32 v11, $0xE  }
0x293: {  	v32 =	vld.idx.msk [tilespmem:v8+s13+$0x0], $0xffff;
	v8 =	vshrl.u32 v12, $0xE  }
0x294: {  	v34 =	vand.u32 $0x3FFF, v9;
	v23 =	vshrl.u32 v28, $0xE;
	v33 =	vld.idx.msk [tilespmem:v25+s2+$0x0], $0xffff  }
0x295: {  	v16 =	vshrl.u32 v31, $0xE;
	[tilespmem:v27+s18+$0x0] =	vst.idx.add.f32.msk $0xffff, v19  }
0x296: {  	v9 =	vand.u32 $0x3FFF, v17;
	v19 =	vshrl.u32 v29, $0xE;
	v35 =	vld.idx.msk [tilespmem:v13+s13+$0x0], $0xffff  }
0x297: {  	v20 =	vshrl.u32 v14, $0xE;
	v17 =	vand.u32 $0x3FFF, v18;
	v7 =	vand.u32 $0x3FFF, v22;
	v36 =	vld.idx.msk [tilespmem:v3+s2+$0x0], $0xffff  }
0x298: {  	v13 =	vshrl.u32 v1, $0xE;
	[tilespmem:v30+s18+$0x0] =	vst.idx.add.f32.msk $0xffff, v26  }
0x299: {  	v5 =	vand.u32 $0x3FFF, v5;
	v18 =	vshrl.u32 v15, $0xE;
	v37 =	vld.idx.msk [tilespmem:v21+s13+$0x0], $0xffff  }
0x29a: {  	v11 =	vand.u32 $0x3FFF, v11;
	[tilespmem:v24+s19+$0x0] =	vst.idx.add.f32.msk $0xffff, v32  }
0x29b: {  	v24 =	vld.idx.msk [tilespmem:v6+s2+$0x0], $0xffff  }
0x29c: {  	v32 =	vld.idx.msk [tilespmem:v2+s2+$0x0], $0xffff  }
0x29d: {  	v14 =	vand.u32 $0x3FFF, v14;
	[tilespmem:v27+s19+$0x0] =	vst.idx.add.f32.msk $0xffff, v35  }
0x29e: {  	v22 =	vand.u32 $0x3FFF, v12;
	[tilespmem:v34+s18+$0x0] =	vst.idx.add.f32.msk $0xffff, v33  }
0x29f: {  	v12 =	vand.u32 $0x3FFF, v15;
	v33 =	vld.idx.msk [tilespmem:v25+s13+$0x0], $0xffff  }
0x2a0: {  	v25 =	vld.idx.msk [tilespmem:v10+s2+$0x0], $0xffff  }
0x2a1: {  	v15 =	vand.u32 $0x3FFF, v28;
	v35 =	vld.idx.msk [tilespmem:v4+s2+$0x0], $0xffff  }
0x2a2: {  	v27 =	vld.idx.msk [tilespmem:v8+s2+$0x0], $0xffff  }
0x2a3: {  	[tilespmem:v9+s18+$0x0] =	vst.idx.add.f32.msk $0xffff, v36  }
0x2a4: {  	v21 =	vand.u32 $0x3FFF, v29;
	v29 =	vld.idx.msk [tilespmem:v23+s2+$0x0], $0xffff  }
0x2a5: {  	v28 =	vld.idx.msk [tilespmem:v16+s2+$0x0], $0xffff  }
0x2a6: {  	[tilespmem:v17+s18+$0x0] =	vst.idx.add.f32.msk $0xffff, v24;
	v24 =	vand.u32 $0x3FFF, v31  }
.Ltmp4:
0x2a7: {  	v26 =	vld.idx.msk [tilespmem:v19+s2+$0x0], $0xffff;
	(pc) =	sbr.rel @p0 .LBB2_10-.Ltmp4, $4  }
0x2a8: {  	[tilespmem:v7+s18+$0x0] =	vst.idx.add.f32.msk $0xffff, v35  }
0x2a9: {  	[tilespmem:v5+s18+$0x0] =	vst.idx.add.f32.msk $0xffff, v32  }
0x2aa: {  	[tilespmem:v34+s19+$0x0] =	vst.idx.add.f32.msk $0xffff, v33  }
0x2ab: {  	[tilespmem:v30+s19+$0x0] =	vst.idx.add.f32.msk $0xffff, v37  }
0x2ac: {  	_ =	sdelay $0x3  }
0x2ad: {  	v30 =	vld.idx.msk [tilespmem:v20+s2+$0x0], $0xffff  }
0x2ae: {  	[tilespmem:v11+s18+$0x0] =	vst.idx.add.f32.msk $0xffff, v25  }
0x2af: {  	[tilespmem:v22+s18+$0x0] =	vst.idx.add.f32.msk $0xffff, v27  }
0x2b0: {  	[tilespmem:v15+s18+$0x0] =	vst.idx.add.f32.msk $0xffff, v29  }
0x2b1: {  	v25 =	vld.idx.msk [tilespmem:v18+s2+$0x0], $0xffff  }
0x2b2: {  	[tilespmem:v24+s18+$0x0] =	vst.idx.add.f32.msk $0xffff, v28  }
0x2b3: {  	v27 =	vld.idx.msk [tilespmem:v13+s2+$0x0], $0xffff  }
0x2b4: {  	v6 =	vld.idx.msk [tilespmem:v6+s13+$0x0], $0xffff  }
0x2b5: {  	[tilespmem:v21+s18+$0x0] =	vst.idx.add.f32.msk $0xffff, v26  }
0x2b6: {  	v3 =	vld.idx.msk [tilespmem:v3+s13+$0x0], $0xffff  }
0x2b7: {  	v2 =	vld.idx.msk [tilespmem:v2+s13+$0x0], $0xffff  }
0x2b8: {  	v23 =	vld.idx.msk [tilespmem:v23+s13+$0x0], $0xffff  }
0x2b9: {  	v10 =	vld.idx.msk [tilespmem:v10+s13+$0x0], $0xffff  }
0x2ba: {  	v1 =	vand.u32 $0x3FFF, v1;
	v16 =	vld.idx.msk [tilespmem:v16+s13+$0x0], $0xffff  }
0x2bb: {  	v19 =	vld.idx.msk [tilespmem:v19+s13+$0x0], $0xffff  }
0x2bc: {  	[tilespmem:v14+s18+$0x0] =	vst.idx.add.f32.msk $0xffff, v30  }
0x2bd: {  	[tilespmem:v17+s19+$0x0] =	vst.idx.add.f32.msk $0xffff, v6  }
0x2be: {  	v6 =	vld.idx.msk [tilespmem:v8+s13+$0x0], $0xffff  }
0x2bf: {  	[tilespmem:v1+s18+$0x0] =	vst.idx.add.f32.msk $0xffff, v27  }
0x2c0: {  	[tilespmem:v9+s19+$0x0] =	vst.idx.add.f32.msk $0xffff, v3  }
0x2c1: {  	v3 =	vld.idx.msk [tilespmem:v4+s13+$0x0], $0xffff  }
0x2c2: {  	[tilespmem:v12+s18+$0x0] =	vst.idx.add.f32.msk $0xffff, v25  }
0x2c3: {  	[tilespmem:v5+s19+$0x0] =	vst.idx.add.f32.msk $0xffff, v2  }
0x2c4: {  	v8 =	vld.idx.msk [tilespmem:v20+s13+$0x0], $0xffff  }
0x2c5: {  	v4 =	vld.idx.msk [tilespmem:v18+s13+$0x0], $0xffff  }
0x2c6: {  	v9 =	vld.idx.msk [tilespmem:v13+s13+$0x0], $0xffff  }
0x2c7: {  	[tilespmem:v24+s19+$0x0] =	vst.idx.add.f32.msk $0xffff, v16  }
0x2c8: {  	[tilespmem:v11+s19+$0x0] =	vst.idx.add.f32.msk $0xffff, v10  }
0x2c9: {  	[tilespmem:v21+s19+$0x0] =	vst.idx.add.f32.msk $0xffff, v19  }
0x2ca: {  	[tilespmem:v15+s19+$0x0] =	vst.idx.add.f32.msk $0xffff, v23  }
0x2cb: {  	[tilespmem:v22+s19+$0x0] =	vst.idx.add.f32.msk $0xffff, v6  }
0x2cc: {  	[tilespmem:v7+s19+$0x0] =	vst.idx.add.f32.msk $0xffff, v3  }
0x2cd: {  	[tilespmem:v14+s19+$0x0] =	vst.idx.add.f32.msk $0xffff, v8  }
0x2ce: {  	[tilespmem:v1+s19+$0x0] =	vst.idx.add.f32.msk $0xffff, v9  }
0x2cf: {  	[tilespmem:v12+s19+$0x0] =	vst.idx.add.f32.msk $0xffff, v4  }
0x2d0: {  	_ =	swait.ge [sflag:s17], $0x7D00  }
0x2d1: {  	[sflag:s17] =	ssyncset.done $0x0  }
0x2d2: {  	s23 =	simm.s32 $0x9E80;
	[sflag:s17] =	ssyncadd.s32 $0xFFFF8300  }
0x2d3: {  	v12 =	vld [tilespmem:s23+$0x0]  }
0x2d4: {  	v11 =	vld [tilespmem:s23+$0x10]  }
0x2d5: {  	v5 =	vld [tilespmem:s23+$0x20]  }
0x2d6: {  	v2 =	vld [tilespmem:s23+$0xFFFFFF80]  }
0x2d7: {  	v3 =	vld [tilespmem:s23+$0x70]  }
0x2d8: {  	v4 =	vld [tilespmem:s23+$0x60]  }
0x2d9: {  	v15 =	vld [tilespmem:s23+$0xFFFFFFA0]  }
0x2da: {  	v1 =	vld [tilespmem:s23+$0xFFFFFFB0]  }
0x2db: {  	v14 =	vld [tilespmem:s23+$0xFFFFFFC0]  }
0x2dc: {  	v9 =	vld [tilespmem:s23+$0x40]  }
0x2dd: {  	v7 =	vld [tilespmem:s23+$0x50];
	v6 =	vshrl.u32 v2, $0xE  }
0x2de: {  	v13 =	vld [tilespmem:s23+$0xFFFFFF90]  }
0x2df: {  	v18 =	vld [tilespmem:s23+$0x30];
	v8 =	vshrl.u32 v3, $0xE  }
0x2e0: {  	v21 =	vld [tilespmem:s23+$0xFFFFFFF0];
	v10 =	vshrl.u32 v4, $0xE  }
0x2e1: {  	v24 =	vld [tilespmem:s23+$0xFFFFFFE0];
	v22 =	vand.u32 $0x3FFF, v3;
	v3 =	vshrl.u32 v9, $0xE  }
0x2e2: {  	v17 =	vand.u32 $0x3FFF, v2;
	v16 =	vld.idx.msk [tilespmem:v6+s2+$0x0], $0xffff  }
0x2e3: {  	v30 =	vld [tilespmem:s23+$0xFFFFFFD0];
	v20 =	vshrl.u32 v7, $0xE  }
0x2e4: {  	v2 =	vld.idx.msk [tilespmem:v8+s2+$0x0], $0xffff  }
0x2e5: {  	v31 =	vand.u32 $0x3FFF, v4;
	v19 =	vld.idx.msk [tilespmem:v10+s2+$0x0], $0xffff  }
0x2e6: {  	v9 =	vand.u32 $0x3FFF, v9;
	v26 =	vld.idx.msk [tilespmem:v3+s2+$0x0], $0xffff  }
0x2e7: {  	[tilespmem:v17+s18+$0x0] =	vst.idx.add.f32.msk $0xffff, v16  }
0x2e8: {  	v16 =	vld.idx.msk [tilespmem:v20+s2+$0x0], $0xffff  }
0x2e9: {  	[tilespmem:v22+s18+$0x0] =	vst.idx.add.f32.msk $0xffff, v2  }
0x2ea: {  	v2 =	vshrl.u32 v5, $0xE;
	[tilespmem:v31+s18+$0x0] =	vst.idx.add.f32.msk $0xffff, v19  }
0x2eb: {  	v32 =	vand.u32 $0x3FFF, v7;
	[tilespmem:v9+s18+$0x0] =	vst.idx.add.f32.msk $0xffff, v26  }
0x2ec: {  	v19 =	vshrl.u32 v30, $0xE;
	v4 =	vld.idx.msk [tilespmem:v6+s13+$0x0], $0xffff  }
0x2ed: {  	v23 =	vld.idx.msk [tilespmem:v8+s13+$0x0], $0xffff  }
0x2ee: {  	v6 =	vshrl.u32 v13, $0xE;
	v33 =	vld.idx.msk [tilespmem:v10+s13+$0x0], $0xffff  }
0x2ef: {  	v35 =	vld.idx.msk [tilespmem:v2+s2+$0x0], $0xffff  }
0x2f0: {  	[tilespmem:v32+s18+$0x0] =	vst.idx.add.f32.msk $0xffff, v16  }
0x2f1: {  	v10 =	vshrl.u32 v11, $0xE;
	v26 =	vld.idx.msk [tilespmem:v19+s2+$0x0], $0xffff  }
0x2f2: {  	v8 =	vshrl.u32 v12, $0xE;
	[tilespmem:v17+s19+$0x0] =	vst.idx.add.f32.msk $0xffff, v4  }
0x2f3: {  	v34 =	vld.idx.msk [tilespmem:v6+s2+$0x0], $0xffff  }
0x2f4: {  	v16 =	vshrl.u32 v24, $0xE;
	[tilespmem:v22+s19+$0x0] =	vst.idx.add.f32.msk $0xffff, v23  }
0x2f5: {  	v4 =	vshrl.u32 v18, $0xE;
	v36 =	vld.idx.msk [tilespmem:v20+s13+$0x0], $0xffff  }
0x2f6: {  	v5 =	vand.u32 $0x3FFF, v5;
	v25 =	vld.idx.msk [tilespmem:v10+s2+$0x0], $0xffff  }
0x2f7: {  	v23 =	vshrl.u32 v21, $0xE;
	v27 =	vld.idx.msk [tilespmem:v8+s2+$0x0], $0xffff  }
0x2f8: {  	v17 =	vand.u32 $0x3FFF, v13;
	[tilespmem:v31+s19+$0x0] =	vst.idx.add.f32.msk $0xffff, v33  }
0x2f9: {  	v28 =	vld.idx.msk [tilespmem:v16+s2+$0x0], $0xffff  }
0x2fa: {  	v7 =	vand.u32 $0x3FFF, v18;
	v13 =	vld.idx.msk [tilespmem:v4+s2+$0x0], $0xffff  }
0x2fb: {  	v20 =	vshrl.u32 v14, $0xE;
	[tilespmem:v5+s18+$0x0] =	vst.idx.add.f32.msk $0xffff, v35  }
0x2fc: {  	v11 =	vand.u32 $0x3FFF, v11;
	v29 =	vld.idx.msk [tilespmem:v23+s2+$0x0], $0xffff  }
0x2fd: {  	v24 =	vand.u32 $0x3FFF, v24;
	v22 =	vand.u32 $0x3FFF, v12;
	[tilespmem:v17+s18+$0x0] =	vst.idx.add.f32.msk $0xffff, v34  }
0x2fe: {  	v18 =	vshrl.u32 v15, $0xE;
	v12 =	vand.u32 $0x3FFF, v15;
	v15 =	vand.u32 $0x3FFF, v21;
	[tilespmem:v32+s19+$0x0] =	vst.idx.add.f32.msk $0xffff, v36  }
0x2ff: {  	s24 =	simm.s32 $0x0;
	v14 =	vand.u32 $0x3FFF, v14;
	v21 =	vand.u32 $0x3FFF, v30;
	[tilespmem:v7+s18+$0x0] =	vst.idx.add.f32.msk $0xffff, v13;
	v13 =	vshrl.u32 v1, $0xE  }
.LBB2_12:
0x300: {  	s24 =	sadd.s32 $0x100, s24;
	v30 =	vld.idx.msk [tilespmem:v20+s2+$0x0], $0xffff;
	s23 =	sadd.s32 $0x100, s23  }
0x301: {  	p0 =	slt.u32 s24, $0x7C00;
	[tilespmem:v11+s18+$0x0] =	vst.idx.add.f32.msk $0xffff, v25  }
0x302: {  	v1 =	vand.u32 $0x3FFF, v1;
	[tilespmem:v22+s18+$0x0] =	vst.idx.add.f32.msk $0xffff, v27  }
0x303: {  	[tilespmem:v15+s18+$0x0] =	vst.idx.add.f32.msk $0xffff, v29  }
0x304: {  	v23 =	vld.idx.msk [tilespmem:v23+s13+$0x0], $0xffff  }
0x305: {  	v25 =	vld.idx.msk [tilespmem:v18+s2+$0x0], $0xffff  }
0x306: {  	[tilespmem:v24+s18+$0x0] =	vst.idx.add.f32.msk $0xffff, v28  }
0x307: {  	v27 =	vld.idx.msk [tilespmem:v13+s2+$0x0], $0xffff  }
0x308: {  	[tilespmem:v14+s18+$0x0] =	vst.idx.add.f32.msk $0xffff, v30  }
0x309: {  	v6 =	vld.idx.msk [tilespmem:v6+s13+$0x0], $0xffff  }
0x30a: {  	[tilespmem:v21+s18+$0x0] =	vst.idx.add.f32.msk $0xffff, v26  }
0x30b: {  	v10 =	vld.idx.msk [tilespmem:v10+s13+$0x0], $0xffff  }
0x30c: {  	v16 =	vld.idx.msk [tilespmem:v16+s13+$0x0], $0xffff  }
0x30d: {  	v3 =	vld.idx.msk [tilespmem:v3+s13+$0x0], $0xffff  }
0x30e: {  	v19 =	vld.idx.msk [tilespmem:v19+s13+$0x0], $0xffff  }
0x30f: {  	[tilespmem:v17+s19+$0x0] =	vst.idx.add.f32.msk $0xffff, v6  }
0x310: {  	v6 =	vld.idx.msk [tilespmem:v8+s13+$0x0], $0xffff  }
0x311: {  	[tilespmem:v1+s18+$0x0] =	vst.idx.add.f32.msk $0xffff, v27  }
0x312: {  	v8 =	vld.idx.msk [tilespmem:v20+s13+$0x0], $0xffff  }
0x313: {  	[tilespmem:v9+s19+$0x0] =	vst.idx.add.f32.msk $0xffff, v3  }
0x314: {  	v3 =	vld.idx.msk [tilespmem:v4+s13+$0x0], $0xffff  }
0x315: {  	[tilespmem:v12+s18+$0x0] =	vst.idx.add.f32.msk $0xffff, v25  }
0x316: {  	v4 =	vld.idx.msk [tilespmem:v18+s13+$0x0], $0xffff  }
0x317: {  	v9 =	vld.idx.msk [tilespmem:v13+s13+$0x0], $0xffff  }
0x318: {  	v2 =	vld.idx.msk [tilespmem:v2+s13+$0x0], $0xffff  }
0x319: {  	[tilespmem:v22+s19+$0x0] =	vst.idx.add.f32.msk $0xffff, v6  }
0x31a: {  	[tilespmem:v7+s19+$0x0] =	vst.idx.add.f32.msk $0xffff, v3  }
0x31b: {  	[tilespmem:v24+s19+$0x0] =	vst.idx.add.f32.msk $0xffff, v16  }
0x31c: {  	[tilespmem:v11+s19+$0x0] =	vst.idx.add.f32.msk $0xffff, v10  }
0x31d: {  	[tilespmem:v14+s19+$0x0] =	vst.idx.add.f32.msk $0xffff, v8  }
0x31e: {  	[tilespmem:v1+s19+$0x0] =	vst.idx.add.f32.msk $0xffff, v9  }
0x31f: {  	[tilespmem:v5+s19+$0x0] =	vst.idx.add.f32.msk $0xffff, v2  }
0x320: {  	[tilespmem:v12+s19+$0x0] =	vst.idx.add.f32.msk $0xffff, v4  }
0x321: {  	[tilespmem:v21+s19+$0x0] =	vst.idx.add.f32.msk $0xffff, v19  }
0x322: {  	[tilespmem:v15+s19+$0x0] =	vst.idx.add.f32.msk $0xffff, v23  }
0x323: {  	v12 =	vld [tilespmem:s23+$0x0]  }
0x324: {  	v11 =	vld [tilespmem:s23+$0x10]  }
0x325: {  	v5 =	vld [tilespmem:s23+$0x20]  }
0x326: {  	v2 =	vld [tilespmem:s23+$0xFFFFFF80]  }
0x327: {  	v4 =	vld [tilespmem:s23+$0x70]  }
0x328: {  	v7 =	vld [tilespmem:s23+$0x60]  }
0x329: {  	v15 =	vld [tilespmem:s23+$0xFFFFFFA0]  }
0x32a: {  	v1 =	vld [tilespmem:s23+$0xFFFFFFB0]  }
0x32b: {  	v8 =	vshrl.u32 v2, $0xE;
	v14 =	vld [tilespmem:s23+$0xFFFFFFC0]  }
0x32c: {  	v9 =	vld [tilespmem:s23+$0x50];
	v13 =	vshrl.u32 v4, $0xE  }
0x32d: {  	v17 =	vld [tilespmem:s23+$0x40];
	v21 =	vshrl.u32 v7, $0xE  }
0x32e: {  	v18 =	vld [tilespmem:s23+$0xFFFFFF90]  }
0x32f: {  	v22 =	vld [tilespmem:s23+$0x30]  }
0x330: {  	v10 =	vld.idx.msk [tilespmem:v8+s2+$0x0], $0xffff  }
0x331: {  	v24 =	vand.u32 $0x3FFF, v2;
	v25 =	vshrl.u32 v9, $0xE;
	v19 =	vld.idx.msk [tilespmem:v13+s2+$0x0], $0xffff  }
0x332: {  	v27 =	vand.u32 $0x3FFF, v4;
	v3 =	vshrl.u32 v17, $0xE;
	v26 =	vld.idx.msk [tilespmem:v21+s2+$0x0], $0xffff  }
0x333: {  	v30 =	vand.u32 $0x3FFF, v7;
	v6 =	vshrl.u32 v18, $0xE;
	v28 =	vld [tilespmem:s23+$0xFFFFFFF0]  }
0x334: {  	v31 =	vld [tilespmem:s23+$0xFFFFFFE0];
	v4 =	vshrl.u32 v22, $0xE  }
0x335: {  	v2 =	vshrl.u32 v5, $0xE;
	v29 =	vld [tilespmem:s23+$0xFFFFFFD0]  }
0x336: {  	[tilespmem:v24+s18+$0x0] =	vst.idx.add.f32.msk $0xffff, v10;
	v10 =	vshrl.u32 v11, $0xE  }
0x337: {  	v32 =	vld.idx.msk [tilespmem:v8+s13+$0x0], $0xffff;
	v8 =	vshrl.u32 v12, $0xE  }
0x338: {  	v34 =	vand.u32 $0x3FFF, v9;
	v23 =	vshrl.u32 v28, $0xE;
	v33 =	vld.idx.msk [tilespmem:v25+s2+$0x0], $0xffff  }
0x339: {  	v16 =	vshrl.u32 v31, $0xE;
	[tilespmem:v27+s18+$0x0] =	vst.idx.add.f32.msk $0xffff, v19  }
0x33a: {  	v9 =	vand.u32 $0x3FFF, v17;
	v19 =	vshrl.u32 v29, $0xE;
	v35 =	vld.idx.msk [tilespmem:v13+s13+$0x0], $0xffff  }
0x33b: {  	v20 =	vshrl.u32 v14, $0xE;
	v17 =	vand.u32 $0x3FFF, v18;
	v7 =	vand.u32 $0x3FFF, v22;
	v36 =	vld.idx.msk [tilespmem:v3+s2+$0x0], $0xffff  }
0x33c: {  	v13 =	vshrl.u32 v1, $0xE;
	[tilespmem:v30+s18+$0x0] =	vst.idx.add.f32.msk $0xffff, v26  }
0x33d: {  	v5 =	vand.u32 $0x3FFF, v5;
	v18 =	vshrl.u32 v15, $0xE;
	v37 =	vld.idx.msk [tilespmem:v21+s13+$0x0], $0xffff  }
0x33e: {  	v11 =	vand.u32 $0x3FFF, v11;
	[tilespmem:v24+s19+$0x0] =	vst.idx.add.f32.msk $0xffff, v32  }
0x33f: {  	v24 =	vld.idx.msk [tilespmem:v6+s2+$0x0], $0xffff  }
0x340: {  	v32 =	vld.idx.msk [tilespmem:v2+s2+$0x0], $0xffff  }
0x341: {  	v14 =	vand.u32 $0x3FFF, v14;
	[tilespmem:v27+s19+$0x0] =	vst.idx.add.f32.msk $0xffff, v35  }
0x342: {  	v22 =	vand.u32 $0x3FFF, v12;
	[tilespmem:v34+s18+$0x0] =	vst.idx.add.f32.msk $0xffff, v33  }
0x343: {  	v12 =	vand.u32 $0x3FFF, v15;
	v33 =	vld.idx.msk [tilespmem:v25+s13+$0x0], $0xffff  }
0x344: {  	v25 =	vld.idx.msk [tilespmem:v10+s2+$0x0], $0xffff  }
0x345: {  	v15 =	vand.u32 $0x3FFF, v28;
	v35 =	vld.idx.msk [tilespmem:v4+s2+$0x0], $0xffff  }
0x346: {  	v27 =	vld.idx.msk [tilespmem:v8+s2+$0x0], $0xffff  }
0x347: {  	[tilespmem:v9+s18+$0x0] =	vst.idx.add.f32.msk $0xffff, v36  }
0x348: {  	v21 =	vand.u32 $0x3FFF, v29;
	v29 =	vld.idx.msk [tilespmem:v23+s2+$0x0], $0xffff  }
0x349: {  	v28 =	vld.idx.msk [tilespmem:v16+s2+$0x0], $0xffff  }
0x34a: {  	[tilespmem:v17+s18+$0x0] =	vst.idx.add.f32.msk $0xffff, v24;
	v24 =	vand.u32 $0x3FFF, v31  }
.Ltmp5:
0x34b: {  	v26 =	vld.idx.msk [tilespmem:v19+s2+$0x0], $0xffff;
	(pc) =	sbr.rel @p0 .LBB2_12-.Ltmp5, $4  }
0x34c: {  	[tilespmem:v7+s18+$0x0] =	vst.idx.add.f32.msk $0xffff, v35  }
0x34d: {  	[tilespmem:v5+s18+$0x0] =	vst.idx.add.f32.msk $0xffff, v32  }
0x34e: {  	[tilespmem:v34+s19+$0x0] =	vst.idx.add.f32.msk $0xffff, v33  }
0x34f: {  	[tilespmem:v30+s19+$0x0] =	vst.idx.add.f32.msk $0xffff, v37  }
0x350: {  	_ =	sdelay $0x3  }
0x351: {  	v30 =	vld.idx.msk [tilespmem:v20+s2+$0x0], $0xffff  }
0x352: {  	[tilespmem:v11+s18+$0x0] =	vst.idx.add.f32.msk $0xffff, v25  }
0x353: {  	[tilespmem:v22+s18+$0x0] =	vst.idx.add.f32.msk $0xffff, v27  }
0x354: {  	[tilespmem:v15+s18+$0x0] =	vst.idx.add.f32.msk $0xffff, v29  }
0x355: {  	v58 =	vld.idx.msk [tilespmem:v18+s2+$0x0], $0xffff  }
0x356: {  	[tilespmem:v24+s18+$0x0] =	vst.idx.add.f32.msk $0xffff, v28  }
0x357: {  	v59 =	vld.idx.msk [tilespmem:v13+s2+$0x0], $0xffff  }
0x358: {  	v6 =	vld.idx.msk [tilespmem:v6+s13+$0x0], $0xffff  }
0x359: {  	[tilespmem:v21+s18+$0x0] =	vst.idx.add.f32.msk $0xffff, v26  }
0x35a: {  	v3 =	vld.idx.msk [tilespmem:v3+s13+$0x0], $0xffff  }
0x35b: {  	v2 =	vld.idx.msk [tilespmem:v2+s13+$0x0], $0xffff  }
0x35c: {  	v23 =	vld.idx.msk [tilespmem:v23+s13+$0x0], $0xffff  }
0x35d: {  	v10 =	vld.idx.msk [tilespmem:v10+s13+$0x0], $0xffff  }
0x35e: {  	v1 =	vand.u32 $0x3FFF, v1;
	v16 =	vld.idx.msk [tilespmem:v16+s13+$0x0], $0xffff  }
0x35f: {  	v19 =	vld.idx.msk [tilespmem:v19+s13+$0x0], $0xffff  }
0x360: {  	v60 =	vld.idx.msk [tilespmem:v8+s13+$0x0], $0xffff  }
0x361: {  	[tilespmem:v14+s18+$0x0] =	vst.idx.add.f32.msk $0xffff, v30  }
0x362: {  	[tilespmem:v17+s19+$0x0] =	vst.idx.add.f32.msk $0xffff, v6  }
0x363: {  	[tilespmem:v1+s18+$0x0] =	vst.idx.add.f32.msk $0xffff, v59  }
0x364: {  	[tilespmem:v9+s19+$0x0] =	vst.idx.add.f32.msk $0xffff, v3  }
0x365: {  	v3 =	vld.idx.msk [tilespmem:v4+s13+$0x0], $0xffff  }
0x366: {  	[tilespmem:v12+s18+$0x0] =	vst.idx.add.f32.msk $0xffff, v58  }
0x367: {  	[tilespmem:v5+s19+$0x0] =	vst.idx.add.f32.msk $0xffff, v2  }
0x368: {  	v61 =	vld.idx.msk [tilespmem:v20+s13+$0x0], $0xffff  }
0x369: {  	v62 =	vld.idx.msk [tilespmem:v18+s13+$0x0], $0xffff  }
0x36a: {  	v63 =	vld.idx.msk [tilespmem:v13+s13+$0x0], $0xffff  }
0x36b: {  	[tilespmem:v22+s19+$0x0] =	vst.idx.add.f32.msk $0xffff, v60  }
0x36c: {  	[tilespmem:v24+s19+$0x0] =	vst.idx.add.f32.msk $0xffff, v16  }
0x36d: {  	[tilespmem:v11+s19+$0x0] =	vst.idx.add.f32.msk $0xffff, v10  }
0x36e: {  	[tilespmem:v21+s19+$0x0] =	vst.idx.add.f32.msk $0xffff, v19  }
0x36f: {  	[tilespmem:v15+s19+$0x0] =	vst.idx.add.f32.msk $0xffff, v23  }
0x370: {  	[tilespmem:v7+s19+$0x0] =	vst.idx.add.f32.msk $0xffff, v3  }
0x371: {  	[tilespmem:v14+s19+$0x0] =	vst.idx.add.f32.msk $0xffff, v61  }
0x372: {  	[tilespmem:v1+s19+$0x0] =	vst.idx.add.f32.msk $0xffff, v63  }
0x373: {  	[tilespmem:v12+s19+$0x0] =	vst.idx.add.f32.msk $0xffff, v62  }
0x374: {  	[hbm4b:s10+s2] =	stream.linear.scatter [tilespmem:s18], [sflag:$0x4], $0x2710, $0x38;
	[tilespmem:$0x19800] =	vst v63  }
0x375: {  	s22 =	sadd.s32 $0x1, s22;
	_ =	swait.ge [sflag:s21], $0x2710  }
0x376: {  	p0 =	sne.s32 s22, s12;
	[sflag:s21] =	ssyncset.done $0x0  }
.Ltmp6:
0x377: {  	[sflag:s21] =	ssyncadd.s32 $0xFFFFD8F0;
	(pc) =	sbr.rel @p0 .LBB2_1-.Ltmp6, $4  }
0x378: {  	[hbm4b:s11+s2] =	stream.linear.scatter [tilespmem:s19], [sflag:$0x4], $0x2710, $0x38;
	[tilespmem:$0x19800] =	vst v63  }
0x379: {  	_ =	swait.ge [sflag:s21], $0x2710  }
0x37a: {  	[sflag:s21] =	ssyncset.done $0x0  }
0x37b: {  	[sflag:s21] =	ssyncadd.s32 $0xFFFFD8F0  }
0x37c: {  	_ =	sfence.sel $0x180000  }
0x37d: {  	[bflag:$0x0] =	sbarrier.arrive $0xFFFF  }
0x37e: {  	p0 =	sne.s32 s0, $0x0;
	_ =	strace $0x90000050  }
0x37f: {  	s0 =	sadd.s32 @!p0 $0x100000, s1;
	[bflag:$0x2] =	sbarrier.arrive $0xFFFF  }
0x380: {  	[sflag:s0] =	ssyncadd.tile.s32 @!p0 $0x1;
	_ =	shalt  }
.Lfunc_end2:
_tile_overlayer_lowered:
.L_overlay_start_2:
0x381: {  	(tag) =	ssettag $0x2  }
0x382: {  	s0 =	rddreg [dreg:$0x0];
	s2 =	stileid.u32  }
0x383: {  	s1 =	rddreg [dreg:$0x1];
	p0 =	sne.s32 s2, $0x0  }
0x384: {  	s3 =	rddreg [dreg:$0x2];
	[bflag:$0x3] =	sbarrier.arrive $0xFFFF;
	s2 =	simm.s32 @!p0 $0x1C04  }
0x385: {  	[timem:s3], [sflag:s2] =	dma.local @!p0 [hbm:s0], s1  }
0x386: {  	s0 =	simm.s32 @!p0 $0x4  }
0x387: {  	_ =	swait.ge @!p0 [sflag:s0], s1  }
0x388: {  	s1 =	ssub.s32 @!p0 $0x0, s1;
	[sflag:s0] =	ssyncset.done @!p0 $0x0  }
0x389: {  	[sflag:s0] =	ssyncadd.s32 @!p0 s1  }
0x38a: {  	[bflag:$0x3] =	sbarrier.arrive $0xFFFF  }
0x38b: {  	_ =	shalt  }

</sc_bundles>
